<compile_context>
chip_gen: v7x
topology: tpu7x:2x2x1
jax: 0.10.2.dev20260603
libtpu: 0.0.44.dev20260713+nightly
codegen_flags: <defaults>
</compile_context>

<pallas_src>
import functools

import jax
import jax.numpy as jnp
from jax import lax
from jax.experimental import pallas as pl
from jax.experimental.pallas import tpu as pltpu
from jax.experimental.pallas import tpu_sc as plsc

N = 50000
D = 128
NW = 32
ROWS_PER_STREAM = 112
NP = 50176
B = 512
GRID = NP // B
BH = 1000


def _leaky(x):
    return jnp.where(x >= 0, x, 0.01 * x)


def _make_gather(total_rows, table_rows, interpret=False):
    per_w = total_rows // NW
    ns = per_w // ROWS_PER_STREAM
    assert per_w % ROWS_PER_STREAM == 0 and total_rows % NW == 0
    assert ns % 2 == 0 and ns >= 4
    mesh = plsc.VectorSubcoreMesh(core_axis_name="c", subcore_axis_name="s",
                                  num_cores=2, num_subcores=16)
    R = ROWS_PER_STREAM

    @functools.partial(
        pl.kernel,
        out_type=jax.ShapeDtypeStruct((total_rows, D), jnp.float32),
        mesh=mesh,
        scratch_types=[
            pltpu.VMEM((per_w,), jnp.int32),
            pltpu.VMEM((R, D), jnp.float32),
            pltpu.VMEM((R, D), jnp.float32),
            pltpu.SemaphoreType.DMA,
            pltpu.SemaphoreType.DMA,
            pltpu.SemaphoreType.DMA,
            pltpu.SemaphoreType.DMA,
        ],
        interpret=interpret,
    )
    def gk(table_hbm, idx_hbm, out_hbm, idx_v, row0, row1, g0, g1, w0, w1):
        wid = lax.axis_index("s") * 2 + lax.axis_index("c")
        base = wid * per_w
        rows = (row0, row1)
        gsem = (g0, g1)
        wsem = (w0, w1)

        pltpu.sync_copy(idx_hbm.at[pl.ds(base, per_w)], idx_v)

        def gather(s, b):
            pltpu.async_copy(table_hbm.at[idx_v.at[pl.ds(s * R, R)]],
                             rows[b], gsem[b])

        def gwait(b):
            pltpu.make_async_copy(table_hbm.at[idx_v.at[pl.ds(0, R)]],
                                  rows[b], gsem[b]).wait()

        def wback(s, b):
            pltpu.async_copy(rows[b],
                             out_hbm.at[pl.ds(base + s * R, R), :], wsem[b])

        def wwait(b):
            pltpu.make_async_copy(rows[b],
                                  out_hbm.at[pl.ds(base, R), :], wsem[b]).wait()

        gather(0, 0)
        gather(1, 1)
        gwait(0)
        wback(0, 0)

        def body(i, carry):
            s2 = 2 + 2 * i
            for b in range(2):
                s = s2 + b
                wwait(b)
                gather(s, b)
                gwait(1 - b)
                wback(s - 1, 1 - b)
            return carry

        lax.fori_loop(0, (ns - 2) // 2, body, 0, unroll=False)

        gwait((ns - 1) % 2)
        wback(ns - 1, (ns - 1) % 2)
        wwait(0)
        wwait(1)

    return gk


def _stats_body(xb, out):
    @pl.when(pl.program_id(0) == 0)
    def _():
        out[...] = jnp.zeros_like(out)

    x = xb[...]
    s = jnp.sum(x, axis=0, keepdims=True)
    s2 = jnp.sum(x * x, axis=0, keepdims=True)
    out[...] += jnp.concatenate([s, s2], axis=0)


def _stats_call(raw_feats, interpret=False):
    nb = 50
    bs = N // nb
    return pl.pallas_call(
        _stats_body,
        grid=(nb,),
        in_specs=[pl.BlockSpec((bs, D), lambda i: (i, 0))],
        out_specs=pl.BlockSpec((2, D), lambda i: (0, 0)),
        out_shape=jax.ShapeDtypeStruct((2, D), jnp.float32),
        interpret=interpret,
    )(raw_feats)


def _femb_body(xb, w1t, b1, w2t, b2, e0, out):
    h = _leaky(jnp.dot(xb[...], w1t[...], preferred_element_type=jnp.float32)
               + b1[...])
    y = _leaky(jnp.dot(h, w2t[...], preferred_element_type=jnp.float32)
               + b2[...])
    rows = (pl.program_id(0) * B
            + lax.broadcasted_iota(jnp.int32, (B, 1), 0))
    out[...] = jnp.where(rows < N, y, e0[...])


def _femb_call(raws_sorted, w1t, b1, w2t, b2, e0, interpret=False):
    full = lambda r, c: pl.BlockSpec((r, c), lambda i: (0, 0))
    return pl.pallas_call(
        _femb_body,
        grid=(GRID,),
        in_specs=[
            pl.BlockSpec((B, D), lambda i: (i, 0)),
            full(D, D), full(1, D), full(D, D), full(1, D), full(1, D),
        ],
        out_specs=pl.BlockSpec((B, D), lambda i: (i, 0)),
        out_shape=jax.ShapeDtypeStruct((NP, D), jnp.float32),
        interpret=interpret,
    )(raws_sorted, w1t, b1, w2t, b2, e0)


def _round_body(lb, rb, initb, tabb, lng, lnb, w1t, b1, w2t, b2, out):
    x = jnp.concatenate([lb[...], rb[...]], axis=0)
    mu = jnp.mean(x, axis=-1, keepdims=True)
    xc = x - mu
    var = jnp.mean(xc * xc, axis=-1, keepdims=True)
    xn = xc * lax.rsqrt(var + 1e-5) * lng[...] + lnb[...]
    h = jnp.dot(xn, w1t[...], preferred_element_type=jnp.float32) + b1[...]
    a = h[:, :D]
    g = h[:, D:]
    sw = a * (g * (1.0 / (1.0 + jnp.exp(-g))))
    y = jnp.dot(sw, w2t[...], preferred_element_type=jnp.float32) + b2[...]
    y = _leaky(y)
    feats = (y[:B] + y[B:] + initb[...]) * (1.0 / 3.0)
    rows = (pl.program_id(0) * B
            + lax.broadcasted_iota(jnp.int32, (B, 1), 0))
    feats = jnp.where(rows < N, feats, 0.0)
    out[...] = tabb[...] + feats


def _round_call(g2, init, table, lng, lnb, w1t, b1, w2t, b2, interpret=False):
    full = lambda r, c: pl.BlockSpec((r, c), lambda i: (0, 0))
    return pl.pallas_call(
        _round_body,
        grid=(GRID,),
        in_specs=[
            pl.BlockSpec((B, D), lambda i: (i, 0)),
            pl.BlockSpec((B, D), lambda i: (i + GRID, 0)),
            pl.BlockSpec((B, D), lambda i: (i, 0)),
            pl.BlockSpec((B, D), lambda i: (i, 0)),
            full(1, D), full(1, D), full(D, 2 * D), full(1, 2 * D),
            full(D, D), full(1, D),
        ],
        out_specs=pl.BlockSpec((B, D), lambda i: (i, 0)),
        out_shape=jax.ShapeDtypeStruct((NP, D), jnp.float32),
        interpret=interpret,
    )(g2, g2, init, table, lng, lnb, w1t, b1, w2t, b2)


def _head_one(xv, lng, lnb, w1t, b1, w2t):
    mu = jnp.mean(xv, axis=-1, keepdims=True)
    xc = xv - mu
    var = jnp.mean(xc * xc, axis=-1, keepdims=True)
    xn = xc * lax.rsqrt(var + 1e-5) * lng + lnb
    h = jnp.dot(xn, w1t, preferred_element_type=jnp.float32) + b1
    a = h[:, :D]
    g = h[:, D:]
    sw = a * (g * (1.0 / (1.0 + jnp.exp(-g))))
    return jnp.dot(sw, w2t, preferred_element_type=jnp.float32)


def _head_body(xg, wlng, wlnb, ww1t, wb1, ww2t, wb2,
               vlng, vlnb, vw1t, vb1, vw2t, vb2, xo, wo, vo):
    xv = xg[...]
    xo[...] = xv
    wo[...] = _head_one(xv, wlng[...], wlnb[...], ww1t[...], wb1[...],
                        ww2t[...]) + wb2[...]
    vo[...] = jnp.tanh(
        _head_one(xv, vlng[...], vlnb[...], vw1t[...], vb1[...], vw2t[...])
        + vb2[...])


def _head_call(xg, wlng, wlnb, ww1t, wb1, ww2t, wb2,
               vlng, vlnb, vw1t, vb1, vw2t, vb2, interpret=False):
    full = lambda r, c: pl.BlockSpec((r, c), lambda i: (0, 0))
    nb = N // BH
    return pl.pallas_call(
        _head_body,
        grid=(nb,),
        in_specs=[
            pl.BlockSpec((BH, D), lambda i: (i, 0)),
            full(1, D), full(1, D), full(D, 2 * D), full(1, 2 * D),
            full(D, 1), full(1, 1),
            full(1, D), full(1, D), full(D, 2 * D), full(1, 2 * D),
            full(D, 1), full(1, 1),
        ],
        out_specs=[
            pl.BlockSpec((BH, D), lambda i: (i, 0)),
            pl.BlockSpec((BH, 1), lambda i: (i, 0)),
            pl.BlockSpec((BH, 1), lambda i: (i, 0)),
        ],
        out_shape=[
            jax.ShapeDtypeStruct((N, D), jnp.float32),
            jax.ShapeDtypeStruct((N, 1), jnp.float32),
            jax.ShapeDtypeStruct((N, 1), jnp.float32),
        ],
        interpret=interpret,
    )(xg, wlng, wlnb, ww1t, wb1, ww2t, wb2,
      vlng, vlnb, vw1t, vb1, vw2t, vb2)


def _run(raw_feats, uids, id_map, fe_bn_g, fe_bn_b, fe_w1, fe_b1, fe_w2,
         fe_b2, ne_ln_g, ne_ln_b, ne_w1, ne_b1, ne_w2, ne_b2, wt_ln_g,
         wt_ln_b, wt_w1, wt_b1, wt_w2, wt_b2, vh_ln_g, vh_ln_b, vh_w1,
         vh_b1, vh_w2, vh_b2, tc_interpret=False, sc_interpret=False):
    order = jnp.argsort(uids)
    zpad = jnp.zeros((NP - N,), jnp.int32)
    order_ext = jnp.concatenate([order.astype(jnp.int32), zpad])
    uids_ext = jnp.concatenate([uids.astype(jnp.int32), zpad])
    idx_l = jnp.concatenate([id_map[:, 0].astype(jnp.int32), zpad])
    idx_r = jnp.concatenate([id_map[:, 1].astype(jnp.int32), zpad])
    cidx = jnp.concatenate([idx_l, idx_r])

    sums = _stats_call(raw_feats, interpret=tc_interpret)
    m = sums[0] / (N + 1)
    var = sums[1] / (N + 1) - m * m
    s = fe_bn_g * lax.rsqrt(var + 1e-5)
    w1f = fe_w1 * s[None, :]
    b1f = fe_b1 + (fe_bn_b - m * s) @ fe_w1.T
    e0 = _leaky(_leaky(b1f) @ fe_w2.T + fe_b2)[None]

    gather_np = _make_gather(NP, N, interpret=sc_interpret)
    gather_2np = _make_gather(2 * NP, NP, interpret=sc_interpret)
    gather_fin = _make_gather(NP, NP, interpret=sc_interpret)

    raws_sorted = gather_np(raw_feats, order_ext)
    table = _femb_call(raws_sorted, w1f.T, b1f[None], fe_w2.T, fe_b2[None],
                       e0, interpret=tc_interpret)
    init = table

    rargs = (ne_ln_g[None], ne_ln_b[None], ne_w1.T, ne_b1[None], ne_w2.T,
             ne_b2[None])
    for _ in range(6):
        g2 = gather_2np(table, cidx)
        table = _round_call(g2, init, table, *rargs,
                            interpret=tc_interpret)

    xg = gather_fin(table, uids_ext)
    return _head_call(
        xg, wt_ln_g[None], wt_ln_b[None], wt_w1.T, wt_b1[None], wt_w2.T,
        wt_b2.reshape(1, 1),
        vh_ln_g[None], vh_ln_b[None], vh_w1.T, vh_b1[None], vh_w2.T,
        vh_b2.reshape(1, 1),
        interpret=tc_interpret)


def kernel(raw_feats, uids, id_map, fe_bn_g, fe_bn_b, fe_w1, fe_b1, fe_w2,
           fe_b2, ne_ln_g, ne_ln_b, ne_w1, ne_b1, ne_w2, ne_b2, wt_ln_g,
           wt_ln_b, wt_w1, wt_b1, wt_w2, wt_b2, vh_ln_g, vh_ln_b, vh_w1,
           vh_b1, vh_w2, vh_b2):
    return _run(raw_feats, uids, id_map, fe_bn_g, fe_bn_b, fe_w1, fe_b1,
                fe_w2, fe_b2, ne_ln_g, ne_ln_b, ne_w1, ne_b1, ne_w2, ne_b2,
                wt_ln_g, wt_ln_b, wt_w1, wt_b1, wt_w2, wt_b2, vh_ln_g,
                vh_ln_b, vh_w1, vh_b1, vh_w2, vh_b2)

# --- scband reference (transcript-rebuilt; emitter-appended) ---
"""Pipeline reference for scband-combine-embedder-8504035246265 (READ-ONLY COPY).

The authoritative reference and input builder live on the scoring server;
editing this copy changes nothing except your own understanding.
"""

import jax, jax.numpy as jnp
import numpy as np

N = 50000
F_IN = 128
D = 128

def leaky_relu(x):
    return jnp.where(x >= 0, x, 0.01 * x)

def linear(x, W, b):
    return x @ W.T + b

def batchnorm1d(x, g, b, eps=1e-5):
    m = jnp.mean(x, axis=0)
    v = jnp.var(x, axis=0)
    return (x - m) / jnp.sqrt(v + eps) * g + b

def layernorm(x, g, b, eps=1e-5):
    m = jnp.mean(x, axis=-1, keepdims=True)
    v = jnp.var(x, axis=-1, keepdims=True)
    return (x - m) / jnp.sqrt(v + eps) * g + b

def swiglu(x):
    a, gate = jnp.split(x, 2, axis=-1)
    return jax.nn.silu(gate) * a

def _feat_emb(x, g, b, w1, b1, w2, b2):
    x = batchnorm1d(x, g, b)
    x = linear(x, w1, b1)
    x = leaky_relu(x)
    x = linear(x, w2, b2)
    return leaky_relu(x)

def _node_emb(x, lng, lnb, w1, b1, w2, b2):
    x = layernorm(x, lng, lnb)
    x = linear(x, w1, b1)
    x = swiglu(x)
    x = linear(x, w2, b2)
    return leaky_relu(x)

def _head(x, lng, lnb, w1, b1, w2, b2):
    x = layernorm(x, lng, lnb)
    x = linear(x, w1, b1)
    x = swiglu(x)
    return linear(x, w2, b2)

def setup_inputs(seed: int = 0):
    key = jax.random.key(seed)
    ks = jax.random.split(key, 16)
    def w(k, shape, s=0.02):
        return s * jax.random.normal(k, shape, dtype=jnp.float32)
    inp = {}
    inp['raw_feats'] = jax.random.normal(ks[0], (N, F_IN), dtype=jnp.float32)
    inp['uids'] = jax.random.randint(ks[1], (N,), 0, N)
    inp['id_map'] = jax.random.randint(ks[2], (N, 2), 0, N + 1)
    inp['fe_bn_g'] = jnp.ones((F_IN,), jnp.float32)
    inp['fe_bn_b'] = jnp.zeros((F_IN,), jnp.float32)
    inp['fe_w1'] = w(ks[3], (D, F_IN)); inp['fe_b1'] = jnp.zeros((D,), jnp.float32)
    inp['fe_w2'] = w(ks[4], (D, D)); inp['fe_b2'] = jnp.zeros((D,), jnp.float32)
    inp['ne_ln_g'] = jnp.ones((D,), jnp.float32); inp['ne_ln_b'] = jnp.zeros((D,), jnp.float32)
    inp['ne_w1'] = w(ks[5], (2 * D, D)); inp['ne_b1'] = jnp.zeros((2 * D,), jnp.float32)
    inp['ne_w2'] = w(ks[6], (D, D)); inp['ne_b2'] = jnp.zeros((D,), jnp.float32)
    inp['wt_ln_g'] = jnp.ones((D,), jnp.float32); inp['wt_ln_b'] = jnp.zeros((D,), jnp.float32)
    inp['wt_w1'] = w(ks[7], (2 * D, D), 0.01); inp['wt_b1'] = jnp.zeros((2 * D,), jnp.float32)
    inp['wt_w2'] = w(ks[8], (1, D), 0.01); inp['wt_b2'] = jnp.zeros((1,), jnp.float32)
    inp['vh_ln_g'] = jnp.ones((D,), jnp.float32); inp['vh_ln_b'] = jnp.zeros((D,), jnp.float32)
    inp['vh_w1'] = w(ks[9], (2 * D, D)); inp['vh_b1'] = jnp.zeros((2 * D,), jnp.float32)
    inp['vh_w2'] = w(ks[10], (1, D)); inp['vh_b2'] = jnp.zeros((1,), jnp.float32)
    return inp

def reference(raw_feats, uids, id_map, fe_bn_g, fe_bn_b, fe_w1, fe_b1, fe_w2, fe_b2, ne_ln_g, ne_ln_b, ne_w1, ne_b1, ne_w2, ne_b2, wt_ln_g, wt_ln_b, wt_w1, wt_b1, wt_w2, wt_b2, vh_ln_g, vh_ln_b, vh_w1, vh_b1, vh_w2, vh_b2):
    n = raw_feats.shape[0]
    order = jnp.argsort(uids, axis=0)
    raws = raw_feats[order]
    sorted_feats = jnp.concatenate([raws, jnp.zeros((1, raw_feats.shape[1]), raw_feats.dtype)], axis=0)
    sorted_feats = _feat_emb(sorted_feats, fe_bn_g, fe_bn_b, fe_w1, fe_b1, fe_w2, fe_b2)
    inital_feat = sorted_feats[:-1]
    for _ in range(6):
        gathered = sorted_feats[id_map].reshape(n, -1)
        feats_l, feats_r = jnp.split(gathered, 2, axis=-1)
        feats_l = _node_emb(feats_l, ne_ln_g, ne_ln_b, ne_w1, ne_b1, ne_w2, ne_b2)
        feats_r = _node_emb(feats_r, ne_ln_g, ne_ln_b, ne_w1, ne_b1, ne_w2, ne_b2)
        feats = (feats_r + feats_l + inital_feat) / 3.0
        sorted_feats = sorted_feats.at[:-1].add(feats)
    x = sorted_feats[:-1][uids]
    w_out = _head(x, wt_ln_g, wt_ln_b, wt_w1, wt_b1, wt_w2, wt_b2)
    v_out = jnp.tanh(_head(x, vh_ln_g, vh_ln_b, vh_w1, vh_b1, vh_w2, vh_b2))
    return (x, w_out, v_out)

if __name__ == "__main__":
    import jax
    _d = setup_inputs()
    print(jax.jit(kernel)(*tuple(_d.values())))

</pallas_src>

<mosaic_0001>
#map = affine_map<(d0, d1) -> (0, 0)>
#map1 = affine_map<(d0, d1) -> (0)>
module attributes {stable_mosaic.version = 14 : i64} {
  func.func @gk(%arg0: i32, %arg1: i32, %arg2: memref<50176x128xf32, #tpu.memory_space<hbm>>, %arg3: memref<100352xi32, #tpu.memory_space<hbm>>, %arg4: memref<100352x128xf32, #tpu.memory_space<hbm>>, %arg5: memref<3136xi32, #tpu.memory_space<vmem>>, %arg6: memref<112x128xf32, #tpu.memory_space<vmem>>, %arg7: memref<112x128xf32, #tpu.memory_space<vmem>>, %arg8: memref<!tpu.dma_semaphore, #tpu.memory_space<semaphore_mem>>, %arg9: memref<!tpu.dma_semaphore, #tpu.memory_space<semaphore_mem>>, %arg10: memref<!tpu.dma_semaphore, #tpu.memory_space<semaphore_mem>>, %arg11: memref<!tpu.dma_semaphore, #tpu.memory_space<semaphore_mem>>) attributes {dimension_semantics = [#tpu.dimension_semantics<core_parallel>, #tpu.dimension_semantics<subcore_parallel>], iteration_bounds = array<i64: 2, 16>, scalar_prefetch = 0 : i64, scratch_operands = 7 : i64, tpu.core_type = #tpu.core_type<sc_vector_subcore>, window_params = [{transform_indices = #map}, {transform_indices = #map1}, {transform_indices = #map}]} {
    %mul3A = arith.constant 2 : i32
    %mul3A_0 = arith.muli %arg1, %mul3A : i32
    %add3A = arith.addi %mul3A_0, %arg0 : i32
    %mul3A_1 = arith.constant 3136 : i32
    %mul3A_2 = arith.muli %add3A, %mul3A_1 : i32
    "tpu.region"() ({
      %run_scoped3A = tpu.sem_alloc : memref<!tpu.dma_semaphore, #tpu.memory_space<semaphore_mem>>
      %dma_start3A_46 = tpu.memref_slice %arg3[%mul3A_2] : memref<100352xi32, #tpu.memory_space<hbm>> -> memref<3136xi32, #tpu.memory_space<hbm>>
      %dma_start3A_47 = tpu.memref_slice %arg3[%mul3A_2] : memref<100352xi32, #tpu.memory_space<hbm>> -> memref<3136xi32, #tpu.memory_space<hbm>>
      tpu.enqueue_dma source(%dma_start3A_47 : memref<3136xi32, #tpu.memory_space<hbm>>) target(%arg5 : memref<3136xi32, #tpu.memory_space<vmem>>) target_semaphore(%run_scoped3A : memref<!tpu.dma_semaphore, #tpu.memory_space<semaphore_mem>>)
      %dma_wait3A_48 = tpu.memref_slice %arg3[%mul3A_2] : memref<100352xi32, #tpu.memory_space<hbm>> -> memref<3136xi32, #tpu.memory_space<hbm>>
      %dma_wait3A_49 = tpu.memref_slice %arg3[%mul3A_2] : memref<100352xi32, #tpu.memory_space<hbm>> -> memref<3136xi32, #tpu.memory_space<hbm>>
      tpu.wait_dma2 semaphore(%run_scoped3A : memref<!tpu.dma_semaphore, #tpu.memory_space<semaphore_mem>>) src(%dma_wait3A_49 : memref<3136xi32, #tpu.memory_space<hbm>>) dst(%arg5 : memref<3136xi32, #tpu.memory_space<vmem>>)
      tpu.yield
    }) : () -> ()
    %dma_start3A = arith.constant 0 : i32
    %dma_start3A_3 = tpu.memref_slice %arg5[%dma_start3A] : memref<3136xi32, #tpu.memory_space<vmem>> -> memref<112xi32, #tpu.memory_space<vmem>>
    %dma_start3A_4 = arith.constant 0 : i32
    %dma_start3A_5 = arith.constant 0 : i32
    %dma_start3A_6 = tpu.memref_slice %arg2[%dma_start3A_4, %dma_start3A_5] : memref<50176x128xf32, #tpu.memory_space<hbm>> -> memref<50176x128xf32, #tpu.memory_space<hbm>>
    tpu.enqueue_indirect_dma source(%dma_start3A_6 : memref<50176x128xf32, #tpu.memory_space<hbm>>) target(%arg6 : memref<112x128xf32, #tpu.memory_space<vmem>>) offsets(%dma_start3A_3 : memref<112xi32, #tpu.memory_space<vmem>>) semaphore(%arg8 : memref<!tpu.dma_semaphore, #tpu.memory_space<semaphore_mem>>)
    %dma_start3A_7 = arith.constant 112 : i32
    %dma_start3A_8 = tpu.memref_slice %arg5[%dma_start3A_7] : memref<3136xi32, #tpu.memory_space<vmem>> -> memref<112xi32, #tpu.memory_space<vmem>>
    %dma_start3A_9 = arith.constant 0 : i32
    %dma_start3A_10 = arith.constant 0 : i32
    %dma_start3A_11 = tpu.memref_slice %arg2[%dma_start3A_9, %dma_start3A_10] : memref<50176x128xf32, #tpu.memory_space<hbm>> -> memref<50176x128xf32, #tpu.memory_space<hbm>>
    tpu.enqueue_indirect_dma source(%dma_start3A_11 : memref<50176x128xf32, #tpu.memory_space<hbm>>) target(%arg7 : memref<112x128xf32, #tpu.memory_space<vmem>>) offsets(%dma_start3A_8 : memref<112xi32, #tpu.memory_space<vmem>>) semaphore(%arg9 : memref<!tpu.dma_semaphore, #tpu.memory_space<semaphore_mem>>)
    %dma_wait3A = arith.constant 0 : i32
    %dma_wait3A_12 = tpu.memref_slice %arg5[%dma_wait3A] : memref<3136xi32, #tpu.memory_space<vmem>> -> memref<112xi32, #tpu.memory_space<vmem>>
    %dma_wait3A_13 = arith.constant 0 : i32
    %dma_wait3A_14 = arith.constant 0 : i32
    %dma_wait3A_15 = tpu.memref_slice %arg2[%dma_wait3A_13, %dma_wait3A_14] : memref<50176x128xf32, #tpu.memory_space<hbm>> -> memref<50176x128xf32, #tpu.memory_space<hbm>>
    tpu.wait_indirect_dma semaphore(%arg8 : memref<!tpu.dma_semaphore, #tpu.memory_space<semaphore_mem>>) src(%dma_wait3A_15 : memref<50176x128xf32, #tpu.memory_space<hbm>>) dst(%arg6 : memref<112x128xf32, #tpu.memory_space<vmem>>)
    %add3A_16 = arith.constant 0 : i32
    %add3A_17 = arith.addi %mul3A_2, %add3A_16 : i32
    %dma_start3A_18 = arith.constant 0 : i32
    %dma_start3A_19 = tpu.memref_slice %arg4[%add3A_17, %dma_start3A_18] : memref<100352x128xf32, #tpu.memory_space<hbm>> -> memref<112x128xf32, #tpu.memory_space<hbm>>
    %dma_start3A_20 = arith.constant 0 : i32
    %dma_start3A_21 = tpu.memref_slice %arg4[%add3A_17, %dma_start3A_20] : memref<100352x128xf32, #tpu.memory_space<hbm>> -> memref<112x128xf32, #tpu.memory_space<hbm>>
    tpu.enqueue_dma source(%arg6 : memref<112x128xf32, #tpu.memory_space<vmem>>) target(%dma_start3A_21 : memref<112x128xf32, #tpu.memory_space<hbm>>) target_semaphore(%arg10 : memref<!tpu.dma_semaphore, #tpu.memory_space<semaphore_mem>>)
    %scan3A = arith.constant 0 : i32
    %scan3A_22 = arith.constant 0 : i32
    %scan3A_23 = arith.constant 13 : i32
    %scan3A_24 = arith.addi %scan3A_22, %scan3A_23 : i32
    %scan3A_25 = arith.constant 1 : i32
    scf.for %scan3A_46 = %scan3A_22 to %scan3A_24 step %scan3A_25  : i32 {
      %mul3A_47 = arith.constant 2 : i32
      %mul3A_48 = arith.muli %mul3A_47, %scan3A_46 : i32
      %add3A_49 = arith.constant 2 : i32
      %add3A_50 = arith.addi %add3A_49, %mul3A_48 : i32
      %add3A_51 = arith.constant 0 : i32
      %add3A_52 = arith.addi %add3A_50, %add3A_51 : i32
      %dma_wait3A_53 = arith.constant 0 : i32
      %dma_wait3A_54 = tpu.memref_slice %arg4[%mul3A_2, %dma_wait3A_53] : memref<100352x128xf32, #tpu.memory_space<hbm>> -> memref<112x128xf32, #tpu.memory_space<hbm>>
      %dma_wait3A_55 = arith.constant 0 : i32
      %dma_wait3A_56 = tpu.memref_slice %arg4[%mul3A_2, %dma_wait3A_55] : memref<100352x128xf32, #tpu.memory_space<hbm>> -> memref<112x128xf32, #tpu.memory_space<hbm>>
      tpu.wait_dma2 semaphore(%arg10 : memref<!tpu.dma_semaphore, #tpu.memory_space<semaphore_mem>>) src(%arg6 : memref<112x128xf32, #tpu.memory_space<vmem>>) dst(%dma_wait3A_56 : memref<112x128xf32, #tpu.memory_space<hbm>>)
      %mul3A_57 = arith.constant 112 : i32
      %mul3A_58 = arith.muli %add3A_52, %mul3A_57 : i32
      %dma_start3A_59 = tpu.memref_slice %arg5[%mul3A_58] : memref<3136xi32, #tpu.memory_space<vmem>> -> memref<112xi32, #tpu.memory_space<vmem>>
      %dma_start3A_60 = arith.constant 0 : i32
      %dma_start3A_61 = arith.constant 0 : i32
      %dma_start3A_62 = tpu.memref_slice %arg2[%dma_start3A_60, %dma_start3A_61] : memref<50176x128xf32, #tpu.memory_space<hbm>> -> memref<50176x128xf32, #tpu.memory_space<hbm>>
      tpu.enqueue_indirect_dma source(%dma_start3A_62 : memref<50176x128xf32, #tpu.memory_space<hbm>>) target(%arg6 : memref<112x128xf32, #tpu.memory_space<vmem>>) offsets(%dma_start3A_59 : memref<112xi32, #tpu.memory_space<vmem>>) semaphore(%arg8 : memref<!tpu.dma_semaphore, #tpu.memory_space<semaphore_mem>>)
      %dma_wait3A_63 = arith.constant 0 : i32
      %dma_wait3A_64 = tpu.memref_slice %arg5[%dma_wait3A_63] : memref<3136xi32, #tpu.memory_space<vmem>> -> memref<112xi32, #tpu.memory_space<vmem>>
      %dma_wait3A_65 = arith.constant 0 : i32
      %dma_wait3A_66 = arith.constant 0 : i32
      %dma_wait3A_67 = tpu.memref_slice %arg2[%dma_wait3A_65, %dma_wait3A_66] : memref<50176x128xf32, #tpu.memory_space<hbm>> -> memref<50176x128xf32, #tpu.memory_space<hbm>>
      tpu.wait_indirect_dma semaphore(%arg9 : memref<!tpu.dma_semaphore, #tpu.memory_space<semaphore_mem>>) src(%dma_wait3A_67 : memref<50176x128xf32, #tpu.memory_space<hbm>>) dst(%arg7 : memref<112x128xf32, #tpu.memory_space<vmem>>)
      %sub3A = arith.constant 1 : i32
      %sub3A_68 = arith.subi %add3A_52, %sub3A : i32
      %mul3A_69 = arith.constant 112 : i32
      %mul3A_70 = arith.muli %sub3A_68, %mul3A_69 : i32
      %add3A_71 = arith.addi %mul3A_2, %mul3A_70 : i32
      %dma_start3A_72 = arith.constant 0 : i32
      %dma_start3A_73 = tpu.memref_slice %arg4[%add3A_71, %dma_start3A_72] : memref<100352x128xf32, #tpu.memory_space<hbm>> -> memref<112x128xf32, #tpu.memory_space<hbm>>
      %dma_start3A_74 = arith.constant 0 : i32
      %dma_start3A_75 = tpu.memref_slice %arg4[%add3A_71, %dma_start3A_74] : memref<100352x128xf32, #tpu.memory_space<hbm>> -> memref<112x128xf32, #tpu.memory_space<hbm>>
      tpu.enqueue_dma source(%arg7 : memref<112x128xf32, #tpu.memory_space<vmem>>) target(%dma_start3A_75 : memref<112x128xf32, #tpu.memory_space<hbm>>) target_semaphore(%arg11 : memref<!tpu.dma_semaphore, #tpu.memory_space<semaphore_mem>>)
      %add3A_76 = arith.constant 1 : i32
      %add3A_77 = arith.addi %add3A_50, %add3A_76 : i32
      %dma_wait3A_78 = arith.constant 0 : i32
      %dma_wait3A_79 = tpu.memref_slice %arg4[%mul3A_2, %dma_wait3A_78] : memref<100352x128xf32, #tpu.memory_space<hbm>> -> memref<112x128xf32, #tpu.memory_space<hbm>>
      %dma_wait3A_80 = arith.constant 0 : i32
      %dma_wait3A_81 = tpu.memref_slice %arg4[%mul3A_2, %dma_wait3A_80] : memref<100352x128xf32, #tpu.memory_space<hbm>> -> memref<112x128xf32, #tpu.memory_space<hbm>>
      tpu.wait_dma2 semaphore(%arg11 : memref<!tpu.dma_semaphore, #tpu.memory_space<semaphore_mem>>) src(%arg7 : memref<112x128xf32, #tpu.memory_space<vmem>>) dst(%dma_wait3A_81 : memref<112x128xf32, #tpu.memory_space<hbm>>)
      %mul3A_82 = arith.constant 112 : i32
      %mul3A_83 = arith.muli %add3A_77, %mul3A_82 : i32
      %dma_start3A_84 = tpu.memref_slice %arg5[%mul3A_83] : memref<3136xi32, #tpu.memory_space<vmem>> -> memref<112xi32, #tpu.memory_space<vmem>>
      %dma_start3A_85 = arith.constant 0 : i32
      %dma_start3A_86 = arith.constant 0 : i32
      %dma_start3A_87 = tpu.memref_slice %arg2[%dma_start3A_85, %dma_start3A_86] : memref<50176x128xf32, #tpu.memory_space<hbm>> -> memref<50176x128xf32, #tpu.memory_space<hbm>>
      tpu.enqueue_indirect_dma source(%dma_start3A_87 : memref<50176x128xf32, #tpu.memory_space<hbm>>) target(%arg7 : memref<112x128xf32, #tpu.memory_space<vmem>>) offsets(%dma_start3A_84 : memref<112xi32, #tpu.memory_space<vmem>>) semaphore(%arg9 : memref<!tpu.dma_semaphore, #tpu.memory_space<semaphore_mem>>)
      %dma_wait3A_88 = arith.constant 0 : i32
      %dma_wait3A_89 = tpu.memref_slice %arg5[%dma_wait3A_88] : memref<3136xi32, #tpu.memory_space<vmem>> -> memref<112xi32, #tpu.memory_space<vmem>>
      %dma_wait3A_90 = arith.constant 0 : i32
      %dma_wait3A_91 = arith.constant 0 : i32
      %dma_wait3A_92 = tpu.memref_slice %arg2[%dma_wait3A_90, %dma_wait3A_91] : memref<50176x128xf32, #tpu.memory_space<hbm>> -> memref<50176x128xf32, #tpu.memory_space<hbm>>
      tpu.wait_indirect_dma semaphore(%arg8 : memref<!tpu.dma_semaphore, #tpu.memory_space<semaphore_mem>>) src(%dma_wait3A_92 : memref<50176x128xf32, #tpu.memory_space<hbm>>) dst(%arg6 : memref<112x128xf32, #tpu.memory_space<vmem>>)
      %sub3A_93 = arith.constant 1 : i32
      %sub3A_94 = arith.subi %add3A_77, %sub3A_93 : i32
      %mul3A_95 = arith.constant 112 : i32
      %mul3A_96 = arith.muli %sub3A_94, %mul3A_95 : i32
      %add3A_97 = arith.addi %mul3A_2, %mul3A_96 : i32
      %dma_start3A_98 = arith.constant 0 : i32
      %dma_start3A_99 = tpu.memref_slice %arg4[%add3A_97, %dma_start3A_98] : memref<100352x128xf32, #tpu.memory_space<hbm>> -> memref<112x128xf32, #tpu.memory_space<hbm>>
      %dma_start3A_100 = arith.constant 0 : i32
      %dma_start3A_101 = tpu.memref_slice %arg4[%add3A_97, %dma_start3A_100] : memref<100352x128xf32, #tpu.memory_space<hbm>> -> memref<112x128xf32, #tpu.memory_space<hbm>>
      tpu.enqueue_dma source(%arg6 : memref<112x128xf32, #tpu.memory_space<vmem>>) target(%dma_start3A_101 : memref<112x128xf32, #tpu.memory_space<hbm>>) target_semaphore(%arg10 : memref<!tpu.dma_semaphore, #tpu.memory_space<semaphore_mem>>)
    }
    %scan3A_26 = arith.constant 13 : i32
    %dma_wait3A_27 = arith.constant 0 : i32
    %dma_wait3A_28 = tpu.memref_slice %arg5[%dma_wait3A_27] : memref<3136xi32, #tpu.memory_space<vmem>> -> memref<112xi32, #tpu.memory_space<vmem>>
    %dma_wait3A_29 = arith.constant 0 : i32
    %dma_wait3A_30 = arith.constant 0 : i32
    %dma_wait3A_31 = tpu.memref_slice %arg2[%dma_wait3A_29, %dma_wait3A_30] : memref<50176x128xf32, #tpu.memory_space<hbm>> -> memref<50176x128xf32, #tpu.memory_space<hbm>>
    tpu.wait_indirect_dma semaphore(%arg9 : memref<!tpu.dma_semaphore, #tpu.memory_space<semaphore_mem>>) src(%dma_wait3A_31 : memref<50176x128xf32, #tpu.memory_space<hbm>>) dst(%arg7 : memref<112x128xf32, #tpu.memory_space<vmem>>)
    %add3A_32 = arith.constant 3024 : i32
    %add3A_33 = arith.addi %mul3A_2, %add3A_32 : i32
    %dma_start3A_34 = arith.constant 0 : i32
    %dma_start3A_35 = tpu.memref_slice %arg4[%add3A_33, %dma_start3A_34] : memref<100352x128xf32, #tpu.memory_space<hbm>> -> memref<112x128xf32, #tpu.memory_space<hbm>>
    %dma_start3A_36 = arith.constant 0 : i32
    %dma_start3A_37 = tpu.memref_slice %arg4[%add3A_33, %dma_start3A_36] : memref<100352x128xf32, #tpu.memory_space<hbm>> -> memref<112x128xf32, #tpu.memory_space<hbm>>
    tpu.enqueue_dma source(%arg7 : memref<112x128xf32, #tpu.memory_space<vmem>>) target(%dma_start3A_37 : memref<112x128xf32, #tpu.memory_space<hbm>>) target_semaphore(%arg11 : memref<!tpu.dma_semaphore, #tpu.memory_space<semaphore_mem>>)
    %dma_wait3A_38 = arith.constant 0 : i32
    %dma_wait3A_39 = tpu.memref_slice %arg4[%mul3A_2, %dma_wait3A_38] : memref<100352x128xf32, #tpu.memory_space<hbm>> -> memref<112x128xf32, #tpu.memory_space<hbm>>
    %dma_wait3A_40 = arith.constant 0 : i32
    %dma_wait3A_41 = tpu.memref_slice %arg4[%mul3A_2, %dma_wait3A_40] : memref<100352x128xf32, #tpu.memory_space<hbm>> -> memref<112x128xf32, #tpu.memory_space<hbm>>
    tpu.wait_dma2 semaphore(%arg10 : memref<!tpu.dma_semaphore, #tpu.memory_space<semaphore_mem>>) src(%arg6 : memref<112x128xf32, #tpu.memory_space<vmem>>) dst(%dma_wait3A_41 : memref<112x128xf32, #tpu.memory_space<hbm>>)
    %dma_wait3A_42 = arith.constant 0 : i32
    %dma_wait3A_43 = tpu.memref_slice %arg4[%mul3A_2, %dma_wait3A_42] : memref<100352x128xf32, #tpu.memory_space<hbm>> -> memref<112x128xf32, #tpu.memory_space<hbm>>
    %dma_wait3A_44 = arith.constant 0 : i32
    %dma_wait3A_45 = tpu.memref_slice %arg4[%mul3A_2, %dma_wait3A_44] : memref<100352x128xf32, #tpu.memory_space<hbm>> -> memref<112x128xf32, #tpu.memory_space<hbm>>
    tpu.wait_dma2 semaphore(%arg11 : memref<!tpu.dma_semaphore, #tpu.memory_space<semaphore_mem>>) src(%arg7 : memref<112x128xf32, #tpu.memory_space<vmem>>) dst(%dma_wait3A_45 : memref<112x128xf32, #tpu.memory_space<hbm>>)
    return
  }
}

#map = affine_map<(d0, d1) -> (0, 0)>
#map1 = affine_map<(d0, d1) -> (0)>
module attributes {stable_mosaic.version = 14 : i64} {
  func.func @gk(%arg0: i32, %arg1: i32, %arg2: memref<50176x128xf32, #tpu.memory_space<hbm>>, %arg3: memref<100352xi32, #tpu.memory_space<hbm>>, %arg4: memref<100352x128xf32, #tpu.memory_space<hbm>>, %arg5: memref<3136xi32, #tpu.memory_space<vmem>>, %arg6: memref<112x128xf32, #tpu.memory_space<vmem>>, %arg7: memref<112x128xf32, #tpu.memory_space<vmem>>, %arg8: memref<!tpu.dma_semaphore, #tpu.memory_space<semaphore_mem>>, %arg9: memref<!tpu.dma_semaphore, #tpu.memory_space<semaphore_mem>>, %arg10: memref<!tpu.dma_semaphore, #tpu.memory_space<semaphore_mem>>, %arg11: memref<!tpu.dma_semaphore, #tpu.memory_space<semaphore_mem>>) attributes {dimension_semantics = [#tpu.dimension_semantics<core_parallel>, #tpu.dimension_semantics<subcore_parallel>], iteration_bounds = array<i64: 2, 16>, scalar_prefetch = 0 : i64, scratch_operands = 7 : i64, tpu.core_type = #tpu.core_type<sc_vector_subcore>, window_params = [{transform_indices = #map}, {transform_indices = #map1}, {transform_indices = #map}]} {
    %mul3A = arith.constant 2 : i32
    %mul3A_0 = arith.muli %arg1, %mul3A : i32
    %add3A = arith.addi %mul3A_0, %arg0 : i32
    %mul3A_1 = arith.constant 3136 : i32
    %mul3A_2 = arith.muli %add3A, %mul3A_1 : i32
    "tpu.region"() ({
      %run_scoped3A = tpu.sem_alloc : memref<!tpu.dma_semaphore, #tpu.memory_space<semaphore_mem>>
      %dma_start3A_46 = tpu.memref_slice %arg3[%mul3A_2] : memref<100352xi32, #tpu.memory_space<hbm>> -> memref<3136xi32, #tpu.memory_space<hbm>>
      %dma_start3A_47 = tpu.memref_slice %arg3[%mul3A_2] : memref<100352xi32, #tpu.memory_space<hbm>> -> memref<3136xi32, #tpu.memory_space<hbm>>
      tpu.enqueue_dma source(%dma_start3A_47 : memref<3136xi32, #tpu.memory_space<hbm>>) target(%arg5 : memref<3136xi32, #tpu.memory_space<vmem>>) target_semaphore(%run_scoped3A : memref<!tpu.dma_semaphore, #tpu.memory_space<semaphore_mem>>)
      %dma_wait3A_48 = tpu.memref_slice %arg3[%mul3A_2] : memref<100352xi32, #tpu.memory_space<hbm>> -> memref<3136xi32, #tpu.memory_space<hbm>>
      %dma_wait3A_49 = tpu.memref_slice %arg3[%mul3A_2] : memref<100352xi32, #tpu.memory_space<hbm>> -> memref<3136xi32, #tpu.memory_space<hbm>>
      tpu.wait_dma2 semaphore(%run_scoped3A : memref<!tpu.dma_semaphore, #tpu.memory_space<semaphore_mem>>) src(%dma_wait3A_49 : memref<3136xi32, #tpu.memory_space<hbm>>) dst(%arg5 : memref<3136xi32, #tpu.memory_space<vmem>>)
      tpu.yield
    }) : () -> ()
    %dma_start3A = arith.constant 0 : i32
    %dma_start3A_3 = tpu.memref_slice %arg5[%dma_start3A] : memref<3136xi32, #tpu.memory_space<vmem>> -> memref<112xi32, #tpu.memory_space<vmem>>
    %dma_start3A_4 = arith.constant 0 : i32
    %dma_start3A_5 = arith.constant 0 : i32
    %dma_start3A_6 = tpu.memref_slice %arg2[%dma_start3A_4, %dma_start3A_5] : memref<50176x128xf32, #tpu.memory_space<hbm>> -> memref<50176x128xf32, #tpu.memory_space<hbm>>
    tpu.enqueue_indirect_dma source(%dma_start3A_6 : memref<50176x128xf32, #tpu.memory_space<hbm>>) target(%arg6 : memref<112x128xf32, #tpu.memory_space<vmem>>) offsets(%dma_start3A_3 : memref<112xi32, #tpu.memory_space<vmem>>) semaphore(%arg8 : memref<!tpu.dma_semaphore, #tpu.memory_space<semaphore_mem>>)
    %dma_start3A_7 = arith.constant 112 : i32
    %dma_start3A_8 = tpu.memref_slice %arg5[%dma_start3A_7] : memref<3136xi32, #tpu.memory_space<vmem>> -> memref<112xi32, #tpu.memory_space<vmem>>
    %dma_start3A_9 = arith.constant 0 : i32
    %dma_start3A_10 = arith.constant 0 : i32
    %dma_start3A_11 = tpu.memref_slice %arg2[%dma_start3A_9, %dma_start3A_10] : memref<50176x128xf32, #tpu.memory_space<hbm>> -> memref<50176x128xf32, #tpu.memory_space<hbm>>
    tpu.enqueue_indirect_dma source(%dma_start3A_11 : memref<50176x128xf32, #tpu.memory_space<hbm>>) target(%arg7 : memref<112x128xf32, #tpu.memory_space<vmem>>) offsets(%dma_start3A_8 : memref<112xi32, #tpu.memory_space<vmem>>) semaphore(%arg9 : memref<!tpu.dma_semaphore, #tpu.memory_space<semaphore_mem>>)
    %dma_wait3A = arith.constant 0 : i32
    %dma_wait3A_12 = tpu.memref_slice %arg5[%dma_wait3A] : memref<3136xi32, #tpu.memory_space<vmem>> -> memref<112xi32, #tpu.memory_space<vmem>>
    %dma_wait3A_13 = arith.constant 0 : i32
    %dma_wait3A_14 = arith.constant 0 : i32
    %dma_wait3A_15 = tpu.memref_slice %arg2[%dma_wait3A_13, %dma_wait3A_14] : memref<50176x128xf32, #tpu.memory_space<hbm>> -> memref<50176x128xf32, #tpu.memory_space<hbm>>
    tpu.wait_indirect_dma semaphore(%arg8 : memref<!tpu.dma_semaphore, #tpu.memory_space<semaphore_mem>>) src(%dma_wait3A_15 : memref<50176x128xf32, #tpu.memory_space<hbm>>) dst(%arg6 : memref<112x128xf32, #tpu.memory_space<vmem>>)
    %add3A_16 = arith.constant 0 : i32
    %add3A_17 = arith.addi %mul3A_2, %add3A_16 : i32
    %dma_start3A_18 = arith.constant 0 : i32
    %dma_start3A_19 = tpu.memref_slice %arg4[%add3A_17, %dma_start3A_18] : memref<100352x128xf32, #tpu.memory_space<hbm>> -> memref<112x128xf32, #tpu.memory_space<hbm>>
    %dma_start3A_20 = arith.constant 0 : i32
    %dma_start3A_21 = tpu.memref_slice %arg4[%add3A_17, %dma_start3A_20] : memref<100352x128xf32, #tpu.memory_space<hbm>> -> memref<112x128xf32, #tpu.memory_space<hbm>>
    tpu.enqueue_dma source(%arg6 : memref<112x128xf32, #tpu.memory_space<vmem>>) target(%dma_start3A_21 : memref<112x128xf32, #tpu.memory_space<hbm>>) target_semaphore(%arg10 : memref<!tpu.dma_semaphore, #tpu.memory_space<semaphore_mem>>)
    %scan3A = arith.constant 0 : i32
    %scan3A_22 = arith.constant 0 : i32
    %scan3A_23 = arith.constant 13 : i32
    %scan3A_24 = arith.addi %scan3A_22, %scan3A_23 : i32
    %scan3A_25 = arith.constant 1 : i32
    scf.for %scan3A_46 = %scan3A_22 to %scan3A_24 step %scan3A_25  : i32 {
      %mul3A_47 = arith.constant 2 : i32
      %mul3A_48 = arith.muli %mul3A_47, %scan3A_46 : i32
      %add3A_49 = arith.constant 2 : i32
      %add3A_50 = arith.addi %add3A_49, %mul3A_48 : i32
      %add3A_51 = arith.constant 0 : i32
      %add3A_52 = arith.addi %add3A_50, %add3A_51 : i32
      %dma_wait3A_53 = arith.constant 0 : i32
      %dma_wait3A_54 = tpu.memref_slice %arg4[%mul3A_2, %dma_wait3A_53] : memref<100352x128xf32, #tpu.memory_space<hbm>> -> memref<112x128xf32, #tpu.memory_space<hbm>>
      %dma_wait3A_55 = arith.constant 0 : i32
      %dma_wait3A_56 = tpu.memref_slice %arg4[%mul3A_2, %dma_wait3A_55] : memref<100352x128xf32, #tpu.memory_space<hbm>> -> memref<112x128xf32, #tpu.memory_space<hbm>>
      tpu.wait_dma2 semaphore(%arg10 : memref<!tpu.dma_semaphore, #tpu.memory_space<semaphore_mem>>) src(%arg6 : memref<112x128xf32, #tpu.memory_space<vmem>>) dst(%dma_wait3A_56 : memref<112x128xf32, #tpu.memory_space<hbm>>)
      %mul3A_57 = arith.constant 112 : i32
      %mul3A_58 = arith.muli %add3A_52, %mul3A_57 : i32
      %dma_start3A_59 = tpu.memref_slice %arg5[%mul3A_58] : memref<3136xi32, #tpu.memory_space<vmem>> -> memref<112xi32, #tpu.memory_space<vmem>>
      %dma_start3A_60 = arith.constant 0 : i32
      %dma_start3A_61 = arith.constant 0 : i32
      %dma_start3A_62 = tpu.memref_slice %arg2[%dma_start3A_60, %dma_start3A_61] : memref<50176x128xf32, #tpu.memory_space<hbm>> -> memref<50176x128xf32, #tpu.memory_space<hbm>>
      tpu.enqueue_indirect_dma source(%dma_start3A_62 : memref<50176x128xf32, #tpu.memory_space<hbm>>) target(%arg6 : memref<112x128xf32, #tpu.memory_space<vmem>>) offsets(%dma_start3A_59 : memref<112xi32, #tpu.memory_space<vmem>>) semaphore(%arg8 : memref<!tpu.dma_semaphore, #tpu.memory_space<semaphore_mem>>)
      %dma_wait3A_63 = arith.constant 0 : i32
      %dma_wait3A_64 = tpu.memref_slice %arg5[%dma_wait3A_63] : memref<3136xi32, #tpu.memory_space<vmem>> -> memref<112xi32, #tpu.memory_space<vmem>>
      %dma_wait3A_65 = arith.constant 0 : i32
      %dma_wait3A_66 = arith.constant 0 : i32
      %dma_wait3A_67 = tpu.memref_slice %arg2[%dma_wait3A_65, %dma_wait3A_66] : memref<50176x128xf32, #tpu.memory_space<hbm>> -> memref<50176x128xf32, #tpu.memory_space<hbm>>
      tpu.wait_indirect_dma semaphore(%arg9 : memref<!tpu.dma_semaphore, #tpu.memory_space<semaphore_mem>>) src(%dma_wait3A_67 : memref<50176x128xf32, #tpu.memory_space<hbm>>) dst(%arg7 : memref<112x128xf32, #tpu.memory_space<vmem>>)
      %sub3A = arith.constant 1 : i32
      %sub3A_68 = arith.subi %add3A_52, %sub3A : i32
      %mul3A_69 = arith.constant 112 : i32
      %mul3A_70 = arith.muli %sub3A_68, %mul3A_69 : i32
      %add3A_71 = arith.addi %mul3A_2, %mul3A_70 : i32
      %dma_start3A_72 = arith.constant 0 : i32
      %dma_start3A_73 = tpu.memref_slice %arg4[%add3A_71, %dma_start3A_72] : memref<100352x128xf32, #tpu.memory_space<hbm>> -> memref<112x128xf32, #tpu.memory_space<hbm>>
      %dma_start3A_74 = arith.constant 0 : i32
      %dma_start3A_75 = tpu.memref_slice %arg4[%add3A_71, %dma_start3A_74] : memref<100352x128xf32, #tpu.memory_space<hbm>> -> memref<112x128xf32, #tpu.memory_space<hbm>>
      tpu.enqueue_dma source(%arg7 : memref<112x128xf32, #tpu.memory_space<vmem>>) target(%dma_start3A_75 : memref<112x128xf32, #tpu.memory_space<hbm>>) target_semaphore(%arg11 : memref<!tpu.dma_semaphore, #tpu.memory_space<semaphore_mem>>)
      %add3A_76 = arith.constant 1 : i32
      %add3A_77 = arith.addi %add3A_50, %add3A_76 : i32
      %dma_wait3A_78 = arith.constant 0 : i32
      %dma_wait3A_79 = tpu.memref_slice %arg4[%mul3A_2, %dma_wait3A_78] : memref<100352x128xf32, #tpu.memory_space<hbm>> -> memref<112x128xf32, #tpu.memory_space<hbm>>
      %dma_wait3A_80 = arith.constant 0 : i32
      %dma_wait3A_81 = tpu.memref_slice %arg4[%mul3A_2, %dma_wait3A_80] : memref<100352x128xf32, #tpu.memory_space<hbm>> -> memref<112x128xf32, #tpu.memory_space<hbm>>
      tpu.wait_dma2 semaphore(%arg11 : memref<!tpu.dma_semaphore, #tpu.memory_space<semaphore_mem>>) src(%arg7 : memref<112x128xf32, #tpu.memory_space<vmem>>) dst(%dma_wait3A_81 : memref<112x128xf32, #tpu.memory_space<hbm>>)
      %mul3A_82 = arith.constant 112 : i32
      %mul3A_83 = arith.muli %add3A_77, %mul3A_82 : i32
      %dma_start3A_84 = tpu.memref_slice %arg5[%mul3A_83] : memref<3136xi32, #tpu.memory_space<vmem>> -> memref<112xi32, #tpu.memory_space<vmem>>
      %dma_start3A_85 = arith.constant 0 : i32
      %dma_start3A_86 = arith.constant 0 : i32
      %dma_start3A_87 = tpu.memref_slice %arg2[%dma_start3A_85, %dma_start3A_86] : memref<50176x128xf32, #tpu.memory_space<hbm>> -> memref<50176x128xf32, #tpu.memory_space<hbm>>
      tpu.enqueue_indirect_dma source(%dma_start3A_87 : memref<50176x128xf32, #tpu.memory_space<hbm>>) target(%arg7 : memref<112x128xf32, #tpu.memory_space<vmem>>) offsets(%dma_start3A_84 : memref<112xi32, #tpu.memory_space<vmem>>) semaphore(%arg9 : memref<!tpu.dma_semaphore, #tpu.memory_space<semaphore_mem>>)
      %dma_wait3A_88 = arith.constant 0 : i32
      %dma_wait3A_89 = tpu.memref_slice %arg5[%dma_wait3A_88] : memref<3136xi32, #tpu.memory_space<vmem>> -> memref<112xi32, #tpu.memory_space<vmem>>
      %dma_wait3A_90 = arith.constant 0 : i32
      %dma_wait3A_91 = arith.constant 0 : i32
      %dma_wait3A_92 = tpu.memref_slice %arg2[%dma_wait3A_90, %dma_wait3A_91] : memref<50176x128xf32, #tpu.memory_space<hbm>> -> memref<50176x128xf32, #tpu.memory_space<hbm>>
      tpu.wait_indirect_dma semaphore(%arg8 : memref<!tpu.dma_semaphore, #tpu.memory_space<semaphore_mem>>) src(%dma_wait3A_92 : memref<50176x128xf32, #tpu.memory_space<hbm>>) dst(%arg6 : memref<112x128xf32, #tpu.memory_space<vmem>>)
      %sub3A_93 = arith.constant 1 : i32
      %sub3A_94 = arith.subi %add3A_77, %sub3A_93 : i32
      %mul3A_95 = arith.constant 112 : i32
      %mul3A_96 = arith.muli %sub3A_94, %mul3A_95 : i32
      %add3A_97 = arith.addi %mul3A_2, %mul3A_96 : i32
      %dma_start3A_98 = arith.constant 0 : i32
      %dma_start3A_99 = tpu.memref_slice %arg4[%add3A_97, %dma_start3A_98] : memref<100352x128xf32, #tpu.memory_space<hbm>> -> memref<112x128xf32, #tpu.memory_space<hbm>>
      %dma_start3A_100 = arith.constant 0 : i32
      %dma_start3A_101 = tpu.memref_slice %arg4[%add3A_97, %dma_start3A_100] : memref<100352x128xf32, #tpu.memory_space<hbm>> -> memref<112x128xf32, #tpu.memory_space<hbm>>
      tpu.enqueue_dma source(%arg6 : memref<112x128xf32, #tpu.memory_space<vmem>>) target(%dma_start3A_101 : memref<112x128xf32, #tpu.memory_space<hbm>>) target_semaphore(%arg10 : memref<!tpu.dma_semaphore, #tpu.memory_space<semaphore_mem>>)
    }
    %scan3A_26 = arith.constant 13 : i32
    %dma_wait3A_27 = arith.constant 0 : i32
    %dma_wait3A_28 = tpu.memref_slice %arg5[%dma_wait3A_27] : memref<3136xi32, #tpu.memory_space<vmem>> -> memref<112xi32, #tpu.memory_space<vmem>>
    %dma_wait3A_29 = arith.constant 0 : i32
    %dma_wait3A_30 = arith.constant 0 : i32
    %dma_wait3A_31 = tpu.memref_slice %arg2[%dma_wait3A_29, %dma_wait3A_30] : memref<50176x128xf32, #tpu.memory_space<hbm>> -> memref<50176x128xf32, #tpu.memory_space<hbm>>
    tpu.wait_indirect_dma semaphore(%arg9 : memref<!tpu.dma_semaphore, #tpu.memory_space<semaphore_mem>>) src(%dma_wait3A_31 : memref<50176x128xf32, #tpu.memory_space<hbm>>) dst(%arg7 : memref<112x128xf32, #tpu.memory_space<vmem>>)
    %add3A_32 = arith.constant 3024 : i32
    %add3A_33 = arith.addi %mul3A_2, %add3A_32 : i32
    %dma_start3A_34 = arith.constant 0 : i32
    %dma_start3A_35 = tpu.memref_slice %arg4[%add3A_33, %dma_start3A_34] : memref<100352x128xf32, #tpu.memory_space<hbm>> -> memref<112x128xf32, #tpu.memory_space<hbm>>
    %dma_start3A_36 = arith.constant 0 : i32
    %dma_start3A_37 = tpu.memref_slice %arg4[%add3A_33, %dma_start3A_36] : memref<100352x128xf32, #tpu.memory_space<hbm>> -> memref<112x128xf32, #tpu.memory_space<hbm>>
    tpu.enqueue_dma source(%arg7 : memref<112x128xf32, #tpu.memory_space<vmem>>) target(%dma_start3A_37 : memref<112x128xf32, #tpu.memory_space<hbm>>) target_semaphore(%arg11 : memref<!tpu.dma_semaphore, #tpu.memory_space<semaphore_mem>>)
    %dma_wait3A_38 = arith.constant 0 : i32
    %dma_wait3A_39 = tpu.memref_slice %arg4[%mul3A_2, %dma_wait3A_38] : memref<100352x128xf32, #tpu.memory_space<hbm>> -> memref<112x128xf32, #tpu.memory_space<hbm>>
    %dma_wait3A_40 = arith.constant 0 : i32
    %dma_wait3A_41 = tpu.memref_slice %arg4[%mul3A_2, %dma_wait3A_40] : memref<100352x128xf32, #tpu.memory_space<hbm>> -> memref<112x128xf32, #tpu.memory_space<hbm>>
    tpu.wait_dma2 semaphore(%arg10 : memref<!tpu.dma_semaphore, #tpu.memory_space<semaphore_mem>>) src(%arg6 : memref<112x128xf32, #tpu.memory_space<vmem>>) dst(%dma_wait3A_41 : memref<112x128xf32, #tpu.memory_space<hbm>>)
    %dma_wait3A_42 = arith.constant 0 : i32
    %dma_wait3A_43 = tpu.memref_slice %arg4[%mul3A_2, %dma_wait3A_42] : memref<100352x128xf32, #tpu.memory_space<hbm>> -> memref<112x128xf32, #tpu.memory_space<hbm>>
    %dma_wait3A_44 = arith.constant 0 : i32
    %dma_wait3A_45 = tpu.memref_slice %arg4[%mul3A_2, %dma_wait3A_44] : memref<100352x128xf32, #tpu.memory_space<hbm>> -> memref<112x128xf32, #tpu.memory_space<hbm>>
    tpu.wait_dma2 semaphore(%arg11 : memref<!tpu.dma_semaphore, #tpu.memory_space<semaphore_mem>>) src(%arg7 : memref<112x128xf32, #tpu.memory_space<vmem>>) dst(%dma_wait3A_45 : memref<112x128xf32, #tpu.memory_space<hbm>>)
    return
  }
}

#map = affine_map<(d0, d1) -> (0, 0)>
#map1 = affine_map<(d0, d1) -> (0)>
module attributes {stable_mosaic.version = 14 : i64} {
  func.func @gk(%arg0: i32, %arg1: i32, %arg2: memref<50000x128xf32, #tpu.memory_space<hbm>>, %arg3: memref<50176xi32, #tpu.memory_space<hbm>>, %arg4: memref<50176x128xf32, #tpu.memory_space<hbm>>, %arg5: memref<1568xi32, #tpu.memory_space<vmem>>, %arg6: memref<112x128xf32, #tpu.memory_space<vmem>>, %arg7: memref<112x128xf32, #tpu.memory_space<vmem>>, %arg8: memref<!tpu.dma_semaphore, #tpu.memory_space<semaphore_mem>>, %arg9: memref<!tpu.dma_semaphore, #tpu.memory_space<semaphore_mem>>, %arg10: memref<!tpu.dma_semaphore, #tpu.memory_space<semaphore_mem>>, %arg11: memref<!tpu.dma_semaphore, #tpu.memory_space<semaphore_mem>>) attributes {dimension_semantics = [#tpu.dimension_semantics<core_parallel>, #tpu.dimension_semantics<subcore_parallel>], iteration_bounds = array<i64: 2, 16>, scalar_prefetch = 0 : i64, scratch_operands = 7 : i64, tpu.core_type = #tpu.core_type<sc_vector_subcore>, window_params = [{transform_indices = #map}, {transform_indices = #map1}, {transform_indices = #map}]} {
    %mul3A = arith.constant 2 : i32
    %mul3A_0 = arith.muli %arg1, %mul3A : i32
    %add3A = arith.addi %mul3A_0, %arg0 : i32
    %mul3A_1 = arith.constant 1568 : i32
    %mul3A_2 = arith.muli %add3A, %mul3A_1 : i32
    "tpu.region"() ({
      %run_scoped3A = tpu.sem_alloc : memref<!tpu.dma_semaphore, #tpu.memory_space<semaphore_mem>>
      %dma_start3A_46 = tpu.memref_slice %arg3[%mul3A_2] : memref<50176xi32, #tpu.memory_space<hbm>> -> memref<1568xi32, #tpu.memory_space<hbm>>
      %dma_start3A_47 = tpu.memref_slice %arg3[%mul3A_2] : memref<50176xi32, #tpu.memory_space<hbm>> -> memref<1568xi32, #tpu.memory_space<hbm>>
      tpu.enqueue_dma source(%dma_start3A_47 : memref<1568xi32, #tpu.memory_space<hbm>>) target(%arg5 : memref<1568xi32, #tpu.memory_space<vmem>>) target_semaphore(%run_scoped3A : memref<!tpu.dma_semaphore, #tpu.memory_space<semaphore_mem>>)
      %dma_wait3A_48 = tpu.memref_slice %arg3[%mul3A_2] : memref<50176xi32, #tpu.memory_space<hbm>> -> memref<1568xi32, #tpu.memory_space<hbm>>
      %dma_wait3A_49 = tpu.memref_slice %arg3[%mul3A_2] : memref<50176xi32, #tpu.memory_space<hbm>> -> memref<1568xi32, #tpu.memory_space<hbm>>
      tpu.wait_dma2 semaphore(%run_scoped3A : memref<!tpu.dma_semaphore, #tpu.memory_space<semaphore_mem>>) src(%dma_wait3A_49 : memref<1568xi32, #tpu.memory_space<hbm>>) dst(%arg5 : memref<1568xi32, #tpu.memory_space<vmem>>)
      tpu.yield
    }) : () -> ()
    %dma_start3A = arith.constant 0 : i32
    %dma_start3A_3 = tpu.memref_slice %arg5[%dma_start3A] : memref<1568xi32, #tpu.memory_space<vmem>> -> memref<112xi32, #tpu.memory_space<vmem>>
    %dma_start3A_4 = arith.constant 0 : i32
    %dma_start3A_5 = arith.constant 0 : i32
    %dma_start3A_6 = tpu.memref_slice %arg2[%dma_start3A_4, %dma_start3A_5] : memref<50000x128xf32, #tpu.memory_space<hbm>> -> memref<50000x128xf32, #tpu.memory_space<hbm>>
    tpu.enqueue_indirect_dma source(%dma_start3A_6 : memref<50000x128xf32, #tpu.memory_space<hbm>>) target(%arg6 : memref<112x128xf32, #tpu.memory_space<vmem>>) offsets(%dma_start3A_3 : memref<112xi32, #tpu.memory_space<vmem>>) semaphore(%arg8 : memref<!tpu.dma_semaphore, #tpu.memory_space<semaphore_mem>>)
    %dma_start3A_7 = arith.constant 112 : i32
    %dma_start3A_8 = tpu.memref_slice %arg5[%dma_start3A_7] : memref<1568xi32, #tpu.memory_space<vmem>> -> memref<112xi32, #tpu.memory_space<vmem>>
    %dma_start3A_9 = arith.constant 0 : i32
    %dma_start3A_10 = arith.constant 0 : i32
    %dma_start3A_11 = tpu.memref_slice %arg2[%dma_start3A_9, %dma_start3A_10] : memref<50000x128xf32, #tpu.memory_space<hbm>> -> memref<50000x128xf32, #tpu.memory_space<hbm>>
    tpu.enqueue_indirect_dma source(%dma_start3A_11 : memref<50000x128xf32, #tpu.memory_space<hbm>>) target(%arg7 : memref<112x128xf32, #tpu.memory_space<vmem>>) offsets(%dma_start3A_8 : memref<112xi32, #tpu.memory_space<vmem>>) semaphore(%arg9 : memref<!tpu.dma_semaphore, #tpu.memory_space<semaphore_mem>>)
    %dma_wait3A = arith.constant 0 : i32
    %dma_wait3A_12 = tpu.memref_slice %arg5[%dma_wait3A] : memref<1568xi32, #tpu.memory_space<vmem>> -> memref<112xi32, #tpu.memory_space<vmem>>
    %dma_wait3A_13 = arith.constant 0 : i32
    %dma_wait3A_14 = arith.constant 0 : i32
    %dma_wait3A_15 = tpu.memref_slice %arg2[%dma_wait3A_13, %dma_wait3A_14] : memref<50000x128xf32, #tpu.memory_space<hbm>> -> memref<50000x128xf32, #tpu.memory_space<hbm>>
    tpu.wait_indirect_dma semaphore(%arg8 : memref<!tpu.dma_semaphore, #tpu.memory_space<semaphore_mem>>) src(%dma_wait3A_15 : memref<50000x128xf32, #tpu.memory_space<hbm>>) dst(%arg6 : memref<112x128xf32, #tpu.memory_space<vmem>>)
    %add3A_16 = arith.constant 0 : i32
    %add3A_17 = arith.addi %mul3A_2, %add3A_16 : i32
    %dma_start3A_18 = arith.constant 0 : i32
    %dma_start3A_19 = tpu.memref_slice %arg4[%add3A_17, %dma_start3A_18] : memref<50176x128xf32, #tpu.memory_space<hbm>> -> memref<112x128xf32, #tpu.memory_space<hbm>>
    %dma_start3A_20 = arith.constant 0 : i32
    %dma_start3A_21 = tpu.memref_slice %arg4[%add3A_17, %dma_start3A_20] : memref<50176x128xf32, #tpu.memory_space<hbm>> -> memref<112x128xf32, #tpu.memory_space<hbm>>
    tpu.enqueue_dma source(%arg6 : memref<112x128xf32, #tpu.memory_space<vmem>>) target(%dma_start3A_21 : memref<112x128xf32, #tpu.memory_space<hbm>>) target_semaphore(%arg10 : memref<!tpu.dma_semaphore, #tpu.memory_space<semaphore_mem>>)
    %scan3A = arith.constant 0 : i32
    %scan3A_22 = arith.constant 0 : i32
    %scan3A_23 = arith.constant 6 : i32
    %scan3A_24 = arith.addi %scan3A_22, %scan3A_23 : i32
    %scan3A_25 = arith.constant 1 : i32
    scf.for %scan3A_46 = %scan3A_22 to %scan3A_24 step %scan3A_25  : i32 {
      %mul3A_47 = arith.constant 2 : i32
      %mul3A_48 = arith.muli %mul3A_47, %scan3A_46 : i32
      %add3A_49 = arith.constant 2 : i32
      %add3A_50 = arith.addi %add3A_49, %mul3A_48 : i32
      %add3A_51 = arith.constant 0 : i32
      %add3A_52 = arith.addi %add3A_50, %add3A_51 : i32
      %dma_wait3A_53 = arith.constant 0 : i32
      %dma_wait3A_54 = tpu.memref_slice %arg4[%mul3A_2, %dma_wait3A_53] : memref<50176x128xf32, #tpu.memory_space<hbm>> -> memref<112x128xf32, #tpu.memory_space<hbm>>
      %dma_wait3A_55 = arith.constant 0 : i32
      %dma_wait3A_56 = tpu.memref_slice %arg4[%mul3A_2, %dma_wait3A_55] : memref<50176x128xf32, #tpu.memory_space<hbm>> -> memref<112x128xf32, #tpu.memory_space<hbm>>
      tpu.wait_dma2 semaphore(%arg10 : memref<!tpu.dma_semaphore, #tpu.memory_space<semaphore_mem>>) src(%arg6 : memref<112x128xf32, #tpu.memory_space<vmem>>) dst(%dma_wait3A_56 : memref<112x128xf32, #tpu.memory_space<hbm>>)
      %mul3A_57 = arith.constant 112 : i32
      %mul3A_58 = arith.muli %add3A_52, %mul3A_57 : i32
      %dma_start3A_59 = tpu.memref_slice %arg5[%mul3A_58] : memref<1568xi32, #tpu.memory_space<vmem>> -> memref<112xi32, #tpu.memory_space<vmem>>
      %dma_start3A_60 = arith.constant 0 : i32
      %dma_start3A_61 = arith.constant 0 : i32
      %dma_start3A_62 = tpu.memref_slice %arg2[%dma_start3A_60, %dma_start3A_61] : memref<50000x128xf32, #tpu.memory_space<hbm>> -> memref<50000x128xf32, #tpu.memory_space<hbm>>
      tpu.enqueue_indirect_dma source(%dma_start3A_62 : memref<50000x128xf32, #tpu.memory_space<hbm>>) target(%arg6 : memref<112x128xf32, #tpu.memory_space<vmem>>) offsets(%dma_start3A_59 : memref<112xi32, #tpu.memory_space<vmem>>) semaphore(%arg8 : memref<!tpu.dma_semaphore, #tpu.memory_space<semaphore_mem>>)
      %dma_wait3A_63 = arith.constant 0 : i32
      %dma_wait3A_64 = tpu.memref_slice %arg5[%dma_wait3A_63] : memref<1568xi32, #tpu.memory_space<vmem>> -> memref<112xi32, #tpu.memory_space<vmem>>
      %dma_wait3A_65 = arith.constant 0 : i32
      %dma_wait3A_66 = arith.constant 0 : i32
      %dma_wait3A_67 = tpu.memref_slice %arg2[%dma_wait3A_65, %dma_wait3A_66] : memref<50000x128xf32, #tpu.memory_space<hbm>> -> memref<50000x128xf32, #tpu.memory_space<hbm>>
      tpu.wait_indirect_dma semaphore(%arg9 : memref<!tpu.dma_semaphore, #tpu.memory_space<semaphore_mem>>) src(%dma_wait3A_67 : memref<50000x128xf32, #tpu.memory_space<hbm>>) dst(%arg7 : memref<112x128xf32, #tpu.memory_space<vmem>>)
      %sub3A = arith.constant 1 : i32
      %sub3A_68 = arith.subi %add3A_52, %sub3A : i32
      %mul3A_69 = arith.constant 112 : i32
      %mul3A_70 = arith.muli %sub3A_68, %mul3A_69 : i32
      %add3A_71 = arith.addi %mul3A_2, %mul3A_70 : i32
      %dma_start3A_72 = arith.constant 0 : i32
      %dma_start3A_73 = tpu.memref_slice %arg4[%add3A_71, %dma_start3A_72] : memref<50176x128xf32, #tpu.memory_space<hbm>> -> memref<112x128xf32, #tpu.memory_space<hbm>>
      %dma_start3A_74 = arith.constant 0 : i32
      %dma_start3A_75 = tpu.memref_slice %arg4[%add3A_71, %dma_start3A_74] : memref<50176x128xf32, #tpu.memory_space<hbm>> -> memref<112x128xf32, #tpu.memory_space<hbm>>
      tpu.enqueue_dma source(%arg7 : memref<112x128xf32, #tpu.memory_space<vmem>>) target(%dma_start3A_75 : memref<112x128xf32, #tpu.memory_space<hbm>>) target_semaphore(%arg11 : memref<!tpu.dma_semaphore, #tpu.memory_space<semaphore_mem>>)
      %add3A_76 = arith.constant 1 : i32
      %add3A_77 = arith.addi %add3A_50, %add3A_76 : i32
      %dma_wait3A_78 = arith.constant 0 : i32
      %dma_wait3A_79 = tpu.memref_slice %arg4[%mul3A_2, %dma_wait3A_78] : memref<50176x128xf32, #tpu.memory_space<hbm>> -> memref<112x128xf32, #tpu.memory_space<hbm>>
      %dma_wait3A_80 = arith.constant 0 : i32
      %dma_wait3A_81 = tpu.memref_slice %arg4[%mul3A_2, %dma_wait3A_80] : memref<50176x128xf32, #tpu.memory_space<hbm>> -> memref<112x128xf32, #tpu.memory_space<hbm>>
      tpu.wait_dma2 semaphore(%arg11 : memref<!tpu.dma_semaphore, #tpu.memory_space<semaphore_mem>>) src(%arg7 : memref<112x128xf32, #tpu.memory_space<vmem>>) dst(%dma_wait3A_81 : memref<112x128xf32, #tpu.memory_space<hbm>>)
      %mul3A_82 = arith.constant 112 : i32
      %mul3A_83 = arith.muli %add3A_77, %mul3A_82 : i32
      %dma_start3A_84 = tpu.memref_slice %arg5[%mul3A_83] : memref<1568xi32, #tpu.memory_space<vmem>> -> memref<112xi32, #tpu.memory_space<vmem>>
      %dma_start3A_85 = arith.constant 0 : i32
      %dma_start3A_86 = arith.constant 0 : i32
      %dma_start3A_87 = tpu.memref_slice %arg2[%dma_start3A_85, %dma_start3A_86] : memref<50000x128xf32, #tpu.memory_space<hbm>> -> memref<50000x128xf32, #tpu.memory_space<hbm>>
      tpu.enqueue_indirect_dma source(%dma_start3A_87 : memref<50000x128xf32, #tpu.memory_space<hbm>>) target(%arg7 : memref<112x128xf32, #tpu.memory_space<vmem>>) offsets(%dma_start3A_84 : memref<112xi32, #tpu.memory_space<vmem>>) semaphore(%arg9 : memref<!tpu.dma_semaphore, #tpu.memory_space<semaphore_mem>>)
      %dma_wait3A_88 = arith.constant 0 : i32
      %dma_wait3A_89 = tpu.memref_slice %arg5[%dma_wait3A_88] : memref<1568xi32, #tpu.memory_space<vmem>> -> memref<112xi32, #tpu.memory_space<vmem>>
      %dma_wait3A_90 = arith.constant 0 : i32
      %dma_wait3A_91 = arith.constant 0 : i32
      %dma_wait3A_92 = tpu.memref_slice %arg2[%dma_wait3A_90, %dma_wait3A_91] : memref<50000x128xf32, #tpu.memory_space<hbm>> -> memref<50000x128xf32, #tpu.memory_space<hbm>>
      tpu.wait_indirect_dma semaphore(%arg8 : memref<!tpu.dma_semaphore, #tpu.memory_space<semaphore_mem>>) src(%dma_wait3A_92 : memref<50000x128xf32, #tpu.memory_space<hbm>>) dst(%arg6 : memref<112x128xf32, #tpu.memory_space<vmem>>)
      %sub3A_93 = arith.constant 1 : i32
      %sub3A_94 = arith.subi %add3A_77, %sub3A_93 : i32
      %mul3A_95 = arith.constant 112 : i32
      %mul3A_96 = arith.muli %sub3A_94, %mul3A_95 : i32
      %add3A_97 = arith.addi %mul3A_2, %mul3A_96 : i32
      %dma_start3A_98 = arith.constant 0 : i32
      %dma_start3A_99 = tpu.memref_slice %arg4[%add3A_97, %dma_start3A_98] : memref<50176x128xf32, #tpu.memory_space<hbm>> -> memref<112x128xf32, #tpu.memory_space<hbm>>
      %dma_start3A_100 = arith.constant 0 : i32
      %dma_start3A_101 = tpu.memref_slice %arg4[%add3A_97, %dma_start3A_100] : memref<50176x128xf32, #tpu.memory_space<hbm>> -> memref<112x128xf32, #tpu.memory_space<hbm>>
      tpu.enqueue_dma source(%arg6 : memref<112x128xf32, #tpu.memory_space<vmem>>) target(%dma_start3A_101 : memref<112x128xf32, #tpu.memory_space<hbm>>) target_semaphore(%arg10 : memref<!tpu.dma_semaphore, #tpu.memory_space<semaphore_mem>>)
    }
    %scan3A_26 = arith.constant 6 : i32
    %dma_wait3A_27 = arith.constant 0 : i32
    %dma_wait3A_28 = tpu.memref_slice %arg5[%dma_wait3A_27] : memref<1568xi32, #tpu.memory_space<vmem>> -> memref<112xi32, #tpu.memory_space<vmem>>
    %dma_wait3A_29 = arith.constant 0 : i32
    %dma_wait3A_30 = arith.constant 0 : i32
    %dma_wait3A_31 = tpu.memref_slice %arg2[%dma_wait3A_29, %dma_wait3A_30] : memref<50000x128xf32, #tpu.memory_space<hbm>> -> memref<50000x128xf32, #tpu.memory_space<hbm>>
    tpu.wait_indirect_dma semaphore(%arg9 : memref<!tpu.dma_semaphore, #tpu.memory_space<semaphore_mem>>) src(%dma_wait3A_31 : memref<50000x128xf32, #tpu.memory_space<hbm>>) dst(%arg7 : memref<112x128xf32, #tpu.memory_space<vmem>>)
    %add3A_32 = arith.constant 1456 : i32
    %add3A_33 = arith.addi %mul3A_2, %add3A_32 : i32
    %dma_start3A_34 = arith.constant 0 : i32
    %dma_start3A_35 = tpu.memref_slice %arg4[%add3A_33, %dma_start3A_34] : memref<50176x128xf32, #tpu.memory_space<hbm>> -> memref<112x128xf32, #tpu.memory_space<hbm>>
    %dma_start3A_36 = arith.constant 0 : i32
    %dma_start3A_37 = tpu.memref_slice %arg4[%add3A_33, %dma_start3A_36] : memref<50176x128xf32, #tpu.memory_space<hbm>> -> memref<112x128xf32, #tpu.memory_space<hbm>>
    tpu.enqueue_dma source(%arg7 : memref<112x128xf32, #tpu.memory_space<vmem>>) target(%dma_start3A_37 : memref<112x128xf32, #tpu.memory_space<hbm>>) target_semaphore(%arg11 : memref<!tpu.dma_semaphore, #tpu.memory_space<semaphore_mem>>)
    %dma_wait3A_38 = arith.constant 0 : i32
    %dma_wait3A_39 = tpu.memref_slice %arg4[%mul3A_2, %dma_wait3A_38] : memref<50176x128xf32, #tpu.memory_space<hbm>> -> memref<112x128xf32, #tpu.memory_space<hbm>>
    %dma_wait3A_40 = arith.constant 0 : i32
    %dma_wait3A_41 = tpu.memref_slice %arg4[%mul3A_2, %dma_wait3A_40] : memref<50176x128xf32, #tpu.memory_space<hbm>> -> memref<112x128xf32, #tpu.memory_space<hbm>>
    tpu.wait_dma2 semaphore(%arg10 : memref<!tpu.dma_semaphore, #tpu.memory_space<semaphore_mem>>) src(%arg6 : memref<112x128xf32, #tpu.memory_space<vmem>>) dst(%dma_wait3A_41 : memref<112x128xf32, #tpu.memory_space<hbm>>)
    %dma_wait3A_42 = arith.constant 0 : i32
    %dma_wait3A_43 = tpu.memref_slice %arg4[%mul3A_2, %dma_wait3A_42] : memref<50176x128xf32, #tpu.memory_space<hbm>> -> memref<112x128xf32, #tpu.memory_space<hbm>>
    %dma_wait3A_44 = arith.constant 0 : i32
    %dma_wait3A_45 = tpu.memref_slice %arg4[%mul3A_2, %dma_wait3A_44] : memref<50176x128xf32, #tpu.memory_space<hbm>> -> memref<112x128xf32, #tpu.memory_space<hbm>>
    tpu.wait_dma2 semaphore(%arg11 : memref<!tpu.dma_semaphore, #tpu.memory_space<semaphore_mem>>) src(%arg7 : memref<112x128xf32, #tpu.memory_space<vmem>>) dst(%dma_wait3A_45 : memref<112x128xf32, #tpu.memory_space<hbm>>)
    return
  }
}

#map = affine_map<(d0, d1) -> (0, 0)>
#map1 = affine_map<(d0, d1) -> (0)>
module attributes {stable_mosaic.version = 14 : i64} {
  func.func @gk(%arg0: i32, %arg1: i32, %arg2: memref<50176x128xf32, #tpu.memory_space<hbm>>, %arg3: memref<100352xi32, #tpu.memory_space<hbm>>, %arg4: memref<100352x128xf32, #tpu.memory_space<hbm>>, %arg5: memref<3136xi32, #tpu.memory_space<vmem>>, %arg6: memref<112x128xf32, #tpu.memory_space<vmem>>, %arg7: memref<112x128xf32, #tpu.memory_space<vmem>>, %arg8: memref<!tpu.dma_semaphore, #tpu.memory_space<semaphore_mem>>, %arg9: memref<!tpu.dma_semaphore, #tpu.memory_space<semaphore_mem>>, %arg10: memref<!tpu.dma_semaphore, #tpu.memory_space<semaphore_mem>>, %arg11: memref<!tpu.dma_semaphore, #tpu.memory_space<semaphore_mem>>) attributes {dimension_semantics = [#tpu.dimension_semantics<core_parallel>, #tpu.dimension_semantics<subcore_parallel>], iteration_bounds = array<i64: 2, 16>, scalar_prefetch = 0 : i64, scratch_operands = 7 : i64, tpu.core_type = #tpu.core_type<sc_vector_subcore>, window_params = [{transform_indices = #map}, {transform_indices = #map1}, {transform_indices = #map}]} {
    %mul3A = arith.constant 2 : i32
    %mul3A_0 = arith.muli %arg1, %mul3A : i32
    %add3A = arith.addi %mul3A_0, %arg0 : i32
    %mul3A_1 = arith.constant 3136 : i32
    %mul3A_2 = arith.muli %add3A, %mul3A_1 : i32
    "tpu.region"() ({
      %run_scoped3A = tpu.sem_alloc : memref<!tpu.dma_semaphore, #tpu.memory_space<semaphore_mem>>
      %dma_start3A_46 = tpu.memref_slice %arg3[%mul3A_2] : memref<100352xi32, #tpu.memory_space<hbm>> -> memref<3136xi32, #tpu.memory_space<hbm>>
      %dma_start3A_47 = tpu.memref_slice %arg3[%mul3A_2] : memref<100352xi32, #tpu.memory_space<hbm>> -> memref<3136xi32, #tpu.memory_space<hbm>>
      tpu.enqueue_dma source(%dma_start3A_47 : memref<3136xi32, #tpu.memory_space<hbm>>) target(%arg5 : memref<3136xi32, #tpu.memory_space<vmem>>) target_semaphore(%run_scoped3A : memref<!tpu.dma_semaphore, #tpu.memory_space<semaphore_mem>>)
      %dma_wait3A_48 = tpu.memref_slice %arg3[%mul3A_2] : memref<100352xi32, #tpu.memory_space<hbm>> -> memref<3136xi32, #tpu.memory_space<hbm>>
      %dma_wait3A_49 = tpu.memref_slice %arg3[%mul3A_2] : memref<100352xi32, #tpu.memory_space<hbm>> -> memref<3136xi32, #tpu.memory_space<hbm>>
      tpu.wait_dma2 semaphore(%run_scoped3A : memref<!tpu.dma_semaphore, #tpu.memory_space<semaphore_mem>>) src(%dma_wait3A_49 : memref<3136xi32, #tpu.memory_space<hbm>>) dst(%arg5 : memref<3136xi32, #tpu.memory_space<vmem>>)
      tpu.yield
    }) : () -> ()
    %dma_start3A = arith.constant 0 : i32
    %dma_start3A_3 = tpu.memref_slice %arg5[%dma_start3A] : memref<3136xi32, #tpu.memory_space<vmem>> -> memref<112xi32, #tpu.memory_space<vmem>>
    %dma_start3A_4 = arith.constant 0 : i32
    %dma_start3A_5 = arith.constant 0 : i32
    %dma_start3A_6 = tpu.memref_slice %arg2[%dma_start3A_4, %dma_start3A_5] : memref<50176x128xf32, #tpu.memory_space<hbm>> -> memref<50176x128xf32, #tpu.memory_space<hbm>>
    tpu.enqueue_indirect_dma source(%dma_start3A_6 : memref<50176x128xf32, #tpu.memory_space<hbm>>) target(%arg6 : memref<112x128xf32, #tpu.memory_space<vmem>>) offsets(%dma_start3A_3 : memref<112xi32, #tpu.memory_space<vmem>>) semaphore(%arg8 : memref<!tpu.dma_semaphore, #tpu.memory_space<semaphore_mem>>)
    %dma_start3A_7 = arith.constant 112 : i32
    %dma_start3A_8 = tpu.memref_slice %arg5[%dma_start3A_7] : memref<3136xi32, #tpu.memory_space<vmem>> -> memref<112xi32, #tpu.memory_space<vmem>>
    %dma_start3A_9 = arith.constant 0 : i32
    %dma_start3A_10 = arith.constant 0 : i32
    %dma_start3A_11 = tpu.memref_slice %arg2[%dma_start3A_9, %dma_start3A_10] : memref<50176x128xf32, #tpu.memory_space<hbm>> -> memref<50176x128xf32, #tpu.memory_space<hbm>>
    tpu.enqueue_indirect_dma source(%dma_start3A_11 : memref<50176x128xf32, #tpu.memory_space<hbm>>) target(%arg7 : memref<112x128xf32, #tpu.memory_space<vmem>>) offsets(%dma_start3A_8 : memref<112xi32, #tpu.memory_space<vmem>>) semaphore(%arg9 : memref<!tpu.dma_semaphore, #tpu.memory_space<semaphore_mem>>)
    %dma_wait3A = arith.constant 0 : i32
    %dma_wait3A_12 = tpu.memref_slice %arg5[%dma_wait3A] : memref<3136xi32, #tpu.memory_space<vmem>> -> memref<112xi32, #tpu.memory_space<vmem>>
    %dma_wait3A_13 = arith.constant 0 : i32
    %dma_wait3A_14 = arith.constant 0 : i32
    %dma_wait3A_15 = tpu.memref_slice %arg2[%dma_wait3A_13, %dma_wait3A_14] : memref<50176x128xf32, #tpu.memory_space<hbm>> -> memref<50176x128xf32, #tpu.memory_space<hbm>>
    tpu.wait_indirect_dma semaphore(%arg8 : memref<!tpu.dma_semaphore, #tpu.memory_space<semaphore_mem>>) src(%dma_wait3A_15 : memref<50176x128xf32, #tpu.memory_space<hbm>>) dst(%arg6 : memref<112x128xf32, #tpu.memory_space<vmem>>)
    %add3A_16 = arith.constant 0 : i32
    %add3A_17 = arith.addi %mul3A_2, %add3A_16 : i32
    %dma_start3A_18 = arith.constant 0 : i32
    %dma_start3A_19 = tpu.memref_slice %arg4[%add3A_17, %dma_start3A_18] : memref<100352x128xf32, #tpu.memory_space<hbm>> -> memref<112x128xf32, #tpu.memory_space<hbm>>
    %dma_start3A_20 = arith.constant 0 : i32
    %dma_start3A_21 = tpu.memref_slice %arg4[%add3A_17, %dma_start3A_20] : memref<100352x128xf32, #tpu.memory_space<hbm>> -> memref<112x128xf32, #tpu.memory_space<hbm>>
    tpu.enqueue_dma source(%arg6 : memref<112x128xf32, #tpu.memory_space<vmem>>) target(%dma_start3A_21 : memref<112x128xf32, #tpu.memory_space<hbm>>) target_semaphore(%arg10 : memref<!tpu.dma_semaphore, #tpu.memory_space<semaphore_mem>>)
    %scan3A = arith.constant 0 : i32
    %scan3A_22 = arith.constant 0 : i32
    %scan3A_23 = arith.constant 13 : i32
    %scan3A_24 = arith.addi %scan3A_22, %scan3A_23 : i32
    %scan3A_25 = arith.constant 1 : i32
    scf.for %scan3A_46 = %scan3A_22 to %scan3A_24 step %scan3A_25  : i32 {
      %mul3A_47 = arith.constant 2 : i32
      %mul3A_48 = arith.muli %mul3A_47, %scan3A_46 : i32
      %add3A_49 = arith.constant 2 : i32
      %add3A_50 = arith.addi %add3A_49, %mul3A_48 : i32
      %add3A_51 = arith.constant 0 : i32
      %add3A_52 = arith.addi %add3A_50, %add3A_51 : i32
      %dma_wait3A_53 = arith.constant 0 : i32
      %dma_wait3A_54 = tpu.memref_slice %arg4[%mul3A_2, %dma_wait3A_53] : memref<100352x128xf32, #tpu.memory_space<hbm>> -> memref<112x128xf32, #tpu.memory_space<hbm>>
      %dma_wait3A_55 = arith.constant 0 : i32
      %dma_wait3A_56 = tpu.memref_slice %arg4[%mul3A_2, %dma_wait3A_55] : memref<100352x128xf32, #tpu.memory_space<hbm>> -> memref<112x128xf32, #tpu.memory_space<hbm>>
      tpu.wait_dma2 semaphore(%arg10 : memref<!tpu.dma_semaphore, #tpu.memory_space<semaphore_mem>>) src(%arg6 : memref<112x128xf32, #tpu.memory_space<vmem>>) dst(%dma_wait3A_56 : memref<112x128xf32, #tpu.memory_space<hbm>>)
      %mul3A_57 = arith.constant 112 : i32
      %mul3A_58 = arith.muli %add3A_52, %mul3A_57 : i32
      %dma_start3A_59 = tpu.memref_slice %arg5[%mul3A_58] : memref<3136xi32, #tpu.memory_space<vmem>> -> memref<112xi32, #tpu.memory_space<vmem>>
      %dma_start3A_60 = arith.constant 0 : i32
      %dma_start3A_61 = arith.constant 0 : i32
      %dma_start3A_62 = tpu.memref_slice %arg2[%dma_start3A_60, %dma_start3A_61] : memref<50176x128xf32, #tpu.memory_space<hbm>> -> memref<50176x128xf32, #tpu.memory_space<hbm>>
      tpu.enqueue_indirect_dma source(%dma_start3A_62 : memref<50176x128xf32, #tpu.memory_space<hbm>>) target(%arg6 : memref<112x128xf32, #tpu.memory_space<vmem>>) offsets(%dma_start3A_59 : memref<112xi32, #tpu.memory_space<vmem>>) semaphore(%arg8 : memref<!tpu.dma_semaphore, #tpu.memory_space<semaphore_mem>>)
      %dma_wait3A_63 = arith.constant 0 : i32
      %dma_wait3A_64 = tpu.memref_slice %arg5[%dma_wait3A_63] : memref<3136xi32, #tpu.memory_space<vmem>> -> memref<112xi32, #tpu.memory_space<vmem>>
      %dma_wait3A_65 = arith.constant 0 : i32
      %dma_wait3A_66 = arith.constant 0 : i32
      %dma_wait3A_67 = tpu.memref_slice %arg2[%dma_wait3A_65, %dma_wait3A_66] : memref<50176x128xf32, #tpu.memory_space<hbm>> -> memref<50176x128xf32, #tpu.memory_space<hbm>>
      tpu.wait_indirect_dma semaphore(%arg9 : memref<!tpu.dma_semaphore, #tpu.memory_space<semaphore_mem>>) src(%dma_wait3A_67 : memref<50176x128xf32, #tpu.memory_space<hbm>>) dst(%arg7 : memref<112x128xf32, #tpu.memory_space<vmem>>)
      %sub3A = arith.constant 1 : i32
      %sub3A_68 = arith.subi %add3A_52, %sub3A : i32
      %mul3A_69 = arith.constant 112 : i32
      %mul3A_70 = arith.muli %sub3A_68, %mul3A_69 : i32
      %add3A_71 = arith.addi %mul3A_2, %mul3A_70 : i32
      %dma_start3A_72 = arith.constant 0 : i32
      %dma_start3A_73 = tpu.memref_slice %arg4[%add3A_71, %dma_start3A_72] : memref<100352x128xf32, #tpu.memory_space<hbm>> -> memref<112x128xf32, #tpu.memory_space<hbm>>
      %dma_start3A_74 = arith.constant 0 : i32
      %dma_start3A_75 = tpu.memref_slice %arg4[%add3A_71, %dma_start3A_74] : memref<100352x128xf32, #tpu.memory_space<hbm>> -> memref<112x128xf32, #tpu.memory_space<hbm>>
      tpu.enqueue_dma source(%arg7 : memref<112x128xf32, #tpu.memory_space<vmem>>) target(%dma_start3A_75 : memref<112x128xf32, #tpu.memory_space<hbm>>) target_semaphore(%arg11 : memref<!tpu.dma_semaphore, #tpu.memory_space<semaphore_mem>>)
      %add3A_76 = arith.constant 1 : i32
      %add3A_77 = arith.addi %add3A_50, %add3A_76 : i32
      %dma_wait3A_78 = arith.constant 0 : i32
      %dma_wait3A_79 = tpu.memref_slice %arg4[%mul3A_2, %dma_wait3A_78] : memref<100352x128xf32, #tpu.memory_space<hbm>> -> memref<112x128xf32, #tpu.memory_space<hbm>>
      %dma_wait3A_80 = arith.constant 0 : i32
      %dma_wait3A_81 = tpu.memref_slice %arg4[%mul3A_2, %dma_wait3A_80] : memref<100352x128xf32, #tpu.memory_space<hbm>> -> memref<112x128xf32, #tpu.memory_space<hbm>>
      tpu.wait_dma2 semaphore(%arg11 : memref<!tpu.dma_semaphore, #tpu.memory_space<semaphore_mem>>) src(%arg7 : memref<112x128xf32, #tpu.memory_space<vmem>>) dst(%dma_wait3A_81 : memref<112x128xf32, #tpu.memory_space<hbm>>)
      %mul3A_82 = arith.constant 112 : i32
      %mul3A_83 = arith.muli %add3A_77, %mul3A_82 : i32
      %dma_start3A_84 = tpu.memref_slice %arg5[%mul3A_83] : memref<3136xi32, #tpu.memory_space<vmem>> -> memref<112xi32, #tpu.memory_space<vmem>>
      %dma_start3A_85 = arith.constant 0 : i32
      %dma_start3A_86 = arith.constant 0 : i32
      %dma_start3A_87 = tpu.memref_slice %arg2[%dma_start3A_85, %dma_start3A_86] : memref<50176x128xf32, #tpu.memory_space<hbm>> -> memref<50176x128xf32, #tpu.memory_space<hbm>>
      tpu.enqueue_indirect_dma source(%dma_start3A_87 : memref<50176x128xf32, #tpu.memory_space<hbm>>) target(%arg7 : memref<112x128xf32, #tpu.memory_space<vmem>>) offsets(%dma_start3A_84 : memref<112xi32, #tpu.memory_space<vmem>>) semaphore(%arg9 : memref<!tpu.dma_semaphore, #tpu.memory_space<semaphore_mem>>)
      %dma_wait3A_88 = arith.constant 0 : i32
      %dma_wait3A_89 = tpu.memref_slice %arg5[%dma_wait3A_88] : memref<3136xi32, #tpu.memory_space<vmem>> -> memref<112xi32, #tpu.memory_space<vmem>>
      %dma_wait3A_90 = arith.constant 0 : i32
      %dma_wait3A_91 = arith.constant 0 : i32
      %dma_wait3A_92 = tpu.memref_slice %arg2[%dma_wait3A_90, %dma_wait3A_91] : memref<50176x128xf32, #tpu.memory_space<hbm>> -> memref<50176x128xf32, #tpu.memory_space<hbm>>
      tpu.wait_indirect_dma semaphore(%arg8 : memref<!tpu.dma_semaphore, #tpu.memory_space<semaphore_mem>>) src(%dma_wait3A_92 : memref<50176x128xf32, #tpu.memory_space<hbm>>) dst(%arg6 : memref<112x128xf32, #tpu.memory_space<vmem>>)
      %sub3A_93 = arith.constant 1 : i32
      %sub3A_94 = arith.subi %add3A_77, %sub3A_93 : i32
      %mul3A_95 = arith.constant 112 : i32
      %mul3A_96 = arith.muli %sub3A_94, %mul3A_95 : i32
      %add3A_97 = arith.addi %mul3A_2, %mul3A_96 : i32
      %dma_start3A_98 = arith.constant 0 : i32
      %dma_start3A_99 = tpu.memref_slice %arg4[%add3A_97, %dma_start3A_98] : memref<100352x128xf32, #tpu.memory_space<hbm>> -> memref<112x128xf32, #tpu.memory_space<hbm>>
      %dma_start3A_100 = arith.constant 0 : i32
      %dma_start3A_101 = tpu.memref_slice %arg4[%add3A_97, %dma_start3A_100] : memref<100352x128xf32, #tpu.memory_space<hbm>> -> memref<112x128xf32, #tpu.memory_space<hbm>>
      tpu.enqueue_dma source(%arg6 : memref<112x128xf32, #tpu.memory_space<vmem>>) target(%dma_start3A_101 : memref<112x128xf32, #tpu.memory_space<hbm>>) target_semaphore(%arg10 : memref<!tpu.dma_semaphore, #tpu.memory_space<semaphore_mem>>)
    }
    %scan3A_26 = arith.constant 13 : i32
    %dma_wait3A_27 = arith.constant 0 : i32
    %dma_wait3A_28 = tpu.memref_slice %arg5[%dma_wait3A_27] : memref<3136xi32, #tpu.memory_space<vmem>> -> memref<112xi32, #tpu.memory_space<vmem>>
    %dma_wait3A_29 = arith.constant 0 : i32
    %dma_wait3A_30 = arith.constant 0 : i32
    %dma_wait3A_31 = tpu.memref_slice %arg2[%dma_wait3A_29, %dma_wait3A_30] : memref<50176x128xf32, #tpu.memory_space<hbm>> -> memref<50176x128xf32, #tpu.memory_space<hbm>>
    tpu.wait_indirect_dma semaphore(%arg9 : memref<!tpu.dma_semaphore, #tpu.memory_space<semaphore_mem>>) src(%dma_wait3A_31 : memref<50176x128xf32, #tpu.memory_space<hbm>>) dst(%arg7 : memref<112x128xf32, #tpu.memory_space<vmem>>)
    %add3A_32 = arith.constant 3024 : i32
    %add3A_33 = arith.addi %mul3A_2, %add3A_32 : i32
    %dma_start3A_34 = arith.constant 0 : i32
    %dma_start3A_35 = tpu.memref_slice %arg4[%add3A_33, %dma_start3A_34] : memref<100352x128xf32, #tpu.memory_space<hbm>> -> memref<112x128xf32, #tpu.memory_space<hbm>>
    %dma_start3A_36 = arith.constant 0 : i32
    %dma_start3A_37 = tpu.memref_slice %arg4[%add3A_33, %dma_start3A_36] : memref<100352x128xf32, #tpu.memory_space<hbm>> -> memref<112x128xf32, #tpu.memory_space<hbm>>
    tpu.enqueue_dma source(%arg7 : memref<112x128xf32, #tpu.memory_space<vmem>>) target(%dma_start3A_37 : memref<112x128xf32, #tpu.memory_space<hbm>>) target_semaphore(%arg11 : memref<!tpu.dma_semaphore, #tpu.memory_space<semaphore_mem>>)
    %dma_wait3A_38 = arith.constant 0 : i32
    %dma_wait3A_39 = tpu.memref_slice %arg4[%mul3A_2, %dma_wait3A_38] : memref<100352x128xf32, #tpu.memory_space<hbm>> -> memref<112x128xf32, #tpu.memory_space<hbm>>
    %dma_wait3A_40 = arith.constant 0 : i32
    %dma_wait3A_41 = tpu.memref_slice %arg4[%mul3A_2, %dma_wait3A_40] : memref<100352x128xf32, #tpu.memory_space<hbm>> -> memref<112x128xf32, #tpu.memory_space<hbm>>
    tpu.wait_dma2 semaphore(%arg10 : memref<!tpu.dma_semaphore, #tpu.memory_space<semaphore_mem>>) src(%arg6 : memref<112x128xf32, #tpu.memory_space<vmem>>) dst(%dma_wait3A_41 : memref<112x128xf32, #tpu.memory_space<hbm>>)
    %dma_wait3A_42 = arith.constant 0 : i32
    %dma_wait3A_43 = tpu.memref_slice %arg4[%mul3A_2, %dma_wait3A_42] : memref<100352x128xf32, #tpu.memory_space<hbm>> -> memref<112x128xf32, #tpu.memory_space<hbm>>
    %dma_wait3A_44 = arith.constant 0 : i32
    %dma_wait3A_45 = tpu.memref_slice %arg4[%mul3A_2, %dma_wait3A_44] : memref<100352x128xf32, #tpu.memory_space<hbm>> -> memref<112x128xf32, #tpu.memory_space<hbm>>
    tpu.wait_dma2 semaphore(%arg11 : memref<!tpu.dma_semaphore, #tpu.memory_space<semaphore_mem>>) src(%arg7 : memref<112x128xf32, #tpu.memory_space<vmem>>) dst(%dma_wait3A_45 : memref<112x128xf32, #tpu.memory_space<hbm>>)
    return
  }
}

#map = affine_map<(d0, d1) -> (0, 0)>
#map1 = affine_map<(d0, d1) -> (0)>
module attributes {stable_mosaic.version = 14 : i64} {
  func.func @gk(%arg0: i32, %arg1: i32, %arg2: memref<50176x128xf32, #tpu.memory_space<hbm>>, %arg3: memref<100352xi32, #tpu.memory_space<hbm>>, %arg4: memref<100352x128xf32, #tpu.memory_space<hbm>>, %arg5: memref<3136xi32, #tpu.memory_space<vmem>>, %arg6: memref<112x128xf32, #tpu.memory_space<vmem>>, %arg7: memref<112x128xf32, #tpu.memory_space<vmem>>, %arg8: memref<!tpu.dma_semaphore, #tpu.memory_space<semaphore_mem>>, %arg9: memref<!tpu.dma_semaphore, #tpu.memory_space<semaphore_mem>>, %arg10: memref<!tpu.dma_semaphore, #tpu.memory_space<semaphore_mem>>, %arg11: memref<!tpu.dma_semaphore, #tpu.memory_space<semaphore_mem>>) attributes {dimension_semantics = [#tpu.dimension_semantics<core_parallel>, #tpu.dimension_semantics<subcore_parallel>], iteration_bounds = array<i64: 2, 16>, scalar_prefetch = 0 : i64, scratch_operands = 7 : i64, tpu.core_type = #tpu.core_type<sc_vector_subcore>, window_params = [{transform_indices = #map}, {transform_indices = #map1}, {transform_indices = #map}]} {
    %mul3A = arith.constant 2 : i32
    %mul3A_0 = arith.muli %arg1, %mul3A : i32
    %add3A = arith.addi %mul3A_0, %arg0 : i32
    %mul3A_1 = arith.constant 3136 : i32
    %mul3A_2 = arith.muli %add3A, %mul3A_1 : i32
    "tpu.region"() ({
      %run_scoped3A = tpu.sem_alloc : memref<!tpu.dma_semaphore, #tpu.memory_space<semaphore_mem>>
      %dma_start3A_46 = tpu.memref_slice %arg3[%mul3A_2] : memref<100352xi32, #tpu.memory_space<hbm>> -> memref<3136xi32, #tpu.memory_space<hbm>>
      %dma_start3A_47 = tpu.memref_slice %arg3[%mul3A_2] : memref<100352xi32, #tpu.memory_space<hbm>> -> memref<3136xi32, #tpu.memory_space<hbm>>
      tpu.enqueue_dma source(%dma_start3A_47 : memref<3136xi32, #tpu.memory_space<hbm>>) target(%arg5 : memref<3136xi32, #tpu.memory_space<vmem>>) target_semaphore(%run_scoped3A : memref<!tpu.dma_semaphore, #tpu.memory_space<semaphore_mem>>)
      %dma_wait3A_48 = tpu.memref_slice %arg3[%mul3A_2] : memref<100352xi32, #tpu.memory_space<hbm>> -> memref<3136xi32, #tpu.memory_space<hbm>>
      %dma_wait3A_49 = tpu.memref_slice %arg3[%mul3A_2] : memref<100352xi32, #tpu.memory_space<hbm>> -> memref<3136xi32, #tpu.memory_space<hbm>>
      tpu.wait_dma2 semaphore(%run_scoped3A : memref<!tpu.dma_semaphore, #tpu.memory_space<semaphore_mem>>) src(%dma_wait3A_49 : memref<3136xi32, #tpu.memory_space<hbm>>) dst(%arg5 : memref<3136xi32, #tpu.memory_space<vmem>>)
      tpu.yield
    }) : () -> ()
    %dma_start3A = arith.constant 0 : i32
    %dma_start3A_3 = tpu.memref_slice %arg5[%dma_start3A] : memref<3136xi32, #tpu.memory_space<vmem>> -> memref<112xi32, #tpu.memory_space<vmem>>
    %dma_start3A_4 = arith.constant 0 : i32
    %dma_start3A_5 = arith.constant 0 : i32
    %dma_start3A_6 = tpu.memref_slice %arg2[%dma_start3A_4, %dma_start3A_5] : memref<50176x128xf32, #tpu.memory_space<hbm>> -> memref<50176x128xf32, #tpu.memory_space<hbm>>
    tpu.enqueue_indirect_dma source(%dma_start3A_6 : memref<50176x128xf32, #tpu.memory_space<hbm>>) target(%arg6 : memref<112x128xf32, #tpu.memory_space<vmem>>) offsets(%dma_start3A_3 : memref<112xi32, #tpu.memory_space<vmem>>) semaphore(%arg8 : memref<!tpu.dma_semaphore, #tpu.memory_space<semaphore_mem>>)
    %dma_start3A_7 = arith.constant 112 : i32
    %dma_start3A_8 = tpu.memref_slice %arg5[%dma_start3A_7] : memref<3136xi32, #tpu.memory_space<vmem>> -> memref<112xi32, #tpu.memory_space<vmem>>
    %dma_start3A_9 = arith.constant 0 : i32
    %dma_start3A_10 = arith.constant 0 : i32
    %dma_start3A_11 = tpu.memref_slice %arg2[%dma_start3A_9, %dma_start3A_10] : memref<50176x128xf32, #tpu.memory_space<hbm>> -> memref<50176x128xf32, #tpu.memory_space<hbm>>
    tpu.enqueue_indirect_dma source(%dma_start3A_11 : memref<50176x128xf32, #tpu.memory_space<hbm>>) target(%arg7 : memref<112x128xf32, #tpu.memory_space<vmem>>) offsets(%dma_start3A_8 : memref<112xi32, #tpu.memory_space<vmem>>) semaphore(%arg9 : memref<!tpu.dma_semaphore, #tpu.memory_space<semaphore_mem>>)
    %dma_wait3A = arith.constant 0 : i32
    %dma_wait3A_12 = tpu.memref_slice %arg5[%dma_wait3A] : memref<3136xi32, #tpu.memory_space<vmem>> -> memref<112xi32, #tpu.memory_space<vmem>>
    %dma_wait3A_13 = arith.constant 0 : i32
    %dma_wait3A_14 = arith.constant 0 : i32
    %dma_wait3A_15 = tpu.memref_slice %arg2[%dma_wait3A_13, %dma_wait3A_14] : memref<50176x128xf32, #tpu.memory_space<hbm>> -> memref<50176x128xf32, #tpu.memory_space<hbm>>
    tpu.wait_indirect_dma semaphore(%arg8 : memref<!tpu.dma_semaphore, #tpu.memory_space<semaphore_mem>>) src(%dma_wait3A_15 : memref<50176x128xf32, #tpu.memory_space<hbm>>) dst(%arg6 : memref<112x128xf32, #tpu.memory_space<vmem>>)
    %add3A_16 = arith.constant 0 : i32
    %add3A_17 = arith.addi %mul3A_2, %add3A_16 : i32
    %dma_start3A_18 = arith.constant 0 : i32
    %dma_start3A_19 = tpu.memref_slice %arg4[%add3A_17, %dma_start3A_18] : memref<100352x128xf32, #tpu.memory_space<hbm>> -> memref<112x128xf32, #tpu.memory_space<hbm>>
    %dma_start3A_20 = arith.constant 0 : i32
    %dma_start3A_21 = tpu.memref_slice %arg4[%add3A_17, %dma_start3A_20] : memref<100352x128xf32, #tpu.memory_space<hbm>> -> memref<112x128xf32, #tpu.memory_space<hbm>>
    tpu.enqueue_dma source(%arg6 : memref<112x128xf32, #tpu.memory_space<vmem>>) target(%dma_start3A_21 : memref<112x128xf32, #tpu.memory_space<hbm>>) target_semaphore(%arg10 : memref<!tpu.dma_semaphore, #tpu.memory_space<semaphore_mem>>)
    %scan3A = arith.constant 0 : i32
    %scan3A_22 = arith.constant 0 : i32
    %scan3A_23 = arith.constant 13 : i32
    %scan3A_24 = arith.addi %scan3A_22, %scan3A_23 : i32
    %scan3A_25 = arith.constant 1 : i32
    scf.for %scan3A_46 = %scan3A_22 to %scan3A_24 step %scan3A_25  : i32 {
      %mul3A_47 = arith.constant 2 : i32
      %mul3A_48 = arith.muli %mul3A_47, %scan3A_46 : i32
      %add3A_49 = arith.constant 2 : i32
      %add3A_50 = arith.addi %add3A_49, %mul3A_48 : i32
      %add3A_51 = arith.constant 0 : i32
      %add3A_52 = arith.addi %add3A_50, %add3A_51 : i32
      %dma_wait3A_53 = arith.constant 0 : i32
      %dma_wait3A_54 = tpu.memref_slice %arg4[%mul3A_2, %dma_wait3A_53] : memref<100352x128xf32, #tpu.memory_space<hbm>> -> memref<112x128xf32, #tpu.memory_space<hbm>>
      %dma_wait3A_55 = arith.constant 0 : i32
      %dma_wait3A_56 = tpu.memref_slice %arg4[%mul3A_2, %dma_wait3A_55] : memref<100352x128xf32, #tpu.memory_space<hbm>> -> memref<112x128xf32, #tpu.memory_space<hbm>>
      tpu.wait_dma2 semaphore(%arg10 : memref<!tpu.dma_semaphore, #tpu.memory_space<semaphore_mem>>) src(%arg6 : memref<112x128xf32, #tpu.memory_space<vmem>>) dst(%dma_wait3A_56 : memref<112x128xf32, #tpu.memory_space<hbm>>)
      %mul3A_57 = arith.constant 112 : i32
      %mul3A_58 = arith.muli %add3A_52, %mul3A_57 : i32
      %dma_start3A_59 = tpu.memref_slice %arg5[%mul3A_58] : memref<3136xi32, #tpu.memory_space<vmem>> -> memref<112xi32, #tpu.memory_space<vmem>>
      %dma_start3A_60 = arith.constant 0 : i32
      %dma_start3A_61 = arith.constant 0 : i32
      %dma_start3A_62 = tpu.memref_slice %arg2[%dma_start3A_60, %dma_start3A_61] : memref<50176x128xf32, #tpu.memory_space<hbm>> -> memref<50176x128xf32, #tpu.memory_space<hbm>>
      tpu.enqueue_indirect_dma source(%dma_start3A_62 : memref<50176x128xf32, #tpu.memory_space<hbm>>) target(%arg6 : memref<112x128xf32, #tpu.memory_space<vmem>>) offsets(%dma_start3A_59 : memref<112xi32, #tpu.memory_space<vmem>>) semaphore(%arg8 : memref<!tpu.dma_semaphore, #tpu.memory_space<semaphore_mem>>)
      %dma_wait3A_63 = arith.constant 0 : i32
      %dma_wait3A_64 = tpu.memref_slice %arg5[%dma_wait3A_63] : memref<3136xi32, #tpu.memory_space<vmem>> -> memref<112xi32, #tpu.memory_space<vmem>>
      %dma_wait3A_65 = arith.constant 0 : i32
      %dma_wait3A_66 = arith.constant 0 : i32
      %dma_wait3A_67 = tpu.memref_slice %arg2[%dma_wait3A_65, %dma_wait3A_66] : memref<50176x128xf32, #tpu.memory_space<hbm>> -> memref<50176x128xf32, #tpu.memory_space<hbm>>
      tpu.wait_indirect_dma semaphore(%arg9 : memref<!tpu.dma_semaphore, #tpu.memory_space<semaphore_mem>>) src(%dma_wait3A_67 : memref<50176x128xf32, #tpu.memory_space<hbm>>) dst(%arg7 : memref<112x128xf32, #tpu.memory_space<vmem>>)
      %sub3A = arith.constant 1 : i32
      %sub3A_68 = arith.subi %add3A_52, %sub3A : i32
      %mul3A_69 = arith.constant 112 : i32
      %mul3A_70 = arith.muli %sub3A_68, %mul3A_69 : i32
      %add3A_71 = arith.addi %mul3A_2, %mul3A_70 : i32
      %dma_start3A_72 = arith.constant 0 : i32
      %dma_start3A_73 = tpu.memref_slice %arg4[%add3A_71, %dma_start3A_72] : memref<100352x128xf32, #tpu.memory_space<hbm>> -> memref<112x128xf32, #tpu.memory_space<hbm>>
      %dma_start3A_74 = arith.constant 0 : i32
      %dma_start3A_75 = tpu.memref_slice %arg4[%add3A_71, %dma_start3A_74] : memref<100352x128xf32, #tpu.memory_space<hbm>> -> memref<112x128xf32, #tpu.memory_space<hbm>>
      tpu.enqueue_dma source(%arg7 : memref<112x128xf32, #tpu.memory_space<vmem>>) target(%dma_start3A_75 : memref<112x128xf32, #tpu.memory_space<hbm>>) target_semaphore(%arg11 : memref<!tpu.dma_semaphore, #tpu.memory_space<semaphore_mem>>)
      %add3A_76 = arith.constant 1 : i32
      %add3A_77 = arith.addi %add3A_50, %add3A_76 : i32
      %dma_wait3A_78 = arith.constant 0 : i32
      %dma_wait3A_79 = tpu.memref_slice %arg4[%mul3A_2, %dma_wait3A_78] : memref<100352x128xf32, #tpu.memory_space<hbm>> -> memref<112x128xf32, #tpu.memory_space<hbm>>
      %dma_wait3A_80 = arith.constant 0 : i32
      %dma_wait3A_81 = tpu.memref_slice %arg4[%mul3A_2, %dma_wait3A_80] : memref<100352x128xf32, #tpu.memory_space<hbm>> -> memref<112x128xf32, #tpu.memory_space<hbm>>
      tpu.wait_dma2 semaphore(%arg11 : memref<!tpu.dma_semaphore, #tpu.memory_space<semaphore_mem>>) src(%arg7 : memref<112x128xf32, #tpu.memory_space<vmem>>) dst(%dma_wait3A_81 : memref<112x128xf32, #tpu.memory_space<hbm>>)
      %mul3A_82 = arith.constant 112 : i32
      %mul3A_83 = arith.muli %add3A_77, %mul3A_82 : i32
      %dma_start3A_84 = tpu.memref_slice %arg5[%mul3A_83] : memref<3136xi32, #tpu.memory_space<vmem>> -> memref<112xi32, #tpu.memory_space<vmem>>
      %dma_start3A_85 = arith.constant 0 : i32
      %dma_start3A_86 = arith.constant 0 : i32
      %dma_start3A_87 = tpu.memref_slice %arg2[%dma_start3A_85, %dma_start3A_86] : memref<50176x128xf32, #tpu.memory_space<hbm>> -> memref<50176x128xf32, #tpu.memory_space<hbm>>
      tpu.enqueue_indirect_dma source(%dma_start3A_87 : memref<50176x128xf32, #tpu.memory_space<hbm>>) target(%arg7 : memref<112x128xf32, #tpu.memory_space<vmem>>) offsets(%dma_start3A_84 : memref<112xi32, #tpu.memory_space<vmem>>) semaphore(%arg9 : memref<!tpu.dma_semaphore, #tpu.memory_space<semaphore_mem>>)
      %dma_wait3A_88 = arith.constant 0 : i32
      %dma_wait3A_89 = tpu.memref_slice %arg5[%dma_wait3A_88] : memref<3136xi32, #tpu.memory_space<vmem>> -> memref<112xi32, #tpu.memory_space<vmem>>
      %dma_wait3A_90 = arith.constant 0 : i32
      %dma_wait3A_91 = arith.constant 0 : i32
      %dma_wait3A_92 = tpu.memref_slice %arg2[%dma_wait3A_90, %dma_wait3A_91] : memref<50176x128xf32, #tpu.memory_space<hbm>> -> memref<50176x128xf32, #tpu.memory_space<hbm>>
      tpu.wait_indirect_dma semaphore(%arg8 : memref<!tpu.dma_semaphore, #tpu.memory_space<semaphore_mem>>) src(%dma_wait3A_92 : memref<50176x128xf32, #tpu.memory_space<hbm>>) dst(%arg6 : memref<112x128xf32, #tpu.memory_space<vmem>>)
      %sub3A_93 = arith.constant 1 : i32
      %sub3A_94 = arith.subi %add3A_77, %sub3A_93 : i32
      %mul3A_95 = arith.constant 112 : i32
      %mul3A_96 = arith.muli %sub3A_94, %mul3A_95 : i32
      %add3A_97 = arith.addi %mul3A_2, %mul3A_96 : i32
      %dma_start3A_98 = arith.constant 0 : i32
      %dma_start3A_99 = tpu.memref_slice %arg4[%add3A_97, %dma_start3A_98] : memref<100352x128xf32, #tpu.memory_space<hbm>> -> memref<112x128xf32, #tpu.memory_space<hbm>>
      %dma_start3A_100 = arith.constant 0 : i32
      %dma_start3A_101 = tpu.memref_slice %arg4[%add3A_97, %dma_start3A_100] : memref<100352x128xf32, #tpu.memory_space<hbm>> -> memref<112x128xf32, #tpu.memory_space<hbm>>
      tpu.enqueue_dma source(%arg6 : memref<112x128xf32, #tpu.memory_space<vmem>>) target(%dma_start3A_101 : memref<112x128xf32, #tpu.memory_space<hbm>>) target_semaphore(%arg10 : memref<!tpu.dma_semaphore, #tpu.memory_space<semaphore_mem>>)
    }
    %scan3A_26 = arith.constant 13 : i32
    %dma_wait3A_27 = arith.constant 0 : i32
    %dma_wait3A_28 = tpu.memref_slice %arg5[%dma_wait3A_27] : memref<3136xi32, #tpu.memory_space<vmem>> -> memref<112xi32, #tpu.memory_space<vmem>>
    %dma_wait3A_29 = arith.constant 0 : i32
    %dma_wait3A_30 = arith.constant 0 : i32
    %dma_wait3A_31 = tpu.memref_slice %arg2[%dma_wait3A_29, %dma_wait3A_30] : memref<50176x128xf32, #tpu.memory_space<hbm>> -> memref<50176x128xf32, #tpu.memory_space<hbm>>
    tpu.wait_indirect_dma semaphore(%arg9 : memref<!tpu.dma_semaphore, #tpu.memory_space<semaphore_mem>>) src(%dma_wait3A_31 : memref<50176x128xf32, #tpu.memory_space<hbm>>) dst(%arg7 : memref<112x128xf32, #tpu.memory_space<vmem>>)
    %add3A_32 = arith.constant 3024 : i32
    %add3A_33 = arith.addi %mul3A_2, %add3A_32 : i32
    %dma_start3A_34 = arith.constant 0 : i32
    %dma_start3A_35 = tpu.memref_slice %arg4[%add3A_33, %dma_start3A_34] : memref<100352x128xf32, #tpu.memory_space<hbm>> -> memref<112x128xf32, #tpu.memory_space<hbm>>
    %dma_start3A_36 = arith.constant 0 : i32
    %dma_start3A_37 = tpu.memref_slice %arg4[%add3A_33, %dma_start3A_36] : memref<100352x128xf32, #tpu.memory_space<hbm>> -> memref<112x128xf32, #tpu.memory_space<hbm>>
    tpu.enqueue_dma source(%arg7 : memref<112x128xf32, #tpu.memory_space<vmem>>) target(%dma_start3A_37 : memref<112x128xf32, #tpu.memory_space<hbm>>) target_semaphore(%arg11 : memref<!tpu.dma_semaphore, #tpu.memory_space<semaphore_mem>>)
    %dma_wait3A_38 = arith.constant 0 : i32
    %dma_wait3A_39 = tpu.memref_slice %arg4[%mul3A_2, %dma_wait3A_38] : memref<100352x128xf32, #tpu.memory_space<hbm>> -> memref<112x128xf32, #tpu.memory_space<hbm>>
    %dma_wait3A_40 = arith.constant 0 : i32
    %dma_wait3A_41 = tpu.memref_slice %arg4[%mul3A_2, %dma_wait3A_40] : memref<100352x128xf32, #tpu.memory_space<hbm>> -> memref<112x128xf32, #tpu.memory_space<hbm>>
    tpu.wait_dma2 semaphore(%arg10 : memref<!tpu.dma_semaphore, #tpu.memory_space<semaphore_mem>>) src(%arg6 : memref<112x128xf32, #tpu.memory_space<vmem>>) dst(%dma_wait3A_41 : memref<112x128xf32, #tpu.memory_space<hbm>>)
    %dma_wait3A_42 = arith.constant 0 : i32
    %dma_wait3A_43 = tpu.memref_slice %arg4[%mul3A_2, %dma_wait3A_42] : memref<100352x128xf32, #tpu.memory_space<hbm>> -> memref<112x128xf32, #tpu.memory_space<hbm>>
    %dma_wait3A_44 = arith.constant 0 : i32
    %dma_wait3A_45 = tpu.memref_slice %arg4[%mul3A_2, %dma_wait3A_44] : memref<100352x128xf32, #tpu.memory_space<hbm>> -> memref<112x128xf32, #tpu.memory_space<hbm>>
    tpu.wait_dma2 semaphore(%arg11 : memref<!tpu.dma_semaphore, #tpu.memory_space<semaphore_mem>>) src(%arg7 : memref<112x128xf32, #tpu.memory_space<vmem>>) dst(%dma_wait3A_45 : memref<112x128xf32, #tpu.memory_space<hbm>>)
    return
  }
}

#map = affine_map<(d0, d1) -> (0, 0)>
#map1 = affine_map<(d0, d1) -> (0)>
module attributes {stable_mosaic.version = 14 : i64} {
  func.func @gk(%arg0: i32, %arg1: i32, %arg2: memref<50176x128xf32, #tpu.memory_space<hbm>>, %arg3: memref<100352xi32, #tpu.memory_space<hbm>>, %arg4: memref<100352x128xf32, #tpu.memory_space<hbm>>, %arg5: memref<3136xi32, #tpu.memory_space<vmem>>, %arg6: memref<112x128xf32, #tpu.memory_space<vmem>>, %arg7: memref<112x128xf32, #tpu.memory_space<vmem>>, %arg8: memref<!tpu.dma_semaphore, #tpu.memory_space<semaphore_mem>>, %arg9: memref<!tpu.dma_semaphore, #tpu.memory_space<semaphore_mem>>, %arg10: memref<!tpu.dma_semaphore, #tpu.memory_space<semaphore_mem>>, %arg11: memref<!tpu.dma_semaphore, #tpu.memory_space<semaphore_mem>>) attributes {dimension_semantics = [#tpu.dimension_semantics<core_parallel>, #tpu.dimension_semantics<subcore_parallel>], iteration_bounds = array<i64: 2, 16>, scalar_prefetch = 0 : i64, scratch_operands = 7 : i64, tpu.core_type = #tpu.core_type<sc_vector_subcore>, window_params = [{transform_indices = #map}, {transform_indices = #map1}, {transform_indices = #map}]} {
    %mul3A = arith.constant 2 : i32
    %mul3A_0 = arith.muli %arg1, %mul3A : i32
    %add3A = arith.addi %mul3A_0, %arg0 : i32
    %mul3A_1 = arith.constant 3136 : i32
    %mul3A_2 = arith.muli %add3A, %mul3A_1 : i32
    "tpu.region"() ({
      %run_scoped3A = tpu.sem_alloc : memref<!tpu.dma_semaphore, #tpu.memory_space<semaphore_mem>>
      %dma_start3A_46 = tpu.memref_slice %arg3[%mul3A_2] : memref<100352xi32, #tpu.memory_space<hbm>> -> memref<3136xi32, #tpu.memory_space<hbm>>
      %dma_start3A_47 = tpu.memref_slice %arg3[%mul3A_2] : memref<100352xi32, #tpu.memory_space<hbm>> -> memref<3136xi32, #tpu.memory_space<hbm>>
      tpu.enqueue_dma source(%dma_start3A_47 : memref<3136xi32, #tpu.memory_space<hbm>>) target(%arg5 : memref<3136xi32, #tpu.memory_space<vmem>>) target_semaphore(%run_scoped3A : memref<!tpu.dma_semaphore, #tpu.memory_space<semaphore_mem>>)
      %dma_wait3A_48 = tpu.memref_slice %arg3[%mul3A_2] : memref<100352xi32, #tpu.memory_space<hbm>> -> memref<3136xi32, #tpu.memory_space<hbm>>
      %dma_wait3A_49 = tpu.memref_slice %arg3[%mul3A_2] : memref<100352xi32, #tpu.memory_space<hbm>> -> memref<3136xi32, #tpu.memory_space<hbm>>
      tpu.wait_dma2 semaphore(%run_scoped3A : memref<!tpu.dma_semaphore, #tpu.memory_space<semaphore_mem>>) src(%dma_wait3A_49 : memref<3136xi32, #tpu.memory_space<hbm>>) dst(%arg5 : memref<3136xi32, #tpu.memory_space<vmem>>)
      tpu.yield
    }) : () -> ()
    %dma_start3A = arith.constant 0 : i32
    %dma_start3A_3 = tpu.memref_slice %arg5[%dma_start3A] : memref<3136xi32, #tpu.memory_space<vmem>> -> memref<112xi32, #tpu.memory_space<vmem>>
    %dma_start3A_4 = arith.constant 0 : i32
    %dma_start3A_5 = arith.constant 0 : i32
    %dma_start3A_6 = tpu.memref_slice %arg2[%dma_start3A_4, %dma_start3A_5] : memref<50176x128xf32, #tpu.memory_space<hbm>> -> memref<50176x128xf32, #tpu.memory_space<hbm>>
    tpu.enqueue_indirect_dma source(%dma_start3A_6 : memref<50176x128xf32, #tpu.memory_space<hbm>>) target(%arg6 : memref<112x128xf32, #tpu.memory_space<vmem>>) offsets(%dma_start3A_3 : memref<112xi32, #tpu.memory_space<vmem>>) semaphore(%arg8 : memref<!tpu.dma_semaphore, #tpu.memory_space<semaphore_mem>>)
    %dma_start3A_7 = arith.constant 112 : i32
    %dma_start3A_8 = tpu.memref_slice %arg5[%dma_start3A_7] : memref<3136xi32, #tpu.memory_space<vmem>> -> memref<112xi32, #tpu.memory_space<vmem>>
    %dma_start3A_9 = arith.constant 0 : i32
    %dma_start3A_10 = arith.constant 0 : i32
    %dma_start3A_11 = tpu.memref_slice %arg2[%dma_start3A_9, %dma_start3A_10] : memref<50176x128xf32, #tpu.memory_space<hbm>> -> memref<50176x128xf32, #tpu.memory_space<hbm>>
    tpu.enqueue_indirect_dma source(%dma_start3A_11 : memref<50176x128xf32, #tpu.memory_space<hbm>>) target(%arg7 : memref<112x128xf32, #tpu.memory_space<vmem>>) offsets(%dma_start3A_8 : memref<112xi32, #tpu.memory_space<vmem>>) semaphore(%arg9 : memref<!tpu.dma_semaphore, #tpu.memory_space<semaphore_mem>>)
    %dma_wait3A = arith.constant 0 : i32
    %dma_wait3A_12 = tpu.memref_slice %arg5[%dma_wait3A] : memref<3136xi32, #tpu.memory_space<vmem>> -> memref<112xi32, #tpu.memory_space<vmem>>
    %dma_wait3A_13 = arith.constant 0 : i32
    %dma_wait3A_14 = arith.constant 0 : i32
    %dma_wait3A_15 = tpu.memref_slice %arg2[%dma_wait3A_13, %dma_wait3A_14] : memref<50176x128xf32, #tpu.memory_space<hbm>> -> memref<50176x128xf32, #tpu.memory_space<hbm>>
    tpu.wait_indirect_dma semaphore(%arg8 : memref<!tpu.dma_semaphore, #tpu.memory_space<semaphore_mem>>) src(%dma_wait3A_15 : memref<50176x128xf32, #tpu.memory_space<hbm>>) dst(%arg6 : memref<112x128xf32, #tpu.memory_space<vmem>>)
    %add3A_16 = arith.constant 0 : i32
    %add3A_17 = arith.addi %mul3A_2, %add3A_16 : i32
    %dma_start3A_18 = arith.constant 0 : i32
    %dma_start3A_19 = tpu.memref_slice %arg4[%add3A_17, %dma_start3A_18] : memref<100352x128xf32, #tpu.memory_space<hbm>> -> memref<112x128xf32, #tpu.memory_space<hbm>>
    %dma_start3A_20 = arith.constant 0 : i32
    %dma_start3A_21 = tpu.memref_slice %arg4[%add3A_17, %dma_start3A_20] : memref<100352x128xf32, #tpu.memory_space<hbm>> -> memref<112x128xf32, #tpu.memory_space<hbm>>
    tpu.enqueue_dma source(%arg6 : memref<112x128xf32, #tpu.memory_space<vmem>>) target(%dma_start3A_21 : memref<112x128xf32, #tpu.memory_space<hbm>>) target_semaphore(%arg10 : memref<!tpu.dma_semaphore, #tpu.memory_space<semaphore_mem>>)
    %scan3A = arith.constant 0 : i32
    %scan3A_22 = arith.constant 0 : i32
    %scan3A_23 = arith.constant 13 : i32
    %scan3A_24 = arith.addi %scan3A_22, %scan3A_23 : i32
    %scan3A_25 = arith.constant 1 : i32
    scf.for %scan3A_46 = %scan3A_22 to %scan3A_24 step %scan3A_25  : i32 {
      %mul3A_47 = arith.constant 2 : i32
      %mul3A_48 = arith.muli %mul3A_47, %scan3A_46 : i32
      %add3A_49 = arith.constant 2 : i32
      %add3A_50 = arith.addi %add3A_49, %mul3A_48 : i32
      %add3A_51 = arith.constant 0 : i32
      %add3A_52 = arith.addi %add3A_50, %add3A_51 : i32
      %dma_wait3A_53 = arith.constant 0 : i32
      %dma_wait3A_54 = tpu.memref_slice %arg4[%mul3A_2, %dma_wait3A_53] : memref<100352x128xf32, #tpu.memory_space<hbm>> -> memref<112x128xf32, #tpu.memory_space<hbm>>
      %dma_wait3A_55 = arith.constant 0 : i32
      %dma_wait3A_56 = tpu.memref_slice %arg4[%mul3A_2, %dma_wait3A_55] : memref<100352x128xf32, #tpu.memory_space<hbm>> -> memref<112x128xf32, #tpu.memory_space<hbm>>
      tpu.wait_dma2 semaphore(%arg10 : memref<!tpu.dma_semaphore, #tpu.memory_space<semaphore_mem>>) src(%arg6 : memref<112x128xf32, #tpu.memory_space<vmem>>) dst(%dma_wait3A_56 : memref<112x128xf32, #tpu.memory_space<hbm>>)
      %mul3A_57 = arith.constant 112 : i32
      %mul3A_58 = arith.muli %add3A_52, %mul3A_57 : i32
      %dma_start3A_59 = tpu.memref_slice %arg5[%mul3A_58] : memref<3136xi32, #tpu.memory_space<vmem>> -> memref<112xi32, #tpu.memory_space<vmem>>
      %dma_start3A_60 = arith.constant 0 : i32
      %dma_start3A_61 = arith.constant 0 : i32
      %dma_start3A_62 = tpu.memref_slice %arg2[%dma_start3A_60, %dma_start3A_61] : memref<50176x128xf32, #tpu.memory_space<hbm>> -> memref<50176x128xf32, #tpu.memory_space<hbm>>
      tpu.enqueue_indirect_dma source(%dma_start3A_62 : memref<50176x128xf32, #tpu.memory_space<hbm>>) target(%arg6 : memref<112x128xf32, #tpu.memory_space<vmem>>) offsets(%dma_start3A_59 : memref<112xi32, #tpu.memory_space<vmem>>) semaphore(%arg8 : memref<!tpu.dma_semaphore, #tpu.memory_space<semaphore_mem>>)
      %dma_wait3A_63 = arith.constant 0 : i32
      %dma_wait3A_64 = tpu.memref_slice %arg5[%dma_wait3A_63] : memref<3136xi32, #tpu.memory_space<vmem>> -> memref<112xi32, #tpu.memory_space<vmem>>
      %dma_wait3A_65 = arith.constant 0 : i32
      %dma_wait3A_66 = arith.constant 0 : i32
      %dma_wait3A_67 = tpu.memref_slice %arg2[%dma_wait3A_65, %dma_wait3A_66] : memref<50176x128xf32, #tpu.memory_space<hbm>> -> memref<50176x128xf32, #tpu.memory_space<hbm>>
      tpu.wait_indirect_dma semaphore(%arg9 : memref<!tpu.dma_semaphore, #tpu.memory_space<semaphore_mem>>) src(%dma_wait3A_67 : memref<50176x128xf32, #tpu.memory_space<hbm>>) dst(%arg7 : memref<112x128xf32, #tpu.memory_space<vmem>>)
      %sub3A = arith.constant 1 : i32
      %sub3A_68 = arith.subi %add3A_52, %sub3A : i32
      %mul3A_69 = arith.constant 112 : i32
      %mul3A_70 = arith.muli %sub3A_68, %mul3A_69 : i32
      %add3A_71 = arith.addi %mul3A_2, %mul3A_70 : i32
      %dma_start3A_72 = arith.constant 0 : i32
      %dma_start3A_73 = tpu.memref_slice %arg4[%add3A_71, %dma_start3A_72] : memref<100352x128xf32, #tpu.memory_space<hbm>> -> memref<112x128xf32, #tpu.memory_space<hbm>>
      %dma_start3A_74 = arith.constant 0 : i32
      %dma_start3A_75 = tpu.memref_slice %arg4[%add3A_71, %dma_start3A_74] : memref<100352x128xf32, #tpu.memory_space<hbm>> -> memref<112x128xf32, #tpu.memory_space<hbm>>
      tpu.enqueue_dma source(%arg7 : memref<112x128xf32, #tpu.memory_space<vmem>>) target(%dma_start3A_75 : memref<112x128xf32, #tpu.memory_space<hbm>>) target_semaphore(%arg11 : memref<!tpu.dma_semaphore, #tpu.memory_space<semaphore_mem>>)
      %add3A_76 = arith.constant 1 : i32
      %add3A_77 = arith.addi %add3A_50, %add3A_76 : i32
      %dma_wait3A_78 = arith.constant 0 : i32
      %dma_wait3A_79 = tpu.memref_slice %arg4[%mul3A_2, %dma_wait3A_78] : memref<100352x128xf32, #tpu.memory_space<hbm>> -> memref<112x128xf32, #tpu.memory_space<hbm>>
      %dma_wait3A_80 = arith.constant 0 : i32
      %dma_wait3A_81 = tpu.memref_slice %arg4[%mul3A_2, %dma_wait3A_80] : memref<100352x128xf32, #tpu.memory_space<hbm>> -> memref<112x128xf32, #tpu.memory_space<hbm>>
      tpu.wait_dma2 semaphore(%arg11 : memref<!tpu.dma_semaphore, #tpu.memory_space<semaphore_mem>>) src(%arg7 : memref<112x128xf32, #tpu.memory_space<vmem>>) dst(%dma_wait3A_81 : memref<112x128xf32, #tpu.memory_space<hbm>>)
      %mul3A_82 = arith.constant 112 : i32
      %mul3A_83 = arith.muli %add3A_77, %mul3A_82 : i32
      %dma_start3A_84 = tpu.memref_slice %arg5[%mul3A_83] : memref<3136xi32, #tpu.memory_space<vmem>> -> memref<112xi32, #tpu.memory_space<vmem>>
      %dma_start3A_85 = arith.constant 0 : i32
      %dma_start3A_86 = arith.constant 0 : i32
      %dma_start3A_87 = tpu.memref_slice %arg2[%dma_start3A_85, %dma_start3A_86] : memref<50176x128xf32, #tpu.memory_space<hbm>> -> memref<50176x128xf32, #tpu.memory_space<hbm>>
      tpu.enqueue_indirect_dma source(%dma_start3A_87 : memref<50176x128xf32, #tpu.memory_space<hbm>>) target(%arg7 : memref<112x128xf32, #tpu.memory_space<vmem>>) offsets(%dma_start3A_84 : memref<112xi32, #tpu.memory_space<vmem>>) semaphore(%arg9 : memref<!tpu.dma_semaphore, #tpu.memory_space<semaphore_mem>>)
      %dma_wait3A_88 = arith.constant 0 : i32
      %dma_wait3A_89 = tpu.memref_slice %arg5[%dma_wait3A_88] : memref<3136xi32, #tpu.memory_space<vmem>> -> memref<112xi32, #tpu.memory_space<vmem>>
      %dma_wait3A_90 = arith.constant 0 : i32
      %dma_wait3A_91 = arith.constant 0 : i32
      %dma_wait3A_92 = tpu.memref_slice %arg2[%dma_wait3A_90, %dma_wait3A_91] : memref<50176x128xf32, #tpu.memory_space<hbm>> -> memref<50176x128xf32, #tpu.memory_space<hbm>>
      tpu.wait_indirect_dma semaphore(%arg8 : memref<!tpu.dma_semaphore, #tpu.memory_space<semaphore_mem>>) src(%dma_wait3A_92 : memref<50176x128xf32, #tpu.memory_space<hbm>>) dst(%arg6 : memref<112x128xf32, #tpu.memory_space<vmem>>)
      %sub3A_93 = arith.constant 1 : i32
      %sub3A_94 = arith.subi %add3A_77, %sub3A_93 : i32
      %mul3A_95 = arith.constant 112 : i32
      %mul3A_96 = arith.muli %sub3A_94, %mul3A_95 : i32
      %add3A_97 = arith.addi %mul3A_2, %mul3A_96 : i32
      %dma_start3A_98 = arith.constant 0 : i32
      %dma_start3A_99 = tpu.memref_slice %arg4[%add3A_97, %dma_start3A_98] : memref<100352x128xf32, #tpu.memory_space<hbm>> -> memref<112x128xf32, #tpu.memory_space<hbm>>
      %dma_start3A_100 = arith.constant 0 : i32
      %dma_start3A_101 = tpu.memref_slice %arg4[%add3A_97, %dma_start3A_100] : memref<100352x128xf32, #tpu.memory_space<hbm>> -> memref<112x128xf32, #tpu.memory_space<hbm>>
      tpu.enqueue_dma source(%arg6 : memref<112x128xf32, #tpu.memory_space<vmem>>) target(%dma_start3A_101 : memref<112x128xf32, #tpu.memory_space<hbm>>) target_semaphore(%arg10 : memref<!tpu.dma_semaphore, #tpu.memory_space<semaphore_mem>>)
    }
    %scan3A_26 = arith.constant 13 : i32
    %dma_wait3A_27 = arith.constant 0 : i32
    %dma_wait3A_28 = tpu.memref_slice %arg5[%dma_wait3A_27] : memref<3136xi32, #tpu.memory_space<vmem>> -> memref<112xi32, #tpu.memory_space<vmem>>
    %dma_wait3A_29 = arith.constant 0 : i32
    %dma_wait3A_30 = arith.constant 0 : i32
    %dma_wait3A_31 = tpu.memref_slice %arg2[%dma_wait3A_29, %dma_wait3A_30] : memref<50176x128xf32, #tpu.memory_space<hbm>> -> memref<50176x128xf32, #tpu.memory_space<hbm>>
    tpu.wait_indirect_dma semaphore(%arg9 : memref<!tpu.dma_semaphore, #tpu.memory_space<semaphore_mem>>) src(%dma_wait3A_31 : memref<50176x128xf32, #tpu.memory_space<hbm>>) dst(%arg7 : memref<112x128xf32, #tpu.memory_space<vmem>>)
    %add3A_32 = arith.constant 3024 : i32
    %add3A_33 = arith.addi %mul3A_2, %add3A_32 : i32
    %dma_start3A_34 = arith.constant 0 : i32
    %dma_start3A_35 = tpu.memref_slice %arg4[%add3A_33, %dma_start3A_34] : memref<100352x128xf32, #tpu.memory_space<hbm>> -> memref<112x128xf32, #tpu.memory_space<hbm>>
    %dma_start3A_36 = arith.constant 0 : i32
    %dma_start3A_37 = tpu.memref_slice %arg4[%add3A_33, %dma_start3A_36] : memref<100352x128xf32, #tpu.memory_space<hbm>> -> memref<112x128xf32, #tpu.memory_space<hbm>>
    tpu.enqueue_dma source(%arg7 : memref<112x128xf32, #tpu.memory_space<vmem>>) target(%dma_start3A_37 : memref<112x128xf32, #tpu.memory_space<hbm>>) target_semaphore(%arg11 : memref<!tpu.dma_semaphore, #tpu.memory_space<semaphore_mem>>)
    %dma_wait3A_38 = arith.constant 0 : i32
    %dma_wait3A_39 = tpu.memref_slice %arg4[%mul3A_2, %dma_wait3A_38] : memref<100352x128xf32, #tpu.memory_space<hbm>> -> memref<112x128xf32, #tpu.memory_space<hbm>>
    %dma_wait3A_40 = arith.constant 0 : i32
    %dma_wait3A_41 = tpu.memref_slice %arg4[%mul3A_2, %dma_wait3A_40] : memref<100352x128xf32, #tpu.memory_space<hbm>> -> memref<112x128xf32, #tpu.memory_space<hbm>>
    tpu.wait_dma2 semaphore(%arg10 : memref<!tpu.dma_semaphore, #tpu.memory_space<semaphore_mem>>) src(%arg6 : memref<112x128xf32, #tpu.memory_space<vmem>>) dst(%dma_wait3A_41 : memref<112x128xf32, #tpu.memory_space<hbm>>)
    %dma_wait3A_42 = arith.constant 0 : i32
    %dma_wait3A_43 = tpu.memref_slice %arg4[%mul3A_2, %dma_wait3A_42] : memref<100352x128xf32, #tpu.memory_space<hbm>> -> memref<112x128xf32, #tpu.memory_space<hbm>>
    %dma_wait3A_44 = arith.constant 0 : i32
    %dma_wait3A_45 = tpu.memref_slice %arg4[%mul3A_2, %dma_wait3A_44] : memref<100352x128xf32, #tpu.memory_space<hbm>> -> memref<112x128xf32, #tpu.memory_space<hbm>>
    tpu.wait_dma2 semaphore(%arg11 : memref<!tpu.dma_semaphore, #tpu.memory_space<semaphore_mem>>) src(%arg7 : memref<112x128xf32, #tpu.memory_space<vmem>>) dst(%dma_wait3A_45 : memref<112x128xf32, #tpu.memory_space<hbm>>)
    return
  }
}

#map = affine_map<(d0, d1) -> (0, 0)>
#map1 = affine_map<(d0, d1) -> (0)>
module attributes {stable_mosaic.version = 14 : i64} {
  func.func @gk(%arg0: i32, %arg1: i32, %arg2: memref<50176x128xf32, #tpu.memory_space<hbm>>, %arg3: memref<100352xi32, #tpu.memory_space<hbm>>, %arg4: memref<100352x128xf32, #tpu.memory_space<hbm>>, %arg5: memref<3136xi32, #tpu.memory_space<vmem>>, %arg6: memref<112x128xf32, #tpu.memory_space<vmem>>, %arg7: memref<112x128xf32, #tpu.memory_space<vmem>>, %arg8: memref<!tpu.dma_semaphore, #tpu.memory_space<semaphore_mem>>, %arg9: memref<!tpu.dma_semaphore, #tpu.memory_space<semaphore_mem>>, %arg10: memref<!tpu.dma_semaphore, #tpu.memory_space<semaphore_mem>>, %arg11: memref<!tpu.dma_semaphore, #tpu.memory_space<semaphore_mem>>) attributes {dimension_semantics = [#tpu.dimension_semantics<core_parallel>, #tpu.dimension_semantics<subcore_parallel>], iteration_bounds = array<i64: 2, 16>, scalar_prefetch = 0 : i64, scratch_operands = 7 : i64, tpu.core_type = #tpu.core_type<sc_vector_subcore>, window_params = [{transform_indices = #map}, {transform_indices = #map1}, {transform_indices = #map}]} {
    %mul3A = arith.constant 2 : i32
    %mul3A_0 = arith.muli %arg1, %mul3A : i32
    %add3A = arith.addi %mul3A_0, %arg0 : i32
    %mul3A_1 = arith.constant 3136 : i32
    %mul3A_2 = arith.muli %add3A, %mul3A_1 : i32
    "tpu.region"() ({
      %run_scoped3A = tpu.sem_alloc : memref<!tpu.dma_semaphore, #tpu.memory_space<semaphore_mem>>
      %dma_start3A_46 = tpu.memref_slice %arg3[%mul3A_2] : memref<100352xi32, #tpu.memory_space<hbm>> -> memref<3136xi32, #tpu.memory_space<hbm>>
      %dma_start3A_47 = tpu.memref_slice %arg3[%mul3A_2] : memref<100352xi32, #tpu.memory_space<hbm>> -> memref<3136xi32, #tpu.memory_space<hbm>>
      tpu.enqueue_dma source(%dma_start3A_47 : memref<3136xi32, #tpu.memory_space<hbm>>) target(%arg5 : memref<3136xi32, #tpu.memory_space<vmem>>) target_semaphore(%run_scoped3A : memref<!tpu.dma_semaphore, #tpu.memory_space<semaphore_mem>>)
      %dma_wait3A_48 = tpu.memref_slice %arg3[%mul3A_2] : memref<100352xi32, #tpu.memory_space<hbm>> -> memref<3136xi32, #tpu.memory_space<hbm>>
      %dma_wait3A_49 = tpu.memref_slice %arg3[%mul3A_2] : memref<100352xi32, #tpu.memory_space<hbm>> -> memref<3136xi32, #tpu.memory_space<hbm>>
      tpu.wait_dma2 semaphore(%run_scoped3A : memref<!tpu.dma_semaphore, #tpu.memory_space<semaphore_mem>>) src(%dma_wait3A_49 : memref<3136xi32, #tpu.memory_space<hbm>>) dst(%arg5 : memref<3136xi32, #tpu.memory_space<vmem>>)
      tpu.yield
    }) : () -> ()
    %dma_start3A = arith.constant 0 : i32
    %dma_start3A_3 = tpu.memref_slice %arg5[%dma_start3A] : memref<3136xi32, #tpu.memory_space<vmem>> -> memref<112xi32, #tpu.memory_space<vmem>>
    %dma_start3A_4 = arith.constant 0 : i32
    %dma_start3A_5 = arith.constant 0 : i32
    %dma_start3A_6 = tpu.memref_slice %arg2[%dma_start3A_4, %dma_start3A_5] : memref<50176x128xf32, #tpu.memory_space<hbm>> -> memref<50176x128xf32, #tpu.memory_space<hbm>>
    tpu.enqueue_indirect_dma source(%dma_start3A_6 : memref<50176x128xf32, #tpu.memory_space<hbm>>) target(%arg6 : memref<112x128xf32, #tpu.memory_space<vmem>>) offsets(%dma_start3A_3 : memref<112xi32, #tpu.memory_space<vmem>>) semaphore(%arg8 : memref<!tpu.dma_semaphore, #tpu.memory_space<semaphore_mem>>)
    %dma_start3A_7 = arith.constant 112 : i32
    %dma_start3A_8 = tpu.memref_slice %arg5[%dma_start3A_7] : memref<3136xi32, #tpu.memory_space<vmem>> -> memref<112xi32, #tpu.memory_space<vmem>>
    %dma_start3A_9 = arith.constant 0 : i32
    %dma_start3A_10 = arith.constant 0 : i32
    %dma_start3A_11 = tpu.memref_slice %arg2[%dma_start3A_9, %dma_start3A_10] : memref<50176x128xf32, #tpu.memory_space<hbm>> -> memref<50176x128xf32, #tpu.memory_space<hbm>>
    tpu.enqueue_indirect_dma source(%dma_start3A_11 : memref<50176x128xf32, #tpu.memory_space<hbm>>) target(%arg7 : memref<112x128xf32, #tpu.memory_space<vmem>>) offsets(%dma_start3A_8 : memref<112xi32, #tpu.memory_space<vmem>>) semaphore(%arg9 : memref<!tpu.dma_semaphore, #tpu.memory_space<semaphore_mem>>)
    %dma_wait3A = arith.constant 0 : i32
    %dma_wait3A_12 = tpu.memref_slice %arg5[%dma_wait3A] : memref<3136xi32, #tpu.memory_space<vmem>> -> memref<112xi32, #tpu.memory_space<vmem>>
    %dma_wait3A_13 = arith.constant 0 : i32
    %dma_wait3A_14 = arith.constant 0 : i32
    %dma_wait3A_15 = tpu.memref_slice %arg2[%dma_wait3A_13, %dma_wait3A_14] : memref<50176x128xf32, #tpu.memory_space<hbm>> -> memref<50176x128xf32, #tpu.memory_space<hbm>>
    tpu.wait_indirect_dma semaphore(%arg8 : memref<!tpu.dma_semaphore, #tpu.memory_space<semaphore_mem>>) src(%dma_wait3A_15 : memref<50176x128xf32, #tpu.memory_space<hbm>>) dst(%arg6 : memref<112x128xf32, #tpu.memory_space<vmem>>)
    %add3A_16 = arith.constant 0 : i32
    %add3A_17 = arith.addi %mul3A_2, %add3A_16 : i32
    %dma_start3A_18 = arith.constant 0 : i32
    %dma_start3A_19 = tpu.memref_slice %arg4[%add3A_17, %dma_start3A_18] : memref<100352x128xf32, #tpu.memory_space<hbm>> -> memref<112x128xf32, #tpu.memory_space<hbm>>
    %dma_start3A_20 = arith.constant 0 : i32
    %dma_start3A_21 = tpu.memref_slice %arg4[%add3A_17, %dma_start3A_20] : memref<100352x128xf32, #tpu.memory_space<hbm>> -> memref<112x128xf32, #tpu.memory_space<hbm>>
    tpu.enqueue_dma source(%arg6 : memref<112x128xf32, #tpu.memory_space<vmem>>) target(%dma_start3A_21 : memref<112x128xf32, #tpu.memory_space<hbm>>) target_semaphore(%arg10 : memref<!tpu.dma_semaphore, #tpu.memory_space<semaphore_mem>>)
    %scan3A = arith.constant 0 : i32
    %scan3A_22 = arith.constant 0 : i32
    %scan3A_23 = arith.constant 13 : i32
    %scan3A_24 = arith.addi %scan3A_22, %scan3A_23 : i32
    %scan3A_25 = arith.constant 1 : i32
    scf.for %scan3A_46 = %scan3A_22 to %scan3A_24 step %scan3A_25  : i32 {
      %mul3A_47 = arith.constant 2 : i32
      %mul3A_48 = arith.muli %mul3A_47, %scan3A_46 : i32
      %add3A_49 = arith.constant 2 : i32
      %add3A_50 = arith.addi %add3A_49, %mul3A_48 : i32
      %add3A_51 = arith.constant 0 : i32
      %add3A_52 = arith.addi %add3A_50, %add3A_51 : i32
      %dma_wait3A_53 = arith.constant 0 : i32
      %dma_wait3A_54 = tpu.memref_slice %arg4[%mul3A_2, %dma_wait3A_53] : memref<100352x128xf32, #tpu.memory_space<hbm>> -> memref<112x128xf32, #tpu.memory_space<hbm>>
      %dma_wait3A_55 = arith.constant 0 : i32
      %dma_wait3A_56 = tpu.memref_slice %arg4[%mul3A_2, %dma_wait3A_55] : memref<100352x128xf32, #tpu.memory_space<hbm>> -> memref<112x128xf32, #tpu.memory_space<hbm>>
      tpu.wait_dma2 semaphore(%arg10 : memref<!tpu.dma_semaphore, #tpu.memory_space<semaphore_mem>>) src(%arg6 : memref<112x128xf32, #tpu.memory_space<vmem>>) dst(%dma_wait3A_56 : memref<112x128xf32, #tpu.memory_space<hbm>>)
      %mul3A_57 = arith.constant 112 : i32
      %mul3A_58 = arith.muli %add3A_52, %mul3A_57 : i32
      %dma_start3A_59 = tpu.memref_slice %arg5[%mul3A_58] : memref<3136xi32, #tpu.memory_space<vmem>> -> memref<112xi32, #tpu.memory_space<vmem>>
      %dma_start3A_60 = arith.constant 0 : i32
      %dma_start3A_61 = arith.constant 0 : i32
      %dma_start3A_62 = tpu.memref_slice %arg2[%dma_start3A_60, %dma_start3A_61] : memref<50176x128xf32, #tpu.memory_space<hbm>> -> memref<50176x128xf32, #tpu.memory_space<hbm>>
      tpu.enqueue_indirect_dma source(%dma_start3A_62 : memref<50176x128xf32, #tpu.memory_space<hbm>>) target(%arg6 : memref<112x128xf32, #tpu.memory_space<vmem>>) offsets(%dma_start3A_59 : memref<112xi32, #tpu.memory_space<vmem>>) semaphore(%arg8 : memref<!tpu.dma_semaphore, #tpu.memory_space<semaphore_mem>>)
      %dma_wait3A_63 = arith.constant 0 : i32
      %dma_wait3A_64 = tpu.memref_slice %arg5[%dma_wait3A_63] : memref<3136xi32, #tpu.memory_space<vmem>> -> memref<112xi32, #tpu.memory_space<vmem>>
      %dma_wait3A_65 = arith.constant 0 : i32
      %dma_wait3A_66 = arith.constant 0 : i32
      %dma_wait3A_67 = tpu.memref_slice %arg2[%dma_wait3A_65, %dma_wait3A_66] : memref<50176x128xf32, #tpu.memory_space<hbm>> -> memref<50176x128xf32, #tpu.memory_space<hbm>>
      tpu.wait_indirect_dma semaphore(%arg9 : memref<!tpu.dma_semaphore, #tpu.memory_space<semaphore_mem>>) src(%dma_wait3A_67 : memref<50176x128xf32, #tpu.memory_space<hbm>>) dst(%arg7 : memref<112x128xf32, #tpu.memory_space<vmem>>)
      %sub3A = arith.constant 1 : i32
      %sub3A_68 = arith.subi %add3A_52, %sub3A : i32
      %mul3A_69 = arith.constant 112 : i32
      %mul3A_70 = arith.muli %sub3A_68, %mul3A_69 : i32
      %add3A_71 = arith.addi %mul3A_2, %mul3A_70 : i32
      %dma_start3A_72 = arith.constant 0 : i32
      %dma_start3A_73 = tpu.memref_slice %arg4[%add3A_71, %dma_start3A_72] : memref<100352x128xf32, #tpu.memory_space<hbm>> -> memref<112x128xf32, #tpu.memory_space<hbm>>
      %dma_start3A_74 = arith.constant 0 : i32
      %dma_start3A_75 = tpu.memref_slice %arg4[%add3A_71, %dma_start3A_74] : memref<100352x128xf32, #tpu.memory_space<hbm>> -> memref<112x128xf32, #tpu.memory_space<hbm>>
      tpu.enqueue_dma source(%arg7 : memref<112x128xf32, #tpu.memory_space<vmem>>) target(%dma_start3A_75 : memref<112x128xf32, #tpu.memory_space<hbm>>) target_semaphore(%arg11 : memref<!tpu.dma_semaphore, #tpu.memory_space<semaphore_mem>>)
      %add3A_76 = arith.constant 1 : i32
      %add3A_77 = arith.addi %add3A_50, %add3A_76 : i32
      %dma_wait3A_78 = arith.constant 0 : i32
      %dma_wait3A_79 = tpu.memref_slice %arg4[%mul3A_2, %dma_wait3A_78] : memref<100352x128xf32, #tpu.memory_space<hbm>> -> memref<112x128xf32, #tpu.memory_space<hbm>>
      %dma_wait3A_80 = arith.constant 0 : i32
      %dma_wait3A_81 = tpu.memref_slice %arg4[%mul3A_2, %dma_wait3A_80] : memref<100352x128xf32, #tpu.memory_space<hbm>> -> memref<112x128xf32, #tpu.memory_space<hbm>>
      tpu.wait_dma2 semaphore(%arg11 : memref<!tpu.dma_semaphore, #tpu.memory_space<semaphore_mem>>) src(%arg7 : memref<112x128xf32, #tpu.memory_space<vmem>>) dst(%dma_wait3A_81 : memref<112x128xf32, #tpu.memory_space<hbm>>)
      %mul3A_82 = arith.constant 112 : i32
      %mul3A_83 = arith.muli %add3A_77, %mul3A_82 : i32
      %dma_start3A_84 = tpu.memref_slice %arg5[%mul3A_83] : memref<3136xi32, #tpu.memory_space<vmem>> -> memref<112xi32, #tpu.memory_space<vmem>>
      %dma_start3A_85 = arith.constant 0 : i32
      %dma_start3A_86 = arith.constant 0 : i32
      %dma_start3A_87 = tpu.memref_slice %arg2[%dma_start3A_85, %dma_start3A_86] : memref<50176x128xf32, #tpu.memory_space<hbm>> -> memref<50176x128xf32, #tpu.memory_space<hbm>>
      tpu.enqueue_indirect_dma source(%dma_start3A_87 : memref<50176x128xf32, #tpu.memory_space<hbm>>) target(%arg7 : memref<112x128xf32, #tpu.memory_space<vmem>>) offsets(%dma_start3A_84 : memref<112xi32, #tpu.memory_space<vmem>>) semaphore(%arg9 : memref<!tpu.dma_semaphore, #tpu.memory_space<semaphore_mem>>)
      %dma_wait3A_88 = arith.constant 0 : i32
      %dma_wait3A_89 = tpu.memref_slice %arg5[%dma_wait3A_88] : memref<3136xi32, #tpu.memory_space<vmem>> -> memref<112xi32, #tpu.memory_space<vmem>>
      %dma_wait3A_90 = arith.constant 0 : i32
      %dma_wait3A_91 = arith.constant 0 : i32
      %dma_wait3A_92 = tpu.memref_slice %arg2[%dma_wait3A_90, %dma_wait3A_91] : memref<50176x128xf32, #tpu.memory_space<hbm>> -> memref<50176x128xf32, #tpu.memory_space<hbm>>
      tpu.wait_indirect_dma semaphore(%arg8 : memref<!tpu.dma_semaphore, #tpu.memory_space<semaphore_mem>>) src(%dma_wait3A_92 : memref<50176x128xf32, #tpu.memory_space<hbm>>) dst(%arg6 : memref<112x128xf32, #tpu.memory_space<vmem>>)
      %sub3A_93 = arith.constant 1 : i32
      %sub3A_94 = arith.subi %add3A_77, %sub3A_93 : i32
      %mul3A_95 = arith.constant 112 : i32
      %mul3A_96 = arith.muli %sub3A_94, %mul3A_95 : i32
      %add3A_97 = arith.addi %mul3A_2, %mul3A_96 : i32
      %dma_start3A_98 = arith.constant 0 : i32
      %dma_start3A_99 = tpu.memref_slice %arg4[%add3A_97, %dma_start3A_98] : memref<100352x128xf32, #tpu.memory_space<hbm>> -> memref<112x128xf32, #tpu.memory_space<hbm>>
      %dma_start3A_100 = arith.constant 0 : i32
      %dma_start3A_101 = tpu.memref_slice %arg4[%add3A_97, %dma_start3A_100] : memref<100352x128xf32, #tpu.memory_space<hbm>> -> memref<112x128xf32, #tpu.memory_space<hbm>>
      tpu.enqueue_dma source(%arg6 : memref<112x128xf32, #tpu.memory_space<vmem>>) target(%dma_start3A_101 : memref<112x128xf32, #tpu.memory_space<hbm>>) target_semaphore(%arg10 : memref<!tpu.dma_semaphore, #tpu.memory_space<semaphore_mem>>)
    }
    %scan3A_26 = arith.constant 13 : i32
    %dma_wait3A_27 = arith.constant 0 : i32
    %dma_wait3A_28 = tpu.memref_slice %arg5[%dma_wait3A_27] : memref<3136xi32, #tpu.memory_space<vmem>> -> memref<112xi32, #tpu.memory_space<vmem>>
    %dma_wait3A_29 = arith.constant 0 : i32
    %dma_wait3A_30 = arith.constant 0 : i32
    %dma_wait3A_31 = tpu.memref_slice %arg2[%dma_wait3A_29, %dma_wait3A_30] : memref<50176x128xf32, #tpu.memory_space<hbm>> -> memref<50176x128xf32, #tpu.memory_space<hbm>>
    tpu.wait_indirect_dma semaphore(%arg9 : memref<!tpu.dma_semaphore, #tpu.memory_space<semaphore_mem>>) src(%dma_wait3A_31 : memref<50176x128xf32, #tpu.memory_space<hbm>>) dst(%arg7 : memref<112x128xf32, #tpu.memory_space<vmem>>)
    %add3A_32 = arith.constant 3024 : i32
    %add3A_33 = arith.addi %mul3A_2, %add3A_32 : i32
    %dma_start3A_34 = arith.constant 0 : i32
    %dma_start3A_35 = tpu.memref_slice %arg4[%add3A_33, %dma_start3A_34] : memref<100352x128xf32, #tpu.memory_space<hbm>> -> memref<112x128xf32, #tpu.memory_space<hbm>>
    %dma_start3A_36 = arith.constant 0 : i32
    %dma_start3A_37 = tpu.memref_slice %arg4[%add3A_33, %dma_start3A_36] : memref<100352x128xf32, #tpu.memory_space<hbm>> -> memref<112x128xf32, #tpu.memory_space<hbm>>
    tpu.enqueue_dma source(%arg7 : memref<112x128xf32, #tpu.memory_space<vmem>>) target(%dma_start3A_37 : memref<112x128xf32, #tpu.memory_space<hbm>>) target_semaphore(%arg11 : memref<!tpu.dma_semaphore, #tpu.memory_space<semaphore_mem>>)
    %dma_wait3A_38 = arith.constant 0 : i32
    %dma_wait3A_39 = tpu.memref_slice %arg4[%mul3A_2, %dma_wait3A_38] : memref<100352x128xf32, #tpu.memory_space<hbm>> -> memref<112x128xf32, #tpu.memory_space<hbm>>
    %dma_wait3A_40 = arith.constant 0 : i32
    %dma_wait3A_41 = tpu.memref_slice %arg4[%mul3A_2, %dma_wait3A_40] : memref<100352x128xf32, #tpu.memory_space<hbm>> -> memref<112x128xf32, #tpu.memory_space<hbm>>
    tpu.wait_dma2 semaphore(%arg10 : memref<!tpu.dma_semaphore, #tpu.memory_space<semaphore_mem>>) src(%arg6 : memref<112x128xf32, #tpu.memory_space<vmem>>) dst(%dma_wait3A_41 : memref<112x128xf32, #tpu.memory_space<hbm>>)
    %dma_wait3A_42 = arith.constant 0 : i32
    %dma_wait3A_43 = tpu.memref_slice %arg4[%mul3A_2, %dma_wait3A_42] : memref<100352x128xf32, #tpu.memory_space<hbm>> -> memref<112x128xf32, #tpu.memory_space<hbm>>
    %dma_wait3A_44 = arith.constant 0 : i32
    %dma_wait3A_45 = tpu.memref_slice %arg4[%mul3A_2, %dma_wait3A_44] : memref<100352x128xf32, #tpu.memory_space<hbm>> -> memref<112x128xf32, #tpu.memory_space<hbm>>
    tpu.wait_dma2 semaphore(%arg11 : memref<!tpu.dma_semaphore, #tpu.memory_space<semaphore_mem>>) src(%arg7 : memref<112x128xf32, #tpu.memory_space<vmem>>) dst(%dma_wait3A_45 : memref<112x128xf32, #tpu.memory_space<hbm>>)
    return
  }
}

#map = affine_map<(d0, d1) -> (0, 0)>
#map1 = affine_map<(d0, d1) -> (0)>
module attributes {stable_mosaic.version = 14 : i64} {
  func.func @gk(%arg0: i32, %arg1: i32, %arg2: memref<50176x128xf32, #tpu.memory_space<hbm>>, %arg3: memref<50176xi32, #tpu.memory_space<hbm>>, %arg4: memref<50176x128xf32, #tpu.memory_space<hbm>>, %arg5: memref<1568xi32, #tpu.memory_space<vmem>>, %arg6: memref<112x128xf32, #tpu.memory_space<vmem>>, %arg7: memref<112x128xf32, #tpu.memory_space<vmem>>, %arg8: memref<!tpu.dma_semaphore, #tpu.memory_space<semaphore_mem>>, %arg9: memref<!tpu.dma_semaphore, #tpu.memory_space<semaphore_mem>>, %arg10: memref<!tpu.dma_semaphore, #tpu.memory_space<semaphore_mem>>, %arg11: memref<!tpu.dma_semaphore, #tpu.memory_space<semaphore_mem>>) attributes {dimension_semantics = [#tpu.dimension_semantics<core_parallel>, #tpu.dimension_semantics<subcore_parallel>], iteration_bounds = array<i64: 2, 16>, scalar_prefetch = 0 : i64, scratch_operands = 7 : i64, tpu.core_type = #tpu.core_type<sc_vector_subcore>, window_params = [{transform_indices = #map}, {transform_indices = #map1}, {transform_indices = #map}]} {
    %mul3A = arith.constant 2 : i32
    %mul3A_0 = arith.muli %arg1, %mul3A : i32
    %add3A = arith.addi %mul3A_0, %arg0 : i32
    %mul3A_1 = arith.constant 1568 : i32
    %mul3A_2 = arith.muli %add3A, %mul3A_1 : i32
    "tpu.region"() ({
      %run_scoped3A = tpu.sem_alloc : memref<!tpu.dma_semaphore, #tpu.memory_space<semaphore_mem>>
      %dma_start3A_46 = tpu.memref_slice %arg3[%mul3A_2] : memref<50176xi32, #tpu.memory_space<hbm>> -> memref<1568xi32, #tpu.memory_space<hbm>>
      %dma_start3A_47 = tpu.memref_slice %arg3[%mul3A_2] : memref<50176xi32, #tpu.memory_space<hbm>> -> memref<1568xi32, #tpu.memory_space<hbm>>
      tpu.enqueue_dma source(%dma_start3A_47 : memref<1568xi32, #tpu.memory_space<hbm>>) target(%arg5 : memref<1568xi32, #tpu.memory_space<vmem>>) target_semaphore(%run_scoped3A : memref<!tpu.dma_semaphore, #tpu.memory_space<semaphore_mem>>)
      %dma_wait3A_48 = tpu.memref_slice %arg3[%mul3A_2] : memref<50176xi32, #tpu.memory_space<hbm>> -> memref<1568xi32, #tpu.memory_space<hbm>>
      %dma_wait3A_49 = tpu.memref_slice %arg3[%mul3A_2] : memref<50176xi32, #tpu.memory_space<hbm>> -> memref<1568xi32, #tpu.memory_space<hbm>>
      tpu.wait_dma2 semaphore(%run_scoped3A : memref<!tpu.dma_semaphore, #tpu.memory_space<semaphore_mem>>) src(%dma_wait3A_49 : memref<1568xi32, #tpu.memory_space<hbm>>) dst(%arg5 : memref<1568xi32, #tpu.memory_space<vmem>>)
      tpu.yield
    }) : () -> ()
    %dma_start3A = arith.constant 0 : i32
    %dma_start3A_3 = tpu.memref_slice %arg5[%dma_start3A] : memref<1568xi32, #tpu.memory_space<vmem>> -> memref<112xi32, #tpu.memory_space<vmem>>
    %dma_start3A_4 = arith.constant 0 : i32
    %dma_start3A_5 = arith.constant 0 : i32
    %dma_start3A_6 = tpu.memref_slice %arg2[%dma_start3A_4, %dma_start3A_5] : memref<50176x128xf32, #tpu.memory_space<hbm>> -> memref<50176x128xf32, #tpu.memory_space<hbm>>
    tpu.enqueue_indirect_dma source(%dma_start3A_6 : memref<50176x128xf32, #tpu.memory_space<hbm>>) target(%arg6 : memref<112x128xf32, #tpu.memory_space<vmem>>) offsets(%dma_start3A_3 : memref<112xi32, #tpu.memory_space<vmem>>) semaphore(%arg8 : memref<!tpu.dma_semaphore, #tpu.memory_space<semaphore_mem>>)
    %dma_start3A_7 = arith.constant 112 : i32
    %dma_start3A_8 = tpu.memref_slice %arg5[%dma_start3A_7] : memref<1568xi32, #tpu.memory_space<vmem>> -> memref<112xi32, #tpu.memory_space<vmem>>
    %dma_start3A_9 = arith.constant 0 : i32
    %dma_start3A_10 = arith.constant 0 : i32
    %dma_start3A_11 = tpu.memref_slice %arg2[%dma_start3A_9, %dma_start3A_10] : memref<50176x128xf32, #tpu.memory_space<hbm>> -> memref<50176x128xf32, #tpu.memory_space<hbm>>
    tpu.enqueue_indirect_dma source(%dma_start3A_11 : memref<50176x128xf32, #tpu.memory_space<hbm>>) target(%arg7 : memref<112x128xf32, #tpu.memory_space<vmem>>) offsets(%dma_start3A_8 : memref<112xi32, #tpu.memory_space<vmem>>) semaphore(%arg9 : memref<!tpu.dma_semaphore, #tpu.memory_space<semaphore_mem>>)
    %dma_wait3A = arith.constant 0 : i32
    %dma_wait3A_12 = tpu.memref_slice %arg5[%dma_wait3A] : memref<1568xi32, #tpu.memory_space<vmem>> -> memref<112xi32, #tpu.memory_space<vmem>>
    %dma_wait3A_13 = arith.constant 0 : i32
    %dma_wait3A_14 = arith.constant 0 : i32
    %dma_wait3A_15 = tpu.memref_slice %arg2[%dma_wait3A_13, %dma_wait3A_14] : memref<50176x128xf32, #tpu.memory_space<hbm>> -> memref<50176x128xf32, #tpu.memory_space<hbm>>
    tpu.wait_indirect_dma semaphore(%arg8 : memref<!tpu.dma_semaphore, #tpu.memory_space<semaphore_mem>>) src(%dma_wait3A_15 : memref<50176x128xf32, #tpu.memory_space<hbm>>) dst(%arg6 : memref<112x128xf32, #tpu.memory_space<vmem>>)
    %add3A_16 = arith.constant 0 : i32
    %add3A_17 = arith.addi %mul3A_2, %add3A_16 : i32
    %dma_start3A_18 = arith.constant 0 : i32
    %dma_start3A_19 = tpu.memref_slice %arg4[%add3A_17, %dma_start3A_18] : memref<50176x128xf32, #tpu.memory_space<hbm>> -> memref<112x128xf32, #tpu.memory_space<hbm>>
    %dma_start3A_20 = arith.constant 0 : i32
    %dma_start3A_21 = tpu.memref_slice %arg4[%add3A_17, %dma_start3A_20] : memref<50176x128xf32, #tpu.memory_space<hbm>> -> memref<112x128xf32, #tpu.memory_space<hbm>>
    tpu.enqueue_dma source(%arg6 : memref<112x128xf32, #tpu.memory_space<vmem>>) target(%dma_start3A_21 : memref<112x128xf32, #tpu.memory_space<hbm>>) target_semaphore(%arg10 : memref<!tpu.dma_semaphore, #tpu.memory_space<semaphore_mem>>)
    %scan3A = arith.constant 0 : i32
    %scan3A_22 = arith.constant 0 : i32
    %scan3A_23 = arith.constant 6 : i32
    %scan3A_24 = arith.addi %scan3A_22, %scan3A_23 : i32
    %scan3A_25 = arith.constant 1 : i32
    scf.for %scan3A_46 = %scan3A_22 to %scan3A_24 step %scan3A_25  : i32 {
      %mul3A_47 = arith.constant 2 : i32
      %mul3A_48 = arith.muli %mul3A_47, %scan3A_46 : i32
      %add3A_49 = arith.constant 2 : i32
      %add3A_50 = arith.addi %add3A_49, %mul3A_48 : i32
      %add3A_51 = arith.constant 0 : i32
      %add3A_52 = arith.addi %add3A_50, %add3A_51 : i32
      %dma_wait3A_53 = arith.constant 0 : i32
      %dma_wait3A_54 = tpu.memref_slice %arg4[%mul3A_2, %dma_wait3A_53] : memref<50176x128xf32, #tpu.memory_space<hbm>> -> memref<112x128xf32, #tpu.memory_space<hbm>>
      %dma_wait3A_55 = arith.constant 0 : i32
      %dma_wait3A_56 = tpu.memref_slice %arg4[%mul3A_2, %dma_wait3A_55] : memref<50176x128xf32, #tpu.memory_space<hbm>> -> memref<112x128xf32, #tpu.memory_space<hbm>>
      tpu.wait_dma2 semaphore(%arg10 : memref<!tpu.dma_semaphore, #tpu.memory_space<semaphore_mem>>) src(%arg6 : memref<112x128xf32, #tpu.memory_space<vmem>>) dst(%dma_wait3A_56 : memref<112x128xf32, #tpu.memory_space<hbm>>)
      %mul3A_57 = arith.constant 112 : i32
      %mul3A_58 = arith.muli %add3A_52, %mul3A_57 : i32
      %dma_start3A_59 = tpu.memref_slice %arg5[%mul3A_58] : memref<1568xi32, #tpu.memory_space<vmem>> -> memref<112xi32, #tpu.memory_space<vmem>>
      %dma_start3A_60 = arith.constant 0 : i32
      %dma_start3A_61 = arith.constant 0 : i32
      %dma_start3A_62 = tpu.memref_slice %arg2[%dma_start3A_60, %dma_start3A_61] : memref<50176x128xf32, #tpu.memory_space<hbm>> -> memref<50176x128xf32, #tpu.memory_space<hbm>>
      tpu.enqueue_indirect_dma source(%dma_start3A_62 : memref<50176x128xf32, #tpu.memory_space<hbm>>) target(%arg6 : memref<112x128xf32, #tpu.memory_space<vmem>>) offsets(%dma_start3A_59 : memref<112xi32, #tpu.memory_space<vmem>>) semaphore(%arg8 : memref<!tpu.dma_semaphore, #tpu.memory_space<semaphore_mem>>)
      %dma_wait3A_63 = arith.constant 0 : i32
      %dma_wait3A_64 = tpu.memref_slice %arg5[%dma_wait3A_63] : memref<1568xi32, #tpu.memory_space<vmem>> -> memref<112xi32, #tpu.memory_space<vmem>>
      %dma_wait3A_65 = arith.constant 0 : i32
      %dma_wait3A_66 = arith.constant 0 : i32
      %dma_wait3A_67 = tpu.memref_slice %arg2[%dma_wait3A_65, %dma_wait3A_66] : memref<50176x128xf32, #tpu.memory_space<hbm>> -> memref<50176x128xf32, #tpu.memory_space<hbm>>
      tpu.wait_indirect_dma semaphore(%arg9 : memref<!tpu.dma_semaphore, #tpu.memory_space<semaphore_mem>>) src(%dma_wait3A_67 : memref<50176x128xf32, #tpu.memory_space<hbm>>) dst(%arg7 : memref<112x128xf32, #tpu.memory_space<vmem>>)
      %sub3A = arith.constant 1 : i32
      %sub3A_68 = arith.subi %add3A_52, %sub3A : i32
      %mul3A_69 = arith.constant 112 : i32
      %mul3A_70 = arith.muli %sub3A_68, %mul3A_69 : i32
      %add3A_71 = arith.addi %mul3A_2, %mul3A_70 : i32
      %dma_start3A_72 = arith.constant 0 : i32
      %dma_start3A_73 = tpu.memref_slice %arg4[%add3A_71, %dma_start3A_72] : memref<50176x128xf32, #tpu.memory_space<hbm>> -> memref<112x128xf32, #tpu.memory_space<hbm>>
      %dma_start3A_74 = arith.constant 0 : i32
      %dma_start3A_75 = tpu.memref_slice %arg4[%add3A_71, %dma_start3A_74] : memref<50176x128xf32, #tpu.memory_space<hbm>> -> memref<112x128xf32, #tpu.memory_space<hbm>>
      tpu.enqueue_dma source(%arg7 : memref<112x128xf32, #tpu.memory_space<vmem>>) target(%dma_start3A_75 : memref<112x128xf32, #tpu.memory_space<hbm>>) target_semaphore(%arg11 : memref<!tpu.dma_semaphore, #tpu.memory_space<semaphore_mem>>)
      %add3A_76 = arith.constant 1 : i32
      %add3A_77 = arith.addi %add3A_50, %add3A_76 : i32
      %dma_wait3A_78 = arith.constant 0 : i32
      %dma_wait3A_79 = tpu.memref_slice %arg4[%mul3A_2, %dma_wait3A_78] : memref<50176x128xf32, #tpu.memory_space<hbm>> -> memref<112x128xf32, #tpu.memory_space<hbm>>
      %dma_wait3A_80 = arith.constant 0 : i32
      %dma_wait3A_81 = tpu.memref_slice %arg4[%mul3A_2, %dma_wait3A_80] : memref<50176x128xf32, #tpu.memory_space<hbm>> -> memref<112x128xf32, #tpu.memory_space<hbm>>
      tpu.wait_dma2 semaphore(%arg11 : memref<!tpu.dma_semaphore, #tpu.memory_space<semaphore_mem>>) src(%arg7 : memref<112x128xf32, #tpu.memory_space<vmem>>) dst(%dma_wait3A_81 : memref<112x128xf32, #tpu.memory_space<hbm>>)
      %mul3A_82 = arith.constant 112 : i32
      %mul3A_83 = arith.muli %add3A_77, %mul3A_82 : i32
      %dma_start3A_84 = tpu.memref_slice %arg5[%mul3A_83] : memref<1568xi32, #tpu.memory_space<vmem>> -> memref<112xi32, #tpu.memory_space<vmem>>
      %dma_start3A_85 = arith.constant 0 : i32
      %dma_start3A_86 = arith.constant 0 : i32
      %dma_start3A_87 = tpu.memref_slice %arg2[%dma_start3A_85, %dma_start3A_86] : memref<50176x128xf32, #tpu.memory_space<hbm>> -> memref<50176x128xf32, #tpu.memory_space<hbm>>
      tpu.enqueue_indirect_dma source(%dma_start3A_87 : memref<50176x128xf32, #tpu.memory_space<hbm>>) target(%arg7 : memref<112x128xf32, #tpu.memory_space<vmem>>) offsets(%dma_start3A_84 : memref<112xi32, #tpu.memory_space<vmem>>) semaphore(%arg9 : memref<!tpu.dma_semaphore, #tpu.memory_space<semaphore_mem>>)
      %dma_wait3A_88 = arith.constant 0 : i32
      %dma_wait3A_89 = tpu.memref_slice %arg5[%dma_wait3A_88] : memref<1568xi32, #tpu.memory_space<vmem>> -> memref<112xi32, #tpu.memory_space<vmem>>
      %dma_wait3A_90 = arith.constant 0 : i32
      %dma_wait3A_91 = arith.constant 0 : i32
      %dma_wait3A_92 = tpu.memref_slice %arg2[%dma_wait3A_90, %dma_wait3A_91] : memref<50176x128xf32, #tpu.memory_space<hbm>> -> memref<50176x128xf32, #tpu.memory_space<hbm>>
      tpu.wait_indirect_dma semaphore(%arg8 : memref<!tpu.dma_semaphore, #tpu.memory_space<semaphore_mem>>) src(%dma_wait3A_92 : memref<50176x128xf32, #tpu.memory_space<hbm>>) dst(%arg6 : memref<112x128xf32, #tpu.memory_space<vmem>>)
      %sub3A_93 = arith.constant 1 : i32
      %sub3A_94 = arith.subi %add3A_77, %sub3A_93 : i32
      %mul3A_95 = arith.constant 112 : i32
      %mul3A_96 = arith.muli %sub3A_94, %mul3A_95 : i32
      %add3A_97 = arith.addi %mul3A_2, %mul3A_96 : i32
      %dma_start3A_98 = arith.constant 0 : i32
      %dma_start3A_99 = tpu.memref_slice %arg4[%add3A_97, %dma_start3A_98] : memref<50176x128xf32, #tpu.memory_space<hbm>> -> memref<112x128xf32, #tpu.memory_space<hbm>>
      %dma_start3A_100 = arith.constant 0 : i32
      %dma_start3A_101 = tpu.memref_slice %arg4[%add3A_97, %dma_start3A_100] : memref<50176x128xf32, #tpu.memory_space<hbm>> -> memref<112x128xf32, #tpu.memory_space<hbm>>
      tpu.enqueue_dma source(%arg6 : memref<112x128xf32, #tpu.memory_space<vmem>>) target(%dma_start3A_101 : memref<112x128xf32, #tpu.memory_space<hbm>>) target_semaphore(%arg10 : memref<!tpu.dma_semaphore, #tpu.memory_space<semaphore_mem>>)
    }
    %scan3A_26 = arith.constant 6 : i32
    %dma_wait3A_27 = arith.constant 0 : i32
    %dma_wait3A_28 = tpu.memref_slice %arg5[%dma_wait3A_27] : memref<1568xi32, #tpu.memory_space<vmem>> -> memref<112xi32, #tpu.memory_space<vmem>>
    %dma_wait3A_29 = arith.constant 0 : i32
    %dma_wait3A_30 = arith.constant 0 : i32
    %dma_wait3A_31 = tpu.memref_slice %arg2[%dma_wait3A_29, %dma_wait3A_30] : memref<50176x128xf32, #tpu.memory_space<hbm>> -> memref<50176x128xf32, #tpu.memory_space<hbm>>
    tpu.wait_indirect_dma semaphore(%arg9 : memref<!tpu.dma_semaphore, #tpu.memory_space<semaphore_mem>>) src(%dma_wait3A_31 : memref<50176x128xf32, #tpu.memory_space<hbm>>) dst(%arg7 : memref<112x128xf32, #tpu.memory_space<vmem>>)
    %add3A_32 = arith.constant 1456 : i32
    %add3A_33 = arith.addi %mul3A_2, %add3A_32 : i32
    %dma_start3A_34 = arith.constant 0 : i32
    %dma_start3A_35 = tpu.memref_slice %arg4[%add3A_33, %dma_start3A_34] : memref<50176x128xf32, #tpu.memory_space<hbm>> -> memref<112x128xf32, #tpu.memory_space<hbm>>
    %dma_start3A_36 = arith.constant 0 : i32
    %dma_start3A_37 = tpu.memref_slice %arg4[%add3A_33, %dma_start3A_36] : memref<50176x128xf32, #tpu.memory_space<hbm>> -> memref<112x128xf32, #tpu.memory_space<hbm>>
    tpu.enqueue_dma source(%arg7 : memref<112x128xf32, #tpu.memory_space<vmem>>) target(%dma_start3A_37 : memref<112x128xf32, #tpu.memory_space<hbm>>) target_semaphore(%arg11 : memref<!tpu.dma_semaphore, #tpu.memory_space<semaphore_mem>>)
    %dma_wait3A_38 = arith.constant 0 : i32
    %dma_wait3A_39 = tpu.memref_slice %arg4[%mul3A_2, %dma_wait3A_38] : memref<50176x128xf32, #tpu.memory_space<hbm>> -> memref<112x128xf32, #tpu.memory_space<hbm>>
    %dma_wait3A_40 = arith.constant 0 : i32
    %dma_wait3A_41 = tpu.memref_slice %arg4[%mul3A_2, %dma_wait3A_40] : memref<50176x128xf32, #tpu.memory_space<hbm>> -> memref<112x128xf32, #tpu.memory_space<hbm>>
    tpu.wait_dma2 semaphore(%arg10 : memref<!tpu.dma_semaphore, #tpu.memory_space<semaphore_mem>>) src(%arg6 : memref<112x128xf32, #tpu.memory_space<vmem>>) dst(%dma_wait3A_41 : memref<112x128xf32, #tpu.memory_space<hbm>>)
    %dma_wait3A_42 = arith.constant 0 : i32
    %dma_wait3A_43 = tpu.memref_slice %arg4[%mul3A_2, %dma_wait3A_42] : memref<50176x128xf32, #tpu.memory_space<hbm>> -> memref<112x128xf32, #tpu.memory_space<hbm>>
    %dma_wait3A_44 = arith.constant 0 : i32
    %dma_wait3A_45 = tpu.memref_slice %arg4[%mul3A_2, %dma_wait3A_44] : memref<50176x128xf32, #tpu.memory_space<hbm>> -> memref<112x128xf32, #tpu.memory_space<hbm>>
    tpu.wait_dma2 semaphore(%arg11 : memref<!tpu.dma_semaphore, #tpu.memory_space<semaphore_mem>>) src(%arg7 : memref<112x128xf32, #tpu.memory_space<vmem>>) dst(%dma_wait3A_45 : memref<112x128xf32, #tpu.memory_space<hbm>>)
    return
  }
}

module attributes {stable_mosaic.version = 14 : i64} {
  func.func @_stats_body(%arg0: i32, %arg1: memref<1000x128xf32, #tpu.memory_space<vmem>>, %arg2: memref<2x128xf32, #tpu.memory_space<vmem>>) attributes {dimension_semantics = [#tpu.dimension_semantics<arbitrary>], iteration_bounds = array<i64: 50>, scalar_prefetch = 0 : i64, scratch_operands = 0 : i64, tpu.core_type = #tpu.core_type<tc>, window_params = [{transform_indices = @transform_0, window_bounds = array<i64: 1000, 128>}, {pipeline_mode = #tpu.pipeline_mode<synchronous>, transform_indices = @transform_1, window_bounds = array<i64: 2, 128>}]} {
    %eq3A = arith.constant 0 : i32
    %eq3A_0 = arith.cmpi eq, %arg0, %eq3A : i32
    %convert_element_type3A = arith.extui %eq3A_0 : i1 to i32
    %cond3A = arith.constant 0 : i32
    %cond3A_1 = arith.cmpi ne, %convert_element_type3A, %cond3A : i32
    scf.if %cond3A_1 {
      %broadcast_in_dim3A_13 = arith.constant 0.000000e+00 : f32
      %broadcast_in_dim3A_14 = vector.broadcast %broadcast_in_dim3A_13 : f32 to vector<2x128xf32>
      %swap3A_15 = arith.constant 0 : index
      %swap3A_16 = arith.constant 0 : index
      %swap3A_17 = vector.load %arg2[%swap3A_15, %swap3A_16] : memref<2x128xf32, #tpu.memory_space<vmem>>, vector<2x128xf32>
      tpu.vector_store %arg2[%swap3A_15, %swap3A_16], %broadcast_in_dim3A_14 {strides = array<i32>} : memref<2x128xf32, #tpu.memory_space<vmem>>, vector<2x128xf32>,
    } else {
    }
    %get3A = arith.constant 0 : index
    %get3A_2 = arith.constant 0 : index
    %get3A_3 = vector.load %arg1[%get3A, %get3A_2] : memref<1000x128xf32, #tpu.memory_space<vmem>>, vector<1000x128xf32>
    %reduce_sum3A = arith.constant dense<0.000000e+00> : vector<128xf32>
    %reduce_sum3A_4 = vector.multi_reduction <add>, %get3A_3, %reduce_sum3A [0] : vector<1000x128xf32> to vector<128xf32>
    %broadcast_in_dim3A = vector.shape_cast %reduce_sum3A_4 : vector<128xf32> to vector<1x128xf32>
    %mul3A = arith.mulf %get3A_3, %get3A_3 : vector<1000x128xf32>
    %reduce_sum3A_5 = arith.constant dense<0.000000e+00> : vector<128xf32>
    %reduce_sum3A_6 = vector.multi_reduction <add>, %mul3A, %reduce_sum3A_5 [0] : vector<1000x128xf32> to vector<128xf32>
    %broadcast_in_dim3A_7 = vector.shape_cast %reduce_sum3A_6 : vector<128xf32> to vector<1x128xf32>
    %get3A_8 = arith.constant 0 : index
    %get3A_9 = arith.constant 0 : index
    %get3A_10 = vector.load %arg2[%get3A_8, %get3A_9] : memref<2x128xf32, #tpu.memory_space<vmem>>, vector<2x128xf32>
    %concatenate3A = tpu.concatenate %broadcast_in_dim3A, %broadcast_in_dim3A_7 in 0 : vector<1x128xf32>, vector<1x128xf32> -> vector<2x128xf32>
    %add3A = arith.addf %get3A_10, %concatenate3A : vector<2x128xf32>
    %swap3A = arith.constant 0 : index
    %swap3A_11 = arith.constant 0 : index
    %swap3A_12 = vector.load %arg2[%swap3A, %swap3A_11] : memref<2x128xf32, #tpu.memory_space<vmem>>, vector<2x128xf32>
    tpu.vector_store %arg2[%swap3A, %swap3A_11], %add3A {strides = array<i32>} : memref<2x128xf32, #tpu.memory_space<vmem>>, vector<2x128xf32>,
    return
  }
  func.func @transform_0(%arg0: i32) -> (i32, i32) {
    %c0_i32 = arith.constant 0 : i32
    %c0_i32_0 = arith.constant 0 : i32
    return %arg0, %c0_i32 : i32, i32
  }
  func.func @transform_1(%arg0: i32) -> (i32, i32) {
    %c0_i32 = arith.constant 0 : i32
    %c0_i32_0 = arith.constant 0 : i32
    %c0_i32_1 = arith.constant 0 : i32
    return %c0_i32, %c0_i32_0 : i32, i32
  }
}

module attributes {stable_mosaic.version = 14 : i64} {
  func.func @_round_body(%arg0: i32, %arg1: memref<512x128xf32, #tpu.memory_space<vmem>>, %arg2: memref<512x128xf32, #tpu.memory_space<vmem>>, %arg3: memref<512x128xf32, #tpu.memory_space<vmem>>, %arg4: memref<512x128xf32, #tpu.memory_space<vmem>>, %arg5: memref<1x128xf32, #tpu.memory_space<vmem>>, %arg6: memref<1x128xf32, #tpu.memory_space<vmem>>, %arg7: memref<128x256xf32, #tpu.memory_space<vmem>>, %arg8: memref<1x256xf32, #tpu.memory_space<vmem>>, %arg9: memref<128x128xf32, #tpu.memory_space<vmem>>, %arg10: memref<1x128xf32, #tpu.memory_space<vmem>>, %arg11: memref<512x128xf32, #tpu.memory_space<vmem>>) attributes {dimension_semantics = [#tpu.dimension_semantics<arbitrary>], iteration_bounds = array<i64: 98>, scalar_prefetch = 0 : i64, scratch_operands = 0 : i64, tpu.core_type = #tpu.core_type<tc>, window_params = [{transform_indices = @transform_0, window_bounds = array<i64: 512, 128>}, {transform_indices = @transform_1, window_bounds = array<i64: 512, 128>}, {transform_indices = @transform_2, window_bounds = array<i64: 512, 128>}, {transform_indices = @transform_3, window_bounds = array<i64: 512, 128>}, {pipeline_mode = #tpu.pipeline_mode<synchronous>, transform_indices = @transform_4, window_bounds = array<i64: 1, 128>}, {pipeline_mode = #tpu.pipeline_mode<synchronous>, transform_indices = @transform_5, window_bounds = array<i64: 1, 128>}, {pipeline_mode = #tpu.pipeline_mode<synchronous>, transform_indices = @transform_6, window_bounds = array<i64: 128, 256>}, {pipeline_mode = #tpu.pipeline_mode<synchronous>, transform_indices = @transform_7, window_bounds = array<i64: 1, 256>}, {pipeline_mode = #tpu.pipeline_mode<synchronous>, transform_indices = @transform_8, window_bounds = array<i64: 128, 128>}, {pipeline_mode = #tpu.pipeline_mode<synchronous>, transform_indices = @transform_9, window_bounds = array<i64: 1, 128>}, {transform_indices = @transform_10, window_bounds = array<i64: 512, 128>}]} {
    %get3A = arith.constant 0 : index
    %get3A_0 = arith.constant 0 : index
    %get3A_1 = vector.load %arg1[%get3A, %get3A_0] : memref<512x128xf32, #tpu.memory_space<vmem>>, vector<512x128xf32>
    %get3A_2 = arith.constant 0 : index
    %get3A_3 = arith.constant 0 : index
    %get3A_4 = vector.load %arg2[%get3A_2, %get3A_3] : memref<512x128xf32, #tpu.memory_space<vmem>>, vector<512x128xf32>
    %concatenate3A = tpu.concatenate %get3A_1, %get3A_4 in 0 : vector<512x128xf32>, vector<512x128xf32> -> vector<1024x128xf32>
    %reduce_sum3A = arith.constant dense<0.000000e+00> : vector<1024xf32>
    %reduce_sum3A_5 = vector.multi_reduction <add>, %concatenate3A, %reduce_sum3A [1] : vector<1024x128xf32> to vector<1024xf32>
    %broadcast_in_dim3A = vector.shape_cast %reduce_sum3A_5 : vector<1024xf32> to vector<1024x1xf32>
    %div3A = arith.constant 1.280000e+02 : f32
    %div3A_6 = vector.broadcast %div3A : f32 to vector<1024x1xf32>
    %div3A_7 = arith.divf %broadcast_in_dim3A, %div3A_6 : vector<1024x1xf32>
    %sub3A = vector.broadcast %div3A_7 : vector<1024x1xf32> to vector<1024x128xf32>
    %sub3A_8 = arith.subf %concatenate3A, %sub3A : vector<1024x128xf32>
    %mul3A = arith.mulf %sub3A_8, %sub3A_8 : vector<1024x128xf32>
    %reduce_sum3A_9 = arith.constant dense<0.000000e+00> : vector<1024xf32>
    %reduce_sum3A_10 = vector.multi_reduction <add>, %mul3A, %reduce_sum3A_9 [1] : vector<1024x128xf32> to vector<1024xf32>
    %broadcast_in_dim3A_11 = vector.shape_cast %reduce_sum3A_10 : vector<1024xf32> to vector<1024x1xf32>
    %div3A_12 = arith.constant 1.280000e+02 : f32
    %div3A_13 = vector.broadcast %div3A_12 : f32 to vector<1024x1xf32>
    %div3A_14 = arith.divf %broadcast_in_dim3A_11, %div3A_13 : vector<1024x1xf32>
    %add3A = arith.constant 9.99999974E-6 : f32
    %add3A_15 = vector.broadcast %add3A : f32 to vector<1024x1xf32>
    %add3A_16 = arith.addf %div3A_14, %add3A_15 : vector<1024x1xf32>
    %rsqrt3A = math.rsqrt %add3A_16 : vector<1024x1xf32>
    %mul3A_17 = vector.broadcast %rsqrt3A : vector<1024x1xf32> to vector<1024x128xf32>
    %mul3A_18 = arith.mulf %sub3A_8, %mul3A_17 : vector<1024x128xf32>
    %get3A_19 = arith.constant 0 : index
    %get3A_20 = arith.constant 0 : index
    %get3A_21 = vector.load %arg5[%get3A_19, %get3A_20] : memref<1x128xf32, #tpu.memory_space<vmem>>, vector<1x128xf32>
    %mul3A_22 = vector.broadcast %get3A_21 : vector<1x128xf32> to vector<1024x128xf32>
    %mul3A_23 = arith.mulf %mul3A_18, %mul3A_22 : vector<1024x128xf32>
    %get3A_24 = arith.constant 0 : index
    %get3A_25 = arith.constant 0 : index
    %get3A_26 = vector.load %arg6[%get3A_24, %get3A_25] : memref<1x128xf32, #tpu.memory_space<vmem>>, vector<1x128xf32>
    %add3A_27 = vector.broadcast %get3A_26 : vector<1x128xf32> to vector<1024x128xf32>
    %add3A_28 = arith.addf %mul3A_23, %add3A_27 : vector<1024x128xf32>
    %get3A_29 = arith.constant 0 : index
    %get3A_30 = arith.constant 0 : index
    %get3A_31 = vector.load %arg7[%get3A_29, %get3A_30] : memref<128x256xf32, #tpu.memory_space<vmem>>, vector<128x256xf32>
    %dot_general3A = arith.constant dense<0.000000e+00> : vector<1024x256xf32>
    %dot_general3A_32 = tpu.matmul %add3A_28, %get3A_31, %dot_general3A {dimension_numbers = #tpu.dot_dimension_numbers<[1], [0], [0], [1], [0, 0, 1, 1], [], []>, transpose_lhs_hint = false} : vector<1024x128xf32>, vector<128x256xf32>, vector<1024x256xf32> -> vector<1024x256xf32>
    %get3A_33 = arith.constant 0 : index
    %get3A_34 = arith.constant 0 : index
    %get3A_35 = vector.load %arg8[%get3A_33, %get3A_34] : memref<1x256xf32, #tpu.memory_space<vmem>>, vector<1x256xf32>
    %add3A_36 = vector.broadcast %get3A_35 : vector<1x256xf32> to vector<1024x256xf32>
    %add3A_37 = arith.addf %dot_general3A_32, %add3A_36 : vector<1024x256xf32>
    %slice3A = vector.extract_strided_slice %add3A_37 {offsets = [0, 0], sizes = [1024, 128], strides = [1, 1]} : vector<1024x256xf32> to vector<1024x128xf32>
    %slice3A_38 = vector.extract_strided_slice %add3A_37 {offsets = [0, 128], sizes = [1024, 128], strides = [1, 1]} : vector<1024x256xf32> to vector<1024x128xf32>
    %neg3A = arith.constant 0.000000e+00 : f32
    %neg3A_39 = vector.broadcast %neg3A : f32 to vector<1024x128xf32>
    %neg3A_40 = arith.subf %neg3A_39, %slice3A_38 : vector<1024x128xf32>
    %exp3A = math.exp %neg3A_40 : vector<1024x128xf32>
    %add3A_41 = arith.constant 1.000000e+00 : f32
    %add3A_42 = vector.broadcast %add3A_41 : f32 to vector<1024x128xf32>
    %add3A_43 = arith.addf %add3A_42, %exp3A : vector<1024x128xf32>
    %div3A_44 = arith.constant 1.000000e+00 : f32
    %div3A_45 = vector.broadcast %div3A_44 : f32 to vector<1024x128xf32>
    %div3A_46 = arith.divf %div3A_45, %add3A_43 : vector<1024x128xf32>
    %mul3A_47 = arith.mulf %slice3A_38, %div3A_46 : vector<1024x128xf32>
    %mul3A_48 = arith.mulf %slice3A, %mul3A_47 : vector<1024x128xf32>
    %get3A_49 = arith.constant 0 : index
    %get3A_50 = arith.constant 0 : index
    %get3A_51 = vector.load %arg9[%get3A_49, %get3A_50] : memref<128x128xf32, #tpu.memory_space<vmem>>, vector<128x128xf32>
    %dot_general3A_52 = arith.constant dense<0.000000e+00> : vector<1024x128xf32>
    %dot_general3A_53 = tpu.matmul %mul3A_48, %get3A_51, %dot_general3A_52 {dimension_numbers = #tpu.dot_dimension_numbers<[1], [0], [0], [1], [0, 0, 1, 1], [], []>, transpose_lhs_hint = false} : vector<1024x128xf32>, vector<128x128xf32>, vector<1024x128xf32> -> vector<1024x128xf32>
    %get3A_54 = arith.constant 0 : index
    %get3A_55 = arith.constant 0 : index
    %get3A_56 = vector.load %arg10[%get3A_54, %get3A_55] : memref<1x128xf32, #tpu.memory_space<vmem>>, vector<1x128xf32>
    %add3A_57 = vector.broadcast %get3A_56 : vector<1x128xf32> to vector<1024x128xf32>
    %add3A_58 = arith.addf %dot_general3A_53, %add3A_57 : vector<1024x128xf32>
    %ge3A = arith.constant 0.000000e+00 : f32
    %ge3A_59 = vector.broadcast %ge3A : f32 to vector<1024x128xf32>
    %ge3A_60 = arith.cmpf oge, %add3A_58, %ge3A_59 : vector<1024x128xf32>
    %mul3A_61 = arith.constant 0.00999999977 : f32
    %mul3A_62 = vector.broadcast %mul3A_61 : f32 to vector<1024x128xf32>
    %mul3A_63 = arith.mulf %mul3A_62, %add3A_58 : vector<1024x128xf32>
    %select_n3A = arith.select %ge3A_60, %add3A_58, %mul3A_63 : vector<1024x128xi1>, vector<1024x128xf32>
    %slice3A_64 = vector.extract_strided_slice %select_n3A {offsets = [0, 0], sizes = [512, 128], strides = [1, 1]} : vector<1024x128xf32> to vector<512x128xf32>
    %slice3A_65 = vector.extract_strided_slice %select_n3A {offsets = [512, 0], sizes = [512, 128], strides = [1, 1]} : vector<1024x128xf32> to vector<512x128xf32>
    %add3A_66 = arith.addf %slice3A_64, %slice3A_65 : vector<512x128xf32>
    %get3A_67 = arith.constant 0 : index
    %get3A_68 = arith.constant 0 : index
    %get3A_69 = vector.load %arg3[%get3A_67, %get3A_68] : memref<512x128xf32, #tpu.memory_space<vmem>>, vector<512x128xf32>
    %add3A_70 = arith.addf %add3A_66, %get3A_69 : vector<512x128xf32>
    %mul3A_71 = arith.constant 0.333333343 : f32
    %mul3A_72 = vector.broadcast %mul3A_71 : f32 to vector<512x128xf32>
    %mul3A_73 = arith.mulf %add3A_70, %mul3A_72 : vector<512x128xf32>
    %mul3A_74 = arith.constant 512 : i32
    %mul3A_75 = arith.muli %arg0, %mul3A_74 : i32
    %iota3A = tpu.iota {dimensions = array<i32: 0>} : vector<512x1xi32>
    %add3A_76 = vector.broadcast %mul3A_75 : i32 to vector<512x1xi32>
    %add3A_77 = arith.addi %add3A_76, %iota3A : vector<512x1xi32>
    %lt3A = arith.constant 50000 : i32
    %lt3A_78 = vector.broadcast %lt3A : i32 to vector<512x1xi32>
    %lt3A_79 = arith.cmpi slt, %add3A_77, %lt3A_78 : vector<512x1xi32>
    %jit3A = arith.constant 0.000000e+00 : f32
    %broadcast_in_dim3A_80 = vector.shape_cast %lt3A_79 : vector<512x1xi1> to vector<512x1xi1>
    %broadcast_in_dim3A_81 = vector.broadcast %broadcast_in_dim3A_80 : vector<512x1xi1> to vector<512x128xi1>
    %broadcast_in_dim3A_82 = vector.broadcast %jit3A : f32 to vector<512x128xf32>
    %select_n3A_83 = arith.select %broadcast_in_dim3A_81, %mul3A_73, %broadcast_in_dim3A_82 : vector<512x128xi1>, vector<512x128xf32>
    %get3A_84 = arith.constant 0 : index
    %get3A_85 = arith.constant 0 : index
    %get3A_86 = vector.load %arg4[%get3A_84, %get3A_85] : memref<512x128xf32, #tpu.memory_space<vmem>>, vector<512x128xf32>
    %add3A_87 = arith.addf %get3A_86, %select_n3A_83 : vector<512x128xf32>
    %swap3A = arith.constant 0 : index
    %swap3A_88 = arith.constant 0 : index
    %swap3A_89 = vector.load %arg11[%swap3A, %swap3A_88] : memref<512x128xf32, #tpu.memory_space<vmem>>, vector<512x128xf32>
    tpu.vector_store %arg11[%swap3A, %swap3A_88], %add3A_87 {strides = array<i32>} : memref<512x128xf32, #tpu.memory_space<vmem>>, vector<512x128xf32>,
    return
  }
  func.func @transform_0(%arg0: i32) -> (i32, i32) {
    %c0_i32 = arith.constant 0 : i32
    %c0_i32_0 = arith.constant 0 : i32
    return %arg0, %c0_i32 : i32, i32
  }
  func.func @transform_1(%arg0: i32) -> (i32, i32) {
    %add3A = arith.constant 98 : i32
    %add3A_0 = arith.addi %arg0, %add3A : i32
    %c0_i32 = arith.constant 0 : i32
    %c0_i32_1 = arith.constant 0 : i32
    return %add3A_0, %c0_i32 : i32, i32
  }
  func.func @transform_2(%arg0: i32) -> (i32, i32) {
    %c0_i32 = arith.constant 0 : i32
    %c0_i32_0 = arith.constant 0 : i32
    return %arg0, %c0_i32 : i32, i32
  }
  func.func @transform_3(%arg0: i32) -> (i32, i32) {
    %c0_i32 = arith.constant 0 : i32
    %c0_i32_0 = arith.constant 0 : i32
    return %arg0, %c0_i32 : i32, i32
  }
  func.func @transform_4(%arg0: i32) -> (i32, i32) {
    %c0_i32 = arith.constant 0 : i32
    %c0_i32_0 = arith.constant 0 : i32
    %c0_i32_1 = arith.constant 0 : i32
    return %c0_i32, %c0_i32_0 : i32, i32
  }
  func.func @transform_5(%arg0: i32) -> (i32, i32) {
    %c0_i32 = arith.constant 0 : i32
    %c0_i32_0 = arith.constant 0 : i32
    %c0_i32_1 = arith.constant 0 : i32
    return %c0_i32, %c0_i32_0 : i32, i32
  }
  func.func @transform_6(%arg0: i32) -> (i32, i32) {
    %c0_i32 = arith.constant 0 : i32
    %c0_i32_0 = arith.constant 0 : i32
    %c0_i32_1 = arith.constant 0 : i32
    return %c0_i32, %c0_i32_0 : i32, i32
  }
  func.func @transform_7(%arg0: i32) -> (i32, i32) {
    %c0_i32 = arith.constant 0 : i32
    %c0_i32_0 = arith.constant 0 : i32
    %c0_i32_1 = arith.constant 0 : i32
    return %c0_i32, %c0_i32_0 : i32, i32
  }
  func.func @transform_8(%arg0: i32) -> (i32, i32) {
    %c0_i32 = arith.constant 0 : i32
    %c0_i32_0 = arith.constant 0 : i32
    %c0_i32_1 = arith.constant 0 : i32
    return %c0_i32, %c0_i32_0 : i32, i32
  }
  func.func @transform_9(%arg0: i32) -> (i32, i32) {
    %c0_i32 = arith.constant 0 : i32
    %c0_i32_0 = arith.constant 0 : i32
    %c0_i32_1 = arith.constant 0 : i32
    return %c0_i32, %c0_i32_0 : i32, i32
  }
  func.func @transform_10(%arg0: i32) -> (i32, i32) {
    %c0_i32 = arith.constant 0 : i32
    %c0_i32_0 = arith.constant 0 : i32
    return %arg0, %c0_i32 : i32, i32
  }
}

module attributes {stable_mosaic.version = 14 : i64} {
  func.func @_femb_body(%arg0: i32, %arg1: memref<512x128xf32, #tpu.memory_space<vmem>>, %arg2: memref<128x128xf32, #tpu.memory_space<vmem>>, %arg3: memref<1x128xf32, #tpu.memory_space<vmem>>, %arg4: memref<128x128xf32, #tpu.memory_space<vmem>>, %arg5: memref<1x128xf32, #tpu.memory_space<vmem>>, %arg6: memref<1x128xf32, #tpu.memory_space<vmem>>, %arg7: memref<512x128xf32, #tpu.memory_space<vmem>>) attributes {dimension_semantics = [#tpu.dimension_semantics<arbitrary>], iteration_bounds = array<i64: 98>, scalar_prefetch = 0 : i64, scratch_operands = 0 : i64, tpu.core_type = #tpu.core_type<tc>, window_params = [{transform_indices = @transform_0, window_bounds = array<i64: 512, 128>}, {pipeline_mode = #tpu.pipeline_mode<synchronous>, transform_indices = @transform_1, window_bounds = array<i64: 128, 128>}, {pipeline_mode = #tpu.pipeline_mode<synchronous>, transform_indices = @transform_2, window_bounds = array<i64: 1, 128>}, {pipeline_mode = #tpu.pipeline_mode<synchronous>, transform_indices = @transform_3, window_bounds = array<i64: 128, 128>}, {pipeline_mode = #tpu.pipeline_mode<synchronous>, transform_indices = @transform_4, window_bounds = array<i64: 1, 128>}, {pipeline_mode = #tpu.pipeline_mode<synchronous>, transform_indices = @transform_5, window_bounds = array<i64: 1, 128>}, {transform_indices = @transform_6, window_bounds = array<i64: 512, 128>}]} {
    %get3A = arith.constant 0 : index
    %get3A_0 = arith.constant 0 : index
    %get3A_1 = vector.load %arg1[%get3A, %get3A_0] : memref<512x128xf32, #tpu.memory_space<vmem>>, vector<512x128xf32>
    %get3A_2 = arith.constant 0 : index
    %get3A_3 = arith.constant 0 : index
    %get3A_4 = vector.load %arg2[%get3A_2, %get3A_3] : memref<128x128xf32, #tpu.memory_space<vmem>>, vector<128x128xf32>
    %dot_general3A = arith.constant dense<0.000000e+00> : vector<512x128xf32>
    %dot_general3A_5 = tpu.matmul %get3A_1, %get3A_4, %dot_general3A {dimension_numbers = #tpu.dot_dimension_numbers<[1], [0], [0], [1], [0, 0, 1, 1], [], []>, transpose_lhs_hint = false} : vector<512x128xf32>, vector<128x128xf32>, vector<512x128xf32> -> vector<512x128xf32>
    %get3A_6 = arith.constant 0 : index
    %get3A_7 = arith.constant 0 : index
    %get3A_8 = vector.load %arg3[%get3A_6, %get3A_7] : memref<1x128xf32, #tpu.memory_space<vmem>>, vector<1x128xf32>
    %add3A = vector.broadcast %get3A_8 : vector<1x128xf32> to vector<512x128xf32>
    %add3A_9 = arith.addf %dot_general3A_5, %add3A : vector<512x128xf32>
    %ge3A = arith.constant 0.000000e+00 : f32
    %ge3A_10 = vector.broadcast %ge3A : f32 to vector<512x128xf32>
    %ge3A_11 = arith.cmpf oge, %add3A_9, %ge3A_10 : vector<512x128xf32>
    %mul3A = arith.constant 0.00999999977 : f32
    %mul3A_12 = vector.broadcast %mul3A : f32 to vector<512x128xf32>
    %mul3A_13 = arith.mulf %mul3A_12, %add3A_9 : vector<512x128xf32>
    %select_n3A = arith.select %ge3A_11, %add3A_9, %mul3A_13 : vector<512x128xi1>, vector<512x128xf32>
    %get3A_14 = arith.constant 0 : index
    %get3A_15 = arith.constant 0 : index
    %get3A_16 = vector.load %arg4[%get3A_14, %get3A_15] : memref<128x128xf32, #tpu.memory_space<vmem>>, vector<128x128xf32>
    %dot_general3A_17 = arith.constant dense<0.000000e+00> : vector<512x128xf32>
    %dot_general3A_18 = tpu.matmul %select_n3A, %get3A_16, %dot_general3A_17 {dimension_numbers = #tpu.dot_dimension_numbers<[1], [0], [0], [1], [0, 0, 1, 1], [], []>, transpose_lhs_hint = false} : vector<512x128xf32>, vector<128x128xf32>, vector<512x128xf32> -> vector<512x128xf32>
    %get3A_19 = arith.constant 0 : index
    %get3A_20 = arith.constant 0 : index
    %get3A_21 = vector.load %arg5[%get3A_19, %get3A_20] : memref<1x128xf32, #tpu.memory_space<vmem>>, vector<1x128xf32>
    %add3A_22 = vector.broadcast %get3A_21 : vector<1x128xf32> to vector<512x128xf32>
    %add3A_23 = arith.addf %dot_general3A_18, %add3A_22 : vector<512x128xf32>
    %ge3A_24 = arith.constant 0.000000e+00 : f32
    %ge3A_25 = vector.broadcast %ge3A_24 : f32 to vector<512x128xf32>
    %ge3A_26 = arith.cmpf oge, %add3A_23, %ge3A_25 : vector<512x128xf32>
    %mul3A_27 = arith.constant 0.00999999977 : f32
    %mul3A_28 = vector.broadcast %mul3A_27 : f32 to vector<512x128xf32>
    %mul3A_29 = arith.mulf %mul3A_28, %add3A_23 : vector<512x128xf32>
    %select_n3A_30 = arith.select %ge3A_26, %add3A_23, %mul3A_29 : vector<512x128xi1>, vector<512x128xf32>
    %mul3A_31 = arith.constant 512 : i32
    %mul3A_32 = arith.muli %arg0, %mul3A_31 : i32
    %iota3A = tpu.iota {dimensions = array<i32: 0>} : vector<512x1xi32>
    %add3A_33 = vector.broadcast %mul3A_32 : i32 to vector<512x1xi32>
    %add3A_34 = arith.addi %add3A_33, %iota3A : vector<512x1xi32>
    %lt3A = arith.constant 50000 : i32
    %lt3A_35 = vector.broadcast %lt3A : i32 to vector<512x1xi32>
    %lt3A_36 = arith.cmpi slt, %add3A_34, %lt3A_35 : vector<512x1xi32>
    %get3A_37 = arith.constant 0 : index
    %get3A_38 = arith.constant 0 : index
    %get3A_39 = vector.load %arg6[%get3A_37, %get3A_38] : memref<1x128xf32, #tpu.memory_space<vmem>>, vector<1x128xf32>
    %broadcast_in_dim3A = vector.shape_cast %lt3A_36 : vector<512x1xi1> to vector<512x1xi1>
    %broadcast_in_dim3A_40 = vector.broadcast %broadcast_in_dim3A : vector<512x1xi1> to vector<512x128xi1>
    %broadcast_in_dim3A_41 = vector.shape_cast %get3A_39 : vector<1x128xf32> to vector<1x128xf32>
    %broadcast_in_dim3A_42 = vector.broadcast %broadcast_in_dim3A_41 : vector<1x128xf32> to vector<512x128xf32>
    %select_n3A_43 = arith.select %broadcast_in_dim3A_40, %select_n3A_30, %broadcast_in_dim3A_42 : vector<512x128xi1>, vector<512x128xf32>
    %swap3A = arith.constant 0 : index
    %swap3A_44 = arith.constant 0 : index
    %swap3A_45 = vector.load %arg7[%swap3A, %swap3A_44] : memref<512x128xf32, #tpu.memory_space<vmem>>, vector<512x128xf32>
    tpu.vector_store %arg7[%swap3A, %swap3A_44], %select_n3A_43 {strides = array<i32>} : memref<512x128xf32, #tpu.memory_space<vmem>>, vector<512x128xf32>,
    return
  }
  func.func @transform_0(%arg0: i32) -> (i32, i32) {
    %c0_i32 = arith.constant 0 : i32
    %c0_i32_0 = arith.constant 0 : i32
    return %arg0, %c0_i32 : i32, i32
  }
  func.func @transform_1(%arg0: i32) -> (i32, i32) {
    %c0_i32 = arith.constant 0 : i32
    %c0_i32_0 = arith.constant 0 : i32
    %c0_i32_1 = arith.constant 0 : i32
    return %c0_i32, %c0_i32_0 : i32, i32
  }
  func.func @transform_2(%arg0: i32) -> (i32, i32) {
    %c0_i32 = arith.constant 0 : i32
    %c0_i32_0 = arith.constant 0 : i32
    %c0_i32_1 = arith.constant 0 : i32
    return %c0_i32, %c0_i32_0 : i32, i32
  }
  func.func @transform_3(%arg0: i32) -> (i32, i32) {
    %c0_i32 = arith.constant 0 : i32
    %c0_i32_0 = arith.constant 0 : i32
    %c0_i32_1 = arith.constant 0 : i32
    return %c0_i32, %c0_i32_0 : i32, i32
  }
  func.func @transform_4(%arg0: i32) -> (i32, i32) {
    %c0_i32 = arith.constant 0 : i32
    %c0_i32_0 = arith.constant 0 : i32
    %c0_i32_1 = arith.constant 0 : i32
    return %c0_i32, %c0_i32_0 : i32, i32
  }
  func.func @transform_5(%arg0: i32) -> (i32, i32) {
    %c0_i32 = arith.constant 0 : i32
    %c0_i32_0 = arith.constant 0 : i32
    %c0_i32_1 = arith.constant 0 : i32
    return %c0_i32, %c0_i32_0 : i32, i32
  }
  func.func @transform_6(%arg0: i32) -> (i32, i32) {
    %c0_i32 = arith.constant 0 : i32
    %c0_i32_0 = arith.constant 0 : i32
    return %arg0, %c0_i32 : i32, i32
  }
}

module attributes {stable_mosaic.version = 14 : i64} {
  func.func @_head_body(%arg0: i32, %arg1: memref<1000x128xf32, #tpu.memory_space<vmem>>, %arg2: memref<1x128xf32, #tpu.memory_space<vmem>>, %arg3: memref<1x128xf32, #tpu.memory_space<vmem>>, %arg4: memref<128x256xf32, #tpu.memory_space<vmem>>, %arg5: memref<1x256xf32, #tpu.memory_space<vmem>>, %arg6: memref<128x1xf32, #tpu.memory_space<vmem>>, %arg7: memref<1x1xf32, #tpu.memory_space<vmem>>, %arg8: memref<1x128xf32, #tpu.memory_space<vmem>>, %arg9: memref<1x128xf32, #tpu.memory_space<vmem>>, %arg10: memref<128x256xf32, #tpu.memory_space<vmem>>, %arg11: memref<1x256xf32, #tpu.memory_space<vmem>>, %arg12: memref<128x1xf32, #tpu.memory_space<vmem>>, %arg13: memref<1x1xf32, #tpu.memory_space<vmem>>, %arg14: memref<1000x128xf32, #tpu.memory_space<vmem>>, %arg15: memref<1000x1xf32, #tpu.memory_space<vmem>>, %arg16: memref<1000x1xf32, #tpu.memory_space<vmem>>) attributes {dimension_semantics = [#tpu.dimension_semantics<arbitrary>], iteration_bounds = array<i64: 50>, scalar_prefetch = 0 : i64, scratch_operands = 0 : i64, tpu.core_type = #tpu.core_type<tc>, window_params = [{transform_indices = @transform_0, window_bounds = array<i64: 1000, 128>}, {pipeline_mode = #tpu.pipeline_mode<synchronous>, transform_indices = @transform_1, window_bounds = array<i64: 1, 128>}, {pipeline_mode = #tpu.pipeline_mode<synchronous>, transform_indices = @transform_2, window_bounds = array<i64: 1, 128>}, {pipeline_mode = #tpu.pipeline_mode<synchronous>, transform_indices = @transform_3, window_bounds = array<i64: 128, 256>}, {pipeline_mode = #tpu.pipeline_mode<synchronous>, transform_indices = @transform_4, window_bounds = array<i64: 1, 256>}, {pipeline_mode = #tpu.pipeline_mode<synchronous>, transform_indices = @transform_5, window_bounds = array<i64: 128, 1>}, {pipeline_mode = #tpu.pipeline_mode<synchronous>, transform_indices = @transform_6, window_bounds = array<i64: 1, 1>}, {pipeline_mode = #tpu.pipeline_mode<synchronous>, transform_indices = @transform_7, window_bounds = array<i64: 1, 128>}, {pipeline_mode = #tpu.pipeline_mode<synchronous>, transform_indices = @transform_8, window_bounds = array<i64: 1, 128>}, {pipeline_mode = #tpu.pipeline_mode<synchronous>, transform_indices = @transform_9, window_bounds = array<i64: 128, 256>}, {pipeline_mode = #tpu.pipeline_mode<synchronous>, transform_indices = @transform_10, window_bounds = array<i64: 1, 256>}, {pipeline_mode = #tpu.pipeline_mode<synchronous>, transform_indices = @transform_11, window_bounds = array<i64: 128, 1>}, {pipeline_mode = #tpu.pipeline_mode<synchronous>, transform_indices = @transform_12, window_bounds = array<i64: 1, 1>}, {transform_indices = @transform_13, window_bounds = array<i64: 1000, 128>}, {transform_indices = @transform_14, window_bounds = array<i64: 1000, 1>}, {transform_indices = @transform_15, window_bounds = array<i64: 1000, 1>}]} {
    %get3A = arith.constant 0 : index
    %get3A_0 = arith.constant 0 : index
    %get3A_1 = vector.load %arg1[%get3A, %get3A_0] : memref<1000x128xf32, #tpu.memory_space<vmem>>, vector<1000x128xf32>
    %swap3A = arith.constant 0 : index
    %swap3A_2 = arith.constant 0 : index
    %swap3A_3 = vector.load %arg14[%swap3A, %swap3A_2] : memref<1000x128xf32, #tpu.memory_space<vmem>>, vector<1000x128xf32>
    tpu.vector_store %arg14[%swap3A, %swap3A_2], %get3A_1 {strides = array<i32>} : memref<1000x128xf32, #tpu.memory_space<vmem>>, vector<1000x128xf32>,
    %get3A_4 = arith.constant 0 : index
    %get3A_5 = arith.constant 0 : index
    %get3A_6 = vector.load %arg2[%get3A_4, %get3A_5] : memref<1x128xf32, #tpu.memory_space<vmem>>, vector<1x128xf32>
    %get3A_7 = arith.constant 0 : index
    %get3A_8 = arith.constant 0 : index
    %get3A_9 = vector.load %arg3[%get3A_7, %get3A_8] : memref<1x128xf32, #tpu.memory_space<vmem>>, vector<1x128xf32>
    %get3A_10 = arith.constant 0 : index
    %get3A_11 = arith.constant 0 : index
    %get3A_12 = vector.load %arg4[%get3A_10, %get3A_11] : memref<128x256xf32, #tpu.memory_space<vmem>>, vector<128x256xf32>
    %get3A_13 = arith.constant 0 : index
    %get3A_14 = arith.constant 0 : index
    %get3A_15 = vector.load %arg5[%get3A_13, %get3A_14] : memref<1x256xf32, #tpu.memory_space<vmem>>, vector<1x256xf32>
    %get3A_16 = arith.constant 0 : index
    %get3A_17 = arith.constant 0 : index
    %get3A_18 = vector.load %arg6[%get3A_16, %get3A_17] : memref<128x1xf32, #tpu.memory_space<vmem>>, vector<128x1xf32>
    %reduce_sum3A = arith.constant dense<0.000000e+00> : vector<1000xf32>
    %reduce_sum3A_19 = vector.multi_reduction <add>, %get3A_1, %reduce_sum3A [1] : vector<1000x128xf32> to vector<1000xf32>
    %broadcast_in_dim3A = vector.shape_cast %reduce_sum3A_19 : vector<1000xf32> to vector<1000x1xf32>
    %div3A = arith.constant 1.280000e+02 : f32
    %div3A_20 = vector.broadcast %div3A : f32 to vector<1000x1xf32>
    %div3A_21 = arith.divf %broadcast_in_dim3A, %div3A_20 : vector<1000x1xf32>
    %sub3A = vector.broadcast %div3A_21 : vector<1000x1xf32> to vector<1000x128xf32>
    %sub3A_22 = arith.subf %get3A_1, %sub3A : vector<1000x128xf32>
    %mul3A = arith.mulf %sub3A_22, %sub3A_22 : vector<1000x128xf32>
    %reduce_sum3A_23 = arith.constant dense<0.000000e+00> : vector<1000xf32>
    %reduce_sum3A_24 = vector.multi_reduction <add>, %mul3A, %reduce_sum3A_23 [1] : vector<1000x128xf32> to vector<1000xf32>
    %broadcast_in_dim3A_25 = vector.shape_cast %reduce_sum3A_24 : vector<1000xf32> to vector<1000x1xf32>
    %div3A_26 = arith.constant 1.280000e+02 : f32
    %div3A_27 = vector.broadcast %div3A_26 : f32 to vector<1000x1xf32>
    %div3A_28 = arith.divf %broadcast_in_dim3A_25, %div3A_27 : vector<1000x1xf32>
    %add3A = arith.constant 9.99999974E-6 : f32
    %add3A_29 = vector.broadcast %add3A : f32 to vector<1000x1xf32>
    %add3A_30 = arith.addf %div3A_28, %add3A_29 : vector<1000x1xf32>
    %rsqrt3A = math.rsqrt %add3A_30 : vector<1000x1xf32>
    %mul3A_31 = vector.broadcast %rsqrt3A : vector<1000x1xf32> to vector<1000x128xf32>
    %mul3A_32 = arith.mulf %sub3A_22, %mul3A_31 : vector<1000x128xf32>
    %mul3A_33 = vector.broadcast %get3A_6 : vector<1x128xf32> to vector<1000x128xf32>
    %mul3A_34 = arith.mulf %mul3A_32, %mul3A_33 : vector<1000x128xf32>
    %add3A_35 = vector.broadcast %get3A_9 : vector<1x128xf32> to vector<1000x128xf32>
    %add3A_36 = arith.addf %mul3A_34, %add3A_35 : vector<1000x128xf32>
    %dot_general3A = arith.constant dense<0.000000e+00> : vector<1000x256xf32>
    %dot_general3A_37 = tpu.matmul %add3A_36, %get3A_12, %dot_general3A {dimension_numbers = #tpu.dot_dimension_numbers<[1], [0], [0], [1], [0, 0, 1, 1], [], []>, transpose_lhs_hint = false} : vector<1000x128xf32>, vector<128x256xf32>, vector<1000x256xf32> -> vector<1000x256xf32>
    %add3A_38 = vector.broadcast %get3A_15 : vector<1x256xf32> to vector<1000x256xf32>
    %add3A_39 = arith.addf %dot_general3A_37, %add3A_38 : vector<1000x256xf32>
    %slice3A = vector.extract_strided_slice %add3A_39 {offsets = [0, 0], sizes = [1000, 128], strides = [1, 1]} : vector<1000x256xf32> to vector<1000x128xf32>
    %slice3A_40 = vector.extract_strided_slice %add3A_39 {offsets = [0, 128], sizes = [1000, 128], strides = [1, 1]} : vector<1000x256xf32> to vector<1000x128xf32>
    %neg3A = arith.constant 0.000000e+00 : f32
    %neg3A_41 = vector.broadcast %neg3A : f32 to vector<1000x128xf32>
    %neg3A_42 = arith.subf %neg3A_41, %slice3A_40 : vector<1000x128xf32>
    %exp3A = math.exp %neg3A_42 : vector<1000x128xf32>
    %add3A_43 = arith.constant 1.000000e+00 : f32
    %add3A_44 = vector.broadcast %add3A_43 : f32 to vector<1000x128xf32>
    %add3A_45 = arith.addf %add3A_44, %exp3A : vector<1000x128xf32>
    %div3A_46 = arith.constant 1.000000e+00 : f32
    %div3A_47 = vector.broadcast %div3A_46 : f32 to vector<1000x128xf32>
    %div3A_48 = arith.divf %div3A_47, %add3A_45 : vector<1000x128xf32>
    %mul3A_49 = arith.mulf %slice3A_40, %div3A_48 : vector<1000x128xf32>
    %mul3A_50 = arith.mulf %slice3A, %mul3A_49 : vector<1000x128xf32>
    %dot_general3A_51 = arith.constant dense<0.000000e+00> : vector<1000x1xf32>
    %dot_general3A_52 = tpu.matmul %mul3A_50, %get3A_18, %dot_general3A_51 {dimension_numbers = #tpu.dot_dimension_numbers<[1], [0], [0], [1], [0, 0, 1, 1], [], []>, transpose_lhs_hint = false} : vector<1000x128xf32>, vector<128x1xf32>, vector<1000x1xf32> -> vector<1000x1xf32>
    %get3A_53 = arith.constant 0 : index
    %get3A_54 = arith.constant 0 : index
    %get3A_55 = vector.load %arg7[%get3A_53, %get3A_54] : memref<1x1xf32, #tpu.memory_space<vmem>>, vector<1x1xf32>
    %add3A_56 = vector.broadcast %get3A_55 : vector<1x1xf32> to vector<1000x1xf32>
    %add3A_57 = arith.addf %dot_general3A_52, %add3A_56 : vector<1000x1xf32>
    %swap3A_58 = arith.constant 0 : index
    %swap3A_59 = arith.constant 0 : index
    %swap3A_60 = vector.load %arg15[%swap3A_58, %swap3A_59] : memref<1000x1xf32, #tpu.memory_space<vmem>>, vector<1000x1xf32>
    tpu.vector_store %arg15[%swap3A_58, %swap3A_59], %add3A_57 {strides = array<i32>} : memref<1000x1xf32, #tpu.memory_space<vmem>>, vector<1000x1xf32>,
    %get3A_61 = arith.constant 0 : index
    %get3A_62 = arith.constant 0 : index
    %get3A_63 = vector.load %arg8[%get3A_61, %get3A_62] : memref<1x128xf32, #tpu.memory_space<vmem>>, vector<1x128xf32>
    %get3A_64 = arith.constant 0 : index
    %get3A_65 = arith.constant 0 : index
    %get3A_66 = vector.load %arg9[%get3A_64, %get3A_65] : memref<1x128xf32, #tpu.memory_space<vmem>>, vector<1x128xf32>
    %get3A_67 = arith.constant 0 : index
    %get3A_68 = arith.constant 0 : index
    %get3A_69 = vector.load %arg10[%get3A_67, %get3A_68] : memref<128x256xf32, #tpu.memory_space<vmem>>, vector<128x256xf32>
    %get3A_70 = arith.constant 0 : index
    %get3A_71 = arith.constant 0 : index
    %get3A_72 = vector.load %arg11[%get3A_70, %get3A_71] : memref<1x256xf32, #tpu.memory_space<vmem>>, vector<1x256xf32>
    %get3A_73 = arith.constant 0 : index
    %get3A_74 = arith.constant 0 : index
    %get3A_75 = vector.load %arg12[%get3A_73, %get3A_74] : memref<128x1xf32, #tpu.memory_space<vmem>>, vector<128x1xf32>
    %reduce_sum3A_76 = arith.constant dense<0.000000e+00> : vector<1000xf32>
    %reduce_sum3A_77 = vector.multi_reduction <add>, %get3A_1, %reduce_sum3A_76 [1] : vector<1000x128xf32> to vector<1000xf32>
    %broadcast_in_dim3A_78 = vector.shape_cast %reduce_sum3A_77 : vector<1000xf32> to vector<1000x1xf32>
    %div3A_79 = arith.constant 1.280000e+02 : f32
    %div3A_80 = vector.broadcast %div3A_79 : f32 to vector<1000x1xf32>
    %div3A_81 = arith.divf %broadcast_in_dim3A_78, %div3A_80 : vector<1000x1xf32>
    %sub3A_82 = vector.broadcast %div3A_81 : vector<1000x1xf32> to vector<1000x128xf32>
    %sub3A_83 = arith.subf %get3A_1, %sub3A_82 : vector<1000x128xf32>
    %mul3A_84 = arith.mulf %sub3A_83, %sub3A_83 : vector<1000x128xf32>
    %reduce_sum3A_85 = arith.constant dense<0.000000e+00> : vector<1000xf32>
    %reduce_sum3A_86 = vector.multi_reduction <add>, %mul3A_84, %reduce_sum3A_85 [1] : vector<1000x128xf32> to vector<1000xf32>
    %broadcast_in_dim3A_87 = vector.shape_cast %reduce_sum3A_86 : vector<1000xf32> to vector<1000x1xf32>
    %div3A_88 = arith.constant 1.280000e+02 : f32
    %div3A_89 = vector.broadcast %div3A_88 : f32 to vector<1000x1xf32>
    %div3A_90 = arith.divf %broadcast_in_dim3A_87, %div3A_89 : vector<1000x1xf32>
    %add3A_91 = arith.constant 9.99999974E-6 : f32
    %add3A_92 = vector.broadcast %add3A_91 : f32 to vector<1000x1xf32>
    %add3A_93 = arith.addf %div3A_90, %add3A_92 : vector<1000x1xf32>
    %rsqrt3A_94 = math.rsqrt %add3A_93 : vector<1000x1xf32>
    %mul3A_95 = vector.broadcast %rsqrt3A_94 : vector<1000x1xf32> to vector<1000x128xf32>
    %mul3A_96 = arith.mulf %sub3A_83, %mul3A_95 : vector<1000x128xf32>
    %mul3A_97 = vector.broadcast %get3A_63 : vector<1x128xf32> to vector<1000x128xf32>
    %mul3A_98 = arith.mulf %mul3A_96, %mul3A_97 : vector<1000x128xf32>
    %add3A_99 = vector.broadcast %get3A_66 : vector<1x128xf32> to vector<1000x128xf32>
    %add3A_100 = arith.addf %mul3A_98, %add3A_99 : vector<1000x128xf32>
    %dot_general3A_101 = arith.constant dense<0.000000e+00> : vector<1000x256xf32>
    %dot_general3A_102 = tpu.matmul %add3A_100, %get3A_69, %dot_general3A_101 {dimension_numbers = #tpu.dot_dimension_numbers<[1], [0], [0], [1], [0, 0, 1, 1], [], []>, transpose_lhs_hint = false} : vector<1000x128xf32>, vector<128x256xf32>, vector<1000x256xf32> -> vector<1000x256xf32>
    %add3A_103 = vector.broadcast %get3A_72 : vector<1x256xf32> to vector<1000x256xf32>
    %add3A_104 = arith.addf %dot_general3A_102, %add3A_103 : vector<1000x256xf32>
    %slice3A_105 = vector.extract_strided_slice %add3A_104 {offsets = [0, 0], sizes = [1000, 128], strides = [1, 1]} : vector<1000x256xf32> to vector<1000x128xf32>
    %slice3A_106 = vector.extract_strided_slice %add3A_104 {offsets = [0, 128], sizes = [1000, 128], strides = [1, 1]} : vector<1000x256xf32> to vector<1000x128xf32>
    %neg3A_107 = arith.constant 0.000000e+00 : f32
    %neg3A_108 = vector.broadcast %neg3A_107 : f32 to vector<1000x128xf32>
    %neg3A_109 = arith.subf %neg3A_108, %slice3A_106 : vector<1000x128xf32>
    %exp3A_110 = math.exp %neg3A_109 : vector<1000x128xf32>
    %add3A_111 = arith.constant 1.000000e+00 : f32
    %add3A_112 = vector.broadcast %add3A_111 : f32 to vector<1000x128xf32>
    %add3A_113 = arith.addf %add3A_112, %exp3A_110 : vector<1000x128xf32>
    %div3A_114 = arith.constant 1.000000e+00 : f32
    %div3A_115 = vector.broadcast %div3A_114 : f32 to vector<1000x128xf32>
    %div3A_116 = arith.divf %div3A_115, %add3A_113 : vector<1000x128xf32>
    %mul3A_117 = arith.mulf %slice3A_106, %div3A_116 : vector<1000x128xf32>
    %mul3A_118 = arith.mulf %slice3A_105, %mul3A_117 : vector<1000x128xf32>
    %dot_general3A_119 = arith.constant dense<0.000000e+00> : vector<1000x1xf32>
    %dot_general3A_120 = tpu.matmul %mul3A_118, %get3A_75, %dot_general3A_119 {dimension_numbers = #tpu.dot_dimension_numbers<[1], [0], [0], [1], [0, 0, 1, 1], [], []>, transpose_lhs_hint = false} : vector<1000x128xf32>, vector<128x1xf32>, vector<1000x1xf32> -> vector<1000x1xf32>
    %get3A_121 = arith.constant 0 : index
    %get3A_122 = arith.constant 0 : index
    %get3A_123 = vector.load %arg13[%get3A_121, %get3A_122] : memref<1x1xf32, #tpu.memory_space<vmem>>, vector<1x1xf32>
    %add3A_124 = vector.broadcast %get3A_123 : vector<1x1xf32> to vector<1000x1xf32>
    %add3A_125 = arith.addf %dot_general3A_120, %add3A_124 : vector<1000x1xf32>
    %tanh3A = math.tanh %add3A_125 : vector<1000x1xf32>
    %swap3A_126 = arith.constant 0 : index
    %swap3A_127 = arith.constant 0 : index
    %swap3A_128 = vector.load %arg16[%swap3A_126, %swap3A_127] : memref<1000x1xf32, #tpu.memory_space<vmem>>, vector<1000x1xf32>
    tpu.vector_store %arg16[%swap3A_126, %swap3A_127], %tanh3A {strides = array<i32>} : memref<1000x1xf32, #tpu.memory_space<vmem>>, vector<1000x1xf32>,
    return
  }
  func.func @transform_0(%arg0: i32) -> (i32, i32) {
    %c0_i32 = arith.constant 0 : i32
    %c0_i32_0 = arith.constant 0 : i32
    return %arg0, %c0_i32 : i32, i32
  }
  func.func @transform_1(%arg0: i32) -> (i32, i32) {
    %c0_i32 = arith.constant 0 : i32
    %c0_i32_0 = arith.constant 0 : i32
    %c0_i32_1 = arith.constant 0 : i32
    return %c0_i32, %c0_i32_0 : i32, i32
  }
  func.func @transform_2(%arg0: i32) -> (i32, i32) {
    %c0_i32 = arith.constant 0 : i32
    %c0_i32_0 = arith.constant 0 : i32
    %c0_i32_1 = arith.constant 0 : i32
    return %c0_i32, %c0_i32_0 : i32, i32
  }
  func.func @transform_3(%arg0: i32) -> (i32, i32) {
    %c0_i32 = arith.constant 0 : i32
    %c0_i32_0 = arith.constant 0 : i32
    %c0_i32_1 = arith.constant 0 : i32
    return %c0_i32, %c0_i32_0 : i32, i32
  }
  func.func @transform_4(%arg0: i32) -> (i32, i32) {
    %c0_i32 = arith.constant 0 : i32
    %c0_i32_0 = arith.constant 0 : i32
    %c0_i32_1 = arith.constant 0 : i32
    return %c0_i32, %c0_i32_0 : i32, i32
  }
  func.func @transform_5(%arg0: i32) -> (i32, i32) {
    %c0_i32 = arith.constant 0 : i32
    %c0_i32_0 = arith.constant 0 : i32
    %c0_i32_1 = arith.constant 0 : i32
    return %c0_i32, %c0_i32_0 : i32, i32
  }
  func.func @transform_6(%arg0: i32) -> (i32, i32) {
    %c0_i32 = arith.constant 0 : i32
    %c0_i32_0 = arith.constant 0 : i32
    %c0_i32_1 = arith.constant 0 : i32
    return %c0_i32, %c0_i32_0 : i32, i32
  }
  func.func @transform_7(%arg0: i32) -> (i32, i32) {
    %c0_i32 = arith.constant 0 : i32
    %c0_i32_0 = arith.constant 0 : i32
    %c0_i32_1 = arith.constant 0 : i32
    return %c0_i32, %c0_i32_0 : i32, i32
  }
  func.func @transform_8(%arg0: i32) -> (i32, i32) {
    %c0_i32 = arith.constant 0 : i32
    %c0_i32_0 = arith.constant 0 : i32
    %c0_i32_1 = arith.constant 0 : i32
    return %c0_i32, %c0_i32_0 : i32, i32
  }
  func.func @transform_9(%arg0: i32) -> (i32, i32) {
    %c0_i32 = arith.constant 0 : i32
    %c0_i32_0 = arith.constant 0 : i32
    %c0_i32_1 = arith.constant 0 : i32
    return %c0_i32, %c0_i32_0 : i32, i32
  }
  func.func @transform_10(%arg0: i32) -> (i32, i32) {
    %c0_i32 = arith.constant 0 : i32
    %c0_i32_0 = arith.constant 0 : i32
    %c0_i32_1 = arith.constant 0 : i32
    return %c0_i32, %c0_i32_0 : i32, i32
  }
  func.func @transform_11(%arg0: i32) -> (i32, i32) {
    %c0_i32 = arith.constant 0 : i32
    %c0_i32_0 = arith.constant 0 : i32
    %c0_i32_1 = arith.constant 0 : i32
    return %c0_i32, %c0_i32_0 : i32, i32
  }
  func.func @transform_12(%arg0: i32) -> (i32, i32) {
    %c0_i32 = arith.constant 0 : i32
    %c0_i32_0 = arith.constant 0 : i32
    %c0_i32_1 = arith.constant 0 : i32
    return %c0_i32, %c0_i32_0 : i32, i32
  }
  func.func @transform_13(%arg0: i32) -> (i32, i32) {
    %c0_i32 = arith.constant 0 : i32
    %c0_i32_0 = arith.constant 0 : i32
    return %arg0, %c0_i32 : i32, i32
  }
  func.func @transform_14(%arg0: i32) -> (i32, i32) {
    %c0_i32 = arith.constant 0 : i32
    %c0_i32_0 = arith.constant 0 : i32
    return %arg0, %c0_i32 : i32, i32
  }
  func.func @transform_15(%arg0: i32) -> (i32, i32) {
    %c0_i32 = arith.constant 0 : i32
    %c0_i32_0 = arith.constant 0 : i32
    return %arg0, %c0_i32 : i32, i32
  }
}

</mosaic_0001>

<sc_bundles>
// kernel: kernel.19.cloned.1.call-start
scs
__scs_entry_jumppad:
0x0: {  	(pc) =	sbr.rel $0x88, $3  }
0x1: {  	(tag) =	ssettag $0x0;
	lr =	simm.s32 $0x1  }
0x2: {  	[smem:$0x3F86] =	sst lr;
	_ =	strace $0xD0000000  }
0x3: {  	_ = 	snop  }
0x4: {  	_ = 	snop  }
0x5: {  	_ = 	snop  }
0x6: {  	_ = 	snop  }
0x7: {  	_ = 	snop  }
__scs_overlays_trampoline_lowered:
0x8: {  	[smem:$0x3F95] =	sst s0  }
0x9: {  	[smem:$0x3F96] =	sst s1  }
0xa: {  	[smem:$0x3F97] =	sst s2  }
0xb: {  	[smem:$0x3F98] =	sst s3  }
0xc: {  	[smem:$0x3F99] =	sst s4  }
0xd: {  	[smem:$0x3F9A] =	sst s5  }
0xe: {  	[smem:$0x3F9B] =	sst s6  }
0xf: {  	[smem:$0x3F9C] =	sst s7  }
0x10: {  	[smem:$0x3F9D] =	sst s8  }
0x11: {  	[smem:$0x3F9E] =	sst s9;
	s0 =	simm.s32 @!p0 $0x0  }
0x12: {  	s1 =	sld [smem:$0x3F84];
	s0 =	simm.s32 @p0 $0x1  }
0x13: {  	[smem:$0x3F9F] =	sst s0;
	s0 =	simm.s32 @!p1 $0x0  }
0x14: {  	s2 =	sld [smem:$0x3F83];
	s0 =	simm.s32 @p1 $0x1  }
0x15: {  	[smem:$0x3FA0] =	sst s0;
	s0 =	simm.s32 @!p2 $0x0  }
0x16: {  	s3 =	sld [smem:$0x3FDB];
	s0 =	simm.s32 @p2 $0x1  }
0x17: {  	s4 =	simm.s32 $0x1BF5;
	[smem:$0x3FA2] =	sst s0  }
0x18: {  	s0 =	sld [smem:$0x3F85];
	_ =	swait.ge [sflag:s4], $0x0  }
0x19: {  	s7 =	sld [smem:$0x3F86]  }
0x1a: {  	s8 =	sadd.s32 $0xFFFFE003, lr  }
0x1b: {  	s9 =	sadd.s32 $0xFFFFFEF7, lr;
	s5 =	simm.s32 $0xFFFFFFFF;
	p2 =	slt.u32 s8, $0xFFFFF086  }
0x1c: {  	p1 =	slt.u32 s9, $0xF7A;
	s5 =	simm.s32 @!p2 $0x0  }
0x1d: {  	s5 =	simm.s32 @p1 $0x1;
	p0 =	seq.s32 s7, s2  }
0x1e: {  	s7 =	smul.u32 @!p0 $0xF7A, s2;
	p2 =	seq.s32 @!p0 s5, $0x0  }
0x1f: {  	s9 =	smul.u32 $0xF7A, s1;
	s8 =	simm.s32 @!p0 $0x1BF5;
	p2 =	por !p2, p0  }
0x20: {  	[sflag:s8] =	ssyncset.s32 @!p0 $0xFFFFF086;
	s6 =	sadd.s32 @!p0 s3, s7;
	s7 =	simm.s32 @!p0 $0x108  }
0x21: {  	s3 =	sadd.s32 s3, s9;
	s6 =	sadd.s32 @!p0 $0x88, s6;
	s7 =	simm.s32 @p2 $0x1082  }
0x22: {  	[simem:s7], [sflag:s8] =	dma.local @!p0 [hbm:s6], $0xF7A  }
0x23: {  	s9 =	sor.u32 $0xD0000000, s2;
	s6 =	simm.s32 $0x108;
	_ =	swait.ge @!p0 [sflag:s8], $0x0  }
0x24: {  	s3 =	sadd.s32 $0x88, s3;
	s6 =	simm.s32 @!p1 $0x1082;
	[sflag:s4] =	ssyncset.s32 $0xFFFFF086  }
0x25: {  	[simem:s6], [sflag:s4] =	dma.local [hbm:s3], $0xF7A  }
0x26: {  	[smem:$0x3F86] =	sst s1;
	(tag) =	ssettag s2;
	_ =	strace s9  }
0x27: {  	s1 =	sld [smem:$0x3F96]  }
0x28: {  	s2 =	sld [smem:$0x3F97]  }
0x29: {  	s4 =	sld [smem:$0x3F99]  }
0x2a: {  	p0 =	seq.s32 s5, $0x0;
	s5 =	sld [smem:$0x3F9A]  }
0x2b: {  	s6 =	sld [smem:$0x3F9B]  }
0x2c: {  	s7 =	sld [smem:$0x3F9C]  }
0x2d: {  	s3 =	simm.s32 $0x108;
	s8 =	sld [smem:$0x3F9D]  }
0x2e: {  	s3 =	simm.s32 @!p0 $0x1082;
	s9 =	sld [smem:$0x3F9E]  }
0x2f: {  	lr =	sadd.s32 s0, s3;
	s0 =	sld [smem:$0x3F95]  }
0x30: {  	s3 =	sld [smem:$0x3F98]  }
0x31: {  	[smem:$0x3FA1] =	sst s10  }
0x32: {  	s10 =	sld [smem:$0x3F9F];
	_ =	sdelay $0x3  }
0x33: {  	p0 =	seq.s32 s10, $0x1;
	s10 =	sld [smem:$0x3FA1];
	_ =	sdelay $0x3  }
0x34: {  	[smem:$0x3FA1] =	sst s10  }
0x35: {  	s10 =	sld [smem:$0x3FA0];
	_ =	sdelay $0x3  }
0x36: {  	p1 =	seq.s32 s10, $0x1;
	s10 =	sld [smem:$0x3FA1];
	_ =	sdelay $0x3  }
0x37: {  	[smem:$0x3FA1] =	sst s10  }
0x38: {  	s10 =	sld [smem:$0x3FA2]  }
0x39: {  	_ = 	snop;
	(pc) =	sbr.ind lr, $3  }
0x3a: {  	_ = 	snop  }
0x3b: {  	_ = 	snop  }
0x3c: {  	p2 =	seq.s32 s10, $0x1;
	s10 =	sld [smem:$0x3FA1]  }
0x3d: {  	_ =	shalt  }
0x3e: {  	_ =	shalt  }
0x3f: {  	_ =	shalt  }
0x40: {  	_ =	shalt  }
0x41: {  	_ =	shalt  }
0x42: {  	_ =	shalt  }
0x43: {  	_ =	shalt  }
0x44: {  	_ =	shalt  }
0x45: {  	_ =	shalt  }
0x46: {  	_ =	shalt  }
0x47: {  	_ =	shalt  }
0x48: {  	_ =	shalt  }
0x49: {  	_ =	shalt  }
0x4a: {  	_ =	shalt  }
0x4b: {  	_ =	shalt  }
0x4c: {  	_ =	shalt  }
0x4d: {  	_ =	shalt  }
0x4e: {  	_ =	shalt  }
0x4f: {  	_ =	shalt  }
0x50: {  	_ =	shalt  }
0x51: {  	_ =	shalt  }
0x52: {  	_ =	shalt  }
0x53: {  	_ =	shalt  }
0x54: {  	_ =	shalt  }
0x55: {  	_ =	shalt  }
0x56: {  	_ =	shalt  }
0x57: {  	_ =	shalt  }
0x58: {  	_ =	shalt  }
0x59: {  	_ =	shalt  }
0x5a: {  	_ =	shalt  }
0x5b: {  	_ =	shalt  }
0x5c: {  	_ =	shalt  }
0x5d: {  	_ =	shalt  }
0x5e: {  	_ =	shalt  }
0x5f: {  	_ =	shalt  }
0x60: {  	_ =	shalt  }
0x61: {  	_ =	shalt  }
0x62: {  	_ =	shalt  }
0x63: {  	_ =	shalt  }
0x64: {  	_ =	shalt  }
0x65: {  	_ =	shalt  }
0x66: {  	_ =	shalt  }
0x67: {  	_ =	shalt  }
0x68: {  	_ =	shalt  }
0x69: {  	_ =	shalt  }
0x6a: {  	_ =	shalt  }
0x6b: {  	_ =	shalt  }
0x6c: {  	_ =	shalt  }
0x6d: {  	_ =	shalt  }
0x6e: {  	_ =	shalt  }
0x6f: {  	_ =	shalt  }
0x70: {  	_ =	shalt  }
0x71: {  	_ =	shalt  }
0x72: {  	_ =	shalt  }
0x73: {  	_ =	shalt  }
0x74: {  	_ =	shalt  }
0x75: {  	_ =	shalt  }
0x76: {  	_ =	shalt  }
0x77: {  	_ =	shalt  }
0x78: {  	_ =	shalt  }
0x79: {  	_ =	shalt  }
0x7a: {  	_ =	shalt  }
0x7b: {  	_ =	shalt  }
0x7c: {  	_ =	shalt  }
0x7d: {  	_ =	shalt  }
0x7e: {  	_ =	shalt  }
0x7f: {  	_ =	shalt  }
0x80: {  	_ =	shalt  }
0x81: {  	_ =	shalt  }
0x82: {  	_ =	shalt  }
0x83: {  	_ =	shalt  }
0x84: {  	_ =	shalt  }
0x85: {  	_ =	shalt  }
0x86: {  	_ =	shalt  }
0x87: {  	_ =	shalt  }
.Lfunc_end0:
.L_simem_size_0:
called_computation_lowered:
.L_overlay_start_0:
0x88: {  	s2 =	sld [smem:$0x3FD9]  }
0x89: {  	s3 =	sld [smem:$0x3FFE];
	_ =	sdelay $0x1  }
0x8a: {  	s1 =	srdreg.scid  }
0x8b: {  	s0 =	sand.u32 $0x1, s1  }
0x8c: {  	s17 =	sshll.u32 s0, $0xA;
	s2 =	sadd.s32 s3, s2  }
0x8d: {  	s2 =	sadd.s32 s2, s17  }
0x8e: {  	[smem:$0x3FAD] =	sst s2  }
0x8f: {  	_ = 	snop  }
0x90: {  	s2 =	sld [smem:$0x3FC9];
	(tm) =	ssettm $0x1  }
0x91: {  	s18 =	sld [smem:$0x3FFB];
	_ =	sdelay $0x3  }
0x92: {  	_ =	strace s18  }
0x93: {  	s3 =	sld [smem:$0x3FFC];
	_ =	sdelay $0x3  }
0x94: {  	_ =	strace s3  }
0x95: {  	s3 =	sld [smem:$0x3FFD];
	_ =	sdelay $0x3  }
0x96: {  	_ =	strace s3  }
0x97: {  	_ =	strace $0x8FFFFFFF  }
0x98: {  	s19 =	sld [smem:$0x3FDB];
	_ =	sdelay $0x1  }
0x99: {  	s4 =	simm.s32 $_scs_section_size  }
0x9a: {  	s5 =	simm.s32 $_size__tile_overlayer_lowered;
	s6 =	simm.s32 $_tile_overlayer_lowered  }
0x9b: {  	s22 =	simm.s32 $0x1BFF;
	s21 =	sshll.u32 s6, $0x1;
	s3 =	sadd.s32 s4, s19  }
0x9c: {  	s7 =	simm.s32 $0x0;
	s20 =	sshll.u32 s5, $0x1;
	s5 =	sadd.s32 s21, s3  }
0x9d: {  	[timem:s7], [sflag:s22] =	dma.local [hbm:s5], s20  }
0x9e: {  	_ =	swait.ge [sflag:s22], s20  }
0x9f: {  	s4 =	ssub.s32 $0x0, s20;
	[sflag:s22] =	ssyncset.done $0x0  }
0xa0: {  	[sflag:s22] =	ssyncadd.s32 s4;
	_ =	sdelay $0x1  }
0xa1: {  	s23 =	simm.s32 $0x1B8B  }
0xa2: {  	_ =	swait.ge [sflag:s23], $0x1  }
0xa3: {  	[sflag:s23] =	ssyncset.done $0x0  }
0xa4: {  	s25 =	simm.s32 $0x1B8E;
	s24 =	sld [smem:$0x3FFE];
	[sflag:s23] =	ssyncadd.s32 $0xFFFFFFFF  }
0xa5: {  	s26 =	simm.s32 $execute0_lowered;
	[smem:$0x3FD2] =	sst s25  }
0xa6: {  	s5 =	sshll.u32 s26, $0x1;
	_ =	strace $0x80000046;
	[dreg:$0x1] =	wrdreg $0xFFFFFFFF  }
0xa7: {  	s28 =	simm.s32 $_size_execute0_lowered;
	s3 =	sadd.s32 s3, s5;
	[dreg:$0x0] =	wrdreg $0x0  }
0xa8: {  	s5 =	sshll.u32 s28, $0x1;
	[dreg:$0x2] =	wrdreg s3  }
0xa9: {  	[dreg:$0x3] =	wrdreg s5  }
0xaa: {  	[dreg:$0x4] =	wrdreg $0xC0  }
0xab: {  	_ =	task [dreg:s7], $0x5FFFF  }
0xac: {  	[dreg:$0x1] =	wrdreg $0xFFFFFFFF  }
0xad: {  	[dreg:$0x0] =	wrdreg $0x60  }
0xae: {  	[dreg:$0x2] =	wrdreg s2  }
0xaf: {  	[dreg:$0x3] =	wrdreg s24  }
0xb0: {  	[dreg:$0x4] =	wrdreg $0x9  }
0xb1: {  	_ =	task.clear_ibuf [dreg:s7], $0x5FFFF;
	_ =	strace $0x90000046  }
0xb2: {  	s29 =	simm.s32 $0x9;
	_ =	strace $0x80000048  }
0xb3: {  	_ =	swait.ge [sflag:s29], $0x1  }
0xb4: {  	[sflag:s29] =	ssyncadd.s32 $0xFFFFFFFF  }
0xb5: {  	_ =	strace $0x90000048  }
0xb6: {  	_ =	sfence  }
0xb7: {  	s30 =	sld [smem:$0x0];
	_ =	sdelay $0x2  }
0xb8: {  	s31 =	sshll.u32 s1, $0xD;
	s1 =	sshrl.u32 s1, $0x2  }
0xb9: {  	s3 =	sand.u32 $0x4000, s31;
	s1 =	sadd.s32 s1, s30  }
0xba: {  	s0 =	sor.u32 s3, s0;
	s1 =	sshll.u32 s1, $0x11  }
0xbb: {  	s0 =	sor.u32 s1, s0  }
0xbc: {  	s0 =	sadd.s32 $0x8F2B, s0  }
0xbd: {  	[sflag:s0] =	ssyncadd.remote.s32 $0x1  }
0xbe: {  	_ =	sfence.sel $0xFFFF  }
0xbf: {  	[dreg:$0x0] =	wrdreg $0xFFFFFFFF;
	(pc) =	sbr.abs _section_cstart, $3  }
0xc0: {  	[dreg:$0x1] =	wrdreg $0xFFFFFFFF  }
0xc1: {  	_ =	task.clear_ibuf [dreg:s7], $0x2FFFF;
	_ =	strace $0x9FFFFFFF  }
0xc2: {  	(tm) =	ssettm $0x7FFFFFFF  }
0xc3: {  	_ =	shalt  }
tec
execute0_lowered:
.L_overlay_start_1:
0x0: {  	(tag) =	ssettag $0x1  }
0x1: {  	s1 =	srdreg.scid;
	s0 =	stileid.u32  }
0x2: {  	s1 =	sand.u32 $0x1, s1;
	s3 =	sshll.u32 s0, $0x1  }
0x3: {  	s4 =	sor.u32 s1, s3  }
0x4: {  	s2 =	rddreg [dreg:$0x0];
	s6 =	smul.u32 $0xC4, s4  }
0x5: {  	s5 =	rddreg [dreg:$0x1];
	s3 =	simm.s32 $0x0;
	s7 =	smul.u32 $0x31000, s4  }
0x6: {  	[smem:$0x7FF] =	sst s3;
	s4 =	smul.u32 $0x6200, s4  }
0x7: {  	s6 =	sadd.s32 s6, s5;
	s5 =	sadd.s32 $0x5600, s5;
	s7 =	sshrl.u32 s7, $0x3  }
0x8: {  	_ =	strace $0x80000047;
	s6 =	sadd.s32 $0x3C00, s6;
	s7 =	sadd.s32 s5, s7  }
0x9: {  	s4 =	sadd.s32 s5, s4;
	[dreg:$0x3] =	wrdreg s6;
	s20 =	sadd.s32 $0x5B00, s7  }
0xa: {  	s21 =	sadd.s32 $0x700, s4;
	[dreg:$0x4] =	wrdreg s20  }
0xb: {  	s22 =	sadd.s32 $0xE00, s4;
	[dreg:$0x5] =	wrdreg s21  }
0xc: {  	s23 =	sadd.s32 $0x1500, s4;
	[dreg:$0x6] =	wrdreg s22  }
0xd: {  	s24 =	sadd.s32 $0x1C00, s4;
	[dreg:$0x7] =	wrdreg s23  }
0xe: {  	[dreg:$0x8] =	wrdreg s24  }
0xf: {  	s25 =	sadd.s32 $0x2300, s4;
	s6 =	rddreg [dreg:$0x3]  }
0x10: {  	s26 =	sadd.s32 $0x2A00, s4;
	[dreg:$0x9] =	wrdreg s25  }
0x11: {  	s5 =	simm.s32 $0x5;
	[dreg:$0xa] =	wrdreg s26  }
0x12: {  	[tilespmem:s3], [sflag:$0x5] =	stream.linear.gather [hbm4b:s6+s3], $0x620, $0x38;
	[tilespmem:$0x7680] =	vst v63  }
0x13: {  	_ =	swait.ge [sflag:s5], $0x620  }
0x14: {  	[sflag:s5] =	ssyncset.done $0x0  }
0x15: {  	s7 =	simm.s32 $0x680;
	s6 =	simm.s32 $0x70;
	[sflag:s5] =	ssyncadd.s32 $0xFFFFF9E0  }
0x16: {  	[tilespmem:s7], [sflag:$0x1] =	stream.indirect.gather [hbm4b:s2+s6], $0x80, s3, s6, $0xb8;
	[tilespmem:$0x7680] =	vst v63  }
0x17: {  	s8 =	simm.s32 $0x3E80;
	s9 =	simm.s32 $0x1  }
0x18: {  	[tilespmem:s8], [sflag:$0x2] =	stream.indirect.gather [hbm4b:s2+s6], $0x80, s6, s6, $0xb8;
	[tilespmem:$0x7680] =	vst v63  }
0x19: {  	_ =	swait.ge [sflag:s9], $0x3800  }
0x1a: {  	[sflag:s9] =	ssyncset.done $0x0  }
0x1b: {  	s10 =	simm.s32 $0x3;
	[sflag:s9] =	ssyncadd.s32 $0xFFFFC800  }
0x1c: {  	[hbm4b:s4+s3] =	stream.linear.scatter [tilespmem:s7], [sflag:$0x3], $0x3800, $0x38;
	[tilespmem:$0x7680] =	vst v63  }
0x1d: {  	_ =	swait.ge [sflag:s10], $0x3800  }
0x1e: {  	[sflag:s10] =	ssyncset.done $0x0  }
0x1f: {  	s11 =	simm.s32 $0xE0;
	s12 =	simm.s32 $0x2;
	[sflag:s10] =	ssyncadd.s32 $0xFFFFC800  }
0x20: {  	[tilespmem:s7], [sflag:$0x1] =	stream.indirect.gather [hbm4b:s2+s6], $0x80, s11, s6, $0xb8;
	[tilespmem:$0x7680] =	vst v63  }
0x21: {  	_ =	swait.ge [sflag:s12], $0x3800  }
0x22: {  	[sflag:s12] =	ssyncset.done $0x0  }
0x23: {  	s13 =	simm.s32 $0x4;
	s14 =	rddreg [dreg:$0x5];
	[sflag:s12] =	ssyncadd.s32 $0xFFFFC800  }
0x24: {  	[hbm4b:s14+s3] =	stream.linear.scatter [tilespmem:s8], [sflag:$0x4], $0x3800, $0x38;
	[tilespmem:$0x7680] =	vst v63  }
0x25: {  	_ =	swait.ge [sflag:s13], $0x3800  }
0x26: {  	[sflag:s13] =	ssyncset.done $0x0  }
0x27: {  	s14 =	simm.s32 $0x150;
	[sflag:s13] =	ssyncadd.s32 $0xFFFFC800  }
0x28: {  	[tilespmem:s8], [sflag:$0x2] =	stream.indirect.gather [hbm4b:s2+s6], $0x80, s14, s6, $0xb8;
	[tilespmem:$0x7680] =	vst v63  }
0x29: {  	_ =	swait.ge [sflag:s9], $0x3800  }
0x2a: {  	[sflag:s9] =	ssyncset.done $0x0  }
0x2b: {  	s15 =	rddreg [dreg:$0x6];
	[sflag:s9] =	ssyncadd.s32 $0xFFFFC800  }
0x2c: {  	[hbm4b:s15+s3] =	stream.linear.scatter [tilespmem:s7], [sflag:$0x3], $0x3800, $0x38;
	[tilespmem:$0x7680] =	vst v63  }
0x2d: {  	_ =	swait.ge [sflag:s10], $0x3800  }
0x2e: {  	[sflag:s10] =	ssyncset.done $0x0  }
0x2f: {  	s15 =	simm.s32 $0x1C0;
	[sflag:s10] =	ssyncadd.s32 $0xFFFFC800  }
0x30: {  	[tilespmem:s7], [sflag:$0x1] =	stream.indirect.gather [hbm4b:s2+s6], $0x80, s15, s6, $0xb8;
	[tilespmem:$0x7680] =	vst v63  }
0x31: {  	_ =	swait.ge [sflag:s12], $0x3800  }
0x32: {  	[sflag:s12] =	ssyncset.done $0x0  }
0x33: {  	s16 =	rddreg [dreg:$0x7];
	[sflag:s12] =	ssyncadd.s32 $0xFFFFC800  }
0x34: {  	[hbm4b:s16+s3] =	stream.linear.scatter [tilespmem:s8], [sflag:$0x4], $0x3800, $0x38;
	[tilespmem:$0x7680] =	vst v63  }
0x35: {  	_ =	swait.ge [sflag:s13], $0x3800  }
0x36: {  	[sflag:s13] =	ssyncset.done $0x0  }
0x37: {  	s16 =	simm.s32 $0x230;
	[sflag:s13] =	ssyncadd.s32 $0xFFFFC800  }
0x38: {  	[tilespmem:s8], [sflag:$0x2] =	stream.indirect.gather [hbm4b:s2+s6], $0x80, s16, s6, $0xb8;
	[tilespmem:$0x7680] =	vst v63  }
0x39: {  	_ =	swait.ge [sflag:s9], $0x3800  }
0x3a: {  	[sflag:s9] =	ssyncset.done $0x0  }
0x3b: {  	s17 =	rddreg [dreg:$0x8];
	[sflag:s9] =	ssyncadd.s32 $0xFFFFC800  }
0x3c: {  	[hbm4b:s17+s3] =	stream.linear.scatter [tilespmem:s7], [sflag:$0x3], $0x3800, $0x38;
	[tilespmem:$0x7680] =	vst v63  }
0x3d: {  	_ =	swait.ge [sflag:s10], $0x3800  }
0x3e: {  	[sflag:s10] =	ssyncset.done $0x0  }
0x3f: {  	s17 =	simm.s32 $0x2A0;
	[sflag:s10] =	ssyncadd.s32 $0xFFFFC800  }
0x40: {  	[tilespmem:s7], [sflag:$0x1] =	stream.indirect.gather [hbm4b:s2+s6], $0x80, s17, s6, $0xb8;
	[tilespmem:$0x7680] =	vst v63  }
0x41: {  	_ =	swait.ge [sflag:s12], $0x3800  }
0x42: {  	[sflag:s12] =	ssyncset.done $0x0  }
0x43: {  	s18 =	rddreg [dreg:$0x9];
	[sflag:s12] =	ssyncadd.s32 $0xFFFFC800  }
0x44: {  	[hbm4b:s18+s3] =	stream.linear.scatter [tilespmem:s8], [sflag:$0x4], $0x3800, $0x38;
	[tilespmem:$0x7680] =	vst v63  }
0x45: {  	_ =	swait.ge [sflag:s13], $0x3800  }
0x46: {  	[sflag:s13] =	ssyncset.done $0x0  }
0x47: {  	s18 =	simm.s32 $0x310;
	[sflag:s13] =	ssyncadd.s32 $0xFFFFC800  }
0x48: {  	[tilespmem:s8], [sflag:$0x2] =	stream.indirect.gather [hbm4b:s2+s6], $0x80, s18, s6, $0xb8;
	[tilespmem:$0x7680] =	vst v63  }
0x49: {  	_ =	swait.ge [sflag:s9], $0x3800  }
0x4a: {  	[sflag:s9] =	ssyncset.done $0x0  }
0x4b: {  	s19 =	rddreg [dreg:$0xa];
	[sflag:s9] =	ssyncadd.s32 $0xFFFFC800  }
0x4c: {  	[hbm4b:s19+s3] =	stream.linear.scatter [tilespmem:s7], [sflag:$0x3], $0x3800, $0x38;
	[tilespmem:$0x7680] =	vst v63  }
0x4d: {  	_ =	swait.ge [sflag:s10], $0x3800  }
0x4e: {  	[sflag:s10] =	ssyncset.done $0x0  }
0x4f: {  	s19 =	simm.s32 $0x380;
	[sflag:s10] =	ssyncadd.s32 $0xFFFFC800  }
0x50: {  	[tilespmem:s7], [sflag:$0x1] =	stream.indirect.gather [hbm4b:s2+s6], $0x80, s19, s6, $0xb8;
	[tilespmem:$0x7680] =	vst v63  }
0x51: {  	_ =	swait.ge [sflag:s12], $0x3800  }
0x52: {  	[sflag:s12] =	ssyncset.done $0x0  }
0x53: {  	s20 =	sadd.s32 $0x3100, s4;
	[sflag:s12] =	ssyncadd.s32 $0xFFFFC800  }
0x54: {  	[hbm4b:s20+s3] =	stream.linear.scatter [tilespmem:s8], [sflag:$0x4], $0x3800, $0x38;
	[tilespmem:$0x7680] =	vst v63  }
0x55: {  	_ =	swait.ge [sflag:s13], $0x3800  }
0x56: {  	[sflag:s13] =	ssyncset.done $0x0  }
0x57: {  	s21 =	simm.s32 $0x3F0;
	[sflag:s13] =	ssyncadd.s32 $0xFFFFC800  }
0x58: {  	[tilespmem:s8], [sflag:$0x2] =	stream.indirect.gather [hbm4b:s2+s6], $0x80, s21, s6, $0xb8;
	[tilespmem:$0x7680] =	vst v63  }
0x59: {  	_ =	swait.ge [sflag:s9], $0x3800  }
0x5a: {  	[sflag:s9] =	ssyncset.done $0x0  }
0x5b: {  	s22 =	sadd.s32 $0x3800, s4;
	[sflag:s9] =	ssyncadd.s32 $0xFFFFC800  }
0x5c: {  	[hbm4b:s22+s3] =	stream.linear.scatter [tilespmem:s7], [sflag:$0x3], $0x3800, $0x38;
	[tilespmem:$0x7680] =	vst v63  }
0x5d: {  	_ =	swait.ge [sflag:s10], $0x3800  }
0x5e: {  	[sflag:s10] =	ssyncset.done $0x0  }
0x5f: {  	s23 =	simm.s32 $0x460;
	[sflag:s10] =	ssyncadd.s32 $0xFFFFC800  }
0x60: {  	[tilespmem:s7], [sflag:$0x1] =	stream.indirect.gather [hbm4b:s2+s6], $0x80, s23, s6, $0xb8;
	[tilespmem:$0x7680] =	vst v63  }
0x61: {  	_ =	swait.ge [sflag:s12], $0x3800  }
0x62: {  	[sflag:s12] =	ssyncset.done $0x0  }
0x63: {  	s24 =	sadd.s32 $0x3F00, s4;
	[sflag:s12] =	ssyncadd.s32 $0xFFFFC800  }
0x64: {  	[hbm4b:s24+s3] =	stream.linear.scatter [tilespmem:s8], [sflag:$0x4], $0x3800, $0x38;
	[tilespmem:$0x7680] =	vst v63  }
0x65: {  	_ =	swait.ge [sflag:s13], $0x3800  }
0x66: {  	[sflag:s13] =	ssyncset.done $0x0  }
0x67: {  	s25 =	simm.s32 $0x4D0;
	[sflag:s13] =	ssyncadd.s32 $0xFFFFC800  }
0x68: {  	[tilespmem:s8], [sflag:$0x2] =	stream.indirect.gather [hbm4b:s2+s6], $0x80, s25, s6, $0xb8;
	[tilespmem:$0x7680] =	vst v63  }
0x69: {  	_ =	swait.ge [sflag:s9], $0x3800  }
0x6a: {  	[sflag:s9] =	ssyncset.done $0x0  }
0x6b: {  	s26 =	sadd.s32 $0x4600, s4;
	[sflag:s9] =	ssyncadd.s32 $0xFFFFC800  }
0x6c: {  	[hbm4b:s26+s3] =	stream.linear.scatter [tilespmem:s7], [sflag:$0x3], $0x3800, $0x38;
	[tilespmem:$0x7680] =	vst v63  }
0x6d: {  	_ =	swait.ge [sflag:s10], $0x3800  }
0x6e: {  	[sflag:s10] =	ssyncset.done $0x0  }
0x6f: {  	s28 =	simm.s32 $0x540;
	[sflag:s10] =	ssyncadd.s32 $0xFFFFC800  }
0x70: {  	[tilespmem:s7], [sflag:$0x1] =	stream.indirect.gather [hbm4b:s2+s6], $0x80, s28, s6, $0xb8;
	[tilespmem:$0x7680] =	vst v63  }
0x71: {  	_ =	swait.ge [sflag:s12], $0x3800  }
0x72: {  	[sflag:s12] =	ssyncset.done $0x0  }
0x73: {  	s29 =	sadd.s32 $0x4D00, s4;
	[sflag:s12] =	ssyncadd.s32 $0xFFFFC800  }
0x74: {  	[hbm4b:s29+s3] =	stream.linear.scatter [tilespmem:s8], [sflag:$0x4], $0x3800, $0x38;
	[tilespmem:$0x7680] =	vst v63  }
0x75: {  	_ =	swait.ge [sflag:s13], $0x3800  }
0x76: {  	[sflag:s13] =	ssyncset.done $0x0  }
0x77: {  	s30 =	simm.s32 $0x5B0;
	[sflag:s13] =	ssyncadd.s32 $0xFFFFC800  }
0x78: {  	[tilespmem:s8], [sflag:$0x2] =	stream.indirect.gather [hbm4b:s2+s6], $0x80, s30, s6, $0xb8;
	[tilespmem:$0x7680] =	vst v63  }
0x79: {  	_ =	swait.ge [sflag:s9], $0x3800  }
0x7a: {  	[sflag:s9] =	ssyncset.done $0x0  }
0x7b: {  	s31 =	sadd.s32 $0x5400, s4;
	[sflag:s9] =	ssyncadd.s32 $0xFFFFC800  }
0x7c: {  	[hbm4b:s31+s3] =	stream.linear.scatter [tilespmem:s7], [sflag:$0x3], $0x3800, $0x38;
	[tilespmem:$0x7680] =	vst v63  }
0x7d: {  	_ =	swait.ge [sflag:s12], $0x3800  }
0x7e: {  	[sflag:s12] =	ssyncset.done $0x0  }
0x7f: {  	s0 =	rddreg [dreg:$0x4];
	[sflag:s12] =	ssyncadd.s32 $0xFFFFC800  }
0x80: {  	[hbm4b:s0+s3] =	stream.linear.scatter [tilespmem:s8], [sflag:$0x4], $0x3800, $0x38;
	[tilespmem:$0x7680] =	vst v63  }
0x81: {  	s0 =	ssub.s32 $0x2, s1  }
0x82: {  	s1 =	sshrl.u32 s0, $0x1  }
0x83: {  	s0 =	ssub.s32 s0, s1  }
0x84: {  	s0 =	smax.u32 s0, $0x1  }
0x85: {  	p0 =	sne.s32 s0, $0x1  }
.Ltmp0:
0x86: {  	_ =	swait.ge [sflag:s10], $0x3800;
	(pc) =	sbr.rel @!p0 .LBB2_2-.Ltmp0, $4  }
0x87: {  	[sflag:s10] =	ssyncset.done $0x0  }
0x88: {  	[sflag:s10] =	ssyncadd.s32 $0xFFFFC800  }
0x89: {  	_ =	swait.ge [sflag:s13], $0x3800  }
0x8a: {  	s1 =	sadd.s32 $0xFFFFFFFF, s0;
	[sflag:s13] =	ssyncset.done $0x0  }
.LBB2_1:
0x8b: {  	s0 =	rddreg [dreg:$0x3];
	[sflag:s13] =	ssyncadd.s32 $0xFFFFC800  }
0x8c: {  	[tilespmem:s3], [sflag:$0x5] =	stream.linear.gather [hbm4b:s0+s3], $0x620, $0x38;
	[tilespmem:$0x7680] =	vst v63  }
0x8d: {  	_ =	swait.ge [sflag:s5], $0x620  }
0x8e: {  	[sflag:s5] =	ssyncset.done $0x0  }
0x8f: {  	[sflag:s5] =	ssyncadd.s32 $0xFFFFF9E0  }
0x90: {  	[tilespmem:s7], [sflag:$0x1] =	stream.indirect.gather [hbm4b:s2+s6], $0x80, s3, s6, $0xb8;
	[tilespmem:$0x7680] =	vst v63  }
0x91: {  	_ = 	snop  }
0x92: {  	[tilespmem:s8], [sflag:$0x2] =	stream.indirect.gather [hbm4b:s2+s6], $0x80, s6, s6, $0xb8;
	[tilespmem:$0x7680] =	vst v63  }
0x93: {  	_ =	swait.ge [sflag:s9], $0x3800  }
0x94: {  	[sflag:s9] =	ssyncset.done $0x0  }
0x95: {  	[sflag:s9] =	ssyncadd.s32 $0xFFFFC800  }
0x96: {  	[hbm4b:s4+s3] =	stream.linear.scatter [tilespmem:s7], [sflag:$0x3], $0x3800, $0x38;
	[tilespmem:$0x7680] =	vst v63  }
0x97: {  	_ =	swait.ge [sflag:s10], $0x3800  }
0x98: {  	[sflag:s10] =	ssyncset.done $0x0  }
0x99: {  	[sflag:s10] =	ssyncadd.s32 $0xFFFFC800  }
0x9a: {  	[tilespmem:s7], [sflag:$0x1] =	stream.indirect.gather [hbm4b:s2+s6], $0x80, s11, s6, $0xb8;
	[tilespmem:$0x7680] =	vst v63  }
0x9b: {  	_ =	swait.ge [sflag:s12], $0x3800  }
0x9c: {  	[sflag:s12] =	ssyncset.done $0x0  }
0x9d: {  	s0 =	rddreg [dreg:$0x5];
	[sflag:s12] =	ssyncadd.s32 $0xFFFFC800  }
0x9e: {  	[hbm4b:s0+s3] =	stream.linear.scatter [tilespmem:s8], [sflag:$0x4], $0x3800, $0x38;
	[tilespmem:$0x7680] =	vst v63  }
0x9f: {  	_ =	swait.ge [sflag:s13], $0x3800  }
0xa0: {  	[sflag:s13] =	ssyncset.done $0x0  }
0xa1: {  	[sflag:s13] =	ssyncadd.s32 $0xFFFFC800  }
0xa2: {  	[tilespmem:s8], [sflag:$0x2] =	stream.indirect.gather [hbm4b:s2+s6], $0x80, s14, s6, $0xb8;
	[tilespmem:$0x7680] =	vst v63  }
0xa3: {  	_ =	swait.ge [sflag:s9], $0x3800  }
0xa4: {  	[sflag:s9] =	ssyncset.done $0x0  }
0xa5: {  	s0 =	rddreg [dreg:$0x6];
	[sflag:s9] =	ssyncadd.s32 $0xFFFFC800  }
0xa6: {  	[hbm4b:s0+s3] =	stream.linear.scatter [tilespmem:s7], [sflag:$0x3], $0x3800, $0x38;
	[tilespmem:$0x7680] =	vst v63  }
0xa7: {  	_ =	swait.ge [sflag:s10], $0x3800  }
0xa8: {  	[sflag:s10] =	ssyncset.done $0x0  }
0xa9: {  	[sflag:s10] =	ssyncadd.s32 $0xFFFFC800  }
0xaa: {  	[tilespmem:s7], [sflag:$0x1] =	stream.indirect.gather [hbm4b:s2+s6], $0x80, s15, s6, $0xb8;
	[tilespmem:$0x7680] =	vst v63  }
0xab: {  	_ =	swait.ge [sflag:s12], $0x3800  }
0xac: {  	[sflag:s12] =	ssyncset.done $0x0  }
0xad: {  	s0 =	rddreg [dreg:$0x7];
	[sflag:s12] =	ssyncadd.s32 $0xFFFFC800  }
0xae: {  	[hbm4b:s0+s3] =	stream.linear.scatter [tilespmem:s8], [sflag:$0x4], $0x3800, $0x38;
	[tilespmem:$0x7680] =	vst v63  }
0xaf: {  	_ =	swait.ge [sflag:s13], $0x3800  }
0xb0: {  	[sflag:s13] =	ssyncset.done $0x0  }
0xb1: {  	[sflag:s13] =	ssyncadd.s32 $0xFFFFC800  }
0xb2: {  	[tilespmem:s8], [sflag:$0x2] =	stream.indirect.gather [hbm4b:s2+s6], $0x80, s16, s6, $0xb8;
	[tilespmem:$0x7680] =	vst v63  }
0xb3: {  	_ =	swait.ge [sflag:s9], $0x3800  }
0xb4: {  	[sflag:s9] =	ssyncset.done $0x0  }
0xb5: {  	s0 =	rddreg [dreg:$0x8];
	[sflag:s9] =	ssyncadd.s32 $0xFFFFC800  }
0xb6: {  	[hbm4b:s0+s3] =	stream.linear.scatter [tilespmem:s7], [sflag:$0x3], $0x3800, $0x38;
	[tilespmem:$0x7680] =	vst v63  }
0xb7: {  	_ =	swait.ge [sflag:s10], $0x3800  }
0xb8: {  	[sflag:s10] =	ssyncset.done $0x0  }
0xb9: {  	[sflag:s10] =	ssyncadd.s32 $0xFFFFC800  }
0xba: {  	[tilespmem:s7], [sflag:$0x1] =	stream.indirect.gather [hbm4b:s2+s6], $0x80, s17, s6, $0xb8;
	[tilespmem:$0x7680] =	vst v63  }
0xbb: {  	_ =	swait.ge [sflag:s12], $0x3800  }
0xbc: {  	[sflag:s12] =	ssyncset.done $0x0  }
0xbd: {  	s0 =	rddreg [dreg:$0x9];
	[sflag:s12] =	ssyncadd.s32 $0xFFFFC800  }
0xbe: {  	[hbm4b:s0+s3] =	stream.linear.scatter [tilespmem:s8], [sflag:$0x4], $0x3800, $0x38;
	[tilespmem:$0x7680] =	vst v63  }
0xbf: {  	_ =	swait.ge [sflag:s13], $0x3800  }
0xc0: {  	[sflag:s13] =	ssyncset.done $0x0  }
0xc1: {  	[sflag:s13] =	ssyncadd.s32 $0xFFFFC800  }
0xc2: {  	[tilespmem:s8], [sflag:$0x2] =	stream.indirect.gather [hbm4b:s2+s6], $0x80, s18, s6, $0xb8;
	[tilespmem:$0x7680] =	vst v63  }
0xc3: {  	_ =	swait.ge [sflag:s9], $0x3800  }
0xc4: {  	[sflag:s9] =	ssyncset.done $0x0  }
0xc5: {  	s0 =	rddreg [dreg:$0xa];
	[sflag:s9] =	ssyncadd.s32 $0xFFFFC800  }
0xc6: {  	[hbm4b:s0+s3] =	stream.linear.scatter [tilespmem:s7], [sflag:$0x3], $0x3800, $0x38;
	[tilespmem:$0x7680] =	vst v63  }
0xc7: {  	_ =	swait.ge [sflag:s10], $0x3800  }
0xc8: {  	[sflag:s10] =	ssyncset.done $0x0  }
0xc9: {  	[sflag:s10] =	ssyncadd.s32 $0xFFFFC800  }
0xca: {  	[tilespmem:s7], [sflag:$0x1] =	stream.indirect.gather [hbm4b:s2+s6], $0x80, s19, s6, $0xb8;
	[tilespmem:$0x7680] =	vst v63  }
0xcb: {  	_ =	swait.ge [sflag:s12], $0x3800  }
0xcc: {  	[sflag:s12] =	ssyncset.done $0x0  }
0xcd: {  	[sflag:s12] =	ssyncadd.s32 $0xFFFFC800  }
0xce: {  	[hbm4b:s20+s3] =	stream.linear.scatter [tilespmem:s8], [sflag:$0x4], $0x3800, $0x38;
	[tilespmem:$0x7680] =	vst v63  }
0xcf: {  	_ =	swait.ge [sflag:s13], $0x3800  }
0xd0: {  	[sflag:s13] =	ssyncset.done $0x0  }
0xd1: {  	[sflag:s13] =	ssyncadd.s32 $0xFFFFC800  }
0xd2: {  	[tilespmem:s8], [sflag:$0x2] =	stream.indirect.gather [hbm4b:s2+s6], $0x80, s21, s6, $0xb8;
	[tilespmem:$0x7680] =	vst v63  }
0xd3: {  	_ =	swait.ge [sflag:s9], $0x3800  }
0xd4: {  	[sflag:s9] =	ssyncset.done $0x0  }
0xd5: {  	[sflag:s9] =	ssyncadd.s32 $0xFFFFC800  }
0xd6: {  	[hbm4b:s22+s3] =	stream.linear.scatter [tilespmem:s7], [sflag:$0x3], $0x3800, $0x38;
	[tilespmem:$0x7680] =	vst v63  }
0xd7: {  	_ =	swait.ge [sflag:s10], $0x3800  }
0xd8: {  	[sflag:s10] =	ssyncset.done $0x0  }
0xd9: {  	[sflag:s10] =	ssyncadd.s32 $0xFFFFC800  }
0xda: {  	[tilespmem:s7], [sflag:$0x1] =	stream.indirect.gather [hbm4b:s2+s6], $0x80, s23, s6, $0xb8;
	[tilespmem:$0x7680] =	vst v63  }
0xdb: {  	_ =	swait.ge [sflag:s12], $0x3800  }
0xdc: {  	[sflag:s12] =	ssyncset.done $0x0  }
0xdd: {  	[sflag:s12] =	ssyncadd.s32 $0xFFFFC800  }
0xde: {  	[hbm4b:s24+s3] =	stream.linear.scatter [tilespmem:s8], [sflag:$0x4], $0x3800, $0x38;
	[tilespmem:$0x7680] =	vst v63  }
0xdf: {  	_ =	swait.ge [sflag:s13], $0x3800  }
0xe0: {  	[sflag:s13] =	ssyncset.done $0x0  }
0xe1: {  	[sflag:s13] =	ssyncadd.s32 $0xFFFFC800  }
0xe2: {  	[tilespmem:s8], [sflag:$0x2] =	stream.indirect.gather [hbm4b:s2+s6], $0x80, s25, s6, $0xb8;
	[tilespmem:$0x7680] =	vst v63  }
0xe3: {  	_ =	swait.ge [sflag:s9], $0x3800  }
0xe4: {  	[sflag:s9] =	ssyncset.done $0x0  }
0xe5: {  	[sflag:s9] =	ssyncadd.s32 $0xFFFFC800  }
0xe6: {  	[hbm4b:s26+s3] =	stream.linear.scatter [tilespmem:s7], [sflag:$0x3], $0x3800, $0x38;
	[tilespmem:$0x7680] =	vst v63  }
0xe7: {  	_ =	swait.ge [sflag:s10], $0x3800  }
0xe8: {  	[sflag:s10] =	ssyncset.done $0x0  }
0xe9: {  	[sflag:s10] =	ssyncadd.s32 $0xFFFFC800  }
0xea: {  	[tilespmem:s7], [sflag:$0x1] =	stream.indirect.gather [hbm4b:s2+s6], $0x80, s28, s6, $0xb8;
	[tilespmem:$0x7680] =	vst v63  }
0xeb: {  	_ =	swait.ge [sflag:s12], $0x3800  }
0xec: {  	[sflag:s12] =	ssyncset.done $0x0  }
0xed: {  	[sflag:s12] =	ssyncadd.s32 $0xFFFFC800  }
0xee: {  	[hbm4b:s29+s3] =	stream.linear.scatter [tilespmem:s8], [sflag:$0x4], $0x3800, $0x38;
	[tilespmem:$0x7680] =	vst v63  }
0xef: {  	_ =	swait.ge [sflag:s13], $0x3800  }
0xf0: {  	[sflag:s13] =	ssyncset.done $0x0  }
0xf1: {  	[sflag:s13] =	ssyncadd.s32 $0xFFFFC800  }
0xf2: {  	[tilespmem:s8], [sflag:$0x2] =	stream.indirect.gather [hbm4b:s2+s6], $0x80, s30, s6, $0xb8;
	[tilespmem:$0x7680] =	vst v63  }
0xf3: {  	_ =	swait.ge [sflag:s9], $0x3800  }
0xf4: {  	[sflag:s9] =	ssyncset.done $0x0  }
0xf5: {  	[sflag:s9] =	ssyncadd.s32 $0xFFFFC800  }
0xf6: {  	[hbm4b:s31+s3] =	stream.linear.scatter [tilespmem:s7], [sflag:$0x3], $0x3800, $0x38;
	[tilespmem:$0x7680] =	vst v63  }
0xf7: {  	_ =	swait.ge [sflag:s12], $0x3800  }
0xf8: {  	[sflag:s12] =	ssyncset.done $0x0  }
0xf9: {  	p0 =	sne.s32 s1, $0x1;
	s0 =	rddreg [dreg:$0x4];
	[sflag:s12] =	ssyncadd.s32 $0xFFFFC800  }
0xfa: {  	[hbm4b:s0+s3] =	stream.linear.scatter [tilespmem:s8], [sflag:$0x4], $0x3800, $0x38;
	[tilespmem:$0x7680] =	vst v63  }
.Ltmp1:
0xfb: {  	_ =	swait.ge [sflag:s10], $0x3800;
	(pc) =	sbr.rel @p0 .LBB2_1-.Ltmp1, $4  }
0xfc: {  	[sflag:s10] =	ssyncset.done $0x0  }
0xfd: {  	[sflag:s10] =	ssyncadd.s32 $0xFFFFC800  }
0xfe: {  	_ =	swait.ge [sflag:s13], $0x3800  }
0xff: {  	s1 =	sadd.s32 $0xFFFFFFFF, s1;
	[sflag:s13] =	ssyncset.done $0x0  }
.LBB2_2:
0x100: {  	[sflag:s13] =	ssyncadd.s32 $0xFFFFC800  }
0x101: {  	_ =	sfence.sel $0x180000  }
0x102: {  	[bflag:$0x0] =	sbarrier.arrive $0xFFFF  }
0x103: {  	_ =	strace $0x90000047  }
0x104: {  	s0 =	stileid.u32;
	[bflag:$0x2] =	sbarrier.arrive $0xFFFF  }
0x105: {  	p0 =	sne.s32 s0, $0x0;
	s0 =	rddreg [dreg:$0x2]  }
0x106: {  	s0 =	sadd.s32 @!p0 $0x100000, s0  }
0x107: {  	[sflag:s0] =	ssyncadd.tile.s32 @!p0 $0x1;
	_ =	shalt  }
.Lfunc_end2:
_tile_overlayer_lowered:
.L_overlay_start_2:
0x108: {  	(tag) =	ssettag $0x2  }
0x109: {  	s0 =	rddreg [dreg:$0x0];
	s2 =	stileid.u32  }
0x10a: {  	s1 =	rddreg [dreg:$0x1];
	p0 =	sne.s32 s2, $0x0  }
0x10b: {  	s3 =	rddreg [dreg:$0x2];
	[bflag:$0x3] =	sbarrier.arrive $0xFFFF;
	s2 =	simm.s32 @!p0 $0x1C05  }
0x10c: {  	[timem:s3], [sflag:s2] =	dma.local @!p0 [hbm:s0], s1  }
0x10d: {  	s0 =	simm.s32 @!p0 $0x5  }
0x10e: {  	_ =	swait.ge @!p0 [sflag:s0], s1  }
0x10f: {  	s1 =	ssub.s32 @!p0 $0x0, s1;
	[sflag:s0] =	ssyncset.done @!p0 $0x0  }
0x110: {  	[sflag:s0] =	ssyncadd.s32 @!p0 s1  }
0x111: {  	[bflag:$0x3] =	sbarrier.arrive $0xFFFF  }
0x112: {  	_ =	shalt  }

// kernel: kernel.22.cloned.1.call-start
scs
__scs_entry_jumppad:
0x0: {  	(pc) =	sbr.rel $0x88, $3  }
0x1: {  	(tag) =	ssettag $0x0;
	lr =	simm.s32 $0x1  }
0x2: {  	[smem:$0x3F86] =	sst lr;
	_ =	strace $0xD0000000  }
0x3: {  	_ = 	snop  }
0x4: {  	_ = 	snop  }
0x5: {  	_ = 	snop  }
0x6: {  	_ = 	snop  }
0x7: {  	_ = 	snop  }
__scs_overlays_trampoline_lowered:
0x8: {  	[smem:$0x3F95] =	sst s0  }
0x9: {  	[smem:$0x3F96] =	sst s1  }
0xa: {  	[smem:$0x3F97] =	sst s2  }
0xb: {  	[smem:$0x3F98] =	sst s3  }
0xc: {  	[smem:$0x3F99] =	sst s4  }
0xd: {  	[smem:$0x3F9A] =	sst s5  }
0xe: {  	[smem:$0x3F9B] =	sst s6  }
0xf: {  	[smem:$0x3F9C] =	sst s7  }
0x10: {  	[smem:$0x3F9D] =	sst s8  }
0x11: {  	[smem:$0x3F9E] =	sst s9;
	s0 =	simm.s32 @!p0 $0x0  }
0x12: {  	s1 =	sld [smem:$0x3F84];
	s0 =	simm.s32 @p0 $0x1  }
0x13: {  	[smem:$0x3F9F] =	sst s0;
	s0 =	simm.s32 @!p1 $0x0  }
0x14: {  	s2 =	sld [smem:$0x3F83];
	s0 =	simm.s32 @p1 $0x1  }
0x15: {  	[smem:$0x3FA0] =	sst s0;
	s0 =	simm.s32 @!p2 $0x0  }
0x16: {  	s3 =	sld [smem:$0x3FDB];
	s0 =	simm.s32 @p2 $0x1  }
0x17: {  	s4 =	simm.s32 $0x1BF5;
	[smem:$0x3FA2] =	sst s0  }
0x18: {  	s0 =	sld [smem:$0x3F85];
	_ =	swait.ge [sflag:s4], $0x0  }
0x19: {  	s7 =	sld [smem:$0x3F86]  }
0x1a: {  	s8 =	sadd.s32 $0xFFFFE003, lr  }
0x1b: {  	s9 =	sadd.s32 $0xFFFFFEF7, lr;
	s5 =	simm.s32 $0xFFFFFFFF;
	p2 =	slt.u32 s8, $0xFFFFF086  }
0x1c: {  	p1 =	slt.u32 s9, $0xF7A;
	s5 =	simm.s32 @!p2 $0x0  }
0x1d: {  	s5 =	simm.s32 @p1 $0x1;
	p0 =	seq.s32 s7, s2  }
0x1e: {  	s7 =	smul.u32 @!p0 $0xF7A, s2;
	p2 =	seq.s32 @!p0 s5, $0x0  }
0x1f: {  	s9 =	smul.u32 $0xF7A, s1;
	s8 =	simm.s32 @!p0 $0x1BF5;
	p2 =	por !p2, p0  }
0x20: {  	[sflag:s8] =	ssyncset.s32 @!p0 $0xFFFFF086;
	s6 =	sadd.s32 @!p0 s3, s7;
	s7 =	simm.s32 @!p0 $0x108  }
0x21: {  	s3 =	sadd.s32 s3, s9;
	s6 =	sadd.s32 @!p0 $0x88, s6;
	s7 =	simm.s32 @p2 $0x1082  }
0x22: {  	[simem:s7], [sflag:s8] =	dma.local @!p0 [hbm:s6], $0xF7A  }
0x23: {  	s9 =	sor.u32 $0xD0000000, s2;
	s6 =	simm.s32 $0x108;
	_ =	swait.ge @!p0 [sflag:s8], $0x0  }
0x24: {  	s3 =	sadd.s32 $0x88, s3;
	s6 =	simm.s32 @!p1 $0x1082;
	[sflag:s4] =	ssyncset.s32 $0xFFFFF086  }
0x25: {  	[simem:s6], [sflag:s4] =	dma.local [hbm:s3], $0xF7A  }
0x26: {  	[smem:$0x3F86] =	sst s1;
	(tag) =	ssettag s2;
	_ =	strace s9  }
0x27: {  	s1 =	sld [smem:$0x3F96]  }
0x28: {  	s2 =	sld [smem:$0x3F97]  }
0x29: {  	s4 =	sld [smem:$0x3F99]  }
0x2a: {  	p0 =	seq.s32 s5, $0x0;
	s5 =	sld [smem:$0x3F9A]  }
0x2b: {  	s6 =	sld [smem:$0x3F9B]  }
0x2c: {  	s7 =	sld [smem:$0x3F9C]  }
0x2d: {  	s3 =	simm.s32 $0x108;
	s8 =	sld [smem:$0x3F9D]  }
0x2e: {  	s3 =	simm.s32 @!p0 $0x1082;
	s9 =	sld [smem:$0x3F9E]  }
0x2f: {  	lr =	sadd.s32 s0, s3;
	s0 =	sld [smem:$0x3F95]  }
0x30: {  	s3 =	sld [smem:$0x3F98]  }
0x31: {  	[smem:$0x3FA1] =	sst s10  }
0x32: {  	s10 =	sld [smem:$0x3F9F];
	_ =	sdelay $0x3  }
0x33: {  	p0 =	seq.s32 s10, $0x1;
	s10 =	sld [smem:$0x3FA1];
	_ =	sdelay $0x3  }
0x34: {  	[smem:$0x3FA1] =	sst s10  }
0x35: {  	s10 =	sld [smem:$0x3FA0];
	_ =	sdelay $0x3  }
0x36: {  	p1 =	seq.s32 s10, $0x1;
	s10 =	sld [smem:$0x3FA1];
	_ =	sdelay $0x3  }
0x37: {  	[smem:$0x3FA1] =	sst s10  }
0x38: {  	s10 =	sld [smem:$0x3FA2]  }
0x39: {  	_ = 	snop;
	(pc) =	sbr.ind lr, $3  }
0x3a: {  	_ = 	snop  }
0x3b: {  	_ = 	snop  }
0x3c: {  	p2 =	seq.s32 s10, $0x1;
	s10 =	sld [smem:$0x3FA1]  }
0x3d: {  	_ =	shalt  }
0x3e: {  	_ =	shalt  }
0x3f: {  	_ =	shalt  }
0x40: {  	_ =	shalt  }
0x41: {  	_ =	shalt  }
0x42: {  	_ =	shalt  }
0x43: {  	_ =	shalt  }
0x44: {  	_ =	shalt  }
0x45: {  	_ =	shalt  }
0x46: {  	_ =	shalt  }
0x47: {  	_ =	shalt  }
0x48: {  	_ =	shalt  }
0x49: {  	_ =	shalt  }
0x4a: {  	_ =	shalt  }
0x4b: {  	_ =	shalt  }
0x4c: {  	_ =	shalt  }
0x4d: {  	_ =	shalt  }
0x4e: {  	_ =	shalt  }
0x4f: {  	_ =	shalt  }
0x50: {  	_ =	shalt  }
0x51: {  	_ =	shalt  }
0x52: {  	_ =	shalt  }
0x53: {  	_ =	shalt  }
0x54: {  	_ =	shalt  }
0x55: {  	_ =	shalt  }
0x56: {  	_ =	shalt  }
0x57: {  	_ =	shalt  }
0x58: {  	_ =	shalt  }
0x59: {  	_ =	shalt  }
0x5a: {  	_ =	shalt  }
0x5b: {  	_ =	shalt  }
0x5c: {  	_ =	shalt  }
0x5d: {  	_ =	shalt  }
0x5e: {  	_ =	shalt  }
0x5f: {  	_ =	shalt  }
0x60: {  	_ =	shalt  }
0x61: {  	_ =	shalt  }
0x62: {  	_ =	shalt  }
0x63: {  	_ =	shalt  }
0x64: {  	_ =	shalt  }
0x65: {  	_ =	shalt  }
0x66: {  	_ =	shalt  }
0x67: {  	_ =	shalt  }
0x68: {  	_ =	shalt  }
0x69: {  	_ =	shalt  }
0x6a: {  	_ =	shalt  }
0x6b: {  	_ =	shalt  }
0x6c: {  	_ =	shalt  }
0x6d: {  	_ =	shalt  }
0x6e: {  	_ =	shalt  }
0x6f: {  	_ =	shalt  }
0x70: {  	_ =	shalt  }
0x71: {  	_ =	shalt  }
0x72: {  	_ =	shalt  }
0x73: {  	_ =	shalt  }
0x74: {  	_ =	shalt  }
0x75: {  	_ =	shalt  }
0x76: {  	_ =	shalt  }
0x77: {  	_ =	shalt  }
0x78: {  	_ =	shalt  }
0x79: {  	_ =	shalt  }
0x7a: {  	_ =	shalt  }
0x7b: {  	_ =	shalt  }
0x7c: {  	_ =	shalt  }
0x7d: {  	_ =	shalt  }
0x7e: {  	_ =	shalt  }
0x7f: {  	_ =	shalt  }
0x80: {  	_ =	shalt  }
0x81: {  	_ =	shalt  }
0x82: {  	_ =	shalt  }
0x83: {  	_ =	shalt  }
0x84: {  	_ =	shalt  }
0x85: {  	_ =	shalt  }
0x86: {  	_ =	shalt  }
0x87: {  	_ =	shalt  }
.Lfunc_end0:
.L_simem_size_0:
called_computation.1_lowered:
.L_overlay_start_0:
0x88: {  	s2 =	sld [smem:$0x3FD9]  }
0x89: {  	s3 =	sld [smem:$0x3FFE];
	_ =	sdelay $0x1  }
0x8a: {  	s1 =	srdreg.scid  }
0x8b: {  	s0 =	sand.u32 $0x1, s1  }
0x8c: {  	s14 =	sshll.u32 s0, $0xA;
	s2 =	sadd.s32 s3, s2  }
0x8d: {  	s2 =	sadd.s32 s2, s14  }
0x8e: {  	[smem:$0x3FAD] =	sst s2  }
0x8f: {  	_ = 	snop  }
0x90: {  	s2 =	sld [smem:$0x3FD0];
	_ =	sdelay $0x2  }
0x91: {  	s15 =	simm.s32 $0xA;
	s4 =	simm.s32 $0x10  }
0x92: {  	[smem:s4], [sflag:s15] =	dma.local [hbm:s2], $0x1  }
0x93: {  	_ =	swait.eq [sflag:s15], $0x1  }
0x94: {  	[sflag:s15] =	ssyncset.done $0x0  }
0x95: {  	[sflag:s15] =	ssyncadd.s32 $0xFFFFFFFF  }
0x96: {  	s16 =	sld [smem:$0x10];
	(tm) =	ssettm $0x1  }
0x97: {  	s17 =	sld [smem:$0x3FFB];
	_ =	sdelay $0x3  }
0x98: {  	_ =	strace s17  }
0x99: {  	s3 =	sld [smem:$0x3FFC];
	_ =	sdelay $0x3  }
0x9a: {  	_ =	strace s3  }
0x9b: {  	s3 =	sld [smem:$0x3FFD];
	_ =	sdelay $0x3  }
0x9c: {  	_ =	strace s3  }
0x9d: {  	_ =	strace $0x8FFFFFFF  }
0x9e: {  	s18 =	sld [smem:$0x3FDB];
	_ =	sdelay $0x1  }
0x9f: {  	s19 =	simm.s32 $_scs_section_size  }
0xa0: {  	s5 =	simm.s32 $_size__tile_overlayer_lowered;
	s6 =	simm.s32 $_tile_overlayer_lowered  }
0xa1: {  	s22 =	simm.s32 $0x1BFF;
	s21 =	sshll.u32 s6, $0x1;
	s3 =	sadd.s32 s19, s18  }
0xa2: {  	s7 =	simm.s32 $0x0;
	s20 =	sshll.u32 s5, $0x1;
	s5 =	sadd.s32 s21, s3  }
0xa3: {  	[timem:s7], [sflag:s22] =	dma.local [hbm:s5], s20  }
0xa4: {  	_ =	swait.ge [sflag:s22], s20  }
0xa5: {  	s4 =	ssub.s32 $0x0, s20;
	[sflag:s22] =	ssyncset.done $0x0  }
0xa6: {  	[sflag:s22] =	ssyncadd.s32 s4;
	_ =	sdelay $0x1  }
0xa7: {  	s23 =	simm.s32 $0x1B8B  }
0xa8: {  	_ =	swait.ge [sflag:s23], $0x1  }
0xa9: {  	[sflag:s23] =	ssyncset.done $0x0  }
0xaa: {  	s25 =	simm.s32 $0x1B8E;
	s24 =	sld [smem:$0x3FFE];
	[sflag:s23] =	ssyncadd.s32 $0xFFFFFFFF  }
0xab: {  	s26 =	simm.s32 $execute0_lowered;
	[smem:$0x3FD2] =	sst s25  }
0xac: {  	s5 =	sshll.u32 s26, $0x1;
	_ =	strace $0x80000049;
	[dreg:$0x1] =	wrdreg $0xFFFFFFFF  }
0xad: {  	s28 =	simm.s32 $_size_execute0_lowered;
	s3 =	sadd.s32 s3, s5;
	[dreg:$0x0] =	wrdreg $0x0  }
0xae: {  	s5 =	sshll.u32 s28, $0x1;
	[dreg:$0x2] =	wrdreg s3  }
0xaf: {  	[dreg:$0x3] =	wrdreg s5  }
0xb0: {  	[dreg:$0x4] =	wrdreg $0xC0  }
0xb1: {  	_ =	task [dreg:s7], $0x5FFFF  }
0xb2: {  	[dreg:$0x1] =	wrdreg $0xFFFFFFFF  }
0xb3: {  	[dreg:$0x0] =	wrdreg $0x60  }
0xb4: {  	[dreg:$0x2] =	wrdreg s24  }
0xb5: {  	[dreg:$0x3] =	wrdreg s16  }
0xb6: {  	[dreg:$0x4] =	wrdreg $0x9  }
0xb7: {  	_ =	task.clear_ibuf [dreg:s7], $0x5FFFF;
	_ =	strace $0x90000049  }
0xb8: {  	s29 =	simm.s32 $0x9;
	_ =	strace $0x8000004B  }
0xb9: {  	_ =	swait.ge [sflag:s29], $0x1  }
0xba: {  	[sflag:s29] =	ssyncadd.s32 $0xFFFFFFFF  }
0xbb: {  	_ =	strace $0x9000004B  }
0xbc: {  	_ =	sfence  }
0xbd: {  	s30 =	sld [smem:$0x0];
	_ =	sdelay $0x2  }
0xbe: {  	s31 =	sshll.u32 s1, $0xD;
	s1 =	sshrl.u32 s1, $0x2  }
0xbf: {  	s3 =	sand.u32 $0x4000, s31;
	s1 =	sadd.s32 s1, s30  }
0xc0: {  	s0 =	sor.u32 s3, s0;
	s1 =	sshll.u32 s1, $0x11  }
0xc1: {  	s0 =	sor.u32 s1, s0  }
0xc2: {  	s0 =	sadd.s32 $0x8F2B, s0  }
0xc3: {  	[sflag:s0] =	ssyncadd.remote.s32 $0x1  }
0xc4: {  	_ =	sfence.sel $0xFFFF  }
0xc5: {  	[dreg:$0x0] =	wrdreg $0xFFFFFFFF;
	(pc) =	sbr.abs _section_cstart, $3  }
0xc6: {  	[dreg:$0x1] =	wrdreg $0xFFFFFFFF  }
0xc7: {  	_ =	task.clear_ibuf [dreg:s7], $0x2FFFF;
	_ =	strace $0x9FFFFFFF  }
0xc8: {  	(tm) =	ssettm $0x7FFFFFFF  }
0xc9: {  	_ =	shalt  }
tec
execute0_lowered:
.L_overlay_start_1:
0x0: {  	(tag) =	ssettag $0x1  }
0x1: {  	s4 =	rddreg [dreg:$0x0];
	s1 =	srdreg.scid  }
0x2: {  	s0 =	stileid.u32;
	s5 =	rddreg [dreg:$0x1]  }
0x3: {  	s2 =	simm.s32 $0x0;
	s13 =	simm.s32 $0x1;
	s14 =	simm.s32 $0x3  }
0x4: {  	s15 =	simm.s32 $0x2;
	s16 =	simm.s32 $0x4;
	s17 =	simm.s32 $0x0  }
0x5: {  	s6 =	sand.u32 $0x1, s1;
	s3 =	sshll.u32 s0, $0x1;
	s12 =	smul.u32 $0x18800, s0  }
0x6: {  	s7 =	sor.u32 s6, s3;
	s10 =	ssub.s32 $0x2, s6;
	s6 =	smul.u32 $0xC400, s6  }
0x7: {  	[smem:$0x7FF] =	sst s2;
	s11 =	sadd.s32 $0x18D600, s4;
	s8 =	smul.u32 $0xC40, s7  }
0x8: {  	s1 =	rddreg [dreg:$0x2];
	_ =	strace $0x8000004A;
	s9 =	smul.u32 $0xC400, s7  }
0x9: {  	s3 =	sadd.s32 $0xC9600, s4;
	s7 =	smul.u32 $0x62000, s7;
	s29 =	sshrl.u32 s10, $0x1  }
0xa: {  	s31 =	sadd.s32 s12, s11;
	s12 =	simm.s32 $0x4480;
	s10 =	ssub.s32 s10, s29  }
0xb: {  	s30 =	sshrl.u32 s8, $0x3;
	s7 =	sshrl.u32 s7, $0x3;
	s8 =	sadd.s32 s6, s31  }
0xc: {  	s4 =	sadd.s32 s5, s30;
	s5 =	sadd.s32 s11, s9;
	s7 =	sadd.s32 s11, s7  }
0xd: {  	s8 =	sadd.s32 $0x700, s8;
	s9 =	simm.s32 $0x5;
	s11 =	simm.s32 $0xC80  }
0xe: {  	s6 =	sadd.s32 $0xBD00, s7;
	s7 =	smax.u32 s10, $0x1;
	s10 =	simm.s32 $0x70  }
.LBB2_1:
0xf: {  	[tilespmem:s2], [sflag:$0x5] =	stream.linear.gather [hbm4b:s4+s2], $0xC40, $0x38;
	[tilespmem:$0x7C80] =	vst v63  }
0x10: {  	_ =	swait.ge [sflag:s9], $0xC40  }
0x11: {  	[sflag:s9] =	ssyncset.done $0x0  }
0x12: {  	[sflag:s9] =	ssyncadd.s32 $0xFFFFF3C0  }
0x13: {  	[tilespmem:s11], [sflag:$0x1] =	stream.indirect.gather [hbm4b:s3+s10], $0x80, s2, s10, $0xb8;
	[tilespmem:$0x7C80] =	vst v63  }
0x14: {  	_ = 	snop  }
0x15: {  	[tilespmem:s12], [sflag:$0x2] =	stream.indirect.gather [hbm4b:s3+s10], $0x80, s10, s10, $0xb8;
	[tilespmem:$0x7C80] =	vst v63  }
0x16: {  	_ =	swait.ge [sflag:s13], $0x3800  }
0x17: {  	[sflag:s13] =	ssyncset.done $0x0  }
0x18: {  	[sflag:s13] =	ssyncadd.s32 $0xFFFFC800  }
0x19: {  	[hbm4b:s5+s2] =	stream.linear.scatter [tilespmem:s11], [sflag:$0x3], $0x3800, $0x38;
	[tilespmem:$0x7C80] =	vst v63  }
0x1a: {  	_ =	swait.ge [sflag:s14], $0x3800  }
0x1b: {  	[sflag:s14] =	ssyncset.done $0x0  }
0x1c: {  	s18 =	simm.s32 $0xE0;
	[sflag:s14] =	ssyncadd.s32 $0xFFFFC800  }
0x1d: {  	[tilespmem:s11], [sflag:$0x1] =	stream.indirect.gather [hbm4b:s3+s10], $0x80, s18, s10, $0xb8;
	[tilespmem:$0x7C80] =	vst v63  }
0x1e: {  	_ =	swait.ge [sflag:s15], $0x3800  }
0x1f: {  	[sflag:s15] =	ssyncset.done $0x0  }
0x20: {  	[sflag:s15] =	ssyncadd.s32 $0xFFFFC800  }
0x21: {  	[hbm4b:s8+s2] =	stream.linear.scatter [tilespmem:s12], [sflag:$0x4], $0x3800, $0x38;
	[tilespmem:$0x7C80] =	vst v63  }
0x22: {  	_ =	swait.ge [sflag:s16], $0x3800  }
0x23: {  	[sflag:s16] =	ssyncset.done $0x0  }
0x24: {  	s31 =	simm.s32 $0x150;
	[sflag:s16] =	ssyncadd.s32 $0xFFFFC800  }
0x25: {  	[tilespmem:s12], [sflag:$0x2] =	stream.indirect.gather [hbm4b:s3+s10], $0x80, s31, s10, $0xb8;
	[tilespmem:$0x7C80] =	vst v63  }
0x26: {  	_ =	swait.ge [sflag:s13], $0x3800  }
0x27: {  	s20 =	sadd.s32 $0x700, s8;
	[sflag:s13] =	ssyncset.done $0x0  }
0x28: {  	s19 =	sadd.s32 $0xE00, s8;
	s18 =	simm.s32 $0x380;
	[sflag:s13] =	ssyncadd.s32 $0xFFFFC800  }
.LBB2_2:
0x29: {  	[hbm4b:s20+s2] =	stream.linear.scatter [tilespmem:s11], [sflag:$0x3], $0x3800, $0x38;
	[tilespmem:$0x7C80] =	vst v63  }
0x2a: {  	s20 =	smov.u32 s18  }
0x2b: {  	p0 =	sne.s32 s18, $0x2A00;
	s18 =	sadd.s32 $0x380, s18;
	_ =	swait.ge [sflag:s14], $0x3800  }
0x2c: {  	s20 =	sshra.s32 s20, $0x2;
	[sflag:s14] =	ssyncset.done $0x0  }
0x2d: {  	s21 =	sadd.s32 $0xE0, s20;
	[sflag:s14] =	ssyncadd.s32 $0xFFFFC800  }
0x2e: {  	[tilespmem:s11], [sflag:$0x1] =	stream.indirect.gather [hbm4b:s3+s10], $0x80, s21, s10, $0xb8;
	[tilespmem:$0x7C80] =	vst v63  }
0x2f: {  	_ =	swait.ge [sflag:s15], $0x3800  }
0x30: {  	[sflag:s15] =	ssyncset.done $0x0  }
0x31: {  	[sflag:s15] =	ssyncadd.s32 $0xFFFFC800  }
0x32: {  	[hbm4b:s19+s2] =	stream.linear.scatter [tilespmem:s12], [sflag:$0x4], $0x3800, $0x38;
	[tilespmem:$0x7C80] =	vst v63  }
0x33: {  	_ =	swait.ge [sflag:s16], $0x3800  }
0x34: {  	[sflag:s16] =	ssyncset.done $0x0  }
.Ltmp0:
0x35: {  	s20 =	sadd.s32 $0x150, s20;
	[sflag:s16] =	ssyncadd.s32 $0xFFFFC800;
	(pc) =	sbr.rel @p0 .LBB2_2-.Ltmp0, $4  }
0x36: {  	[tilespmem:s12], [sflag:$0x2] =	stream.indirect.gather [hbm4b:s3+s10], $0x80, s20, s10, $0xb8;
	[tilespmem:$0x7C80] =	vst v63  }
0x37: {  	_ =	swait.ge [sflag:s13], $0x3800  }
0x38: {  	[sflag:s13] =	ssyncset.done $0x0  }
0x39: {  	s20 =	sadd.s32 $0x700, s19;
	s19 =	sadd.s32 $0xE00, s19;
	[sflag:s13] =	ssyncadd.s32 $0xFFFFC800  }
0x3a: {  	[hbm4b:s20+s2] =	stream.linear.scatter [tilespmem:s11], [sflag:$0x3], $0x3800, $0x38;
	[tilespmem:$0x7C80] =	vst v63  }
0x3b: {  	_ =	swait.ge [sflag:s15], $0x3800  }
0x3c: {  	[sflag:s15] =	ssyncset.done $0x0  }
0x3d: {  	s17 =	sadd.s32 $0x1, s17;
	[sflag:s15] =	ssyncadd.s32 $0xFFFFC800  }
0x3e: {  	[hbm4b:s6+s2] =	stream.linear.scatter [tilespmem:s12], [sflag:$0x4], $0x3800, $0x38;
	[tilespmem:$0x7C80] =	vst v63  }
0x3f: {  	p0 =	sne.s32 s17, s7;
	_ =	swait.ge [sflag:s14], $0x3800  }
.Ltmp1:
0x40: {  	[sflag:s14] =	ssyncset.done $0x0;
	(pc) =	sbr.rel @p0 .LBB2_1-.Ltmp1, $4  }
0x41: {  	[sflag:s14] =	ssyncadd.s32 $0xFFFFC800  }
0x42: {  	_ =	swait.ge [sflag:s16], $0x3800  }
0x43: {  	[sflag:s16] =	ssyncset.done $0x0  }
0x44: {  	[sflag:s16] =	ssyncadd.s32 $0xFFFFC800  }
0x45: {  	_ =	sfence.sel $0x180000  }
0x46: {  	[bflag:$0x0] =	sbarrier.arrive $0xFFFF  }
0x47: {  	p0 =	sne.s32 s0, $0x0;
	_ =	strace $0x9000004A  }
0x48: {  	s0 =	sadd.s32 @!p0 $0x100000, s1;
	[bflag:$0x2] =	sbarrier.arrive $0xFFFF  }
0x49: {  	[sflag:s0] =	ssyncadd.tile.s32 @!p0 $0x1;
	_ =	shalt  }
.Lfunc_end2:
_tile_overlayer_lowered:
.L_overlay_start_2:
0x4a: {  	(tag) =	ssettag $0x2  }
0x4b: {  	s0 =	rddreg [dreg:$0x0];
	s2 =	stileid.u32  }
0x4c: {  	s1 =	rddreg [dreg:$0x1];
	p0 =	sne.s32 s2, $0x0  }
0x4d: {  	s3 =	rddreg [dreg:$0x2];
	[bflag:$0x3] =	sbarrier.arrive $0xFFFF;
	s2 =	simm.s32 @!p0 $0x1C05  }
0x4e: {  	[timem:s3], [sflag:s2] =	dma.local @!p0 [hbm:s0], s1  }
0x4f: {  	s0 =	simm.s32 @!p0 $0x5  }
0x50: {  	_ =	swait.ge @!p0 [sflag:s0], s1  }
0x51: {  	s1 =	ssub.s32 @!p0 $0x0, s1;
	[sflag:s0] =	ssyncset.done @!p0 $0x0  }
0x52: {  	[sflag:s0] =	ssyncadd.s32 @!p0 s1  }
0x53: {  	[bflag:$0x3] =	sbarrier.arrive $0xFFFF  }
0x54: {  	_ =	shalt  }

// kernel: kernel.25.cloned.1.call-start
scs
__scs_entry_jumppad:
0x0: {  	(pc) =	sbr.rel $0x88, $3  }
0x1: {  	(tag) =	ssettag $0x0;
	lr =	simm.s32 $0x1  }
0x2: {  	[smem:$0x3F86] =	sst lr;
	_ =	strace $0xD0000000  }
0x3: {  	_ = 	snop  }
0x4: {  	_ = 	snop  }
0x5: {  	_ = 	snop  }
0x6: {  	_ = 	snop  }
0x7: {  	_ = 	snop  }
__scs_overlays_trampoline_lowered:
0x8: {  	[smem:$0x3F95] =	sst s0  }
0x9: {  	[smem:$0x3F96] =	sst s1  }
0xa: {  	[smem:$0x3F97] =	sst s2  }
0xb: {  	[smem:$0x3F98] =	sst s3  }
0xc: {  	[smem:$0x3F99] =	sst s4  }
0xd: {  	[smem:$0x3F9A] =	sst s5  }
0xe: {  	[smem:$0x3F9B] =	sst s6  }
0xf: {  	[smem:$0x3F9C] =	sst s7  }
0x10: {  	[smem:$0x3F9D] =	sst s8  }
0x11: {  	[smem:$0x3F9E] =	sst s9;
	s0 =	simm.s32 @!p0 $0x0  }
0x12: {  	s1 =	sld [smem:$0x3F84];
	s0 =	simm.s32 @p0 $0x1  }
0x13: {  	[smem:$0x3F9F] =	sst s0;
	s0 =	simm.s32 @!p1 $0x0  }
0x14: {  	s2 =	sld [smem:$0x3F83];
	s0 =	simm.s32 @p1 $0x1  }
0x15: {  	[smem:$0x3FA0] =	sst s0;
	s0 =	simm.s32 @!p2 $0x0  }
0x16: {  	s3 =	sld [smem:$0x3FDB];
	s0 =	simm.s32 @p2 $0x1  }
0x17: {  	s4 =	simm.s32 $0x1BF5;
	[smem:$0x3FA2] =	sst s0  }
0x18: {  	s0 =	sld [smem:$0x3F85];
	_ =	swait.ge [sflag:s4], $0x0  }
0x19: {  	s7 =	sld [smem:$0x3F86]  }
0x1a: {  	s8 =	sadd.s32 $0xFFFFE003, lr  }
0x1b: {  	s9 =	sadd.s32 $0xFFFFFEF7, lr;
	s5 =	simm.s32 $0xFFFFFFFF;
	p2 =	slt.u32 s8, $0xFFFFF086  }
0x1c: {  	p1 =	slt.u32 s9, $0xF7A;
	s5 =	simm.s32 @!p2 $0x0  }
0x1d: {  	s5 =	simm.s32 @p1 $0x1;
	p0 =	seq.s32 s7, s2  }
0x1e: {  	s7 =	smul.u32 @!p0 $0xF7A, s2;
	p2 =	seq.s32 @!p0 s5, $0x0  }
0x1f: {  	s9 =	smul.u32 $0xF7A, s1;
	s8 =	simm.s32 @!p0 $0x1BF5;
	p2 =	por !p2, p0  }
0x20: {  	[sflag:s8] =	ssyncset.s32 @!p0 $0xFFFFF086;
	s6 =	sadd.s32 @!p0 s3, s7;
	s7 =	simm.s32 @!p0 $0x108  }
0x21: {  	s3 =	sadd.s32 s3, s9;
	s6 =	sadd.s32 @!p0 $0x88, s6;
	s7 =	simm.s32 @p2 $0x1082  }
0x22: {  	[simem:s7], [sflag:s8] =	dma.local @!p0 [hbm:s6], $0xF7A  }
0x23: {  	s9 =	sor.u32 $0xD0000000, s2;
	s6 =	simm.s32 $0x108;
	_ =	swait.ge @!p0 [sflag:s8], $0x0  }
0x24: {  	s3 =	sadd.s32 $0x88, s3;
	s6 =	simm.s32 @!p1 $0x1082;
	[sflag:s4] =	ssyncset.s32 $0xFFFFF086  }
0x25: {  	[simem:s6], [sflag:s4] =	dma.local [hbm:s3], $0xF7A  }
0x26: {  	[smem:$0x3F86] =	sst s1;
	(tag) =	ssettag s2;
	_ =	strace s9  }
0x27: {  	s1 =	sld [smem:$0x3F96]  }
0x28: {  	s2 =	sld [smem:$0x3F97]  }
0x29: {  	s4 =	sld [smem:$0x3F99]  }
0x2a: {  	p0 =	seq.s32 s5, $0x0;
	s5 =	sld [smem:$0x3F9A]  }
0x2b: {  	s6 =	sld [smem:$0x3F9B]  }
0x2c: {  	s7 =	sld [smem:$0x3F9C]  }
0x2d: {  	s3 =	simm.s32 $0x108;
	s8 =	sld [smem:$0x3F9D]  }
0x2e: {  	s3 =	simm.s32 @!p0 $0x1082;
	s9 =	sld [smem:$0x3F9E]  }
0x2f: {  	lr =	sadd.s32 s0, s3;
	s0 =	sld [smem:$0x3F95]  }
0x30: {  	s3 =	sld [smem:$0x3F98]  }
0x31: {  	[smem:$0x3FA1] =	sst s10  }
0x32: {  	s10 =	sld [smem:$0x3F9F];
	_ =	sdelay $0x3  }
0x33: {  	p0 =	seq.s32 s10, $0x1;
	s10 =	sld [smem:$0x3FA1];
	_ =	sdelay $0x3  }
0x34: {  	[smem:$0x3FA1] =	sst s10  }
0x35: {  	s10 =	sld [smem:$0x3FA0];
	_ =	sdelay $0x3  }
0x36: {  	p1 =	seq.s32 s10, $0x1;
	s10 =	sld [smem:$0x3FA1];
	_ =	sdelay $0x3  }
0x37: {  	[smem:$0x3FA1] =	sst s10  }
0x38: {  	s10 =	sld [smem:$0x3FA2]  }
0x39: {  	_ = 	snop;
	(pc) =	sbr.ind lr, $3  }
0x3a: {  	_ = 	snop  }
0x3b: {  	_ = 	snop  }
0x3c: {  	p2 =	seq.s32 s10, $0x1;
	s10 =	sld [smem:$0x3FA1]  }
0x3d: {  	_ =	shalt  }
0x3e: {  	_ =	shalt  }
0x3f: {  	_ =	shalt  }
0x40: {  	_ =	shalt  }
0x41: {  	_ =	shalt  }
0x42: {  	_ =	shalt  }
0x43: {  	_ =	shalt  }
0x44: {  	_ =	shalt  }
0x45: {  	_ =	shalt  }
0x46: {  	_ =	shalt  }
0x47: {  	_ =	shalt  }
0x48: {  	_ =	shalt  }
0x49: {  	_ =	shalt  }
0x4a: {  	_ =	shalt  }
0x4b: {  	_ =	shalt  }
0x4c: {  	_ =	shalt  }
0x4d: {  	_ =	shalt  }
0x4e: {  	_ =	shalt  }
0x4f: {  	_ =	shalt  }
0x50: {  	_ =	shalt  }
0x51: {  	_ =	shalt  }
0x52: {  	_ =	shalt  }
0x53: {  	_ =	shalt  }
0x54: {  	_ =	shalt  }
0x55: {  	_ =	shalt  }
0x56: {  	_ =	shalt  }
0x57: {  	_ =	shalt  }
0x58: {  	_ =	shalt  }
0x59: {  	_ =	shalt  }
0x5a: {  	_ =	shalt  }
0x5b: {  	_ =	shalt  }
0x5c: {  	_ =	shalt  }
0x5d: {  	_ =	shalt  }
0x5e: {  	_ =	shalt  }
0x5f: {  	_ =	shalt  }
0x60: {  	_ =	shalt  }
0x61: {  	_ =	shalt  }
0x62: {  	_ =	shalt  }
0x63: {  	_ =	shalt  }
0x64: {  	_ =	shalt  }
0x65: {  	_ =	shalt  }
0x66: {  	_ =	shalt  }
0x67: {  	_ =	shalt  }
0x68: {  	_ =	shalt  }
0x69: {  	_ =	shalt  }
0x6a: {  	_ =	shalt  }
0x6b: {  	_ =	shalt  }
0x6c: {  	_ =	shalt  }
0x6d: {  	_ =	shalt  }
0x6e: {  	_ =	shalt  }
0x6f: {  	_ =	shalt  }
0x70: {  	_ =	shalt  }
0x71: {  	_ =	shalt  }
0x72: {  	_ =	shalt  }
0x73: {  	_ =	shalt  }
0x74: {  	_ =	shalt  }
0x75: {  	_ =	shalt  }
0x76: {  	_ =	shalt  }
0x77: {  	_ =	shalt  }
0x78: {  	_ =	shalt  }
0x79: {  	_ =	shalt  }
0x7a: {  	_ =	shalt  }
0x7b: {  	_ =	shalt  }
0x7c: {  	_ =	shalt  }
0x7d: {  	_ =	shalt  }
0x7e: {  	_ =	shalt  }
0x7f: {  	_ =	shalt  }
0x80: {  	_ =	shalt  }
0x81: {  	_ =	shalt  }
0x82: {  	_ =	shalt  }
0x83: {  	_ =	shalt  }
0x84: {  	_ =	shalt  }
0x85: {  	_ =	shalt  }
0x86: {  	_ =	shalt  }
0x87: {  	_ =	shalt  }
.Lfunc_end0:
.L_simem_size_0:
called_computation.2_lowered:
.L_overlay_start_0:
0x88: {  	s2 =	sld [smem:$0x3FD9]  }
0x89: {  	s3 =	sld [smem:$0x3FFE];
	_ =	sdelay $0x1  }
0x8a: {  	s1 =	srdreg.scid  }
0x8b: {  	s0 =	sand.u32 $0x1, s1  }
0x8c: {  	s14 =	sshll.u32 s0, $0xA;
	s2 =	sadd.s32 s3, s2  }
0x8d: {  	s2 =	sadd.s32 s2, s14  }
0x8e: {  	[smem:$0x3FAD] =	sst s2  }
0x8f: {  	_ = 	snop  }
0x90: {  	s2 =	sld [smem:$0x3FD0];
	_ =	sdelay $0x2  }
0x91: {  	s15 =	simm.s32 $0xA;
	s4 =	simm.s32 $0x10  }
0x92: {  	[smem:s4], [sflag:s15] =	dma.local [hbm:s2], $0x1  }
0x93: {  	_ =	swait.eq [sflag:s15], $0x1  }
0x94: {  	[sflag:s15] =	ssyncset.done $0x0  }
0x95: {  	[sflag:s15] =	ssyncadd.s32 $0xFFFFFFFF  }
0x96: {  	s16 =	sld [smem:$0x10];
	(tm) =	ssettm $0x1  }
0x97: {  	s17 =	sld [smem:$0x3FFB];
	_ =	sdelay $0x3  }
0x98: {  	_ =	strace s17  }
0x99: {  	s3 =	sld [smem:$0x3FFC];
	_ =	sdelay $0x3  }
0x9a: {  	_ =	strace s3  }
0x9b: {  	s3 =	sld [smem:$0x3FFD];
	_ =	sdelay $0x3  }
0x9c: {  	_ =	strace s3  }
0x9d: {  	_ =	strace $0x8FFFFFFF  }
0x9e: {  	s18 =	sld [smem:$0x3FDB];
	_ =	sdelay $0x1  }
0x9f: {  	s19 =	simm.s32 $_scs_section_size  }
0xa0: {  	s5 =	simm.s32 $_size__tile_overlayer_lowered;
	s6 =	simm.s32 $_tile_overlayer_lowered  }
0xa1: {  	s22 =	simm.s32 $0x1BFF;
	s21 =	sshll.u32 s6, $0x1;
	s3 =	sadd.s32 s19, s18  }
0xa2: {  	s7 =	simm.s32 $0x0;
	s20 =	sshll.u32 s5, $0x1;
	s5 =	sadd.s32 s21, s3  }
0xa3: {  	[timem:s7], [sflag:s22] =	dma.local [hbm:s5], s20  }
0xa4: {  	_ =	swait.ge [sflag:s22], s20  }
0xa5: {  	s4 =	ssub.s32 $0x0, s20;
	[sflag:s22] =	ssyncset.done $0x0  }
0xa6: {  	[sflag:s22] =	ssyncadd.s32 s4;
	_ =	sdelay $0x1  }
0xa7: {  	s23 =	simm.s32 $0x1B8B  }
0xa8: {  	_ =	swait.ge [sflag:s23], $0x1  }
0xa9: {  	[sflag:s23] =	ssyncset.done $0x0  }
0xaa: {  	s25 =	simm.s32 $0x1B8E;
	s24 =	sld [smem:$0x3FFE];
	[sflag:s23] =	ssyncadd.s32 $0xFFFFFFFF  }
0xab: {  	s26 =	simm.s32 $execute0_lowered;
	[smem:$0x3FD2] =	sst s25  }
0xac: {  	s5 =	sshll.u32 s26, $0x1;
	_ =	strace $0x8000004C;
	[dreg:$0x1] =	wrdreg $0xFFFFFFFF  }
0xad: {  	s28 =	simm.s32 $_size_execute0_lowered;
	s3 =	sadd.s32 s3, s5;
	[dreg:$0x0] =	wrdreg $0x0  }
0xae: {  	s5 =	sshll.u32 s28, $0x1;
	[dreg:$0x2] =	wrdreg s3  }
0xaf: {  	[dreg:$0x3] =	wrdreg s5  }
0xb0: {  	[dreg:$0x4] =	wrdreg $0xC0  }
0xb1: {  	_ =	task [dreg:s7], $0x5FFFF  }
0xb2: {  	[dreg:$0x1] =	wrdreg $0xFFFFFFFF  }
0xb3: {  	[dreg:$0x0] =	wrdreg $0x60  }
0xb4: {  	[dreg:$0x2] =	wrdreg s24  }
0xb5: {  	[dreg:$0x3] =	wrdreg s16  }
0xb6: {  	[dreg:$0x4] =	wrdreg $0x9  }
0xb7: {  	_ =	task.clear_ibuf [dreg:s7], $0x5FFFF;
	_ =	strace $0x9000004C  }
0xb8: {  	s29 =	simm.s32 $0x9;
	_ =	strace $0x8000004E  }
0xb9: {  	_ =	swait.ge [sflag:s29], $0x1  }
0xba: {  	[sflag:s29] =	ssyncadd.s32 $0xFFFFFFFF  }
0xbb: {  	_ =	strace $0x9000004E  }
0xbc: {  	_ =	sfence  }
0xbd: {  	s30 =	sld [smem:$0x0];
	_ =	sdelay $0x2  }
0xbe: {  	s31 =	sshll.u32 s1, $0xD;
	s1 =	sshrl.u32 s1, $0x2  }
0xbf: {  	s3 =	sand.u32 $0x4000, s31;
	s1 =	sadd.s32 s1, s30  }
0xc0: {  	s0 =	sor.u32 s3, s0;
	s1 =	sshll.u32 s1, $0x11  }
0xc1: {  	s0 =	sor.u32 s1, s0  }
0xc2: {  	s0 =	sadd.s32 $0x8F2B, s0  }
0xc3: {  	[sflag:s0] =	ssyncadd.remote.s32 $0x1  }
0xc4: {  	_ =	sfence.sel $0xFFFF  }
0xc5: {  	[dreg:$0x0] =	wrdreg $0xFFFFFFFF;
	(pc) =	sbr.abs _section_cstart, $3  }
0xc6: {  	[dreg:$0x1] =	wrdreg $0xFFFFFFFF  }
0xc7: {  	_ =	task.clear_ibuf [dreg:s7], $0x2FFFF;
	_ =	strace $0x9FFFFFFF  }
0xc8: {  	(tm) =	ssettm $0x7FFFFFFF  }
0xc9: {  	_ =	shalt  }
tec
execute0_lowered:
.L_overlay_start_1:
0x0: {  	(tag) =	ssettag $0x1  }
0x1: {  	s4 =	rddreg [dreg:$0x0];
	s1 =	srdreg.scid  }
0x2: {  	s0 =	stileid.u32;
	s5 =	rddreg [dreg:$0x1]  }
0x3: {  	s2 =	simm.s32 $0x0;
	s13 =	simm.s32 $0x1;
	s14 =	simm.s32 $0x3  }
0x4: {  	s15 =	simm.s32 $0x2;
	s16 =	simm.s32 $0x4;
	s17 =	simm.s32 $0x0  }
0x5: {  	s6 =	sand.u32 $0x1, s1;
	s3 =	sshll.u32 s0, $0x1;
	s12 =	smul.u32 $0x18800, s0  }
0x6: {  	s7 =	sor.u32 s6, s3;
	s10 =	ssub.s32 $0x2, s6;
	s6 =	smul.u32 $0xC400, s6  }
0x7: {  	[smem:$0x7FF] =	sst s2;
	s11 =	sadd.s32 $0x18D600, s4;
	s8 =	smul.u32 $0xC40, s7  }
0x8: {  	s1 =	rddreg [dreg:$0x2];
	_ =	strace $0x8000004D;
	s9 =	smul.u32 $0xC400, s7  }
0x9: {  	s3 =	sadd.s32 $0x3C00, s4;
	s7 =	smul.u32 $0x62000, s7;
	s29 =	sshrl.u32 s10, $0x1  }
0xa: {  	s31 =	sadd.s32 s12, s11;
	s12 =	simm.s32 $0x4480;
	s10 =	ssub.s32 s10, s29  }
0xb: {  	s30 =	sshrl.u32 s8, $0x3;
	s7 =	sshrl.u32 s7, $0x3;
	s8 =	sadd.s32 s6, s31  }
0xc: {  	s4 =	sadd.s32 s5, s30;
	s5 =	sadd.s32 s11, s9;
	s7 =	sadd.s32 s11, s7  }
0xd: {  	s8 =	sadd.s32 $0x700, s8;
	s9 =	simm.s32 $0x5;
	s11 =	simm.s32 $0xC80  }
0xe: {  	s6 =	sadd.s32 $0xBD00, s7;
	s7 =	smax.u32 s10, $0x1;
	s10 =	simm.s32 $0x70  }
.LBB2_1:
0xf: {  	[tilespmem:s2], [sflag:$0x5] =	stream.linear.gather [hbm4b:s4+s2], $0xC40, $0x38;
	[tilespmem:$0x7C80] =	vst v63  }
0x10: {  	_ =	swait.ge [sflag:s9], $0xC40  }
0x11: {  	[sflag:s9] =	ssyncset.done $0x0  }
0x12: {  	[sflag:s9] =	ssyncadd.s32 $0xFFFFF3C0  }
0x13: {  	[tilespmem:s11], [sflag:$0x1] =	stream.indirect.gather [hbm4b:s3+s10], $0x80, s2, s10, $0xb8;
	[tilespmem:$0x7C80] =	vst v63  }
0x14: {  	_ = 	snop  }
0x15: {  	[tilespmem:s12], [sflag:$0x2] =	stream.indirect.gather [hbm4b:s3+s10], $0x80, s10, s10, $0xb8;
	[tilespmem:$0x7C80] =	vst v63  }
0x16: {  	_ =	swait.ge [sflag:s13], $0x3800  }
0x17: {  	[sflag:s13] =	ssyncset.done $0x0  }
0x18: {  	[sflag:s13] =	ssyncadd.s32 $0xFFFFC800  }
0x19: {  	[hbm4b:s5+s2] =	stream.linear.scatter [tilespmem:s11], [sflag:$0x3], $0x3800, $0x38;
	[tilespmem:$0x7C80] =	vst v63  }
0x1a: {  	_ =	swait.ge [sflag:s14], $0x3800  }
0x1b: {  	[sflag:s14] =	ssyncset.done $0x0  }
0x1c: {  	s18 =	simm.s32 $0xE0;
	[sflag:s14] =	ssyncadd.s32 $0xFFFFC800  }
0x1d: {  	[tilespmem:s11], [sflag:$0x1] =	stream.indirect.gather [hbm4b:s3+s10], $0x80, s18, s10, $0xb8;
	[tilespmem:$0x7C80] =	vst v63  }
0x1e: {  	_ =	swait.ge [sflag:s15], $0x3800  }
0x1f: {  	[sflag:s15] =	ssyncset.done $0x0  }
0x20: {  	[sflag:s15] =	ssyncadd.s32 $0xFFFFC800  }
0x21: {  	[hbm4b:s8+s2] =	stream.linear.scatter [tilespmem:s12], [sflag:$0x4], $0x3800, $0x38;
	[tilespmem:$0x7C80] =	vst v63  }
0x22: {  	_ =	swait.ge [sflag:s16], $0x3800  }
0x23: {  	[sflag:s16] =	ssyncset.done $0x0  }
0x24: {  	s31 =	simm.s32 $0x150;
	[sflag:s16] =	ssyncadd.s32 $0xFFFFC800  }
0x25: {  	[tilespmem:s12], [sflag:$0x2] =	stream.indirect.gather [hbm4b:s3+s10], $0x80, s31, s10, $0xb8;
	[tilespmem:$0x7C80] =	vst v63  }
0x26: {  	_ =	swait.ge [sflag:s13], $0x3800  }
0x27: {  	s20 =	sadd.s32 $0x700, s8;
	[sflag:s13] =	ssyncset.done $0x0  }
0x28: {  	s19 =	sadd.s32 $0xE00, s8;
	s18 =	simm.s32 $0x380;
	[sflag:s13] =	ssyncadd.s32 $0xFFFFC800  }
.LBB2_2:
0x29: {  	[hbm4b:s20+s2] =	stream.linear.scatter [tilespmem:s11], [sflag:$0x3], $0x3800, $0x38;
	[tilespmem:$0x7C80] =	vst v63  }
0x2a: {  	s20 =	smov.u32 s18  }
0x2b: {  	p0 =	sne.s32 s18, $0x2A00;
	s18 =	sadd.s32 $0x380, s18;
	_ =	swait.ge [sflag:s14], $0x3800  }
0x2c: {  	s20 =	sshra.s32 s20, $0x2;
	[sflag:s14] =	ssyncset.done $0x0  }
0x2d: {  	s21 =	sadd.s32 $0xE0, s20;
	[sflag:s14] =	ssyncadd.s32 $0xFFFFC800  }
0x2e: {  	[tilespmem:s11], [sflag:$0x1] =	stream.indirect.gather [hbm4b:s3+s10], $0x80, s21, s10, $0xb8;
	[tilespmem:$0x7C80] =	vst v63  }
0x2f: {  	_ =	swait.ge [sflag:s15], $0x3800  }
0x30: {  	[sflag:s15] =	ssyncset.done $0x0  }
0x31: {  	[sflag:s15] =	ssyncadd.s32 $0xFFFFC800  }
0x32: {  	[hbm4b:s19+s2] =	stream.linear.scatter [tilespmem:s12], [sflag:$0x4], $0x3800, $0x38;
	[tilespmem:$0x7C80] =	vst v63  }
0x33: {  	_ =	swait.ge [sflag:s16], $0x3800  }
0x34: {  	[sflag:s16] =	ssyncset.done $0x0  }
.Ltmp0:
0x35: {  	s20 =	sadd.s32 $0x150, s20;
	[sflag:s16] =	ssyncadd.s32 $0xFFFFC800;
	(pc) =	sbr.rel @p0 .LBB2_2-.Ltmp0, $4  }
0x36: {  	[tilespmem:s12], [sflag:$0x2] =	stream.indirect.gather [hbm4b:s3+s10], $0x80, s20, s10, $0xb8;
	[tilespmem:$0x7C80] =	vst v63  }
0x37: {  	_ =	swait.ge [sflag:s13], $0x3800  }
0x38: {  	[sflag:s13] =	ssyncset.done $0x0  }
0x39: {  	s20 =	sadd.s32 $0x700, s19;
	s19 =	sadd.s32 $0xE00, s19;
	[sflag:s13] =	ssyncadd.s32 $0xFFFFC800  }
0x3a: {  	[hbm4b:s20+s2] =	stream.linear.scatter [tilespmem:s11], [sflag:$0x3], $0x3800, $0x38;
	[tilespmem:$0x7C80] =	vst v63  }
0x3b: {  	_ =	swait.ge [sflag:s15], $0x3800  }
0x3c: {  	[sflag:s15] =	ssyncset.done $0x0  }
0x3d: {  	s17 =	sadd.s32 $0x1, s17;
	[sflag:s15] =	ssyncadd.s32 $0xFFFFC800  }
0x3e: {  	[hbm4b:s6+s2] =	stream.linear.scatter [tilespmem:s12], [sflag:$0x4], $0x3800, $0x38;
	[tilespmem:$0x7C80] =	vst v63  }
0x3f: {  	p0 =	sne.s32 s17, s7;
	_ =	swait.ge [sflag:s14], $0x3800  }
.Ltmp1:
0x40: {  	[sflag:s14] =	ssyncset.done $0x0;
	(pc) =	sbr.rel @p0 .LBB2_1-.Ltmp1, $4  }
0x41: {  	[sflag:s14] =	ssyncadd.s32 $0xFFFFC800  }
0x42: {  	_ =	swait.ge [sflag:s16], $0x3800  }
0x43: {  	[sflag:s16] =	ssyncset.done $0x0  }
0x44: {  	[sflag:s16] =	ssyncadd.s32 $0xFFFFC800  }
0x45: {  	_ =	sfence.sel $0x180000  }
0x46: {  	[bflag:$0x0] =	sbarrier.arrive $0xFFFF  }
0x47: {  	p0 =	sne.s32 s0, $0x0;
	_ =	strace $0x9000004D  }
0x48: {  	s0 =	sadd.s32 @!p0 $0x100000, s1;
	[bflag:$0x2] =	sbarrier.arrive $0xFFFF  }
0x49: {  	[sflag:s0] =	ssyncadd.tile.s32 @!p0 $0x1;
	_ =	shalt  }
.Lfunc_end2:
_tile_overlayer_lowered:
.L_overlay_start_2:
0x4a: {  	(tag) =	ssettag $0x2  }
0x4b: {  	s0 =	rddreg [dreg:$0x0];
	s2 =	stileid.u32  }
0x4c: {  	s1 =	rddreg [dreg:$0x1];
	p0 =	sne.s32 s2, $0x0  }
0x4d: {  	s3 =	rddreg [dreg:$0x2];
	[bflag:$0x3] =	sbarrier.arrive $0xFFFF;
	s2 =	simm.s32 @!p0 $0x1C05  }
0x4e: {  	[timem:s3], [sflag:s2] =	dma.local @!p0 [hbm:s0], s1  }
0x4f: {  	s0 =	simm.s32 @!p0 $0x5  }
0x50: {  	_ =	swait.ge @!p0 [sflag:s0], s1  }
0x51: {  	s1 =	ssub.s32 @!p0 $0x0, s1;
	[sflag:s0] =	ssyncset.done @!p0 $0x0  }
0x52: {  	[sflag:s0] =	ssyncadd.s32 @!p0 s1  }
0x53: {  	[bflag:$0x3] =	sbarrier.arrive $0xFFFF  }
0x54: {  	_ =	shalt  }

// kernel: kernel.28.cloned.1.call-start
scs
__scs_entry_jumppad:
0x0: {  	(pc) =	sbr.rel $0x88, $3  }
0x1: {  	(tag) =	ssettag $0x0;
	lr =	simm.s32 $0x1  }
0x2: {  	[smem:$0x3F86] =	sst lr;
	_ =	strace $0xD0000000  }
0x3: {  	_ = 	snop  }
0x4: {  	_ = 	snop  }
0x5: {  	_ = 	snop  }
0x6: {  	_ = 	snop  }
0x7: {  	_ = 	snop  }
__scs_overlays_trampoline_lowered:
0x8: {  	[smem:$0x3F95] =	sst s0  }
0x9: {  	[smem:$0x3F96] =	sst s1  }
0xa: {  	[smem:$0x3F97] =	sst s2  }
0xb: {  	[smem:$0x3F98] =	sst s3  }
0xc: {  	[smem:$0x3F99] =	sst s4  }
0xd: {  	[smem:$0x3F9A] =	sst s5  }
0xe: {  	[smem:$0x3F9B] =	sst s6  }
0xf: {  	[smem:$0x3F9C] =	sst s7  }
0x10: {  	[smem:$0x3F9D] =	sst s8  }
0x11: {  	[smem:$0x3F9E] =	sst s9;
	s0 =	simm.s32 @!p0 $0x0  }
0x12: {  	s1 =	sld [smem:$0x3F84];
	s0 =	simm.s32 @p0 $0x1  }
0x13: {  	[smem:$0x3F9F] =	sst s0;
	s0 =	simm.s32 @!p1 $0x0  }
0x14: {  	s2 =	sld [smem:$0x3F83];
	s0 =	simm.s32 @p1 $0x1  }
0x15: {  	[smem:$0x3FA0] =	sst s0;
	s0 =	simm.s32 @!p2 $0x0  }
0x16: {  	s3 =	sld [smem:$0x3FDB];
	s0 =	simm.s32 @p2 $0x1  }
0x17: {  	s4 =	simm.s32 $0x1BF5;
	[smem:$0x3FA2] =	sst s0  }
0x18: {  	s0 =	sld [smem:$0x3F85];
	_ =	swait.ge [sflag:s4], $0x0  }
0x19: {  	s7 =	sld [smem:$0x3F86]  }
0x1a: {  	s8 =	sadd.s32 $0xFFFFE003, lr  }
0x1b: {  	s9 =	sadd.s32 $0xFFFFFEF7, lr;
	s5 =	simm.s32 $0xFFFFFFFF;
	p2 =	slt.u32 s8, $0xFFFFF086  }
0x1c: {  	p1 =	slt.u32 s9, $0xF7A;
	s5 =	simm.s32 @!p2 $0x0  }
0x1d: {  	s5 =	simm.s32 @p1 $0x1;
	p0 =	seq.s32 s7, s2  }
0x1e: {  	s7 =	smul.u32 @!p0 $0xF7A, s2;
	p2 =	seq.s32 @!p0 s5, $0x0  }
0x1f: {  	s9 =	smul.u32 $0xF7A, s1;
	s8 =	simm.s32 @!p0 $0x1BF5;
	p2 =	por !p2, p0  }
0x20: {  	[sflag:s8] =	ssyncset.s32 @!p0 $0xFFFFF086;
	s6 =	sadd.s32 @!p0 s3, s7;
	s7 =	simm.s32 @!p0 $0x108  }
0x21: {  	s3 =	sadd.s32 s3, s9;
	s6 =	sadd.s32 @!p0 $0x88, s6;
	s7 =	simm.s32 @p2 $0x1082  }
0x22: {  	[simem:s7], [sflag:s8] =	dma.local @!p0 [hbm:s6], $0xF7A  }
0x23: {  	s9 =	sor.u32 $0xD0000000, s2;
	s6 =	simm.s32 $0x108;
	_ =	swait.ge @!p0 [sflag:s8], $0x0  }
0x24: {  	s3 =	sadd.s32 $0x88, s3;
	s6 =	simm.s32 @!p1 $0x1082;
	[sflag:s4] =	ssyncset.s32 $0xFFFFF086  }
0x25: {  	[simem:s6], [sflag:s4] =	dma.local [hbm:s3], $0xF7A  }
0x26: {  	[smem:$0x3F86] =	sst s1;
	(tag) =	ssettag s2;
	_ =	strace s9  }
0x27: {  	s1 =	sld [smem:$0x3F96]  }
0x28: {  	s2 =	sld [smem:$0x3F97]  }
0x29: {  	s4 =	sld [smem:$0x3F99]  }
0x2a: {  	p0 =	seq.s32 s5, $0x0;
	s5 =	sld [smem:$0x3F9A]  }
0x2b: {  	s6 =	sld [smem:$0x3F9B]  }
0x2c: {  	s7 =	sld [smem:$0x3F9C]  }
0x2d: {  	s3 =	simm.s32 $0x108;
	s8 =	sld [smem:$0x3F9D]  }
0x2e: {  	s3 =	simm.s32 @!p0 $0x1082;
	s9 =	sld [smem:$0x3F9E]  }
0x2f: {  	lr =	sadd.s32 s0, s3;
	s0 =	sld [smem:$0x3F95]  }
0x30: {  	s3 =	sld [smem:$0x3F98]  }
0x31: {  	[smem:$0x3FA1] =	sst s10  }
0x32: {  	s10 =	sld [smem:$0x3F9F];
	_ =	sdelay $0x3  }
0x33: {  	p0 =	seq.s32 s10, $0x1;
	s10 =	sld [smem:$0x3FA1];
	_ =	sdelay $0x3  }
0x34: {  	[smem:$0x3FA1] =	sst s10  }
0x35: {  	s10 =	sld [smem:$0x3FA0];
	_ =	sdelay $0x3  }
0x36: {  	p1 =	seq.s32 s10, $0x1;
	s10 =	sld [smem:$0x3FA1];
	_ =	sdelay $0x3  }
0x37: {  	[smem:$0x3FA1] =	sst s10  }
0x38: {  	s10 =	sld [smem:$0x3FA2]  }
0x39: {  	_ = 	snop;
	(pc) =	sbr.ind lr, $3  }
0x3a: {  	_ = 	snop  }
0x3b: {  	_ = 	snop  }
0x3c: {  	p2 =	seq.s32 s10, $0x1;
	s10 =	sld [smem:$0x3FA1]  }
0x3d: {  	_ =	shalt  }
0x3e: {  	_ =	shalt  }
0x3f: {  	_ =	shalt  }
0x40: {  	_ =	shalt  }
0x41: {  	_ =	shalt  }
0x42: {  	_ =	shalt  }
0x43: {  	_ =	shalt  }
0x44: {  	_ =	shalt  }
0x45: {  	_ =	shalt  }
0x46: {  	_ =	shalt  }
0x47: {  	_ =	shalt  }
0x48: {  	_ =	shalt  }
0x49: {  	_ =	shalt  }
0x4a: {  	_ =	shalt  }
0x4b: {  	_ =	shalt  }
0x4c: {  	_ =	shalt  }
0x4d: {  	_ =	shalt  }
0x4e: {  	_ =	shalt  }
0x4f: {  	_ =	shalt  }
0x50: {  	_ =	shalt  }
0x51: {  	_ =	shalt  }
0x52: {  	_ =	shalt  }
0x53: {  	_ =	shalt  }
0x54: {  	_ =	shalt  }
0x55: {  	_ =	shalt  }
0x56: {  	_ =	shalt  }
0x57: {  	_ =	shalt  }
0x58: {  	_ =	shalt  }
0x59: {  	_ =	shalt  }
0x5a: {  	_ =	shalt  }
0x5b: {  	_ =	shalt  }
0x5c: {  	_ =	shalt  }
0x5d: {  	_ =	shalt  }
0x5e: {  	_ =	shalt  }
0x5f: {  	_ =	shalt  }
0x60: {  	_ =	shalt  }
0x61: {  	_ =	shalt  }
0x62: {  	_ =	shalt  }
0x63: {  	_ =	shalt  }
0x64: {  	_ =	shalt  }
0x65: {  	_ =	shalt  }
0x66: {  	_ =	shalt  }
0x67: {  	_ =	shalt  }
0x68: {  	_ =	shalt  }
0x69: {  	_ =	shalt  }
0x6a: {  	_ =	shalt  }
0x6b: {  	_ =	shalt  }
0x6c: {  	_ =	shalt  }
0x6d: {  	_ =	shalt  }
0x6e: {  	_ =	shalt  }
0x6f: {  	_ =	shalt  }
0x70: {  	_ =	shalt  }
0x71: {  	_ =	shalt  }
0x72: {  	_ =	shalt  }
0x73: {  	_ =	shalt  }
0x74: {  	_ =	shalt  }
0x75: {  	_ =	shalt  }
0x76: {  	_ =	shalt  }
0x77: {  	_ =	shalt  }
0x78: {  	_ =	shalt  }
0x79: {  	_ =	shalt  }
0x7a: {  	_ =	shalt  }
0x7b: {  	_ =	shalt  }
0x7c: {  	_ =	shalt  }
0x7d: {  	_ =	shalt  }
0x7e: {  	_ =	shalt  }
0x7f: {  	_ =	shalt  }
0x80: {  	_ =	shalt  }
0x81: {  	_ =	shalt  }
0x82: {  	_ =	shalt  }
0x83: {  	_ =	shalt  }
0x84: {  	_ =	shalt  }
0x85: {  	_ =	shalt  }
0x86: {  	_ =	shalt  }
0x87: {  	_ =	shalt  }
.Lfunc_end0:
.L_simem_size_0:
called_computation.3_lowered:
.L_overlay_start_0:
0x88: {  	s2 =	sld [smem:$0x3FD9]  }
0x89: {  	s3 =	sld [smem:$0x3FFE];
	_ =	sdelay $0x1  }
0x8a: {  	s1 =	srdreg.scid  }
0x8b: {  	s0 =	sand.u32 $0x1, s1  }
0x8c: {  	s14 =	sshll.u32 s0, $0xA;
	s2 =	sadd.s32 s3, s2  }
0x8d: {  	s2 =	sadd.s32 s2, s14  }
0x8e: {  	[smem:$0x3FAD] =	sst s2  }
0x8f: {  	_ = 	snop  }
0x90: {  	s2 =	sld [smem:$0x3FD0];
	_ =	sdelay $0x2  }
0x91: {  	s15 =	simm.s32 $0xA;
	s4 =	simm.s32 $0x10  }
0x92: {  	[smem:s4], [sflag:s15] =	dma.local [hbm:s2], $0x1  }
0x93: {  	_ =	swait.eq [sflag:s15], $0x1  }
0x94: {  	[sflag:s15] =	ssyncset.done $0x0  }
0x95: {  	[sflag:s15] =	ssyncadd.s32 $0xFFFFFFFF  }
0x96: {  	s16 =	sld [smem:$0x10];
	(tm) =	ssettm $0x1  }
0x97: {  	s17 =	sld [smem:$0x3FFB];
	_ =	sdelay $0x3  }
0x98: {  	_ =	strace s17  }
0x99: {  	s3 =	sld [smem:$0x3FFC];
	_ =	sdelay $0x3  }
0x9a: {  	_ =	strace s3  }
0x9b: {  	s3 =	sld [smem:$0x3FFD];
	_ =	sdelay $0x3  }
0x9c: {  	_ =	strace s3  }
0x9d: {  	_ =	strace $0x8FFFFFFF  }
0x9e: {  	s18 =	sld [smem:$0x3FDB];
	_ =	sdelay $0x1  }
0x9f: {  	s19 =	simm.s32 $_scs_section_size  }
0xa0: {  	s5 =	simm.s32 $_size__tile_overlayer_lowered;
	s6 =	simm.s32 $_tile_overlayer_lowered  }
0xa1: {  	s22 =	simm.s32 $0x1BFF;
	s21 =	sshll.u32 s6, $0x1;
	s3 =	sadd.s32 s19, s18  }
0xa2: {  	s7 =	simm.s32 $0x0;
	s20 =	sshll.u32 s5, $0x1;
	s5 =	sadd.s32 s21, s3  }
0xa3: {  	[timem:s7], [sflag:s22] =	dma.local [hbm:s5], s20  }
0xa4: {  	_ =	swait.ge [sflag:s22], s20  }
0xa5: {  	s4 =	ssub.s32 $0x0, s20;
	[sflag:s22] =	ssyncset.done $0x0  }
0xa6: {  	[sflag:s22] =	ssyncadd.s32 s4;
	_ =	sdelay $0x1  }
0xa7: {  	s23 =	simm.s32 $0x1B8B  }
0xa8: {  	_ =	swait.ge [sflag:s23], $0x1  }
0xa9: {  	[sflag:s23] =	ssyncset.done $0x0  }
0xaa: {  	s25 =	simm.s32 $0x1B8E;
	s24 =	sld [smem:$0x3FFE];
	[sflag:s23] =	ssyncadd.s32 $0xFFFFFFFF  }
0xab: {  	s26 =	simm.s32 $execute0_lowered;
	[smem:$0x3FD2] =	sst s25  }
0xac: {  	s5 =	sshll.u32 s26, $0x1;
	_ =	strace $0x8000004F;
	[dreg:$0x1] =	wrdreg $0xFFFFFFFF  }
0xad: {  	s28 =	simm.s32 $_size_execute0_lowered;
	s3 =	sadd.s32 s3, s5;
	[dreg:$0x0] =	wrdreg $0x0  }
0xae: {  	s5 =	sshll.u32 s28, $0x1;
	[dreg:$0x2] =	wrdreg s3  }
0xaf: {  	[dreg:$0x3] =	wrdreg s5  }
0xb0: {  	[dreg:$0x4] =	wrdreg $0xC0  }
0xb1: {  	_ =	task [dreg:s7], $0x5FFFF  }
0xb2: {  	[dreg:$0x1] =	wrdreg $0xFFFFFFFF  }
0xb3: {  	[dreg:$0x0] =	wrdreg $0x60  }
0xb4: {  	[dreg:$0x2] =	wrdreg s24  }
0xb5: {  	[dreg:$0x3] =	wrdreg s16  }
0xb6: {  	[dreg:$0x4] =	wrdreg $0x9  }
0xb7: {  	_ =	task.clear_ibuf [dreg:s7], $0x5FFFF;
	_ =	strace $0x9000004F  }
0xb8: {  	s29 =	simm.s32 $0x9;
	_ =	strace $0x80000051  }
0xb9: {  	_ =	swait.ge [sflag:s29], $0x1  }
0xba: {  	[sflag:s29] =	ssyncadd.s32 $0xFFFFFFFF  }
0xbb: {  	_ =	strace $0x90000051  }
0xbc: {  	_ =	sfence  }
0xbd: {  	s30 =	sld [smem:$0x0];
	_ =	sdelay $0x2  }
0xbe: {  	s31 =	sshll.u32 s1, $0xD;
	s1 =	sshrl.u32 s1, $0x2  }
0xbf: {  	s3 =	sand.u32 $0x4000, s31;
	s1 =	sadd.s32 s1, s30  }
0xc0: {  	s0 =	sor.u32 s3, s0;
	s1 =	sshll.u32 s1, $0x11  }
0xc1: {  	s0 =	sor.u32 s1, s0  }
0xc2: {  	s0 =	sadd.s32 $0x8F2B, s0  }
0xc3: {  	[sflag:s0] =	ssyncadd.remote.s32 $0x1  }
0xc4: {  	_ =	sfence.sel $0xFFFF  }
0xc5: {  	[dreg:$0x0] =	wrdreg $0xFFFFFFFF;
	(pc) =	sbr.abs _section_cstart, $3  }
0xc6: {  	[dreg:$0x1] =	wrdreg $0xFFFFFFFF  }
0xc7: {  	_ =	task.clear_ibuf [dreg:s7], $0x2FFFF;
	_ =	strace $0x9FFFFFFF  }
0xc8: {  	(tm) =	ssettm $0x7FFFFFFF  }
0xc9: {  	_ =	shalt  }
tec
execute0_lowered:
.L_overlay_start_1:
0x0: {  	(tag) =	ssettag $0x1  }
0x1: {  	s4 =	rddreg [dreg:$0x0];
	s1 =	srdreg.scid  }
0x2: {  	s0 =	stileid.u32;
	s5 =	rddreg [dreg:$0x1]  }
0x3: {  	s2 =	simm.s32 $0x0;
	s13 =	simm.s32 $0x1;
	s14 =	simm.s32 $0x3  }
0x4: {  	s15 =	simm.s32 $0x2;
	s16 =	simm.s32 $0x4;
	s17 =	simm.s32 $0x0  }
0x5: {  	s6 =	sand.u32 $0x1, s1;
	s3 =	sshll.u32 s0, $0x1;
	s12 =	smul.u32 $0x18800, s0  }
0x6: {  	s7 =	sor.u32 s6, s3;
	s10 =	ssub.s32 $0x2, s6;
	s6 =	smul.u32 $0xC400, s6  }
0x7: {  	[smem:$0x7FF] =	sst s2;
	s11 =	sadd.s32 $0x18D600, s4;
	s8 =	smul.u32 $0xC40, s7  }
0x8: {  	s1 =	rddreg [dreg:$0x2];
	_ =	strace $0x80000050;
	s9 =	smul.u32 $0xC400, s7  }
0x9: {  	s3 =	sadd.s32 $0x315600, s4;
	s7 =	smul.u32 $0x62000, s7;
	s29 =	sshrl.u32 s10, $0x1  }
0xa: {  	s31 =	sadd.s32 s12, s11;
	s12 =	simm.s32 $0x4480;
	s10 =	ssub.s32 s10, s29  }
0xb: {  	s30 =	sshrl.u32 s8, $0x3;
	s7 =	sshrl.u32 s7, $0x3;
	s8 =	sadd.s32 s6, s31  }
0xc: {  	s4 =	sadd.s32 s5, s30;
	s5 =	sadd.s32 s11, s9;
	s7 =	sadd.s32 s11, s7  }
0xd: {  	s8 =	sadd.s32 $0x700, s8;
	s9 =	simm.s32 $0x5;
	s11 =	simm.s32 $0xC80  }
0xe: {  	s6 =	sadd.s32 $0xBD00, s7;
	s7 =	smax.u32 s10, $0x1;
	s10 =	simm.s32 $0x70  }
.LBB2_1:
0xf: {  	[tilespmem:s2], [sflag:$0x5] =	stream.linear.gather [hbm4b:s4+s2], $0xC40, $0x38;
	[tilespmem:$0x7C80] =	vst v63  }
0x10: {  	_ =	swait.ge [sflag:s9], $0xC40  }
0x11: {  	[sflag:s9] =	ssyncset.done $0x0  }
0x12: {  	[sflag:s9] =	ssyncadd.s32 $0xFFFFF3C0  }
0x13: {  	[tilespmem:s11], [sflag:$0x1] =	stream.indirect.gather [hbm4b:s3+s10], $0x80, s2, s10, $0xb8;
	[tilespmem:$0x7C80] =	vst v63  }
0x14: {  	_ = 	snop  }
0x15: {  	[tilespmem:s12], [sflag:$0x2] =	stream.indirect.gather [hbm4b:s3+s10], $0x80, s10, s10, $0xb8;
	[tilespmem:$0x7C80] =	vst v63  }
0x16: {  	_ =	swait.ge [sflag:s13], $0x3800  }
0x17: {  	[sflag:s13] =	ssyncset.done $0x0  }
0x18: {  	[sflag:s13] =	ssyncadd.s32 $0xFFFFC800  }
0x19: {  	[hbm4b:s5+s2] =	stream.linear.scatter [tilespmem:s11], [sflag:$0x3], $0x3800, $0x38;
	[tilespmem:$0x7C80] =	vst v63  }
0x1a: {  	_ =	swait.ge [sflag:s14], $0x3800  }
0x1b: {  	[sflag:s14] =	ssyncset.done $0x0  }
0x1c: {  	s18 =	simm.s32 $0xE0;
	[sflag:s14] =	ssyncadd.s32 $0xFFFFC800  }
0x1d: {  	[tilespmem:s11], [sflag:$0x1] =	stream.indirect.gather [hbm4b:s3+s10], $0x80, s18, s10, $0xb8;
	[tilespmem:$0x7C80] =	vst v63  }
0x1e: {  	_ =	swait.ge [sflag:s15], $0x3800  }
0x1f: {  	[sflag:s15] =	ssyncset.done $0x0  }
0x20: {  	[sflag:s15] =	ssyncadd.s32 $0xFFFFC800  }
0x21: {  	[hbm4b:s8+s2] =	stream.linear.scatter [tilespmem:s12], [sflag:$0x4], $0x3800, $0x38;
	[tilespmem:$0x7C80] =	vst v63  }
0x22: {  	_ =	swait.ge [sflag:s16], $0x3800  }
0x23: {  	[sflag:s16] =	ssyncset.done $0x0  }
0x24: {  	s31 =	simm.s32 $0x150;
	[sflag:s16] =	ssyncadd.s32 $0xFFFFC800  }
0x25: {  	[tilespmem:s12], [sflag:$0x2] =	stream.indirect.gather [hbm4b:s3+s10], $0x80, s31, s10, $0xb8;
	[tilespmem:$0x7C80] =	vst v63  }
0x26: {  	_ =	swait.ge [sflag:s13], $0x3800  }
0x27: {  	s20 =	sadd.s32 $0x700, s8;
	[sflag:s13] =	ssyncset.done $0x0  }
0x28: {  	s19 =	sadd.s32 $0xE00, s8;
	s18 =	simm.s32 $0x380;
	[sflag:s13] =	ssyncadd.s32 $0xFFFFC800  }
.LBB2_2:
0x29: {  	[hbm4b:s20+s2] =	stream.linear.scatter [tilespmem:s11], [sflag:$0x3], $0x3800, $0x38;
	[tilespmem:$0x7C80] =	vst v63  }
0x2a: {  	s20 =	smov.u32 s18  }
0x2b: {  	p0 =	sne.s32 s18, $0x2A00;
	s18 =	sadd.s32 $0x380, s18;
	_ =	swait.ge [sflag:s14], $0x3800  }
0x2c: {  	s20 =	sshra.s32 s20, $0x2;
	[sflag:s14] =	ssyncset.done $0x0  }
0x2d: {  	s21 =	sadd.s32 $0xE0, s20;
	[sflag:s14] =	ssyncadd.s32 $0xFFFFC800  }
0x2e: {  	[tilespmem:s11], [sflag:$0x1] =	stream.indirect.gather [hbm4b:s3+s10], $0x80, s21, s10, $0xb8;
	[tilespmem:$0x7C80] =	vst v63  }
0x2f: {  	_ =	swait.ge [sflag:s15], $0x3800  }
0x30: {  	[sflag:s15] =	ssyncset.done $0x0  }
0x31: {  	[sflag:s15] =	ssyncadd.s32 $0xFFFFC800  }
0x32: {  	[hbm4b:s19+s2] =	stream.linear.scatter [tilespmem:s12], [sflag:$0x4], $0x3800, $0x38;
	[tilespmem:$0x7C80] =	vst v63  }
0x33: {  	_ =	swait.ge [sflag:s16], $0x3800  }
0x34: {  	[sflag:s16] =	ssyncset.done $0x0  }
.Ltmp0:
0x35: {  	s20 =	sadd.s32 $0x150, s20;
	[sflag:s16] =	ssyncadd.s32 $0xFFFFC800;
	(pc) =	sbr.rel @p0 .LBB2_2-.Ltmp0, $4  }
0x36: {  	[tilespmem:s12], [sflag:$0x2] =	stream.indirect.gather [hbm4b:s3+s10], $0x80, s20, s10, $0xb8;
	[tilespmem:$0x7C80] =	vst v63  }
0x37: {  	_ =	swait.ge [sflag:s13], $0x3800  }
0x38: {  	[sflag:s13] =	ssyncset.done $0x0  }
0x39: {  	s20 =	sadd.s32 $0x700, s19;
	s19 =	sadd.s32 $0xE00, s19;
	[sflag:s13] =	ssyncadd.s32 $0xFFFFC800  }
0x3a: {  	[hbm4b:s20+s2] =	stream.linear.scatter [tilespmem:s11], [sflag:$0x3], $0x3800, $0x38;
	[tilespmem:$0x7C80] =	vst v63  }
0x3b: {  	_ =	swait.ge [sflag:s15], $0x3800  }
0x3c: {  	[sflag:s15] =	ssyncset.done $0x0  }
0x3d: {  	s17 =	sadd.s32 $0x1, s17;
	[sflag:s15] =	ssyncadd.s32 $0xFFFFC800  }
0x3e: {  	[hbm4b:s6+s2] =	stream.linear.scatter [tilespmem:s12], [sflag:$0x4], $0x3800, $0x38;
	[tilespmem:$0x7C80] =	vst v63  }
0x3f: {  	p0 =	sne.s32 s17, s7;
	_ =	swait.ge [sflag:s14], $0x3800  }
.Ltmp1:
0x40: {  	[sflag:s14] =	ssyncset.done $0x0;
	(pc) =	sbr.rel @p0 .LBB2_1-.Ltmp1, $4  }
0x41: {  	[sflag:s14] =	ssyncadd.s32 $0xFFFFC800  }
0x42: {  	_ =	swait.ge [sflag:s16], $0x3800  }
0x43: {  	[sflag:s16] =	ssyncset.done $0x0  }
0x44: {  	[sflag:s16] =	ssyncadd.s32 $0xFFFFC800  }
0x45: {  	_ =	sfence.sel $0x180000  }
0x46: {  	[bflag:$0x0] =	sbarrier.arrive $0xFFFF  }
0x47: {  	p0 =	sne.s32 s0, $0x0;
	_ =	strace $0x90000050  }
0x48: {  	s0 =	sadd.s32 @!p0 $0x100000, s1;
	[bflag:$0x2] =	sbarrier.arrive $0xFFFF  }
0x49: {  	[sflag:s0] =	ssyncadd.tile.s32 @!p0 $0x1;
	_ =	shalt  }
.Lfunc_end2:
_tile_overlayer_lowered:
.L_overlay_start_2:
0x4a: {  	(tag) =	ssettag $0x2  }
0x4b: {  	s0 =	rddreg [dreg:$0x0];
	s2 =	stileid.u32  }
0x4c: {  	s1 =	rddreg [dreg:$0x1];
	p0 =	sne.s32 s2, $0x0  }
0x4d: {  	s3 =	rddreg [dreg:$0x2];
	[bflag:$0x3] =	sbarrier.arrive $0xFFFF;
	s2 =	simm.s32 @!p0 $0x1C05  }
0x4e: {  	[timem:s3], [sflag:s2] =	dma.local @!p0 [hbm:s0], s1  }
0x4f: {  	s0 =	simm.s32 @!p0 $0x5  }
0x50: {  	_ =	swait.ge @!p0 [sflag:s0], s1  }
0x51: {  	s1 =	ssub.s32 @!p0 $0x0, s1;
	[sflag:s0] =	ssyncset.done @!p0 $0x0  }
0x52: {  	[sflag:s0] =	ssyncadd.s32 @!p0 s1  }
0x53: {  	[bflag:$0x3] =	sbarrier.arrive $0xFFFF  }
0x54: {  	_ =	shalt  }

// kernel: kernel.31.cloned.1.call-start
scs
__scs_entry_jumppad:
0x0: {  	(pc) =	sbr.rel $0x88, $3  }
0x1: {  	(tag) =	ssettag $0x0;
	lr =	simm.s32 $0x1  }
0x2: {  	[smem:$0x3F86] =	sst lr;
	_ =	strace $0xD0000000  }
0x3: {  	_ = 	snop  }
0x4: {  	_ = 	snop  }
0x5: {  	_ = 	snop  }
0x6: {  	_ = 	snop  }
0x7: {  	_ = 	snop  }
__scs_overlays_trampoline_lowered:
0x8: {  	[smem:$0x3F95] =	sst s0  }
0x9: {  	[smem:$0x3F96] =	sst s1  }
0xa: {  	[smem:$0x3F97] =	sst s2  }
0xb: {  	[smem:$0x3F98] =	sst s3  }
0xc: {  	[smem:$0x3F99] =	sst s4  }
0xd: {  	[smem:$0x3F9A] =	sst s5  }
0xe: {  	[smem:$0x3F9B] =	sst s6  }
0xf: {  	[smem:$0x3F9C] =	sst s7  }
0x10: {  	[smem:$0x3F9D] =	sst s8  }
0x11: {  	[smem:$0x3F9E] =	sst s9;
	s0 =	simm.s32 @!p0 $0x0  }
0x12: {  	s1 =	sld [smem:$0x3F84];
	s0 =	simm.s32 @p0 $0x1  }
0x13: {  	[smem:$0x3F9F] =	sst s0;
	s0 =	simm.s32 @!p1 $0x0  }
0x14: {  	s2 =	sld [smem:$0x3F83];
	s0 =	simm.s32 @p1 $0x1  }
0x15: {  	[smem:$0x3FA0] =	sst s0;
	s0 =	simm.s32 @!p2 $0x0  }
0x16: {  	s3 =	sld [smem:$0x3FDB];
	s0 =	simm.s32 @p2 $0x1  }
0x17: {  	s4 =	simm.s32 $0x1BF5;
	[smem:$0x3FA2] =	sst s0  }
0x18: {  	s0 =	sld [smem:$0x3F85];
	_ =	swait.ge [sflag:s4], $0x0  }
0x19: {  	s7 =	sld [smem:$0x3F86]  }
0x1a: {  	s8 =	sadd.s32 $0xFFFFE003, lr  }
0x1b: {  	s9 =	sadd.s32 $0xFFFFFEF7, lr;
	s5 =	simm.s32 $0xFFFFFFFF;
	p2 =	slt.u32 s8, $0xFFFFF086  }
0x1c: {  	p1 =	slt.u32 s9, $0xF7A;
	s5 =	simm.s32 @!p2 $0x0  }
0x1d: {  	s5 =	simm.s32 @p1 $0x1;
	p0 =	seq.s32 s7, s2  }
0x1e: {  	s7 =	smul.u32 @!p0 $0xF7A, s2;
	p2 =	seq.s32 @!p0 s5, $0x0  }
0x1f: {  	s9 =	smul.u32 $0xF7A, s1;
	s8 =	simm.s32 @!p0 $0x1BF5;
	p2 =	por !p2, p0  }
0x20: {  	[sflag:s8] =	ssyncset.s32 @!p0 $0xFFFFF086;
	s6 =	sadd.s32 @!p0 s3, s7;
	s7 =	simm.s32 @!p0 $0x108  }
0x21: {  	s3 =	sadd.s32 s3, s9;
	s6 =	sadd.s32 @!p0 $0x88, s6;
	s7 =	simm.s32 @p2 $0x1082  }
0x22: {  	[simem:s7], [sflag:s8] =	dma.local @!p0 [hbm:s6], $0xF7A  }
0x23: {  	s9 =	sor.u32 $0xD0000000, s2;
	s6 =	simm.s32 $0x108;
	_ =	swait.ge @!p0 [sflag:s8], $0x0  }
0x24: {  	s3 =	sadd.s32 $0x88, s3;
	s6 =	simm.s32 @!p1 $0x1082;
	[sflag:s4] =	ssyncset.s32 $0xFFFFF086  }
0x25: {  	[simem:s6], [sflag:s4] =	dma.local [hbm:s3], $0xF7A  }
0x26: {  	[smem:$0x3F86] =	sst s1;
	(tag) =	ssettag s2;
	_ =	strace s9  }
0x27: {  	s1 =	sld [smem:$0x3F96]  }
0x28: {  	s2 =	sld [smem:$0x3F97]  }
0x29: {  	s4 =	sld [smem:$0x3F99]  }
0x2a: {  	p0 =	seq.s32 s5, $0x0;
	s5 =	sld [smem:$0x3F9A]  }
0x2b: {  	s6 =	sld [smem:$0x3F9B]  }
0x2c: {  	s7 =	sld [smem:$0x3F9C]  }
0x2d: {  	s3 =	simm.s32 $0x108;
	s8 =	sld [smem:$0x3F9D]  }
0x2e: {  	s3 =	simm.s32 @!p0 $0x1082;
	s9 =	sld [smem:$0x3F9E]  }
0x2f: {  	lr =	sadd.s32 s0, s3;
	s0 =	sld [smem:$0x3F95]  }
0x30: {  	s3 =	sld [smem:$0x3F98]  }
0x31: {  	[smem:$0x3FA1] =	sst s10  }
0x32: {  	s10 =	sld [smem:$0x3F9F];
	_ =	sdelay $0x3  }
0x33: {  	p0 =	seq.s32 s10, $0x1;
	s10 =	sld [smem:$0x3FA1];
	_ =	sdelay $0x3  }
0x34: {  	[smem:$0x3FA1] =	sst s10  }
0x35: {  	s10 =	sld [smem:$0x3FA0];
	_ =	sdelay $0x3  }
0x36: {  	p1 =	seq.s32 s10, $0x1;
	s10 =	sld [smem:$0x3FA1];
	_ =	sdelay $0x3  }
0x37: {  	[smem:$0x3FA1] =	sst s10  }
0x38: {  	s10 =	sld [smem:$0x3FA2]  }
0x39: {  	_ = 	snop;
	(pc) =	sbr.ind lr, $3  }
0x3a: {  	_ = 	snop  }
0x3b: {  	_ = 	snop  }
0x3c: {  	p2 =	seq.s32 s10, $0x1;
	s10 =	sld [smem:$0x3FA1]  }
0x3d: {  	_ =	shalt  }
0x3e: {  	_ =	shalt  }
0x3f: {  	_ =	shalt  }
0x40: {  	_ =	shalt  }
0x41: {  	_ =	shalt  }
0x42: {  	_ =	shalt  }
0x43: {  	_ =	shalt  }
0x44: {  	_ =	shalt  }
0x45: {  	_ =	shalt  }
0x46: {  	_ =	shalt  }
0x47: {  	_ =	shalt  }
0x48: {  	_ =	shalt  }
0x49: {  	_ =	shalt  }
0x4a: {  	_ =	shalt  }
0x4b: {  	_ =	shalt  }
0x4c: {  	_ =	shalt  }
0x4d: {  	_ =	shalt  }
0x4e: {  	_ =	shalt  }
0x4f: {  	_ =	shalt  }
0x50: {  	_ =	shalt  }
0x51: {  	_ =	shalt  }
0x52: {  	_ =	shalt  }
0x53: {  	_ =	shalt  }
0x54: {  	_ =	shalt  }
0x55: {  	_ =	shalt  }
0x56: {  	_ =	shalt  }
0x57: {  	_ =	shalt  }
0x58: {  	_ =	shalt  }
0x59: {  	_ =	shalt  }
0x5a: {  	_ =	shalt  }
0x5b: {  	_ =	shalt  }
0x5c: {  	_ =	shalt  }
0x5d: {  	_ =	shalt  }
0x5e: {  	_ =	shalt  }
0x5f: {  	_ =	shalt  }
0x60: {  	_ =	shalt  }
0x61: {  	_ =	shalt  }
0x62: {  	_ =	shalt  }
0x63: {  	_ =	shalt  }
0x64: {  	_ =	shalt  }
0x65: {  	_ =	shalt  }
0x66: {  	_ =	shalt  }
0x67: {  	_ =	shalt  }
0x68: {  	_ =	shalt  }
0x69: {  	_ =	shalt  }
0x6a: {  	_ =	shalt  }
0x6b: {  	_ =	shalt  }
0x6c: {  	_ =	shalt  }
0x6d: {  	_ =	shalt  }
0x6e: {  	_ =	shalt  }
0x6f: {  	_ =	shalt  }
0x70: {  	_ =	shalt  }
0x71: {  	_ =	shalt  }
0x72: {  	_ =	shalt  }
0x73: {  	_ =	shalt  }
0x74: {  	_ =	shalt  }
0x75: {  	_ =	shalt  }
0x76: {  	_ =	shalt  }
0x77: {  	_ =	shalt  }
0x78: {  	_ =	shalt  }
0x79: {  	_ =	shalt  }
0x7a: {  	_ =	shalt  }
0x7b: {  	_ =	shalt  }
0x7c: {  	_ =	shalt  }
0x7d: {  	_ =	shalt  }
0x7e: {  	_ =	shalt  }
0x7f: {  	_ =	shalt  }
0x80: {  	_ =	shalt  }
0x81: {  	_ =	shalt  }
0x82: {  	_ =	shalt  }
0x83: {  	_ =	shalt  }
0x84: {  	_ =	shalt  }
0x85: {  	_ =	shalt  }
0x86: {  	_ =	shalt  }
0x87: {  	_ =	shalt  }
.Lfunc_end0:
.L_simem_size_0:
called_computation.4_lowered:
.L_overlay_start_0:
0x88: {  	s2 =	sld [smem:$0x3FD9]  }
0x89: {  	s3 =	sld [smem:$0x3FFE];
	_ =	sdelay $0x1  }
0x8a: {  	s1 =	srdreg.scid  }
0x8b: {  	s0 =	sand.u32 $0x1, s1  }
0x8c: {  	s14 =	sshll.u32 s0, $0xA;
	s2 =	sadd.s32 s3, s2  }
0x8d: {  	s2 =	sadd.s32 s2, s14  }
0x8e: {  	[smem:$0x3FAD] =	sst s2  }
0x8f: {  	_ = 	snop  }
0x90: {  	s2 =	sld [smem:$0x3FD0];
	_ =	sdelay $0x2  }
0x91: {  	s15 =	simm.s32 $0xA;
	s4 =	simm.s32 $0x10  }
0x92: {  	[smem:s4], [sflag:s15] =	dma.local [hbm:s2], $0x1  }
0x93: {  	_ =	swait.eq [sflag:s15], $0x1  }
0x94: {  	[sflag:s15] =	ssyncset.done $0x0  }
0x95: {  	[sflag:s15] =	ssyncadd.s32 $0xFFFFFFFF  }
0x96: {  	s16 =	sld [smem:$0x10];
	(tm) =	ssettm $0x1  }
0x97: {  	s17 =	sld [smem:$0x3FFB];
	_ =	sdelay $0x3  }
0x98: {  	_ =	strace s17  }
0x99: {  	s3 =	sld [smem:$0x3FFC];
	_ =	sdelay $0x3  }
0x9a: {  	_ =	strace s3  }
0x9b: {  	s3 =	sld [smem:$0x3FFD];
	_ =	sdelay $0x3  }
0x9c: {  	_ =	strace s3  }
0x9d: {  	_ =	strace $0x8FFFFFFF  }
0x9e: {  	s18 =	sld [smem:$0x3FDB];
	_ =	sdelay $0x1  }
0x9f: {  	s19 =	simm.s32 $_scs_section_size  }
0xa0: {  	s5 =	simm.s32 $_size__tile_overlayer_lowered;
	s6 =	simm.s32 $_tile_overlayer_lowered  }
0xa1: {  	s22 =	simm.s32 $0x1BFF;
	s21 =	sshll.u32 s6, $0x1;
	s3 =	sadd.s32 s19, s18  }
0xa2: {  	s7 =	simm.s32 $0x0;
	s20 =	sshll.u32 s5, $0x1;
	s5 =	sadd.s32 s21, s3  }
0xa3: {  	[timem:s7], [sflag:s22] =	dma.local [hbm:s5], s20  }
0xa4: {  	_ =	swait.ge [sflag:s22], s20  }
0xa5: {  	s4 =	ssub.s32 $0x0, s20;
	[sflag:s22] =	ssyncset.done $0x0  }
0xa6: {  	[sflag:s22] =	ssyncadd.s32 s4;
	_ =	sdelay $0x1  }
0xa7: {  	s23 =	simm.s32 $0x1B8B  }
0xa8: {  	_ =	swait.ge [sflag:s23], $0x1  }
0xa9: {  	[sflag:s23] =	ssyncset.done $0x0  }
0xaa: {  	s25 =	simm.s32 $0x1B8E;
	s24 =	sld [smem:$0x3FFE];
	[sflag:s23] =	ssyncadd.s32 $0xFFFFFFFF  }
0xab: {  	s26 =	simm.s32 $execute0_lowered;
	[smem:$0x3FD2] =	sst s25  }
0xac: {  	s5 =	sshll.u32 s26, $0x1;
	_ =	strace $0x80000052;
	[dreg:$0x1] =	wrdreg $0xFFFFFFFF  }
0xad: {  	s28 =	simm.s32 $_size_execute0_lowered;
	s3 =	sadd.s32 s3, s5;
	[dreg:$0x0] =	wrdreg $0x0  }
0xae: {  	s5 =	sshll.u32 s28, $0x1;
	[dreg:$0x2] =	wrdreg s3  }
0xaf: {  	[dreg:$0x3] =	wrdreg s5  }
0xb0: {  	[dreg:$0x4] =	wrdreg $0xC0  }
0xb1: {  	_ =	task [dreg:s7], $0x5FFFF  }
0xb2: {  	[dreg:$0x1] =	wrdreg $0xFFFFFFFF  }
0xb3: {  	[dreg:$0x0] =	wrdreg $0x60  }
0xb4: {  	[dreg:$0x2] =	wrdreg s24  }
0xb5: {  	[dreg:$0x3] =	wrdreg s16  }
0xb6: {  	[dreg:$0x4] =	wrdreg $0x9  }
0xb7: {  	_ =	task.clear_ibuf [dreg:s7], $0x5FFFF;
	_ =	strace $0x90000052  }
0xb8: {  	s29 =	simm.s32 $0x9;
	_ =	strace $0x80000054  }
0xb9: {  	_ =	swait.ge [sflag:s29], $0x1  }
0xba: {  	[sflag:s29] =	ssyncadd.s32 $0xFFFFFFFF  }
0xbb: {  	_ =	strace $0x90000054  }
0xbc: {  	_ =	sfence  }
0xbd: {  	s30 =	sld [smem:$0x0];
	_ =	sdelay $0x2  }
0xbe: {  	s31 =	sshll.u32 s1, $0xD;
	s1 =	sshrl.u32 s1, $0x2  }
0xbf: {  	s3 =	sand.u32 $0x4000, s31;
	s1 =	sadd.s32 s1, s30  }
0xc0: {  	s0 =	sor.u32 s3, s0;
	s1 =	sshll.u32 s1, $0x11  }
0xc1: {  	s0 =	sor.u32 s1, s0  }
0xc2: {  	s0 =	sadd.s32 $0x8F2B, s0  }
0xc3: {  	[sflag:s0] =	ssyncadd.remote.s32 $0x1  }
0xc4: {  	_ =	sfence.sel $0xFFFF  }
0xc5: {  	[dreg:$0x0] =	wrdreg $0xFFFFFFFF;
	(pc) =	sbr.abs _section_cstart, $3  }
0xc6: {  	[dreg:$0x1] =	wrdreg $0xFFFFFFFF  }
0xc7: {  	_ =	task.clear_ibuf [dreg:s7], $0x2FFFF;
	_ =	strace $0x9FFFFFFF  }
0xc8: {  	(tm) =	ssettm $0x7FFFFFFF  }
0xc9: {  	_ =	shalt  }
tec
execute0_lowered:
.L_overlay_start_1:
0x0: {  	(tag) =	ssettag $0x1  }
0x1: {  	s4 =	rddreg [dreg:$0x0];
	s1 =	srdreg.scid  }
0x2: {  	s0 =	stileid.u32;
	s5 =	rddreg [dreg:$0x1]  }
0x3: {  	s2 =	simm.s32 $0x0;
	s13 =	simm.s32 $0x1;
	s14 =	simm.s32 $0x3  }
0x4: {  	s15 =	simm.s32 $0x2;
	s16 =	simm.s32 $0x4;
	s17 =	simm.s32 $0x0  }
0x5: {  	s6 =	sand.u32 $0x1, s1;
	s3 =	sshll.u32 s0, $0x1;
	s12 =	smul.u32 $0x18800, s0  }
0x6: {  	s7 =	sor.u32 s6, s3;
	s10 =	ssub.s32 $0x2, s6;
	s6 =	smul.u32 $0xC400, s6  }
0x7: {  	[smem:$0x7FF] =	sst s2;
	s11 =	sadd.s32 $0x18D600, s4;
	s8 =	smul.u32 $0xC40, s7  }
0x8: {  	s1 =	rddreg [dreg:$0x2];
	_ =	strace $0x80000053;
	s9 =	smul.u32 $0xC400, s7  }
0x9: {  	s3 =	sadd.s32 $0x3C00, s4;
	s7 =	smul.u32 $0x62000, s7;
	s29 =	sshrl.u32 s10, $0x1  }
0xa: {  	s31 =	sadd.s32 s12, s11;
	s12 =	simm.s32 $0x4480;
	s10 =	ssub.s32 s10, s29  }
0xb: {  	s30 =	sshrl.u32 s8, $0x3;
	s7 =	sshrl.u32 s7, $0x3;
	s8 =	sadd.s32 s6, s31  }
0xc: {  	s4 =	sadd.s32 s5, s30;
	s5 =	sadd.s32 s11, s9;
	s7 =	sadd.s32 s11, s7  }
0xd: {  	s8 =	sadd.s32 $0x700, s8;
	s9 =	simm.s32 $0x5;
	s11 =	simm.s32 $0xC80  }
0xe: {  	s6 =	sadd.s32 $0xBD00, s7;
	s7 =	smax.u32 s10, $0x1;
	s10 =	simm.s32 $0x70  }
.LBB2_1:
0xf: {  	[tilespmem:s2], [sflag:$0x5] =	stream.linear.gather [hbm4b:s4+s2], $0xC40, $0x38;
	[tilespmem:$0x7C80] =	vst v63  }
0x10: {  	_ =	swait.ge [sflag:s9], $0xC40  }
0x11: {  	[sflag:s9] =	ssyncset.done $0x0  }
0x12: {  	[sflag:s9] =	ssyncadd.s32 $0xFFFFF3C0  }
0x13: {  	[tilespmem:s11], [sflag:$0x1] =	stream.indirect.gather [hbm4b:s3+s10], $0x80, s2, s10, $0xb8;
	[tilespmem:$0x7C80] =	vst v63  }
0x14: {  	_ = 	snop  }
0x15: {  	[tilespmem:s12], [sflag:$0x2] =	stream.indirect.gather [hbm4b:s3+s10], $0x80, s10, s10, $0xb8;
	[tilespmem:$0x7C80] =	vst v63  }
0x16: {  	_ =	swait.ge [sflag:s13], $0x3800  }
0x17: {  	[sflag:s13] =	ssyncset.done $0x0  }
0x18: {  	[sflag:s13] =	ssyncadd.s32 $0xFFFFC800  }
0x19: {  	[hbm4b:s5+s2] =	stream.linear.scatter [tilespmem:s11], [sflag:$0x3], $0x3800, $0x38;
	[tilespmem:$0x7C80] =	vst v63  }
0x1a: {  	_ =	swait.ge [sflag:s14], $0x3800  }
0x1b: {  	[sflag:s14] =	ssyncset.done $0x0  }
0x1c: {  	s18 =	simm.s32 $0xE0;
	[sflag:s14] =	ssyncadd.s32 $0xFFFFC800  }
0x1d: {  	[tilespmem:s11], [sflag:$0x1] =	stream.indirect.gather [hbm4b:s3+s10], $0x80, s18, s10, $0xb8;
	[tilespmem:$0x7C80] =	vst v63  }
0x1e: {  	_ =	swait.ge [sflag:s15], $0x3800  }
0x1f: {  	[sflag:s15] =	ssyncset.done $0x0  }
0x20: {  	[sflag:s15] =	ssyncadd.s32 $0xFFFFC800  }
0x21: {  	[hbm4b:s8+s2] =	stream.linear.scatter [tilespmem:s12], [sflag:$0x4], $0x3800, $0x38;
	[tilespmem:$0x7C80] =	vst v63  }
0x22: {  	_ =	swait.ge [sflag:s16], $0x3800  }
0x23: {  	[sflag:s16] =	ssyncset.done $0x0  }
0x24: {  	s31 =	simm.s32 $0x150;
	[sflag:s16] =	ssyncadd.s32 $0xFFFFC800  }
0x25: {  	[tilespmem:s12], [sflag:$0x2] =	stream.indirect.gather [hbm4b:s3+s10], $0x80, s31, s10, $0xb8;
	[tilespmem:$0x7C80] =	vst v63  }
0x26: {  	_ =	swait.ge [sflag:s13], $0x3800  }
0x27: {  	s20 =	sadd.s32 $0x700, s8;
	[sflag:s13] =	ssyncset.done $0x0  }
0x28: {  	s19 =	sadd.s32 $0xE00, s8;
	s18 =	simm.s32 $0x380;
	[sflag:s13] =	ssyncadd.s32 $0xFFFFC800  }
.LBB2_2:
0x29: {  	[hbm4b:s20+s2] =	stream.linear.scatter [tilespmem:s11], [sflag:$0x3], $0x3800, $0x38;
	[tilespmem:$0x7C80] =	vst v63  }
0x2a: {  	s20 =	smov.u32 s18  }
0x2b: {  	p0 =	sne.s32 s18, $0x2A00;
	s18 =	sadd.s32 $0x380, s18;
	_ =	swait.ge [sflag:s14], $0x3800  }
0x2c: {  	s20 =	sshra.s32 s20, $0x2;
	[sflag:s14] =	ssyncset.done $0x0  }
0x2d: {  	s21 =	sadd.s32 $0xE0, s20;
	[sflag:s14] =	ssyncadd.s32 $0xFFFFC800  }
0x2e: {  	[tilespmem:s11], [sflag:$0x1] =	stream.indirect.gather [hbm4b:s3+s10], $0x80, s21, s10, $0xb8;
	[tilespmem:$0x7C80] =	vst v63  }
0x2f: {  	_ =	swait.ge [sflag:s15], $0x3800  }
0x30: {  	[sflag:s15] =	ssyncset.done $0x0  }
0x31: {  	[sflag:s15] =	ssyncadd.s32 $0xFFFFC800  }
0x32: {  	[hbm4b:s19+s2] =	stream.linear.scatter [tilespmem:s12], [sflag:$0x4], $0x3800, $0x38;
	[tilespmem:$0x7C80] =	vst v63  }
0x33: {  	_ =	swait.ge [sflag:s16], $0x3800  }
0x34: {  	[sflag:s16] =	ssyncset.done $0x0  }
.Ltmp0:
0x35: {  	s20 =	sadd.s32 $0x150, s20;
	[sflag:s16] =	ssyncadd.s32 $0xFFFFC800;
	(pc) =	sbr.rel @p0 .LBB2_2-.Ltmp0, $4  }
0x36: {  	[tilespmem:s12], [sflag:$0x2] =	stream.indirect.gather [hbm4b:s3+s10], $0x80, s20, s10, $0xb8;
	[tilespmem:$0x7C80] =	vst v63  }
0x37: {  	_ =	swait.ge [sflag:s13], $0x3800  }
0x38: {  	[sflag:s13] =	ssyncset.done $0x0  }
0x39: {  	s20 =	sadd.s32 $0x700, s19;
	s19 =	sadd.s32 $0xE00, s19;
	[sflag:s13] =	ssyncadd.s32 $0xFFFFC800  }
0x3a: {  	[hbm4b:s20+s2] =	stream.linear.scatter [tilespmem:s11], [sflag:$0x3], $0x3800, $0x38;
	[tilespmem:$0x7C80] =	vst v63  }
0x3b: {  	_ =	swait.ge [sflag:s15], $0x3800  }
0x3c: {  	[sflag:s15] =	ssyncset.done $0x0  }
0x3d: {  	s17 =	sadd.s32 $0x1, s17;
	[sflag:s15] =	ssyncadd.s32 $0xFFFFC800  }
0x3e: {  	[hbm4b:s6+s2] =	stream.linear.scatter [tilespmem:s12], [sflag:$0x4], $0x3800, $0x38;
	[tilespmem:$0x7C80] =	vst v63  }
0x3f: {  	p0 =	sne.s32 s17, s7;
	_ =	swait.ge [sflag:s14], $0x3800  }
.Ltmp1:
0x40: {  	[sflag:s14] =	ssyncset.done $0x0;
	(pc) =	sbr.rel @p0 .LBB2_1-.Ltmp1, $4  }
0x41: {  	[sflag:s14] =	ssyncadd.s32 $0xFFFFC800  }
0x42: {  	_ =	swait.ge [sflag:s16], $0x3800  }
0x43: {  	[sflag:s16] =	ssyncset.done $0x0  }
0x44: {  	[sflag:s16] =	ssyncadd.s32 $0xFFFFC800  }
0x45: {  	_ =	sfence.sel $0x180000  }
0x46: {  	[bflag:$0x0] =	sbarrier.arrive $0xFFFF  }
0x47: {  	p0 =	sne.s32 s0, $0x0;
	_ =	strace $0x90000053  }
0x48: {  	s0 =	sadd.s32 @!p0 $0x100000, s1;
	[bflag:$0x2] =	sbarrier.arrive $0xFFFF  }
0x49: {  	[sflag:s0] =	ssyncadd.tile.s32 @!p0 $0x1;
	_ =	shalt  }
.Lfunc_end2:
_tile_overlayer_lowered:
.L_overlay_start_2:
0x4a: {  	(tag) =	ssettag $0x2  }
0x4b: {  	s0 =	rddreg [dreg:$0x0];
	s2 =	stileid.u32  }
0x4c: {  	s1 =	rddreg [dreg:$0x1];
	p0 =	sne.s32 s2, $0x0  }
0x4d: {  	s3 =	rddreg [dreg:$0x2];
	[bflag:$0x3] =	sbarrier.arrive $0xFFFF;
	s2 =	simm.s32 @!p0 $0x1C05  }
0x4e: {  	[timem:s3], [sflag:s2] =	dma.local @!p0 [hbm:s0], s1  }
0x4f: {  	s0 =	simm.s32 @!p0 $0x5  }
0x50: {  	_ =	swait.ge @!p0 [sflag:s0], s1  }
0x51: {  	s1 =	ssub.s32 @!p0 $0x0, s1;
	[sflag:s0] =	ssyncset.done @!p0 $0x0  }
0x52: {  	[sflag:s0] =	ssyncadd.s32 @!p0 s1  }
0x53: {  	[bflag:$0x3] =	sbarrier.arrive $0xFFFF  }
0x54: {  	_ =	shalt  }

// kernel: kernel.34.cloned.1.call-start
scs
__scs_entry_jumppad:
0x0: {  	(pc) =	sbr.rel $0x88, $3  }
0x1: {  	(tag) =	ssettag $0x0;
	lr =	simm.s32 $0x1  }
0x2: {  	[smem:$0x3F86] =	sst lr;
	_ =	strace $0xD0000000  }
0x3: {  	_ = 	snop  }
0x4: {  	_ = 	snop  }
0x5: {  	_ = 	snop  }
0x6: {  	_ = 	snop  }
0x7: {  	_ = 	snop  }
__scs_overlays_trampoline_lowered:
0x8: {  	[smem:$0x3F95] =	sst s0  }
0x9: {  	[smem:$0x3F96] =	sst s1  }
0xa: {  	[smem:$0x3F97] =	sst s2  }
0xb: {  	[smem:$0x3F98] =	sst s3  }
0xc: {  	[smem:$0x3F99] =	sst s4  }
0xd: {  	[smem:$0x3F9A] =	sst s5  }
0xe: {  	[smem:$0x3F9B] =	sst s6  }
0xf: {  	[smem:$0x3F9C] =	sst s7  }
0x10: {  	[smem:$0x3F9D] =	sst s8  }
0x11: {  	[smem:$0x3F9E] =	sst s9;
	s0 =	simm.s32 @!p0 $0x0  }
0x12: {  	s1 =	sld [smem:$0x3F84];
	s0 =	simm.s32 @p0 $0x1  }
0x13: {  	[smem:$0x3F9F] =	sst s0;
	s0 =	simm.s32 @!p1 $0x0  }
0x14: {  	s2 =	sld [smem:$0x3F83];
	s0 =	simm.s32 @p1 $0x1  }
0x15: {  	[smem:$0x3FA0] =	sst s0;
	s0 =	simm.s32 @!p2 $0x0  }
0x16: {  	s3 =	sld [smem:$0x3FDB];
	s0 =	simm.s32 @p2 $0x1  }
0x17: {  	s4 =	simm.s32 $0x1BF5;
	[smem:$0x3FA2] =	sst s0  }
0x18: {  	s0 =	sld [smem:$0x3F85];
	_ =	swait.ge [sflag:s4], $0x0  }
0x19: {  	s7 =	sld [smem:$0x3F86]  }
0x1a: {  	s8 =	sadd.s32 $0xFFFFE003, lr  }
0x1b: {  	s9 =	sadd.s32 $0xFFFFFEF7, lr;
	s5 =	simm.s32 $0xFFFFFFFF;
	p2 =	slt.u32 s8, $0xFFFFF086  }
0x1c: {  	p1 =	slt.u32 s9, $0xF7A;
	s5 =	simm.s32 @!p2 $0x0  }
0x1d: {  	s5 =	simm.s32 @p1 $0x1;
	p0 =	seq.s32 s7, s2  }
0x1e: {  	s7 =	smul.u32 @!p0 $0xF7A, s2;
	p2 =	seq.s32 @!p0 s5, $0x0  }
0x1f: {  	s9 =	smul.u32 $0xF7A, s1;
	s8 =	simm.s32 @!p0 $0x1BF5;
	p2 =	por !p2, p0  }
0x20: {  	[sflag:s8] =	ssyncset.s32 @!p0 $0xFFFFF086;
	s6 =	sadd.s32 @!p0 s3, s7;
	s7 =	simm.s32 @!p0 $0x108  }
0x21: {  	s3 =	sadd.s32 s3, s9;
	s6 =	sadd.s32 @!p0 $0x88, s6;
	s7 =	simm.s32 @p2 $0x1082  }
0x22: {  	[simem:s7], [sflag:s8] =	dma.local @!p0 [hbm:s6], $0xF7A  }
0x23: {  	s9 =	sor.u32 $0xD0000000, s2;
	s6 =	simm.s32 $0x108;
	_ =	swait.ge @!p0 [sflag:s8], $0x0  }
0x24: {  	s3 =	sadd.s32 $0x88, s3;
	s6 =	simm.s32 @!p1 $0x1082;
	[sflag:s4] =	ssyncset.s32 $0xFFFFF086  }
0x25: {  	[simem:s6], [sflag:s4] =	dma.local [hbm:s3], $0xF7A  }
0x26: {  	[smem:$0x3F86] =	sst s1;
	(tag) =	ssettag s2;
	_ =	strace s9  }
0x27: {  	s1 =	sld [smem:$0x3F96]  }
0x28: {  	s2 =	sld [smem:$0x3F97]  }
0x29: {  	s4 =	sld [smem:$0x3F99]  }
0x2a: {  	p0 =	seq.s32 s5, $0x0;
	s5 =	sld [smem:$0x3F9A]  }
0x2b: {  	s6 =	sld [smem:$0x3F9B]  }
0x2c: {  	s7 =	sld [smem:$0x3F9C]  }
0x2d: {  	s3 =	simm.s32 $0x108;
	s8 =	sld [smem:$0x3F9D]  }
0x2e: {  	s3 =	simm.s32 @!p0 $0x1082;
	s9 =	sld [smem:$0x3F9E]  }
0x2f: {  	lr =	sadd.s32 s0, s3;
	s0 =	sld [smem:$0x3F95]  }
0x30: {  	s3 =	sld [smem:$0x3F98]  }
0x31: {  	[smem:$0x3FA1] =	sst s10  }
0x32: {  	s10 =	sld [smem:$0x3F9F];
	_ =	sdelay $0x3  }
0x33: {  	p0 =	seq.s32 s10, $0x1;
	s10 =	sld [smem:$0x3FA1];
	_ =	sdelay $0x3  }
0x34: {  	[smem:$0x3FA1] =	sst s10  }
0x35: {  	s10 =	sld [smem:$0x3FA0];
	_ =	sdelay $0x3  }
0x36: {  	p1 =	seq.s32 s10, $0x1;
	s10 =	sld [smem:$0x3FA1];
	_ =	sdelay $0x3  }
0x37: {  	[smem:$0x3FA1] =	sst s10  }
0x38: {  	s10 =	sld [smem:$0x3FA2]  }
0x39: {  	_ = 	snop;
	(pc) =	sbr.ind lr, $3  }
0x3a: {  	_ = 	snop  }
0x3b: {  	_ = 	snop  }
0x3c: {  	p2 =	seq.s32 s10, $0x1;
	s10 =	sld [smem:$0x3FA1]  }
0x3d: {  	_ =	shalt  }
0x3e: {  	_ =	shalt  }
0x3f: {  	_ =	shalt  }
0x40: {  	_ =	shalt  }
0x41: {  	_ =	shalt  }
0x42: {  	_ =	shalt  }
0x43: {  	_ =	shalt  }
0x44: {  	_ =	shalt  }
0x45: {  	_ =	shalt  }
0x46: {  	_ =	shalt  }
0x47: {  	_ =	shalt  }
0x48: {  	_ =	shalt  }
0x49: {  	_ =	shalt  }
0x4a: {  	_ =	shalt  }
0x4b: {  	_ =	shalt  }
0x4c: {  	_ =	shalt  }
0x4d: {  	_ =	shalt  }
0x4e: {  	_ =	shalt  }
0x4f: {  	_ =	shalt  }
0x50: {  	_ =	shalt  }
0x51: {  	_ =	shalt  }
0x52: {  	_ =	shalt  }
0x53: {  	_ =	shalt  }
0x54: {  	_ =	shalt  }
0x55: {  	_ =	shalt  }
0x56: {  	_ =	shalt  }
0x57: {  	_ =	shalt  }
0x58: {  	_ =	shalt  }
0x59: {  	_ =	shalt  }
0x5a: {  	_ =	shalt  }
0x5b: {  	_ =	shalt  }
0x5c: {  	_ =	shalt  }
0x5d: {  	_ =	shalt  }
0x5e: {  	_ =	shalt  }
0x5f: {  	_ =	shalt  }
0x60: {  	_ =	shalt  }
0x61: {  	_ =	shalt  }
0x62: {  	_ =	shalt  }
0x63: {  	_ =	shalt  }
0x64: {  	_ =	shalt  }
0x65: {  	_ =	shalt  }
0x66: {  	_ =	shalt  }
0x67: {  	_ =	shalt  }
0x68: {  	_ =	shalt  }
0x69: {  	_ =	shalt  }
0x6a: {  	_ =	shalt  }
0x6b: {  	_ =	shalt  }
0x6c: {  	_ =	shalt  }
0x6d: {  	_ =	shalt  }
0x6e: {  	_ =	shalt  }
0x6f: {  	_ =	shalt  }
0x70: {  	_ =	shalt  }
0x71: {  	_ =	shalt  }
0x72: {  	_ =	shalt  }
0x73: {  	_ =	shalt  }
0x74: {  	_ =	shalt  }
0x75: {  	_ =	shalt  }
0x76: {  	_ =	shalt  }
0x77: {  	_ =	shalt  }
0x78: {  	_ =	shalt  }
0x79: {  	_ =	shalt  }
0x7a: {  	_ =	shalt  }
0x7b: {  	_ =	shalt  }
0x7c: {  	_ =	shalt  }
0x7d: {  	_ =	shalt  }
0x7e: {  	_ =	shalt  }
0x7f: {  	_ =	shalt  }
0x80: {  	_ =	shalt  }
0x81: {  	_ =	shalt  }
0x82: {  	_ =	shalt  }
0x83: {  	_ =	shalt  }
0x84: {  	_ =	shalt  }
0x85: {  	_ =	shalt  }
0x86: {  	_ =	shalt  }
0x87: {  	_ =	shalt  }
.Lfunc_end0:
.L_simem_size_0:
called_computation.5_lowered:
.L_overlay_start_0:
0x88: {  	s2 =	sld [smem:$0x3FD9]  }
0x89: {  	s3 =	sld [smem:$0x3FFE];
	_ =	sdelay $0x1  }
0x8a: {  	s1 =	srdreg.scid  }
0x8b: {  	s0 =	sand.u32 $0x1, s1  }
0x8c: {  	s14 =	sshll.u32 s0, $0xA;
	s2 =	sadd.s32 s3, s2  }
0x8d: {  	s2 =	sadd.s32 s2, s14  }
0x8e: {  	[smem:$0x3FAD] =	sst s2  }
0x8f: {  	_ = 	snop  }
0x90: {  	s2 =	sld [smem:$0x3FD0];
	_ =	sdelay $0x2  }
0x91: {  	s15 =	simm.s32 $0xA;
	s4 =	simm.s32 $0x10  }
0x92: {  	[smem:s4], [sflag:s15] =	dma.local [hbm:s2], $0x1  }
0x93: {  	_ =	swait.eq [sflag:s15], $0x1  }
0x94: {  	[sflag:s15] =	ssyncset.done $0x0  }
0x95: {  	[sflag:s15] =	ssyncadd.s32 $0xFFFFFFFF  }
0x96: {  	s16 =	sld [smem:$0x10];
	(tm) =	ssettm $0x1  }
0x97: {  	s17 =	sld [smem:$0x3FFB];
	_ =	sdelay $0x3  }
0x98: {  	_ =	strace s17  }
0x99: {  	s3 =	sld [smem:$0x3FFC];
	_ =	sdelay $0x3  }
0x9a: {  	_ =	strace s3  }
0x9b: {  	s3 =	sld [smem:$0x3FFD];
	_ =	sdelay $0x3  }
0x9c: {  	_ =	strace s3  }
0x9d: {  	_ =	strace $0x8FFFFFFF  }
0x9e: {  	s18 =	sld [smem:$0x3FDB];
	_ =	sdelay $0x1  }
0x9f: {  	s19 =	simm.s32 $_scs_section_size  }
0xa0: {  	s5 =	simm.s32 $_size__tile_overlayer_lowered;
	s6 =	simm.s32 $_tile_overlayer_lowered  }
0xa1: {  	s22 =	simm.s32 $0x1BFF;
	s21 =	sshll.u32 s6, $0x1;
	s3 =	sadd.s32 s19, s18  }
0xa2: {  	s7 =	simm.s32 $0x0;
	s20 =	sshll.u32 s5, $0x1;
	s5 =	sadd.s32 s21, s3  }
0xa3: {  	[timem:s7], [sflag:s22] =	dma.local [hbm:s5], s20  }
0xa4: {  	_ =	swait.ge [sflag:s22], s20  }
0xa5: {  	s4 =	ssub.s32 $0x0, s20;
	[sflag:s22] =	ssyncset.done $0x0  }
0xa6: {  	[sflag:s22] =	ssyncadd.s32 s4;
	_ =	sdelay $0x1  }
0xa7: {  	s23 =	simm.s32 $0x1B8B  }
0xa8: {  	_ =	swait.ge [sflag:s23], $0x1  }
0xa9: {  	[sflag:s23] =	ssyncset.done $0x0  }
0xaa: {  	s25 =	simm.s32 $0x1B8E;
	s24 =	sld [smem:$0x3FFE];
	[sflag:s23] =	ssyncadd.s32 $0xFFFFFFFF  }
0xab: {  	s26 =	simm.s32 $execute0_lowered;
	[smem:$0x3FD2] =	sst s25  }
0xac: {  	s5 =	sshll.u32 s26, $0x1;
	_ =	strace $0x80000055;
	[dreg:$0x1] =	wrdreg $0xFFFFFFFF  }
0xad: {  	s28 =	simm.s32 $_size_execute0_lowered;
	s3 =	sadd.s32 s3, s5;
	[dreg:$0x0] =	wrdreg $0x0  }
0xae: {  	s5 =	sshll.u32 s28, $0x1;
	[dreg:$0x2] =	wrdreg s3  }
0xaf: {  	[dreg:$0x3] =	wrdreg s5  }
0xb0: {  	[dreg:$0x4] =	wrdreg $0xC0  }
0xb1: {  	_ =	task [dreg:s7], $0x5FFFF  }
0xb2: {  	[dreg:$0x1] =	wrdreg $0xFFFFFFFF  }
0xb3: {  	[dreg:$0x0] =	wrdreg $0x60  }
0xb4: {  	[dreg:$0x2] =	wrdreg s24  }
0xb5: {  	[dreg:$0x3] =	wrdreg s16  }
0xb6: {  	[dreg:$0x4] =	wrdreg $0x9  }
0xb7: {  	_ =	task.clear_ibuf [dreg:s7], $0x5FFFF;
	_ =	strace $0x90000055  }
0xb8: {  	s29 =	simm.s32 $0x9;
	_ =	strace $0x80000057  }
0xb9: {  	_ =	swait.ge [sflag:s29], $0x1  }
0xba: {  	[sflag:s29] =	ssyncadd.s32 $0xFFFFFFFF  }
0xbb: {  	_ =	strace $0x90000057  }
0xbc: {  	_ =	sfence  }
0xbd: {  	s30 =	sld [smem:$0x0];
	_ =	sdelay $0x2  }
0xbe: {  	s31 =	sshll.u32 s1, $0xD;
	s1 =	sshrl.u32 s1, $0x2  }
0xbf: {  	s3 =	sand.u32 $0x4000, s31;
	s1 =	sadd.s32 s1, s30  }
0xc0: {  	s0 =	sor.u32 s3, s0;
	s1 =	sshll.u32 s1, $0x11  }
0xc1: {  	s0 =	sor.u32 s1, s0  }
0xc2: {  	s0 =	sadd.s32 $0x8F2B, s0  }
0xc3: {  	[sflag:s0] =	ssyncadd.remote.s32 $0x1  }
0xc4: {  	_ =	sfence.sel $0xFFFF  }
0xc5: {  	[dreg:$0x0] =	wrdreg $0xFFFFFFFF;
	(pc) =	sbr.abs _section_cstart, $3  }
0xc6: {  	[dreg:$0x1] =	wrdreg $0xFFFFFFFF  }
0xc7: {  	_ =	task.clear_ibuf [dreg:s7], $0x2FFFF;
	_ =	strace $0x9FFFFFFF  }
0xc8: {  	(tm) =	ssettm $0x7FFFFFFF  }
0xc9: {  	_ =	shalt  }
tec
execute0_lowered:
.L_overlay_start_1:
0x0: {  	(tag) =	ssettag $0x1  }
0x1: {  	s4 =	rddreg [dreg:$0x0];
	s1 =	srdreg.scid  }
0x2: {  	s0 =	stileid.u32;
	s5 =	rddreg [dreg:$0x1]  }
0x3: {  	s2 =	simm.s32 $0x0;
	s13 =	simm.s32 $0x1;
	s14 =	simm.s32 $0x3  }
0x4: {  	s15 =	simm.s32 $0x2;
	s16 =	simm.s32 $0x4;
	s17 =	simm.s32 $0x0  }
0x5: {  	s6 =	sand.u32 $0x1, s1;
	s3 =	sshll.u32 s0, $0x1;
	s12 =	smul.u32 $0x18800, s0  }
0x6: {  	s7 =	sor.u32 s6, s3;
	s10 =	ssub.s32 $0x2, s6;
	s6 =	smul.u32 $0xC400, s6  }
0x7: {  	[smem:$0x7FF] =	sst s2;
	s11 =	sadd.s32 $0x18D600, s4;
	s8 =	smul.u32 $0xC40, s7  }
0x8: {  	s1 =	rddreg [dreg:$0x2];
	_ =	strace $0x80000056;
	s9 =	smul.u32 $0xC400, s7  }
0x9: {  	s3 =	sadd.s32 $0x315600, s4;
	s7 =	smul.u32 $0x62000, s7;
	s29 =	sshrl.u32 s10, $0x1  }
0xa: {  	s31 =	sadd.s32 s12, s11;
	s12 =	simm.s32 $0x4480;
	s10 =	ssub.s32 s10, s29  }
0xb: {  	s30 =	sshrl.u32 s8, $0x3;
	s7 =	sshrl.u32 s7, $0x3;
	s8 =	sadd.s32 s6, s31  }
0xc: {  	s4 =	sadd.s32 s5, s30;
	s5 =	sadd.s32 s11, s9;
	s7 =	sadd.s32 s11, s7  }
0xd: {  	s8 =	sadd.s32 $0x700, s8;
	s9 =	simm.s32 $0x5;
	s11 =	simm.s32 $0xC80  }
0xe: {  	s6 =	sadd.s32 $0xBD00, s7;
	s7 =	smax.u32 s10, $0x1;
	s10 =	simm.s32 $0x70  }
.LBB2_1:
0xf: {  	[tilespmem:s2], [sflag:$0x5] =	stream.linear.gather [hbm4b:s4+s2], $0xC40, $0x38;
	[tilespmem:$0x7C80] =	vst v63  }
0x10: {  	_ =	swait.ge [sflag:s9], $0xC40  }
0x11: {  	[sflag:s9] =	ssyncset.done $0x0  }
0x12: {  	[sflag:s9] =	ssyncadd.s32 $0xFFFFF3C0  }
0x13: {  	[tilespmem:s11], [sflag:$0x1] =	stream.indirect.gather [hbm4b:s3+s10], $0x80, s2, s10, $0xb8;
	[tilespmem:$0x7C80] =	vst v63  }
0x14: {  	_ = 	snop  }
0x15: {  	[tilespmem:s12], [sflag:$0x2] =	stream.indirect.gather [hbm4b:s3+s10], $0x80, s10, s10, $0xb8;
	[tilespmem:$0x7C80] =	vst v63  }
0x16: {  	_ =	swait.ge [sflag:s13], $0x3800  }
0x17: {  	[sflag:s13] =	ssyncset.done $0x0  }
0x18: {  	[sflag:s13] =	ssyncadd.s32 $0xFFFFC800  }
0x19: {  	[hbm4b:s5+s2] =	stream.linear.scatter [tilespmem:s11], [sflag:$0x3], $0x3800, $0x38;
	[tilespmem:$0x7C80] =	vst v63  }
0x1a: {  	_ =	swait.ge [sflag:s14], $0x3800  }
0x1b: {  	[sflag:s14] =	ssyncset.done $0x0  }
0x1c: {  	s18 =	simm.s32 $0xE0;
	[sflag:s14] =	ssyncadd.s32 $0xFFFFC800  }
0x1d: {  	[tilespmem:s11], [sflag:$0x1] =	stream.indirect.gather [hbm4b:s3+s10], $0x80, s18, s10, $0xb8;
	[tilespmem:$0x7C80] =	vst v63  }
0x1e: {  	_ =	swait.ge [sflag:s15], $0x3800  }
0x1f: {  	[sflag:s15] =	ssyncset.done $0x0  }
0x20: {  	[sflag:s15] =	ssyncadd.s32 $0xFFFFC800  }
0x21: {  	[hbm4b:s8+s2] =	stream.linear.scatter [tilespmem:s12], [sflag:$0x4], $0x3800, $0x38;
	[tilespmem:$0x7C80] =	vst v63  }
0x22: {  	_ =	swait.ge [sflag:s16], $0x3800  }
0x23: {  	[sflag:s16] =	ssyncset.done $0x0  }
0x24: {  	s31 =	simm.s32 $0x150;
	[sflag:s16] =	ssyncadd.s32 $0xFFFFC800  }
0x25: {  	[tilespmem:s12], [sflag:$0x2] =	stream.indirect.gather [hbm4b:s3+s10], $0x80, s31, s10, $0xb8;
	[tilespmem:$0x7C80] =	vst v63  }
0x26: {  	_ =	swait.ge [sflag:s13], $0x3800  }
0x27: {  	s20 =	sadd.s32 $0x700, s8;
	[sflag:s13] =	ssyncset.done $0x0  }
0x28: {  	s19 =	sadd.s32 $0xE00, s8;
	s18 =	simm.s32 $0x380;
	[sflag:s13] =	ssyncadd.s32 $0xFFFFC800  }
.LBB2_2:
0x29: {  	[hbm4b:s20+s2] =	stream.linear.scatter [tilespmem:s11], [sflag:$0x3], $0x3800, $0x38;
	[tilespmem:$0x7C80] =	vst v63  }
0x2a: {  	s20 =	smov.u32 s18  }
0x2b: {  	p0 =	sne.s32 s18, $0x2A00;
	s18 =	sadd.s32 $0x380, s18;
	_ =	swait.ge [sflag:s14], $0x3800  }
0x2c: {  	s20 =	sshra.s32 s20, $0x2;
	[sflag:s14] =	ssyncset.done $0x0  }
0x2d: {  	s21 =	sadd.s32 $0xE0, s20;
	[sflag:s14] =	ssyncadd.s32 $0xFFFFC800  }
0x2e: {  	[tilespmem:s11], [sflag:$0x1] =	stream.indirect.gather [hbm4b:s3+s10], $0x80, s21, s10, $0xb8;
	[tilespmem:$0x7C80] =	vst v63  }
0x2f: {  	_ =	swait.ge [sflag:s15], $0x3800  }
0x30: {  	[sflag:s15] =	ssyncset.done $0x0  }
0x31: {  	[sflag:s15] =	ssyncadd.s32 $0xFFFFC800  }
0x32: {  	[hbm4b:s19+s2] =	stream.linear.scatter [tilespmem:s12], [sflag:$0x4], $0x3800, $0x38;
	[tilespmem:$0x7C80] =	vst v63  }
0x33: {  	_ =	swait.ge [sflag:s16], $0x3800  }
0x34: {  	[sflag:s16] =	ssyncset.done $0x0  }
.Ltmp0:
0x35: {  	s20 =	sadd.s32 $0x150, s20;
	[sflag:s16] =	ssyncadd.s32 $0xFFFFC800;
	(pc) =	sbr.rel @p0 .LBB2_2-.Ltmp0, $4  }
0x36: {  	[tilespmem:s12], [sflag:$0x2] =	stream.indirect.gather [hbm4b:s3+s10], $0x80, s20, s10, $0xb8;
	[tilespmem:$0x7C80] =	vst v63  }
0x37: {  	_ =	swait.ge [sflag:s13], $0x3800  }
0x38: {  	[sflag:s13] =	ssyncset.done $0x0  }
0x39: {  	s20 =	sadd.s32 $0x700, s19;
	s19 =	sadd.s32 $0xE00, s19;
	[sflag:s13] =	ssyncadd.s32 $0xFFFFC800  }
0x3a: {  	[hbm4b:s20+s2] =	stream.linear.scatter [tilespmem:s11], [sflag:$0x3], $0x3800, $0x38;
	[tilespmem:$0x7C80] =	vst v63  }
0x3b: {  	_ =	swait.ge [sflag:s15], $0x3800  }
0x3c: {  	[sflag:s15] =	ssyncset.done $0x0  }
0x3d: {  	s17 =	sadd.s32 $0x1, s17;
	[sflag:s15] =	ssyncadd.s32 $0xFFFFC800  }
0x3e: {  	[hbm4b:s6+s2] =	stream.linear.scatter [tilespmem:s12], [sflag:$0x4], $0x3800, $0x38;
	[tilespmem:$0x7C80] =	vst v63  }
0x3f: {  	p0 =	sne.s32 s17, s7;
	_ =	swait.ge [sflag:s14], $0x3800  }
.Ltmp1:
0x40: {  	[sflag:s14] =	ssyncset.done $0x0;
	(pc) =	sbr.rel @p0 .LBB2_1-.Ltmp1, $4  }
0x41: {  	[sflag:s14] =	ssyncadd.s32 $0xFFFFC800  }
0x42: {  	_ =	swait.ge [sflag:s16], $0x3800  }
0x43: {  	[sflag:s16] =	ssyncset.done $0x0  }
0x44: {  	[sflag:s16] =	ssyncadd.s32 $0xFFFFC800  }
0x45: {  	_ =	sfence.sel $0x180000  }
0x46: {  	[bflag:$0x0] =	sbarrier.arrive $0xFFFF  }
0x47: {  	p0 =	sne.s32 s0, $0x0;
	_ =	strace $0x90000056  }
0x48: {  	s0 =	sadd.s32 @!p0 $0x100000, s1;
	[bflag:$0x2] =	sbarrier.arrive $0xFFFF  }
0x49: {  	[sflag:s0] =	ssyncadd.tile.s32 @!p0 $0x1;
	_ =	shalt  }
.Lfunc_end2:
_tile_overlayer_lowered:
.L_overlay_start_2:
0x4a: {  	(tag) =	ssettag $0x2  }
0x4b: {  	s0 =	rddreg [dreg:$0x0];
	s2 =	stileid.u32  }
0x4c: {  	s1 =	rddreg [dreg:$0x1];
	p0 =	sne.s32 s2, $0x0  }
0x4d: {  	s3 =	rddreg [dreg:$0x2];
	[bflag:$0x3] =	sbarrier.arrive $0xFFFF;
	s2 =	simm.s32 @!p0 $0x1C05  }
0x4e: {  	[timem:s3], [sflag:s2] =	dma.local @!p0 [hbm:s0], s1  }
0x4f: {  	s0 =	simm.s32 @!p0 $0x5  }
0x50: {  	_ =	swait.ge @!p0 [sflag:s0], s1  }
0x51: {  	s1 =	ssub.s32 @!p0 $0x0, s1;
	[sflag:s0] =	ssyncset.done @!p0 $0x0  }
0x52: {  	[sflag:s0] =	ssyncadd.s32 @!p0 s1  }
0x53: {  	[bflag:$0x3] =	sbarrier.arrive $0xFFFF  }
0x54: {  	_ =	shalt  }

// kernel: kernel.37.cloned.1.call-start
scs
__scs_entry_jumppad:
0x0: {  	(pc) =	sbr.rel $0x88, $3  }
0x1: {  	(tag) =	ssettag $0x0;
	lr =	simm.s32 $0x1  }
0x2: {  	[smem:$0x3F86] =	sst lr;
	_ =	strace $0xD0000000  }
0x3: {  	_ = 	snop  }
0x4: {  	_ = 	snop  }
0x5: {  	_ = 	snop  }
0x6: {  	_ = 	snop  }
0x7: {  	_ = 	snop  }
__scs_overlays_trampoline_lowered:
0x8: {  	[smem:$0x3F95] =	sst s0  }
0x9: {  	[smem:$0x3F96] =	sst s1  }
0xa: {  	[smem:$0x3F97] =	sst s2  }
0xb: {  	[smem:$0x3F98] =	sst s3  }
0xc: {  	[smem:$0x3F99] =	sst s4  }
0xd: {  	[smem:$0x3F9A] =	sst s5  }
0xe: {  	[smem:$0x3F9B] =	sst s6  }
0xf: {  	[smem:$0x3F9C] =	sst s7  }
0x10: {  	[smem:$0x3F9D] =	sst s8  }
0x11: {  	[smem:$0x3F9E] =	sst s9;
	s0 =	simm.s32 @!p0 $0x0  }
0x12: {  	s1 =	sld [smem:$0x3F84];
	s0 =	simm.s32 @p0 $0x1  }
0x13: {  	[smem:$0x3F9F] =	sst s0;
	s0 =	simm.s32 @!p1 $0x0  }
0x14: {  	s2 =	sld [smem:$0x3F83];
	s0 =	simm.s32 @p1 $0x1  }
0x15: {  	[smem:$0x3FA0] =	sst s0;
	s0 =	simm.s32 @!p2 $0x0  }
0x16: {  	s3 =	sld [smem:$0x3FDB];
	s0 =	simm.s32 @p2 $0x1  }
0x17: {  	s4 =	simm.s32 $0x1BF5;
	[smem:$0x3FA2] =	sst s0  }
0x18: {  	s0 =	sld [smem:$0x3F85];
	_ =	swait.ge [sflag:s4], $0x0  }
0x19: {  	s7 =	sld [smem:$0x3F86]  }
0x1a: {  	s8 =	sadd.s32 $0xFFFFE003, lr  }
0x1b: {  	s9 =	sadd.s32 $0xFFFFFEF7, lr;
	s5 =	simm.s32 $0xFFFFFFFF;
	p2 =	slt.u32 s8, $0xFFFFF086  }
0x1c: {  	p1 =	slt.u32 s9, $0xF7A;
	s5 =	simm.s32 @!p2 $0x0  }
0x1d: {  	s5 =	simm.s32 @p1 $0x1;
	p0 =	seq.s32 s7, s2  }
0x1e: {  	s7 =	smul.u32 @!p0 $0xF7A, s2;
	p2 =	seq.s32 @!p0 s5, $0x0  }
0x1f: {  	s9 =	smul.u32 $0xF7A, s1;
	s8 =	simm.s32 @!p0 $0x1BF5;
	p2 =	por !p2, p0  }
0x20: {  	[sflag:s8] =	ssyncset.s32 @!p0 $0xFFFFF086;
	s6 =	sadd.s32 @!p0 s3, s7;
	s7 =	simm.s32 @!p0 $0x108  }
0x21: {  	s3 =	sadd.s32 s3, s9;
	s6 =	sadd.s32 @!p0 $0x88, s6;
	s7 =	simm.s32 @p2 $0x1082  }
0x22: {  	[simem:s7], [sflag:s8] =	dma.local @!p0 [hbm:s6], $0xF7A  }
0x23: {  	s9 =	sor.u32 $0xD0000000, s2;
	s6 =	simm.s32 $0x108;
	_ =	swait.ge @!p0 [sflag:s8], $0x0  }
0x24: {  	s3 =	sadd.s32 $0x88, s3;
	s6 =	simm.s32 @!p1 $0x1082;
	[sflag:s4] =	ssyncset.s32 $0xFFFFF086  }
0x25: {  	[simem:s6], [sflag:s4] =	dma.local [hbm:s3], $0xF7A  }
0x26: {  	[smem:$0x3F86] =	sst s1;
	(tag) =	ssettag s2;
	_ =	strace s9  }
0x27: {  	s1 =	sld [smem:$0x3F96]  }
0x28: {  	s2 =	sld [smem:$0x3F97]  }
0x29: {  	s4 =	sld [smem:$0x3F99]  }
0x2a: {  	p0 =	seq.s32 s5, $0x0;
	s5 =	sld [smem:$0x3F9A]  }
0x2b: {  	s6 =	sld [smem:$0x3F9B]  }
0x2c: {  	s7 =	sld [smem:$0x3F9C]  }
0x2d: {  	s3 =	simm.s32 $0x108;
	s8 =	sld [smem:$0x3F9D]  }
0x2e: {  	s3 =	simm.s32 @!p0 $0x1082;
	s9 =	sld [smem:$0x3F9E]  }
0x2f: {  	lr =	sadd.s32 s0, s3;
	s0 =	sld [smem:$0x3F95]  }
0x30: {  	s3 =	sld [smem:$0x3F98]  }
0x31: {  	[smem:$0x3FA1] =	sst s10  }
0x32: {  	s10 =	sld [smem:$0x3F9F];
	_ =	sdelay $0x3  }
0x33: {  	p0 =	seq.s32 s10, $0x1;
	s10 =	sld [smem:$0x3FA1];
	_ =	sdelay $0x3  }
0x34: {  	[smem:$0x3FA1] =	sst s10  }
0x35: {  	s10 =	sld [smem:$0x3FA0];
	_ =	sdelay $0x3  }
0x36: {  	p1 =	seq.s32 s10, $0x1;
	s10 =	sld [smem:$0x3FA1];
	_ =	sdelay $0x3  }
0x37: {  	[smem:$0x3FA1] =	sst s10  }
0x38: {  	s10 =	sld [smem:$0x3FA2]  }
0x39: {  	_ = 	snop;
	(pc) =	sbr.ind lr, $3  }
0x3a: {  	_ = 	snop  }
0x3b: {  	_ = 	snop  }
0x3c: {  	p2 =	seq.s32 s10, $0x1;
	s10 =	sld [smem:$0x3FA1]  }
0x3d: {  	_ =	shalt  }
0x3e: {  	_ =	shalt  }
0x3f: {  	_ =	shalt  }
0x40: {  	_ =	shalt  }
0x41: {  	_ =	shalt  }
0x42: {  	_ =	shalt  }
0x43: {  	_ =	shalt  }
0x44: {  	_ =	shalt  }
0x45: {  	_ =	shalt  }
0x46: {  	_ =	shalt  }
0x47: {  	_ =	shalt  }
0x48: {  	_ =	shalt  }
0x49: {  	_ =	shalt  }
0x4a: {  	_ =	shalt  }
0x4b: {  	_ =	shalt  }
0x4c: {  	_ =	shalt  }
0x4d: {  	_ =	shalt  }
0x4e: {  	_ =	shalt  }
0x4f: {  	_ =	shalt  }
0x50: {  	_ =	shalt  }
0x51: {  	_ =	shalt  }
0x52: {  	_ =	shalt  }
0x53: {  	_ =	shalt  }
0x54: {  	_ =	shalt  }
0x55: {  	_ =	shalt  }
0x56: {  	_ =	shalt  }
0x57: {  	_ =	shalt  }
0x58: {  	_ =	shalt  }
0x59: {  	_ =	shalt  }
0x5a: {  	_ =	shalt  }
0x5b: {  	_ =	shalt  }
0x5c: {  	_ =	shalt  }
0x5d: {  	_ =	shalt  }
0x5e: {  	_ =	shalt  }
0x5f: {  	_ =	shalt  }
0x60: {  	_ =	shalt  }
0x61: {  	_ =	shalt  }
0x62: {  	_ =	shalt  }
0x63: {  	_ =	shalt  }
0x64: {  	_ =	shalt  }
0x65: {  	_ =	shalt  }
0x66: {  	_ =	shalt  }
0x67: {  	_ =	shalt  }
0x68: {  	_ =	shalt  }
0x69: {  	_ =	shalt  }
0x6a: {  	_ =	shalt  }
0x6b: {  	_ =	shalt  }
0x6c: {  	_ =	shalt  }
0x6d: {  	_ =	shalt  }
0x6e: {  	_ =	shalt  }
0x6f: {  	_ =	shalt  }
0x70: {  	_ =	shalt  }
0x71: {  	_ =	shalt  }
0x72: {  	_ =	shalt  }
0x73: {  	_ =	shalt  }
0x74: {  	_ =	shalt  }
0x75: {  	_ =	shalt  }
0x76: {  	_ =	shalt  }
0x77: {  	_ =	shalt  }
0x78: {  	_ =	shalt  }
0x79: {  	_ =	shalt  }
0x7a: {  	_ =	shalt  }
0x7b: {  	_ =	shalt  }
0x7c: {  	_ =	shalt  }
0x7d: {  	_ =	shalt  }
0x7e: {  	_ =	shalt  }
0x7f: {  	_ =	shalt  }
0x80: {  	_ =	shalt  }
0x81: {  	_ =	shalt  }
0x82: {  	_ =	shalt  }
0x83: {  	_ =	shalt  }
0x84: {  	_ =	shalt  }
0x85: {  	_ =	shalt  }
0x86: {  	_ =	shalt  }
0x87: {  	_ =	shalt  }
.Lfunc_end0:
.L_simem_size_0:
called_computation.6_lowered:
.L_overlay_start_0:
0x88: {  	s2 =	sld [smem:$0x3FD9]  }
0x89: {  	s3 =	sld [smem:$0x3FFE];
	_ =	sdelay $0x1  }
0x8a: {  	s1 =	srdreg.scid  }
0x8b: {  	s0 =	sand.u32 $0x1, s1  }
0x8c: {  	s14 =	sshll.u32 s0, $0xA;
	s2 =	sadd.s32 s3, s2  }
0x8d: {  	s2 =	sadd.s32 s2, s14  }
0x8e: {  	[smem:$0x3FAD] =	sst s2  }
0x8f: {  	_ = 	snop  }
0x90: {  	s2 =	sld [smem:$0x3FD0];
	_ =	sdelay $0x2  }
0x91: {  	s15 =	simm.s32 $0xA;
	s4 =	simm.s32 $0x10  }
0x92: {  	[smem:s4], [sflag:s15] =	dma.local [hbm:s2], $0x1  }
0x93: {  	_ =	swait.eq [sflag:s15], $0x1  }
0x94: {  	[sflag:s15] =	ssyncset.done $0x0  }
0x95: {  	[sflag:s15] =	ssyncadd.s32 $0xFFFFFFFF  }
0x96: {  	s16 =	sld [smem:$0x10];
	(tm) =	ssettm $0x1  }
0x97: {  	s17 =	sld [smem:$0x3FFB];
	_ =	sdelay $0x3  }
0x98: {  	_ =	strace s17  }
0x99: {  	s3 =	sld [smem:$0x3FFC];
	_ =	sdelay $0x3  }
0x9a: {  	_ =	strace s3  }
0x9b: {  	s3 =	sld [smem:$0x3FFD];
	_ =	sdelay $0x3  }
0x9c: {  	_ =	strace s3  }
0x9d: {  	_ =	strace $0x8FFFFFFF  }
0x9e: {  	s18 =	sld [smem:$0x3FDB];
	_ =	sdelay $0x1  }
0x9f: {  	s19 =	simm.s32 $_scs_section_size  }
0xa0: {  	s5 =	simm.s32 $_size__tile_overlayer_lowered;
	s6 =	simm.s32 $_tile_overlayer_lowered  }
0xa1: {  	s22 =	simm.s32 $0x1BFF;
	s21 =	sshll.u32 s6, $0x1;
	s3 =	sadd.s32 s19, s18  }
0xa2: {  	s7 =	simm.s32 $0x0;
	s20 =	sshll.u32 s5, $0x1;
	s5 =	sadd.s32 s21, s3  }
0xa3: {  	[timem:s7], [sflag:s22] =	dma.local [hbm:s5], s20  }
0xa4: {  	_ =	swait.ge [sflag:s22], s20  }
0xa5: {  	s4 =	ssub.s32 $0x0, s20;
	[sflag:s22] =	ssyncset.done $0x0  }
0xa6: {  	[sflag:s22] =	ssyncadd.s32 s4;
	_ =	sdelay $0x1  }
0xa7: {  	s23 =	simm.s32 $0x1B8B  }
0xa8: {  	_ =	swait.ge [sflag:s23], $0x1  }
0xa9: {  	[sflag:s23] =	ssyncset.done $0x0  }
0xaa: {  	s25 =	simm.s32 $0x1B8E;
	s24 =	sld [smem:$0x3FFE];
	[sflag:s23] =	ssyncadd.s32 $0xFFFFFFFF  }
0xab: {  	s26 =	simm.s32 $execute0_lowered;
	[smem:$0x3FD2] =	sst s25  }
0xac: {  	s5 =	sshll.u32 s26, $0x1;
	_ =	strace $0x80000058;
	[dreg:$0x1] =	wrdreg $0xFFFFFFFF  }
0xad: {  	s28 =	simm.s32 $_size_execute0_lowered;
	s3 =	sadd.s32 s3, s5;
	[dreg:$0x0] =	wrdreg $0x0  }
0xae: {  	s5 =	sshll.u32 s28, $0x1;
	[dreg:$0x2] =	wrdreg s3  }
0xaf: {  	[dreg:$0x3] =	wrdreg s5  }
0xb0: {  	[dreg:$0x4] =	wrdreg $0xC0  }
0xb1: {  	_ =	task [dreg:s7], $0x5FFFF  }
0xb2: {  	[dreg:$0x1] =	wrdreg $0xFFFFFFFF  }
0xb3: {  	[dreg:$0x0] =	wrdreg $0x60  }
0xb4: {  	[dreg:$0x2] =	wrdreg s24  }
0xb5: {  	[dreg:$0x3] =	wrdreg s16  }
0xb6: {  	[dreg:$0x4] =	wrdreg $0x9  }
0xb7: {  	_ =	task.clear_ibuf [dreg:s7], $0x5FFFF;
	_ =	strace $0x90000058  }
0xb8: {  	s29 =	simm.s32 $0x9;
	_ =	strace $0x8000005A  }
0xb9: {  	_ =	swait.ge [sflag:s29], $0x1  }
0xba: {  	[sflag:s29] =	ssyncadd.s32 $0xFFFFFFFF  }
0xbb: {  	_ =	strace $0x9000005A  }
0xbc: {  	_ =	sfence  }
0xbd: {  	s30 =	sld [smem:$0x0];
	_ =	sdelay $0x2  }
0xbe: {  	s31 =	sshll.u32 s1, $0xD;
	s1 =	sshrl.u32 s1, $0x2  }
0xbf: {  	s3 =	sand.u32 $0x4000, s31;
	s1 =	sadd.s32 s1, s30  }
0xc0: {  	s0 =	sor.u32 s3, s0;
	s1 =	sshll.u32 s1, $0x11  }
0xc1: {  	s0 =	sor.u32 s1, s0  }
0xc2: {  	s0 =	sadd.s32 $0x8F2B, s0  }
0xc3: {  	[sflag:s0] =	ssyncadd.remote.s32 $0x1  }
0xc4: {  	_ =	sfence.sel $0xFFFF  }
0xc5: {  	[dreg:$0x0] =	wrdreg $0xFFFFFFFF;
	(pc) =	sbr.abs _section_cstart, $3  }
0xc6: {  	[dreg:$0x1] =	wrdreg $0xFFFFFFFF  }
0xc7: {  	_ =	task.clear_ibuf [dreg:s7], $0x2FFFF;
	_ =	strace $0x9FFFFFFF  }
0xc8: {  	(tm) =	ssettm $0x7FFFFFFF  }
0xc9: {  	_ =	shalt  }
tec
execute0_lowered:
.L_overlay_start_1:
0x0: {  	(tag) =	ssettag $0x1  }
0x1: {  	s4 =	rddreg [dreg:$0x0];
	s1 =	srdreg.scid  }
0x2: {  	s0 =	stileid.u32;
	s5 =	rddreg [dreg:$0x1]  }
0x3: {  	s2 =	simm.s32 $0x0;
	s13 =	simm.s32 $0x1;
	s14 =	simm.s32 $0x3  }
0x4: {  	s15 =	simm.s32 $0x2;
	s16 =	simm.s32 $0x4;
	s17 =	simm.s32 $0x0  }
0x5: {  	s6 =	sand.u32 $0x1, s1;
	s3 =	sshll.u32 s0, $0x1;
	s12 =	smul.u32 $0x18800, s0  }
0x6: {  	s7 =	sor.u32 s6, s3;
	s10 =	ssub.s32 $0x2, s6;
	s6 =	smul.u32 $0xC400, s6  }
0x7: {  	[smem:$0x7FF] =	sst s2;
	s11 =	sadd.s32 $0x18D600, s4;
	s8 =	smul.u32 $0xC40, s7  }
0x8: {  	s1 =	rddreg [dreg:$0x2];
	_ =	strace $0x80000059;
	s9 =	smul.u32 $0xC400, s7  }
0x9: {  	s3 =	sadd.s32 $0x3C00, s4;
	s7 =	smul.u32 $0x62000, s7;
	s29 =	sshrl.u32 s10, $0x1  }
0xa: {  	s31 =	sadd.s32 s12, s11;
	s12 =	simm.s32 $0x4480;
	s10 =	ssub.s32 s10, s29  }
0xb: {  	s30 =	sshrl.u32 s8, $0x3;
	s7 =	sshrl.u32 s7, $0x3;
	s8 =	sadd.s32 s6, s31  }
0xc: {  	s4 =	sadd.s32 s5, s30;
	s5 =	sadd.s32 s11, s9;
	s7 =	sadd.s32 s11, s7  }
0xd: {  	s8 =	sadd.s32 $0x700, s8;
	s9 =	simm.s32 $0x5;
	s11 =	simm.s32 $0xC80  }
0xe: {  	s6 =	sadd.s32 $0xBD00, s7;
	s7 =	smax.u32 s10, $0x1;
	s10 =	simm.s32 $0x70  }
.LBB2_1:
0xf: {  	[tilespmem:s2], [sflag:$0x5] =	stream.linear.gather [hbm4b:s4+s2], $0xC40, $0x38;
	[tilespmem:$0x7C80] =	vst v63  }
0x10: {  	_ =	swait.ge [sflag:s9], $0xC40  }
0x11: {  	[sflag:s9] =	ssyncset.done $0x0  }
0x12: {  	[sflag:s9] =	ssyncadd.s32 $0xFFFFF3C0  }
0x13: {  	[tilespmem:s11], [sflag:$0x1] =	stream.indirect.gather [hbm4b:s3+s10], $0x80, s2, s10, $0xb8;
	[tilespmem:$0x7C80] =	vst v63  }
0x14: {  	_ = 	snop  }
0x15: {  	[tilespmem:s12], [sflag:$0x2] =	stream.indirect.gather [hbm4b:s3+s10], $0x80, s10, s10, $0xb8;
	[tilespmem:$0x7C80] =	vst v63  }
0x16: {  	_ =	swait.ge [sflag:s13], $0x3800  }
0x17: {  	[sflag:s13] =	ssyncset.done $0x0  }
0x18: {  	[sflag:s13] =	ssyncadd.s32 $0xFFFFC800  }
0x19: {  	[hbm4b:s5+s2] =	stream.linear.scatter [tilespmem:s11], [sflag:$0x3], $0x3800, $0x38;
	[tilespmem:$0x7C80] =	vst v63  }
0x1a: {  	_ =	swait.ge [sflag:s14], $0x3800  }
0x1b: {  	[sflag:s14] =	ssyncset.done $0x0  }
0x1c: {  	s18 =	simm.s32 $0xE0;
	[sflag:s14] =	ssyncadd.s32 $0xFFFFC800  }
0x1d: {  	[tilespmem:s11], [sflag:$0x1] =	stream.indirect.gather [hbm4b:s3+s10], $0x80, s18, s10, $0xb8;
	[tilespmem:$0x7C80] =	vst v63  }
0x1e: {  	_ =	swait.ge [sflag:s15], $0x3800  }
0x1f: {  	[sflag:s15] =	ssyncset.done $0x0  }
0x20: {  	[sflag:s15] =	ssyncadd.s32 $0xFFFFC800  }
0x21: {  	[hbm4b:s8+s2] =	stream.linear.scatter [tilespmem:s12], [sflag:$0x4], $0x3800, $0x38;
	[tilespmem:$0x7C80] =	vst v63  }
0x22: {  	_ =	swait.ge [sflag:s16], $0x3800  }
0x23: {  	[sflag:s16] =	ssyncset.done $0x0  }
0x24: {  	s31 =	simm.s32 $0x150;
	[sflag:s16] =	ssyncadd.s32 $0xFFFFC800  }
0x25: {  	[tilespmem:s12], [sflag:$0x2] =	stream.indirect.gather [hbm4b:s3+s10], $0x80, s31, s10, $0xb8;
	[tilespmem:$0x7C80] =	vst v63  }
0x26: {  	_ =	swait.ge [sflag:s13], $0x3800  }
0x27: {  	s20 =	sadd.s32 $0x700, s8;
	[sflag:s13] =	ssyncset.done $0x0  }
0x28: {  	s19 =	sadd.s32 $0xE00, s8;
	s18 =	simm.s32 $0x380;
	[sflag:s13] =	ssyncadd.s32 $0xFFFFC800  }
.LBB2_2:
0x29: {  	[hbm4b:s20+s2] =	stream.linear.scatter [tilespmem:s11], [sflag:$0x3], $0x3800, $0x38;
	[tilespmem:$0x7C80] =	vst v63  }
0x2a: {  	s20 =	smov.u32 s18  }
0x2b: {  	p0 =	sne.s32 s18, $0x2A00;
	s18 =	sadd.s32 $0x380, s18;
	_ =	swait.ge [sflag:s14], $0x3800  }
0x2c: {  	s20 =	sshra.s32 s20, $0x2;
	[sflag:s14] =	ssyncset.done $0x0  }
0x2d: {  	s21 =	sadd.s32 $0xE0, s20;
	[sflag:s14] =	ssyncadd.s32 $0xFFFFC800  }
0x2e: {  	[tilespmem:s11], [sflag:$0x1] =	stream.indirect.gather [hbm4b:s3+s10], $0x80, s21, s10, $0xb8;
	[tilespmem:$0x7C80] =	vst v63  }
0x2f: {  	_ =	swait.ge [sflag:s15], $0x3800  }
0x30: {  	[sflag:s15] =	ssyncset.done $0x0  }
0x31: {  	[sflag:s15] =	ssyncadd.s32 $0xFFFFC800  }
0x32: {  	[hbm4b:s19+s2] =	stream.linear.scatter [tilespmem:s12], [sflag:$0x4], $0x3800, $0x38;
	[tilespmem:$0x7C80] =	vst v63  }
0x33: {  	_ =	swait.ge [sflag:s16], $0x3800  }
0x34: {  	[sflag:s16] =	ssyncset.done $0x0  }
.Ltmp0:
0x35: {  	s20 =	sadd.s32 $0x150, s20;
	[sflag:s16] =	ssyncadd.s32 $0xFFFFC800;
	(pc) =	sbr.rel @p0 .LBB2_2-.Ltmp0, $4  }
0x36: {  	[tilespmem:s12], [sflag:$0x2] =	stream.indirect.gather [hbm4b:s3+s10], $0x80, s20, s10, $0xb8;
	[tilespmem:$0x7C80] =	vst v63  }
0x37: {  	_ =	swait.ge [sflag:s13], $0x3800  }
0x38: {  	[sflag:s13] =	ssyncset.done $0x0  }
0x39: {  	s20 =	sadd.s32 $0x700, s19;
	s19 =	sadd.s32 $0xE00, s19;
	[sflag:s13] =	ssyncadd.s32 $0xFFFFC800  }
0x3a: {  	[hbm4b:s20+s2] =	stream.linear.scatter [tilespmem:s11], [sflag:$0x3], $0x3800, $0x38;
	[tilespmem:$0x7C80] =	vst v63  }
0x3b: {  	_ =	swait.ge [sflag:s15], $0x3800  }
0x3c: {  	[sflag:s15] =	ssyncset.done $0x0  }
0x3d: {  	s17 =	sadd.s32 $0x1, s17;
	[sflag:s15] =	ssyncadd.s32 $0xFFFFC800  }
0x3e: {  	[hbm4b:s6+s2] =	stream.linear.scatter [tilespmem:s12], [sflag:$0x4], $0x3800, $0x38;
	[tilespmem:$0x7C80] =	vst v63  }
0x3f: {  	p0 =	sne.s32 s17, s7;
	_ =	swait.ge [sflag:s14], $0x3800  }
.Ltmp1:
0x40: {  	[sflag:s14] =	ssyncset.done $0x0;
	(pc) =	sbr.rel @p0 .LBB2_1-.Ltmp1, $4  }
0x41: {  	[sflag:s14] =	ssyncadd.s32 $0xFFFFC800  }
0x42: {  	_ =	swait.ge [sflag:s16], $0x3800  }
0x43: {  	[sflag:s16] =	ssyncset.done $0x0  }
0x44: {  	[sflag:s16] =	ssyncadd.s32 $0xFFFFC800  }
0x45: {  	_ =	sfence.sel $0x180000  }
0x46: {  	[bflag:$0x0] =	sbarrier.arrive $0xFFFF  }
0x47: {  	p0 =	sne.s32 s0, $0x0;
	_ =	strace $0x90000059  }
0x48: {  	s0 =	sadd.s32 @!p0 $0x100000, s1;
	[bflag:$0x2] =	sbarrier.arrive $0xFFFF  }
0x49: {  	[sflag:s0] =	ssyncadd.tile.s32 @!p0 $0x1;
	_ =	shalt  }
.Lfunc_end2:
_tile_overlayer_lowered:
.L_overlay_start_2:
0x4a: {  	(tag) =	ssettag $0x2  }
0x4b: {  	s0 =	rddreg [dreg:$0x0];
	s2 =	stileid.u32  }
0x4c: {  	s1 =	rddreg [dreg:$0x1];
	p0 =	sne.s32 s2, $0x0  }
0x4d: {  	s3 =	rddreg [dreg:$0x2];
	[bflag:$0x3] =	sbarrier.arrive $0xFFFF;
	s2 =	simm.s32 @!p0 $0x1C05  }
0x4e: {  	[timem:s3], [sflag:s2] =	dma.local @!p0 [hbm:s0], s1  }
0x4f: {  	s0 =	simm.s32 @!p0 $0x5  }
0x50: {  	_ =	swait.ge @!p0 [sflag:s0], s1  }
0x51: {  	s1 =	ssub.s32 @!p0 $0x0, s1;
	[sflag:s0] =	ssyncset.done @!p0 $0x0  }
0x52: {  	[sflag:s0] =	ssyncadd.s32 @!p0 s1  }
0x53: {  	[bflag:$0x3] =	sbarrier.arrive $0xFFFF  }
0x54: {  	_ =	shalt  }

// kernel: kernel.40.cloned.1.call-start
scs
__scs_entry_jumppad:
0x0: {  	(pc) =	sbr.rel $0x88, $3  }
0x1: {  	(tag) =	ssettag $0x0;
	lr =	simm.s32 $0x1  }
0x2: {  	[smem:$0x3F86] =	sst lr;
	_ =	strace $0xD0000000  }
0x3: {  	_ = 	snop  }
0x4: {  	_ = 	snop  }
0x5: {  	_ = 	snop  }
0x6: {  	_ = 	snop  }
0x7: {  	_ = 	snop  }
__scs_overlays_trampoline_lowered:
0x8: {  	[smem:$0x3F95] =	sst s0  }
0x9: {  	[smem:$0x3F96] =	sst s1  }
0xa: {  	[smem:$0x3F97] =	sst s2  }
0xb: {  	[smem:$0x3F98] =	sst s3  }
0xc: {  	[smem:$0x3F99] =	sst s4  }
0xd: {  	[smem:$0x3F9A] =	sst s5  }
0xe: {  	[smem:$0x3F9B] =	sst s6  }
0xf: {  	[smem:$0x3F9C] =	sst s7  }
0x10: {  	[smem:$0x3F9D] =	sst s8  }
0x11: {  	[smem:$0x3F9E] =	sst s9;
	s0 =	simm.s32 @!p0 $0x0  }
0x12: {  	s1 =	sld [smem:$0x3F84];
	s0 =	simm.s32 @p0 $0x1  }
0x13: {  	[smem:$0x3F9F] =	sst s0;
	s0 =	simm.s32 @!p1 $0x0  }
0x14: {  	s2 =	sld [smem:$0x3F83];
	s0 =	simm.s32 @p1 $0x1  }
0x15: {  	[smem:$0x3FA0] =	sst s0;
	s0 =	simm.s32 @!p2 $0x0  }
0x16: {  	s3 =	sld [smem:$0x3FDB];
	s0 =	simm.s32 @p2 $0x1  }
0x17: {  	s4 =	simm.s32 $0x1BF5;
	[smem:$0x3FA2] =	sst s0  }
0x18: {  	s0 =	sld [smem:$0x3F85];
	_ =	swait.ge [sflag:s4], $0x0  }
0x19: {  	s7 =	sld [smem:$0x3F86]  }
0x1a: {  	s8 =	sadd.s32 $0xFFFFE003, lr  }
0x1b: {  	s9 =	sadd.s32 $0xFFFFFEF7, lr;
	s5 =	simm.s32 $0xFFFFFFFF;
	p2 =	slt.u32 s8, $0xFFFFF086  }
0x1c: {  	p1 =	slt.u32 s9, $0xF7A;
	s5 =	simm.s32 @!p2 $0x0  }
0x1d: {  	s5 =	simm.s32 @p1 $0x1;
	p0 =	seq.s32 s7, s2  }
0x1e: {  	s7 =	smul.u32 @!p0 $0xF7A, s2;
	p2 =	seq.s32 @!p0 s5, $0x0  }
0x1f: {  	s9 =	smul.u32 $0xF7A, s1;
	s8 =	simm.s32 @!p0 $0x1BF5;
	p2 =	por !p2, p0  }
0x20: {  	[sflag:s8] =	ssyncset.s32 @!p0 $0xFFFFF086;
	s6 =	sadd.s32 @!p0 s3, s7;
	s7 =	simm.s32 @!p0 $0x108  }
0x21: {  	s3 =	sadd.s32 s3, s9;
	s6 =	sadd.s32 @!p0 $0x88, s6;
	s7 =	simm.s32 @p2 $0x1082  }
0x22: {  	[simem:s7], [sflag:s8] =	dma.local @!p0 [hbm:s6], $0xF7A  }
0x23: {  	s9 =	sor.u32 $0xD0000000, s2;
	s6 =	simm.s32 $0x108;
	_ =	swait.ge @!p0 [sflag:s8], $0x0  }
0x24: {  	s3 =	sadd.s32 $0x88, s3;
	s6 =	simm.s32 @!p1 $0x1082;
	[sflag:s4] =	ssyncset.s32 $0xFFFFF086  }
0x25: {  	[simem:s6], [sflag:s4] =	dma.local [hbm:s3], $0xF7A  }
0x26: {  	[smem:$0x3F86] =	sst s1;
	(tag) =	ssettag s2;
	_ =	strace s9  }
0x27: {  	s1 =	sld [smem:$0x3F96]  }
0x28: {  	s2 =	sld [smem:$0x3F97]  }
0x29: {  	s4 =	sld [smem:$0x3F99]  }
0x2a: {  	p0 =	seq.s32 s5, $0x0;
	s5 =	sld [smem:$0x3F9A]  }
0x2b: {  	s6 =	sld [smem:$0x3F9B]  }
0x2c: {  	s7 =	sld [smem:$0x3F9C]  }
0x2d: {  	s3 =	simm.s32 $0x108;
	s8 =	sld [smem:$0x3F9D]  }
0x2e: {  	s3 =	simm.s32 @!p0 $0x1082;
	s9 =	sld [smem:$0x3F9E]  }
0x2f: {  	lr =	sadd.s32 s0, s3;
	s0 =	sld [smem:$0x3F95]  }
0x30: {  	s3 =	sld [smem:$0x3F98]  }
0x31: {  	[smem:$0x3FA1] =	sst s10  }
0x32: {  	s10 =	sld [smem:$0x3F9F];
	_ =	sdelay $0x3  }
0x33: {  	p0 =	seq.s32 s10, $0x1;
	s10 =	sld [smem:$0x3FA1];
	_ =	sdelay $0x3  }
0x34: {  	[smem:$0x3FA1] =	sst s10  }
0x35: {  	s10 =	sld [smem:$0x3FA0];
	_ =	sdelay $0x3  }
0x36: {  	p1 =	seq.s32 s10, $0x1;
	s10 =	sld [smem:$0x3FA1];
	_ =	sdelay $0x3  }
0x37: {  	[smem:$0x3FA1] =	sst s10  }
0x38: {  	s10 =	sld [smem:$0x3FA2]  }
0x39: {  	_ = 	snop;
	(pc) =	sbr.ind lr, $3  }
0x3a: {  	_ = 	snop  }
0x3b: {  	_ = 	snop  }
0x3c: {  	p2 =	seq.s32 s10, $0x1;
	s10 =	sld [smem:$0x3FA1]  }
0x3d: {  	_ =	shalt  }
0x3e: {  	_ =	shalt  }
0x3f: {  	_ =	shalt  }
0x40: {  	_ =	shalt  }
0x41: {  	_ =	shalt  }
0x42: {  	_ =	shalt  }
0x43: {  	_ =	shalt  }
0x44: {  	_ =	shalt  }
0x45: {  	_ =	shalt  }
0x46: {  	_ =	shalt  }
0x47: {  	_ =	shalt  }
0x48: {  	_ =	shalt  }
0x49: {  	_ =	shalt  }
0x4a: {  	_ =	shalt  }
0x4b: {  	_ =	shalt  }
0x4c: {  	_ =	shalt  }
0x4d: {  	_ =	shalt  }
0x4e: {  	_ =	shalt  }
0x4f: {  	_ =	shalt  }
0x50: {  	_ =	shalt  }
0x51: {  	_ =	shalt  }
0x52: {  	_ =	shalt  }
0x53: {  	_ =	shalt  }
0x54: {  	_ =	shalt  }
0x55: {  	_ =	shalt  }
0x56: {  	_ =	shalt  }
0x57: {  	_ =	shalt  }
0x58: {  	_ =	shalt  }
0x59: {  	_ =	shalt  }
0x5a: {  	_ =	shalt  }
0x5b: {  	_ =	shalt  }
0x5c: {  	_ =	shalt  }
0x5d: {  	_ =	shalt  }
0x5e: {  	_ =	shalt  }
0x5f: {  	_ =	shalt  }
0x60: {  	_ =	shalt  }
0x61: {  	_ =	shalt  }
0x62: {  	_ =	shalt  }
0x63: {  	_ =	shalt  }
0x64: {  	_ =	shalt  }
0x65: {  	_ =	shalt  }
0x66: {  	_ =	shalt  }
0x67: {  	_ =	shalt  }
0x68: {  	_ =	shalt  }
0x69: {  	_ =	shalt  }
0x6a: {  	_ =	shalt  }
0x6b: {  	_ =	shalt  }
0x6c: {  	_ =	shalt  }
0x6d: {  	_ =	shalt  }
0x6e: {  	_ =	shalt  }
0x6f: {  	_ =	shalt  }
0x70: {  	_ =	shalt  }
0x71: {  	_ =	shalt  }
0x72: {  	_ =	shalt  }
0x73: {  	_ =	shalt  }
0x74: {  	_ =	shalt  }
0x75: {  	_ =	shalt  }
0x76: {  	_ =	shalt  }
0x77: {  	_ =	shalt  }
0x78: {  	_ =	shalt  }
0x79: {  	_ =	shalt  }
0x7a: {  	_ =	shalt  }
0x7b: {  	_ =	shalt  }
0x7c: {  	_ =	shalt  }
0x7d: {  	_ =	shalt  }
0x7e: {  	_ =	shalt  }
0x7f: {  	_ =	shalt  }
0x80: {  	_ =	shalt  }
0x81: {  	_ =	shalt  }
0x82: {  	_ =	shalt  }
0x83: {  	_ =	shalt  }
0x84: {  	_ =	shalt  }
0x85: {  	_ =	shalt  }
0x86: {  	_ =	shalt  }
0x87: {  	_ =	shalt  }
.Lfunc_end0:
.L_simem_size_0:
called_computation.7_lowered:
.L_overlay_start_0:
0x88: {  	s2 =	sld [smem:$0x3FD9]  }
0x89: {  	s3 =	sld [smem:$0x3FFE];
	_ =	sdelay $0x1  }
0x8a: {  	s1 =	srdreg.scid  }
0x8b: {  	s0 =	sand.u32 $0x1, s1  }
0x8c: {  	s16 =	sshll.u32 s0, $0xA;
	s2 =	sadd.s32 s3, s2  }
0x8d: {  	s2 =	sadd.s32 s2, s16  }
0x8e: {  	[smem:$0x3FAD] =	sst s2  }
0x8f: {  	_ = 	snop  }
0x90: {  	(tm) =	ssettm $0x1  }
0x91: {  	s17 =	sld [smem:$0x3FFB];
	_ =	sdelay $0x3  }
0x92: {  	_ =	strace s17  }
0x93: {  	s2 =	sld [smem:$0x3FFC];
	_ =	sdelay $0x3  }
0x94: {  	_ =	strace s2  }
0x95: {  	s2 =	sld [smem:$0x3FFD];
	_ =	sdelay $0x3  }
0x96: {  	_ =	strace s2  }
0x97: {  	_ =	strace $0x8FFFFFFF  }
0x98: {  	s18 =	sld [smem:$0x3FDB];
	_ =	sdelay $0x1  }
0x99: {  	s19 =	simm.s32 $_scs_section_size  }
0x9a: {  	s4 =	simm.s32 $_size__tile_overlayer_lowered;
	s5 =	simm.s32 $_tile_overlayer_lowered  }
0x9b: {  	s22 =	simm.s32 $0x1BFF;
	s21 =	sshll.u32 s5, $0x1;
	s2 =	sadd.s32 s19, s18  }
0x9c: {  	s6 =	simm.s32 $0x0;
	s20 =	sshll.u32 s4, $0x1;
	s4 =	sadd.s32 s21, s2  }
0x9d: {  	[timem:s6], [sflag:s22] =	dma.local [hbm:s4], s20  }
0x9e: {  	_ =	swait.ge [sflag:s22], s20  }
0x9f: {  	s3 =	ssub.s32 $0x0, s20;
	[sflag:s22] =	ssyncset.done $0x0  }
0xa0: {  	[sflag:s22] =	ssyncadd.s32 s3;
	_ =	sdelay $0x1  }
0xa1: {  	s23 =	simm.s32 $0x1B8B  }
0xa2: {  	_ =	swait.ge [sflag:s23], $0x1  }
0xa3: {  	[sflag:s23] =	ssyncset.done $0x0  }
0xa4: {  	s25 =	simm.s32 $0x1B8E;
	s24 =	sld [smem:$0x3FFE];
	[sflag:s23] =	ssyncadd.s32 $0xFFFFFFFF  }
0xa5: {  	s26 =	simm.s32 $execute0_lowered;
	[smem:$0x3FD2] =	sst s25  }
0xa6: {  	s4 =	sshll.u32 s26, $0x1;
	_ =	strace $0x8000005B;
	[dreg:$0x1] =	wrdreg $0xFFFFFFFF  }
0xa7: {  	s28 =	simm.s32 $_size_execute0_lowered;
	s2 =	sadd.s32 s2, s4;
	[dreg:$0x0] =	wrdreg $0x0  }
0xa8: {  	s4 =	sshll.u32 s28, $0x1;
	[dreg:$0x2] =	wrdreg s2  }
0xa9: {  	[dreg:$0x3] =	wrdreg s4  }
0xaa: {  	[dreg:$0x4] =	wrdreg $0xC0  }
0xab: {  	_ =	task [dreg:s6], $0x5FFFF  }
0xac: {  	[dreg:$0x1] =	wrdreg $0xFFFFFFFF  }
0xad: {  	[dreg:$0x0] =	wrdreg $0x60  }
0xae: {  	[dreg:$0x2] =	wrdreg s24  }
0xaf: {  	[dreg:$0x3] =	wrdreg $0x9  }
0xb0: {  	_ =	task.clear_ibuf [dreg:s6], $0x4FFFF;
	_ =	strace $0x9000005B  }
0xb1: {  	s29 =	simm.s32 $0x9;
	_ =	strace $0x8000005D  }
0xb2: {  	_ =	swait.ge [sflag:s29], $0x1  }
0xb3: {  	[sflag:s29] =	ssyncadd.s32 $0xFFFFFFFF  }
0xb4: {  	_ =	strace $0x9000005D  }
0xb5: {  	_ =	sfence  }
0xb6: {  	s30 =	sld [smem:$0x0];
	_ =	sdelay $0x2  }
0xb7: {  	s31 =	sshll.u32 s1, $0xD;
	s1 =	sshrl.u32 s1, $0x2  }
0xb8: {  	s3 =	sand.u32 $0x4000, s31;
	s1 =	sadd.s32 s1, s30  }
0xb9: {  	s0 =	sor.u32 s3, s0;
	s1 =	sshll.u32 s1, $0x11  }
0xba: {  	s0 =	sor.u32 s1, s0  }
0xbb: {  	s0 =	sadd.s32 $0x8F2B, s0  }
0xbc: {  	[sflag:s0] =	ssyncadd.remote.s32 $0x1  }
0xbd: {  	_ =	sfence.sel $0xFFFF  }
0xbe: {  	[dreg:$0x0] =	wrdreg $0xFFFFFFFF;
	(pc) =	sbr.abs _section_cstart, $3  }
0xbf: {  	[dreg:$0x1] =	wrdreg $0xFFFFFFFF  }
0xc0: {  	_ =	task.clear_ibuf [dreg:s6], $0x2FFFF;
	_ =	strace $0x9FFFFFFF  }
0xc1: {  	(tm) =	ssettm $0x7FFFFFFF  }
tec
execute0_lowered:
.L_overlay_start_1:
0x0: {  	(tag) =	ssettag $0x1  }
0x1: {  	s1 =	srdreg.scid;
	s0 =	stileid.u32  }
0x2: {  	s1 =	sand.u32 $0x1, s1;
	s2 =	sshll.u32 s0, $0x1  }
0x3: {  	s3 =	sor.u32 s1, s2  }
0x4: {  	s4 =	smul.u32 $0xC4, s3  }
0x5: {  	s6 =	smul.u32 $0x31000, s3  }
0x6: {  	s5 =	rddreg [dreg:$0x0];
	s3 =	smul.u32 $0x6200, s3  }
0x7: {  	s7 =	sadd.s32 $0x3C00, s5;
	s2 =	simm.s32 $0x0;
	s4 =	sadd.s32 s4, s5  }
0x8: {  	[smem:$0x7FF] =	sst s2;
	s3 =	sadd.s32 s7, s3;
	s4 =	sadd.s32 $0xC7C00, s4  }
0x9: {  	_ =	strace $0x8000005C;
	s20 =	sadd.s32 $0x700, s3;
	[dreg:$0x2] =	wrdreg s4  }
0xa: {  	s21 =	sadd.s32 $0xE00, s3;
	[dreg:$0x4] =	wrdreg s20  }
0xb: {  	s22 =	sadd.s32 $0x1500, s3;
	[dreg:$0x5] =	wrdreg s21  }
0xc: {  	s23 =	sadd.s32 $0x1C00, s3;
	[dreg:$0x6] =	wrdreg s22  }
0xd: {  	s6 =	sshrl.u32 s6, $0x3;
	s24 =	sadd.s32 $0x2300, s3;
	[dreg:$0x7] =	wrdreg s23  }
0xe: {  	s6 =	sadd.s32 s7, s6;
	s26 =	sadd.s32 $0x2A00, s3;
	[dreg:$0x8] =	wrdreg s24  }
0xf: {  	s19 =	sadd.s32 $0x5B00, s6;
	[dreg:$0x9] =	wrdreg s26  }
0x10: {  	[dreg:$0x3] =	wrdreg s19  }
0x11: {  	s4 =	simm.s32 $0x5;
	s25 =	rddreg [dreg:$0x2]  }
0x12: {  	[tilespmem:s2], [sflag:$0x5] =	stream.linear.gather [hbm4b:s25+s2], $0x620, $0x38;
	[tilespmem:$0x7680] =	vst v63  }
0x13: {  	_ =	swait.ge [sflag:s4], $0x620  }
0x14: {  	s5 =	sadd.s32 $0x315600, s5;
	[sflag:s4] =	ssyncset.done $0x0  }
0x15: {  	s7 =	simm.s32 $0x680;
	s6 =	simm.s32 $0x70;
	[sflag:s4] =	ssyncadd.s32 $0xFFFFF9E0  }
0x16: {  	[tilespmem:s7], [sflag:$0x1] =	stream.indirect.gather [hbm4b:s5+s6], $0x80, s2, s6, $0xb8;
	[tilespmem:$0x7680] =	vst v63  }
0x17: {  	s8 =	simm.s32 $0x3E80;
	s9 =	simm.s32 $0x1  }
0x18: {  	[tilespmem:s8], [sflag:$0x2] =	stream.indirect.gather [hbm4b:s5+s6], $0x80, s6, s6, $0xb8;
	[tilespmem:$0x7680] =	vst v63  }
0x19: {  	_ =	swait.ge [sflag:s9], $0x3800  }
0x1a: {  	[sflag:s9] =	ssyncset.done $0x0  }
0x1b: {  	s10 =	simm.s32 $0x3;
	[sflag:s9] =	ssyncadd.s32 $0xFFFFC800  }
0x1c: {  	[hbm4b:s3+s2] =	stream.linear.scatter [tilespmem:s7], [sflag:$0x3], $0x3800, $0x38;
	[tilespmem:$0x7680] =	vst v63  }
0x1d: {  	_ =	swait.ge [sflag:s10], $0x3800  }
0x1e: {  	[sflag:s10] =	ssyncset.done $0x0  }
0x1f: {  	s11 =	simm.s32 $0xE0;
	s12 =	simm.s32 $0x2;
	[sflag:s10] =	ssyncadd.s32 $0xFFFFC800  }
0x20: {  	[tilespmem:s7], [sflag:$0x1] =	stream.indirect.gather [hbm4b:s5+s6], $0x80, s11, s6, $0xb8;
	[tilespmem:$0x7680] =	vst v63  }
0x21: {  	_ =	swait.ge [sflag:s12], $0x3800  }
0x22: {  	[sflag:s12] =	ssyncset.done $0x0  }
0x23: {  	s13 =	simm.s32 $0x4;
	s14 =	rddreg [dreg:$0x4];
	[sflag:s12] =	ssyncadd.s32 $0xFFFFC800  }
0x24: {  	[hbm4b:s14+s2] =	stream.linear.scatter [tilespmem:s8], [sflag:$0x4], $0x3800, $0x38;
	[tilespmem:$0x7680] =	vst v63  }
0x25: {  	_ =	swait.ge [sflag:s13], $0x3800  }
0x26: {  	[sflag:s13] =	ssyncset.done $0x0  }
0x27: {  	s14 =	simm.s32 $0x150;
	[sflag:s13] =	ssyncadd.s32 $0xFFFFC800  }
0x28: {  	[tilespmem:s8], [sflag:$0x2] =	stream.indirect.gather [hbm4b:s5+s6], $0x80, s14, s6, $0xb8;
	[tilespmem:$0x7680] =	vst v63  }
0x29: {  	_ =	swait.ge [sflag:s9], $0x3800  }
0x2a: {  	[sflag:s9] =	ssyncset.done $0x0  }
0x2b: {  	s15 =	rddreg [dreg:$0x5];
	[sflag:s9] =	ssyncadd.s32 $0xFFFFC800  }
0x2c: {  	[hbm4b:s15+s2] =	stream.linear.scatter [tilespmem:s7], [sflag:$0x3], $0x3800, $0x38;
	[tilespmem:$0x7680] =	vst v63  }
0x2d: {  	_ =	swait.ge [sflag:s10], $0x3800  }
0x2e: {  	[sflag:s10] =	ssyncset.done $0x0  }
0x2f: {  	s15 =	simm.s32 $0x1C0;
	[sflag:s10] =	ssyncadd.s32 $0xFFFFC800  }
0x30: {  	[tilespmem:s7], [sflag:$0x1] =	stream.indirect.gather [hbm4b:s5+s6], $0x80, s15, s6, $0xb8;
	[tilespmem:$0x7680] =	vst v63  }
0x31: {  	_ =	swait.ge [sflag:s12], $0x3800  }
0x32: {  	[sflag:s12] =	ssyncset.done $0x0  }
0x33: {  	s16 =	rddreg [dreg:$0x6];
	[sflag:s12] =	ssyncadd.s32 $0xFFFFC800  }
0x34: {  	[hbm4b:s16+s2] =	stream.linear.scatter [tilespmem:s8], [sflag:$0x4], $0x3800, $0x38;
	[tilespmem:$0x7680] =	vst v63  }
0x35: {  	_ =	swait.ge [sflag:s13], $0x3800  }
0x36: {  	[sflag:s13] =	ssyncset.done $0x0  }
0x37: {  	s16 =	simm.s32 $0x230;
	[sflag:s13] =	ssyncadd.s32 $0xFFFFC800  }
0x38: {  	[tilespmem:s8], [sflag:$0x2] =	stream.indirect.gather [hbm4b:s5+s6], $0x80, s16, s6, $0xb8;
	[tilespmem:$0x7680] =	vst v63  }
0x39: {  	_ =	swait.ge [sflag:s9], $0x3800  }
0x3a: {  	[sflag:s9] =	ssyncset.done $0x0  }
0x3b: {  	s17 =	rddreg [dreg:$0x7];
	[sflag:s9] =	ssyncadd.s32 $0xFFFFC800  }
0x3c: {  	[hbm4b:s17+s2] =	stream.linear.scatter [tilespmem:s7], [sflag:$0x3], $0x3800, $0x38;
	[tilespmem:$0x7680] =	vst v63  }
0x3d: {  	_ =	swait.ge [sflag:s10], $0x3800  }
0x3e: {  	[sflag:s10] =	ssyncset.done $0x0  }
0x3f: {  	s17 =	simm.s32 $0x2A0;
	[sflag:s10] =	ssyncadd.s32 $0xFFFFC800  }
0x40: {  	[tilespmem:s7], [sflag:$0x1] =	stream.indirect.gather [hbm4b:s5+s6], $0x80, s17, s6, $0xb8;
	[tilespmem:$0x7680] =	vst v63  }
0x41: {  	_ =	swait.ge [sflag:s12], $0x3800  }
0x42: {  	[sflag:s12] =	ssyncset.done $0x0  }
0x43: {  	s18 =	rddreg [dreg:$0x8];
	[sflag:s12] =	ssyncadd.s32 $0xFFFFC800  }
0x44: {  	[hbm4b:s18+s2] =	stream.linear.scatter [tilespmem:s8], [sflag:$0x4], $0x3800, $0x38;
	[tilespmem:$0x7680] =	vst v63  }
0x45: {  	_ =	swait.ge [sflag:s13], $0x3800  }
0x46: {  	[sflag:s13] =	ssyncset.done $0x0  }
0x47: {  	s18 =	simm.s32 $0x310;
	[sflag:s13] =	ssyncadd.s32 $0xFFFFC800  }
0x48: {  	[tilespmem:s8], [sflag:$0x2] =	stream.indirect.gather [hbm4b:s5+s6], $0x80, s18, s6, $0xb8;
	[tilespmem:$0x7680] =	vst v63  }
0x49: {  	_ =	swait.ge [sflag:s9], $0x3800  }
0x4a: {  	[sflag:s9] =	ssyncset.done $0x0  }
0x4b: {  	s19 =	rddreg [dreg:$0x9];
	[sflag:s9] =	ssyncadd.s32 $0xFFFFC800  }
0x4c: {  	[hbm4b:s19+s2] =	stream.linear.scatter [tilespmem:s7], [sflag:$0x3], $0x3800, $0x38;
	[tilespmem:$0x7680] =	vst v63  }
0x4d: {  	_ =	swait.ge [sflag:s10], $0x3800  }
0x4e: {  	[sflag:s10] =	ssyncset.done $0x0  }
0x4f: {  	s19 =	simm.s32 $0x380;
	[sflag:s10] =	ssyncadd.s32 $0xFFFFC800  }
0x50: {  	[tilespmem:s7], [sflag:$0x1] =	stream.indirect.gather [hbm4b:s5+s6], $0x80, s19, s6, $0xb8;
	[tilespmem:$0x7680] =	vst v63  }
0x51: {  	_ =	swait.ge [sflag:s12], $0x3800  }
0x52: {  	[sflag:s12] =	ssyncset.done $0x0  }
0x53: {  	s20 =	sadd.s32 $0x3100, s3;
	[sflag:s12] =	ssyncadd.s32 $0xFFFFC800  }
0x54: {  	[hbm4b:s20+s2] =	stream.linear.scatter [tilespmem:s8], [sflag:$0x4], $0x3800, $0x38;
	[tilespmem:$0x7680] =	vst v63  }
0x55: {  	_ =	swait.ge [sflag:s13], $0x3800  }
0x56: {  	[sflag:s13] =	ssyncset.done $0x0  }
0x57: {  	s21 =	simm.s32 $0x3F0;
	[sflag:s13] =	ssyncadd.s32 $0xFFFFC800  }
0x58: {  	[tilespmem:s8], [sflag:$0x2] =	stream.indirect.gather [hbm4b:s5+s6], $0x80, s21, s6, $0xb8;
	[tilespmem:$0x7680] =	vst v63  }
0x59: {  	_ =	swait.ge [sflag:s9], $0x3800  }
0x5a: {  	[sflag:s9] =	ssyncset.done $0x0  }
0x5b: {  	s22 =	sadd.s32 $0x3800, s3;
	[sflag:s9] =	ssyncadd.s32 $0xFFFFC800  }
0x5c: {  	[hbm4b:s22+s2] =	stream.linear.scatter [tilespmem:s7], [sflag:$0x3], $0x3800, $0x38;
	[tilespmem:$0x7680] =	vst v63  }
0x5d: {  	_ =	swait.ge [sflag:s10], $0x3800  }
0x5e: {  	[sflag:s10] =	ssyncset.done $0x0  }
0x5f: {  	s23 =	simm.s32 $0x460;
	[sflag:s10] =	ssyncadd.s32 $0xFFFFC800  }
0x60: {  	[tilespmem:s7], [sflag:$0x1] =	stream.indirect.gather [hbm4b:s5+s6], $0x80, s23, s6, $0xb8;
	[tilespmem:$0x7680] =	vst v63  }
0x61: {  	_ =	swait.ge [sflag:s12], $0x3800  }
0x62: {  	[sflag:s12] =	ssyncset.done $0x0  }
0x63: {  	s24 =	sadd.s32 $0x3F00, s3;
	[sflag:s12] =	ssyncadd.s32 $0xFFFFC800  }
0x64: {  	[hbm4b:s24+s2] =	stream.linear.scatter [tilespmem:s8], [sflag:$0x4], $0x3800, $0x38;
	[tilespmem:$0x7680] =	vst v63  }
0x65: {  	_ =	swait.ge [sflag:s13], $0x3800  }
0x66: {  	[sflag:s13] =	ssyncset.done $0x0  }
0x67: {  	s25 =	simm.s32 $0x4D0;
	[sflag:s13] =	ssyncadd.s32 $0xFFFFC800  }
0x68: {  	[tilespmem:s8], [sflag:$0x2] =	stream.indirect.gather [hbm4b:s5+s6], $0x80, s25, s6, $0xb8;
	[tilespmem:$0x7680] =	vst v63  }
0x69: {  	_ =	swait.ge [sflag:s9], $0x3800  }
0x6a: {  	[sflag:s9] =	ssyncset.done $0x0  }
0x6b: {  	s26 =	sadd.s32 $0x4600, s3;
	[sflag:s9] =	ssyncadd.s32 $0xFFFFC800  }
0x6c: {  	[hbm4b:s26+s2] =	stream.linear.scatter [tilespmem:s7], [sflag:$0x3], $0x3800, $0x38;
	[tilespmem:$0x7680] =	vst v63  }
0x6d: {  	_ =	swait.ge [sflag:s10], $0x3800  }
0x6e: {  	[sflag:s10] =	ssyncset.done $0x0  }
0x6f: {  	s28 =	simm.s32 $0x540;
	[sflag:s10] =	ssyncadd.s32 $0xFFFFC800  }
0x70: {  	[tilespmem:s7], [sflag:$0x1] =	stream.indirect.gather [hbm4b:s5+s6], $0x80, s28, s6, $0xb8;
	[tilespmem:$0x7680] =	vst v63  }
0x71: {  	_ =	swait.ge [sflag:s12], $0x3800  }
0x72: {  	[sflag:s12] =	ssyncset.done $0x0  }
0x73: {  	s29 =	sadd.s32 $0x4D00, s3;
	[sflag:s12] =	ssyncadd.s32 $0xFFFFC800  }
0x74: {  	[hbm4b:s29+s2] =	stream.linear.scatter [tilespmem:s8], [sflag:$0x4], $0x3800, $0x38;
	[tilespmem:$0x7680] =	vst v63  }
0x75: {  	_ =	swait.ge [sflag:s13], $0x3800  }
0x76: {  	[sflag:s13] =	ssyncset.done $0x0  }
0x77: {  	s30 =	simm.s32 $0x5B0;
	[sflag:s13] =	ssyncadd.s32 $0xFFFFC800  }
0x78: {  	[tilespmem:s8], [sflag:$0x2] =	stream.indirect.gather [hbm4b:s5+s6], $0x80, s30, s6, $0xb8;
	[tilespmem:$0x7680] =	vst v63  }
0x79: {  	_ =	swait.ge [sflag:s9], $0x3800  }
0x7a: {  	[sflag:s9] =	ssyncset.done $0x0  }
0x7b: {  	s31 =	sadd.s32 $0x5400, s3;
	[sflag:s9] =	ssyncadd.s32 $0xFFFFC800  }
0x7c: {  	[hbm4b:s31+s2] =	stream.linear.scatter [tilespmem:s7], [sflag:$0x3], $0x3800, $0x38;
	[tilespmem:$0x7680] =	vst v63  }
0x7d: {  	_ =	swait.ge [sflag:s12], $0x3800  }
0x7e: {  	[sflag:s12] =	ssyncset.done $0x0  }
0x7f: {  	s0 =	rddreg [dreg:$0x3];
	[sflag:s12] =	ssyncadd.s32 $0xFFFFC800  }
0x80: {  	[hbm4b:s0+s2] =	stream.linear.scatter [tilespmem:s8], [sflag:$0x4], $0x3800, $0x38;
	[tilespmem:$0x7680] =	vst v63  }
0x81: {  	s0 =	ssub.s32 $0x2, s1  }
0x82: {  	s1 =	sshrl.u32 s0, $0x1  }
0x83: {  	s0 =	ssub.s32 s0, s1  }
0x84: {  	s0 =	smax.u32 s0, $0x1  }
0x85: {  	p0 =	sne.s32 s0, $0x1  }
.Ltmp0:
0x86: {  	_ =	swait.ge [sflag:s10], $0x3800;
	(pc) =	sbr.rel @!p0 .LBB2_2-.Ltmp0, $4  }
0x87: {  	[sflag:s10] =	ssyncset.done $0x0  }
0x88: {  	[sflag:s10] =	ssyncadd.s32 $0xFFFFC800  }
0x89: {  	_ =	swait.ge [sflag:s13], $0x3800  }
0x8a: {  	s1 =	sadd.s32 $0xFFFFFFFF, s0;
	[sflag:s13] =	ssyncset.done $0x0  }
.LBB2_1:
0x8b: {  	s0 =	rddreg [dreg:$0x2];
	[sflag:s13] =	ssyncadd.s32 $0xFFFFC800  }
0x8c: {  	[tilespmem:s2], [sflag:$0x5] =	stream.linear.gather [hbm4b:s0+s2], $0x620, $0x38;
	[tilespmem:$0x7680] =	vst v63  }
0x8d: {  	_ =	swait.ge [sflag:s4], $0x620  }
0x8e: {  	[sflag:s4] =	ssyncset.done $0x0  }
0x8f: {  	[sflag:s4] =	ssyncadd.s32 $0xFFFFF9E0  }
0x90: {  	[tilespmem:s7], [sflag:$0x1] =	stream.indirect.gather [hbm4b:s5+s6], $0x80, s2, s6, $0xb8;
	[tilespmem:$0x7680] =	vst v63  }
0x91: {  	_ = 	snop  }
0x92: {  	[tilespmem:s8], [sflag:$0x2] =	stream.indirect.gather [hbm4b:s5+s6], $0x80, s6, s6, $0xb8;
	[tilespmem:$0x7680] =	vst v63  }
0x93: {  	_ =	swait.ge [sflag:s9], $0x3800  }
0x94: {  	[sflag:s9] =	ssyncset.done $0x0  }
0x95: {  	[sflag:s9] =	ssyncadd.s32 $0xFFFFC800  }
0x96: {  	[hbm4b:s3+s2] =	stream.linear.scatter [tilespmem:s7], [sflag:$0x3], $0x3800, $0x38;
	[tilespmem:$0x7680] =	vst v63  }
0x97: {  	_ =	swait.ge [sflag:s10], $0x3800  }
0x98: {  	[sflag:s10] =	ssyncset.done $0x0  }
0x99: {  	[sflag:s10] =	ssyncadd.s32 $0xFFFFC800  }
0x9a: {  	[tilespmem:s7], [sflag:$0x1] =	stream.indirect.gather [hbm4b:s5+s6], $0x80, s11, s6, $0xb8;
	[tilespmem:$0x7680] =	vst v63  }
0x9b: {  	_ =	swait.ge [sflag:s12], $0x3800  }
0x9c: {  	[sflag:s12] =	ssyncset.done $0x0  }
0x9d: {  	s0 =	rddreg [dreg:$0x4];
	[sflag:s12] =	ssyncadd.s32 $0xFFFFC800  }
0x9e: {  	[hbm4b:s0+s2] =	stream.linear.scatter [tilespmem:s8], [sflag:$0x4], $0x3800, $0x38;
	[tilespmem:$0x7680] =	vst v63  }
0x9f: {  	_ =	swait.ge [sflag:s13], $0x3800  }
0xa0: {  	[sflag:s13] =	ssyncset.done $0x0  }
0xa1: {  	[sflag:s13] =	ssyncadd.s32 $0xFFFFC800  }
0xa2: {  	[tilespmem:s8], [sflag:$0x2] =	stream.indirect.gather [hbm4b:s5+s6], $0x80, s14, s6, $0xb8;
	[tilespmem:$0x7680] =	vst v63  }
0xa3: {  	_ =	swait.ge [sflag:s9], $0x3800  }
0xa4: {  	[sflag:s9] =	ssyncset.done $0x0  }
0xa5: {  	s0 =	rddreg [dreg:$0x5];
	[sflag:s9] =	ssyncadd.s32 $0xFFFFC800  }
0xa6: {  	[hbm4b:s0+s2] =	stream.linear.scatter [tilespmem:s7], [sflag:$0x3], $0x3800, $0x38;
	[tilespmem:$0x7680] =	vst v63  }
0xa7: {  	_ =	swait.ge [sflag:s10], $0x3800  }
0xa8: {  	[sflag:s10] =	ssyncset.done $0x0  }
0xa9: {  	[sflag:s10] =	ssyncadd.s32 $0xFFFFC800  }
0xaa: {  	[tilespmem:s7], [sflag:$0x1] =	stream.indirect.gather [hbm4b:s5+s6], $0x80, s15, s6, $0xb8;
	[tilespmem:$0x7680] =	vst v63  }
0xab: {  	_ =	swait.ge [sflag:s12], $0x3800  }
0xac: {  	[sflag:s12] =	ssyncset.done $0x0  }
0xad: {  	s0 =	rddreg [dreg:$0x6];
	[sflag:s12] =	ssyncadd.s32 $0xFFFFC800  }
0xae: {  	[hbm4b:s0+s2] =	stream.linear.scatter [tilespmem:s8], [sflag:$0x4], $0x3800, $0x38;
	[tilespmem:$0x7680] =	vst v63  }
0xaf: {  	_ =	swait.ge [sflag:s13], $0x3800  }
0xb0: {  	[sflag:s13] =	ssyncset.done $0x0  }
0xb1: {  	[sflag:s13] =	ssyncadd.s32 $0xFFFFC800  }
0xb2: {  	[tilespmem:s8], [sflag:$0x2] =	stream.indirect.gather [hbm4b:s5+s6], $0x80, s16, s6, $0xb8;
	[tilespmem:$0x7680] =	vst v63  }
0xb3: {  	_ =	swait.ge [sflag:s9], $0x3800  }
0xb4: {  	[sflag:s9] =	ssyncset.done $0x0  }
0xb5: {  	s0 =	rddreg [dreg:$0x7];
	[sflag:s9] =	ssyncadd.s32 $0xFFFFC800  }
0xb6: {  	[hbm4b:s0+s2] =	stream.linear.scatter [tilespmem:s7], [sflag:$0x3], $0x3800, $0x38;
	[tilespmem:$0x7680] =	vst v63  }
0xb7: {  	_ =	swait.ge [sflag:s10], $0x3800  }
0xb8: {  	[sflag:s10] =	ssyncset.done $0x0  }
0xb9: {  	[sflag:s10] =	ssyncadd.s32 $0xFFFFC800  }
0xba: {  	[tilespmem:s7], [sflag:$0x1] =	stream.indirect.gather [hbm4b:s5+s6], $0x80, s17, s6, $0xb8;
	[tilespmem:$0x7680] =	vst v63  }
0xbb: {  	_ =	swait.ge [sflag:s12], $0x3800  }
0xbc: {  	[sflag:s12] =	ssyncset.done $0x0  }
0xbd: {  	s0 =	rddreg [dreg:$0x8];
	[sflag:s12] =	ssyncadd.s32 $0xFFFFC800  }
0xbe: {  	[hbm4b:s0+s2] =	stream.linear.scatter [tilespmem:s8], [sflag:$0x4], $0x3800, $0x38;
	[tilespmem:$0x7680] =	vst v63  }
0xbf: {  	_ =	swait.ge [sflag:s13], $0x3800  }
0xc0: {  	[sflag:s13] =	ssyncset.done $0x0  }
0xc1: {  	[sflag:s13] =	ssyncadd.s32 $0xFFFFC800  }
0xc2: {  	[tilespmem:s8], [sflag:$0x2] =	stream.indirect.gather [hbm4b:s5+s6], $0x80, s18, s6, $0xb8;
	[tilespmem:$0x7680] =	vst v63  }
0xc3: {  	_ =	swait.ge [sflag:s9], $0x3800  }
0xc4: {  	[sflag:s9] =	ssyncset.done $0x0  }
0xc5: {  	s0 =	rddreg [dreg:$0x9];
	[sflag:s9] =	ssyncadd.s32 $0xFFFFC800  }
0xc6: {  	[hbm4b:s0+s2] =	stream.linear.scatter [tilespmem:s7], [sflag:$0x3], $0x3800, $0x38;
	[tilespmem:$0x7680] =	vst v63  }
0xc7: {  	_ =	swait.ge [sflag:s10], $0x3800  }
0xc8: {  	[sflag:s10] =	ssyncset.done $0x0  }
0xc9: {  	[sflag:s10] =	ssyncadd.s32 $0xFFFFC800  }
0xca: {  	[tilespmem:s7], [sflag:$0x1] =	stream.indirect.gather [hbm4b:s5+s6], $0x80, s19, s6, $0xb8;
	[tilespmem:$0x7680] =	vst v63  }
0xcb: {  	_ =	swait.ge [sflag:s12], $0x3800  }
0xcc: {  	[sflag:s12] =	ssyncset.done $0x0  }
0xcd: {  	[sflag:s12] =	ssyncadd.s32 $0xFFFFC800  }
0xce: {  	[hbm4b:s20+s2] =	stream.linear.scatter [tilespmem:s8], [sflag:$0x4], $0x3800, $0x38;
	[tilespmem:$0x7680] =	vst v63  }
0xcf: {  	_ =	swait.ge [sflag:s13], $0x3800  }
0xd0: {  	[sflag:s13] =	ssyncset.done $0x0  }
0xd1: {  	[sflag:s13] =	ssyncadd.s32 $0xFFFFC800  }
0xd2: {  	[tilespmem:s8], [sflag:$0x2] =	stream.indirect.gather [hbm4b:s5+s6], $0x80, s21, s6, $0xb8;
	[tilespmem:$0x7680] =	vst v63  }
0xd3: {  	_ =	swait.ge [sflag:s9], $0x3800  }
0xd4: {  	[sflag:s9] =	ssyncset.done $0x0  }
0xd5: {  	[sflag:s9] =	ssyncadd.s32 $0xFFFFC800  }
0xd6: {  	[hbm4b:s22+s2] =	stream.linear.scatter [tilespmem:s7], [sflag:$0x3], $0x3800, $0x38;
	[tilespmem:$0x7680] =	vst v63  }
0xd7: {  	_ =	swait.ge [sflag:s10], $0x3800  }
0xd8: {  	[sflag:s10] =	ssyncset.done $0x0  }
0xd9: {  	[sflag:s10] =	ssyncadd.s32 $0xFFFFC800  }
0xda: {  	[tilespmem:s7], [sflag:$0x1] =	stream.indirect.gather [hbm4b:s5+s6], $0x80, s23, s6, $0xb8;
	[tilespmem:$0x7680] =	vst v63  }
0xdb: {  	_ =	swait.ge [sflag:s12], $0x3800  }
0xdc: {  	[sflag:s12] =	ssyncset.done $0x0  }
0xdd: {  	[sflag:s12] =	ssyncadd.s32 $0xFFFFC800  }
0xde: {  	[hbm4b:s24+s2] =	stream.linear.scatter [tilespmem:s8], [sflag:$0x4], $0x3800, $0x38;
	[tilespmem:$0x7680] =	vst v63  }
0xdf: {  	_ =	swait.ge [sflag:s13], $0x3800  }
0xe0: {  	[sflag:s13] =	ssyncset.done $0x0  }
0xe1: {  	[sflag:s13] =	ssyncadd.s32 $0xFFFFC800  }
0xe2: {  	[tilespmem:s8], [sflag:$0x2] =	stream.indirect.gather [hbm4b:s5+s6], $0x80, s25, s6, $0xb8;
	[tilespmem:$0x7680] =	vst v63  }
0xe3: {  	_ =	swait.ge [sflag:s9], $0x3800  }
0xe4: {  	[sflag:s9] =	ssyncset.done $0x0  }
0xe5: {  	[sflag:s9] =	ssyncadd.s32 $0xFFFFC800  }
0xe6: {  	[hbm4b:s26+s2] =	stream.linear.scatter [tilespmem:s7], [sflag:$0x3], $0x3800, $0x38;
	[tilespmem:$0x7680] =	vst v63  }
0xe7: {  	_ =	swait.ge [sflag:s10], $0x3800  }
0xe8: {  	[sflag:s10] =	ssyncset.done $0x0  }
0xe9: {  	[sflag:s10] =	ssyncadd.s32 $0xFFFFC800  }
0xea: {  	[tilespmem:s7], [sflag:$0x1] =	stream.indirect.gather [hbm4b:s5+s6], $0x80, s28, s6, $0xb8;
	[tilespmem:$0x7680] =	vst v63  }
0xeb: {  	_ =	swait.ge [sflag:s12], $0x3800  }
0xec: {  	[sflag:s12] =	ssyncset.done $0x0  }
0xed: {  	[sflag:s12] =	ssyncadd.s32 $0xFFFFC800  }
0xee: {  	[hbm4b:s29+s2] =	stream.linear.scatter [tilespmem:s8], [sflag:$0x4], $0x3800, $0x38;
	[tilespmem:$0x7680] =	vst v63  }
0xef: {  	_ =	swait.ge [sflag:s13], $0x3800  }
0xf0: {  	[sflag:s13] =	ssyncset.done $0x0  }
0xf1: {  	[sflag:s13] =	ssyncadd.s32 $0xFFFFC800  }
0xf2: {  	[tilespmem:s8], [sflag:$0x2] =	stream.indirect.gather [hbm4b:s5+s6], $0x80, s30, s6, $0xb8;
	[tilespmem:$0x7680] =	vst v63  }
0xf3: {  	_ =	swait.ge [sflag:s9], $0x3800  }
0xf4: {  	[sflag:s9] =	ssyncset.done $0x0  }
0xf5: {  	[sflag:s9] =	ssyncadd.s32 $0xFFFFC800  }
0xf6: {  	[hbm4b:s31+s2] =	stream.linear.scatter [tilespmem:s7], [sflag:$0x3], $0x3800, $0x38;
	[tilespmem:$0x7680] =	vst v63  }
0xf7: {  	_ =	swait.ge [sflag:s12], $0x3800  }
0xf8: {  	[sflag:s12] =	ssyncset.done $0x0  }
0xf9: {  	p0 =	sne.s32 s1, $0x1;
	s0 =	rddreg [dreg:$0x3];
	[sflag:s12] =	ssyncadd.s32 $0xFFFFC800  }
0xfa: {  	[hbm4b:s0+s2] =	stream.linear.scatter [tilespmem:s8], [sflag:$0x4], $0x3800, $0x38;
	[tilespmem:$0x7680] =	vst v63  }
.Ltmp1:
0xfb: {  	_ =	swait.ge [sflag:s10], $0x3800;
	(pc) =	sbr.rel @p0 .LBB2_1-.Ltmp1, $4  }
0xfc: {  	[sflag:s10] =	ssyncset.done $0x0  }
0xfd: {  	[sflag:s10] =	ssyncadd.s32 $0xFFFFC800  }
0xfe: {  	_ =	swait.ge [sflag:s13], $0x3800  }
0xff: {  	s1 =	sadd.s32 $0xFFFFFFFF, s1;
	[sflag:s13] =	ssyncset.done $0x0  }
.LBB2_2:
0x100: {  	[sflag:s13] =	ssyncadd.s32 $0xFFFFC800  }
0x101: {  	_ =	sfence.sel $0x180000  }
0x102: {  	[bflag:$0x0] =	sbarrier.arrive $0xFFFF  }
0x103: {  	_ =	strace $0x9000005C  }
0x104: {  	s0 =	stileid.u32;
	[bflag:$0x2] =	sbarrier.arrive $0xFFFF  }
0x105: {  	p0 =	sne.s32 s0, $0x0;
	s0 =	rddreg [dreg:$0x1]  }
0x106: {  	s0 =	sadd.s32 @!p0 $0x100000, s0  }
0x107: {  	[sflag:s0] =	ssyncadd.tile.s32 @!p0 $0x1;
	_ =	shalt  }
.Lfunc_end2:
_tile_overlayer_lowered:
.L_overlay_start_2:
0x108: {  	(tag) =	ssettag $0x2  }
0x109: {  	s0 =	rddreg [dreg:$0x0];
	s2 =	stileid.u32  }
0x10a: {  	s1 =	rddreg [dreg:$0x1];
	p0 =	sne.s32 s2, $0x0  }
0x10b: {  	s3 =	rddreg [dreg:$0x2];
	[bflag:$0x3] =	sbarrier.arrive $0xFFFF;
	s2 =	simm.s32 @!p0 $0x1C05  }
0x10c: {  	[timem:s3], [sflag:s2] =	dma.local @!p0 [hbm:s0], s1  }
0x10d: {  	s0 =	simm.s32 @!p0 $0x5  }
0x10e: {  	_ =	swait.ge @!p0 [sflag:s0], s1  }
0x10f: {  	s1 =	ssub.s32 @!p0 $0x0, s1;
	[sflag:s0] =	ssyncset.done @!p0 $0x0  }
0x110: {  	[sflag:s0] =	ssyncadd.s32 @!p0 s1  }
0x111: {  	[bflag:$0x3] =	sbarrier.arrive $0xFFFF  }
0x112: {  	_ =	shalt  }

</sc_bundles>
